<compile_context>
chip_gen: v7x
topology: tpu7x:2x2x1
jax: 0.10.2.dev20260603
libtpu: 0.0.44.dev20260713+nightly
codegen_flags: <defaults>
</compile_context>

<pallas_src>
import functools

import jax
import jax.numpy as jnp
from jax import lax
from jax.experimental import pallas as pl
from jax.experimental.pallas import tpu as pltpu
from jax.experimental.pallas import tpu_sc as plsc

N = 10000
E = 320000
D_IN = 128
D_H = 128
D_OUT = 64

NC = 2
NS = 16
NTILES = NC * NS
NP = 10240
EP = NP * NTILES
CHUNK = 128
EPA = EP // NTILES
NCHA = EPA // CHUNK
EPD = EP // NS
NCHD = EPD // CHUNK
RPT = NP // NS
WB = 128
WBN = RPT // WB

_MESH = plsc.VectorSubcoreMesh(
    core_axis_name="c", subcore_axis_name="s", num_cores=NC, num_subcores=NS
)

BN = 1024
GRID = NP // BN



D_DEG = 128


@functools.partial(
    pl.kernel,
    out_type=jax.ShapeDtypeStruct((NC, NP, D_DEG), jnp.float32),
    mesh=_MESH,
    scratch_types=[
        pltpu.VMEM((CHUNK,), jnp.int32),
        pltpu.VMEM((CHUNK, D_DEG), jnp.float32),
        pltpu.VMEM((WB, D_DEG), jnp.float32),
        pltpu.VMEM_SHARED((NP, D_DEG), jnp.float32),
    ],
)
def _degree_kernel(ef_hbm, out_hbm, sidx, ones_v, zb, acc_sh):
    c = lax.axis_index("c")
    s = lax.axis_index("s")
    zero = jnp.zeros((16,), jnp.float32)
    one = jnp.ones((16,), jnp.float32)

    @pl.loop(0, WB)
    def _(i):
        for j in range(D_DEG // 16):
            zb[i, pl.ds(j * 16, 16)] = zero

    @pl.loop(0, CHUNK)
    def _(i):
        for j in range(D_DEG // 16):
            ones_v[i, pl.ds(j * 16, 16)] = one

    r0 = s * RPT
    for k in range(WBN):
        pltpu.sync_copy(zb, acc_sh.at[pl.ds(r0 + k * WB, WB)])
    plsc.subcore_barrier()

    base = c * EP + s * EPD

    @pl.loop(0, NCHD)
    def _(ch):
        off = base + ch * CHUNK
        pltpu.sync_copy(ef_hbm.at[pl.ds(off, CHUNK)], sidx)
        pltpu.sync_copy(ones_v, acc_sh.at[sidx], add=True)

    plsc.subcore_barrier()
    for k in range(WBN):
        pltpu.sync_copy(acc_sh.at[pl.ds(r0 + k * WB, WB)], zb)
        pltpu.sync_copy(zb, out_hbm.at[c, pl.ds(r0 + k * WB, WB)])


@functools.partial(
    pl.kernel,
    out_type=jax.ShapeDtypeStruct((NC, NP, D_H), jnp.float32),
    mesh=_MESH,
    scratch_types=[
        pltpu.VMEM((CHUNK,), jnp.int32),
        pltpu.VMEM((CHUNK,), jnp.int32),
        pltpu.VMEM((CHUNK,), jnp.int32),
        pltpu.VMEM((CHUNK,), jnp.int32),
        pltpu.VMEM((CHUNK, D_H), jnp.float32),
        pltpu.VMEM((CHUNK, D_H), jnp.float32),
        pltpu.VMEM_SHARED((NP, D_H), jnp.float32),
        pltpu.SemaphoreType.DMA,
        pltpu.SemaphoreType.DMA,
    ],
)
def _agg(g_hbm, src_hbm, dst_hbm, out_hbm, sidx0, didx0, sidx1, didx1,
         rows0, rows1, acc_sh, sem0, sem1):
    c = lax.axis_index("c")
    s = lax.axis_index("s")
    tid = s * NC + c
    zero = jnp.zeros((16,), jnp.float32)

    @pl.loop(0, WB)
    def _(i):
        for j in range(D_H // 16):
            rows0[i, pl.ds(j * 16, 16)] = zero

    r0 = s * RPT
    for k in range(WBN):
        pltpu.sync_copy(rows0, acc_sh.at[pl.ds(r0 + k * WB, WB)])
    plsc.subcore_barrier()

    base = tid * EPA

    pltpu.sync_copy(src_hbm.at[pl.ds(base, CHUNK)], sidx0)
    pltpu.sync_copy(dst_hbm.at[pl.ds(base, CHUNK)], didx0)
    pltpu.async_copy(g_hbm.at[sidx0], rows0, sem0)

    nhalf = NCHA // 2

    @pl.loop(0, nhalf)
    def _(i):
        ch = i * 2
        off1 = base + (ch + 1) * CHUNK
        pltpu.sync_copy(src_hbm.at[pl.ds(off1, CHUNK)], sidx1)
        pltpu.sync_copy(dst_hbm.at[pl.ds(off1, CHUNK)], didx1)
        pltpu.make_async_copy(g_hbm.at[sidx0], rows0, sem0).wait()
        pltpu.async_copy(g_hbm.at[sidx1], rows1, sem1)
        pltpu.sync_copy(rows0, acc_sh.at[didx0], add=True)

        @pl.when(i < nhalf - 1)
        def _():
            off2 = base + (ch + 2) * CHUNK
            pltpu.sync_copy(src_hbm.at[pl.ds(off2, CHUNK)], sidx0)
            pltpu.sync_copy(dst_hbm.at[pl.ds(off2, CHUNK)], didx0)

        pltpu.make_async_copy(g_hbm.at[sidx1], rows1, sem1).wait()

        @pl.when(i < nhalf - 1)
        def _():
            pltpu.async_copy(g_hbm.at[sidx0], rows0, sem0)

        pltpu.sync_copy(rows1, acc_sh.at[didx1], add=True)

    plsc.subcore_barrier()
    for k in range(WBN):
        pltpu.sync_copy(acc_sh.at[pl.ds(r0 + k * WB, WB)], rows0)
        pltpu.sync_copy(rows0, out_hbm.at[c, pl.ds(r0 + k * WB, WB)])



def _norm_body(degp_ref, iso_ref, isi_ref):
    dsrc = degp_ref[0]
    ddst = degp_ref[1]
    iso_ref[...] = lax.rsqrt(
        jnp.maximum(jnp.max(dsrc, axis=1, keepdims=True), 1.0))
    isi_ref[...] = lax.rsqrt(
        jnp.maximum(jnp.max(ddst, axis=1, keepdims=True), 1.0))


_norm = pl.pallas_call(
    _norm_body,
    grid=(GRID,),
    in_specs=[pl.BlockSpec((NC, BN, D_DEG), lambda i: (0, i, 0))],
    out_specs=[
        pl.BlockSpec((BN, 1), lambda i: (i, 0)),
        pl.BlockSpec((BN, 1), lambda i: (i, 0)),
    ],
    out_shape=[
        jax.ShapeDtypeStruct((NP, 1), jnp.float32),
        jax.ShapeDtypeStruct((NP, 1), jnp.float32),
    ],
)


def _mm_scale_body(h_ref, w_ref, iso_ref, o_ref):
    o_ref[...] = jnp.dot(
        h_ref[...], w_ref[...], preferred_element_type=jnp.float32
    ) * iso_ref[...]


_mm1 = pl.pallas_call(
    _mm_scale_body,
    grid=(GRID,),
    in_specs=[
        pl.BlockSpec((BN, D_IN), lambda i: (i, 0)),
        pl.BlockSpec((D_IN, D_H), lambda i: (0, 0)),
        pl.BlockSpec((BN, 1), lambda i: (i, 0)),
    ],
    out_specs=pl.BlockSpec((BN, D_H), lambda i: (i, 0)),
    out_shape=jax.ShapeDtypeStruct((NP, D_H), jnp.float32),
)


def _mid_body(p_ref, isi_ref, b_ref, w_ref, iso_ref, o_ref):
    h = jnp.maximum(
        (p_ref[0] + p_ref[1]) * isi_ref[...] + b_ref[...], 0.0)
    o_ref[...] = jnp.dot(
        h, w_ref[...], preferred_element_type=jnp.float32) * iso_ref[...]


def _make_mid():
    return pl.pallas_call(
        _mid_body,
        grid=(GRID,),
        in_specs=[
            pl.BlockSpec((NC, BN, D_H), lambda i: (0, i, 0)),
            pl.BlockSpec((BN, 1), lambda i: (i, 0)),
            pl.BlockSpec((1, D_H), lambda i: (0, 0)),
            pl.BlockSpec((D_H, D_H), lambda i: (0, 0)),
            pl.BlockSpec((BN, 1), lambda i: (i, 0)),
        ],
        out_specs=pl.BlockSpec((BN, D_H), lambda i: (i, 0)),
        out_shape=jax.ShapeDtypeStruct((NP, D_H), jnp.float32),
    )


def _final_body(p_ref, isi_ref, b_ref, o_ref):
    s = p_ref[0, :, :D_OUT] + p_ref[1, :, :D_OUT]
    o_ref[...] = s * isi_ref[...] + b_ref[...]


_final = pl.pallas_call(
    _final_body,
    grid=(GRID,),
    in_specs=[
        pl.BlockSpec((NC, BN, D_H), lambda i: (0, i, 0)),
        pl.BlockSpec((BN, 1), lambda i: (i, 0)),
        pl.BlockSpec((1, D_OUT), lambda i: (0, 0)),
    ],
    out_specs=pl.BlockSpec((BN, D_OUT), lambda i: (i, 0)),
    out_shape=jax.ShapeDtypeStruct((NP, D_OUT), jnp.float32),
)

_mid2 = _make_mid()
_mid3 = _make_mid()


def kernel(x, edge_index, W1, b1, W2, b2, W3, b3):
    pad_idx = N + jnp.arange(EP - E, dtype=jnp.int32) % (NP - N)
    src = jnp.concatenate([edge_index[0], pad_idx])
    dst = jnp.concatenate([edge_index[1], pad_idx])
    x_p = jnp.pad(x, ((0, NP - N), (0, 0)))
    W3p = jnp.pad(W3, ((0, 0), (0, D_H - D_OUT)))
    edge_flat = jnp.concatenate([src, dst])
    degp = _degree_kernel(edge_flat)
    iso, isi = _norm(degp)
    g1 = _mm1(x_p, W1, iso)
    p1 = _agg(g1, src, dst)
    g2 = _mid2(p1, isi, b1.reshape(1, D_H), W2, iso)
    p2 = _agg(g2, src, dst)
    g3 = _mid3(p2, isi, b2.reshape(1, D_H), W3p, iso)
    p3 = _agg(g3, src, dst)
    return _final(p3, isi, b3.reshape(1, D_OUT))[:N]

# --- scband reference (transcript-rebuilt; emitter-appended) ---
"""Pipeline reference for scband-gcn-85684597555226 (READ-ONLY COPY).

The authoritative reference and input builder live on the scoring server;
editing this copy changes nothing except your own understanding.
"""

import jax, jax.numpy as jnp
import numpy as np

N = 10000
E = 320000
D_IN = 128
D_H = 128
D_OUT = 64


def setup_inputs(seed: int = 0) -> dict:
    key = jax.random.key(seed)
    ks = jax.random.split(key, 10)
    x = jax.random.normal(ks[0], (N, D_IN), dtype=jnp.float32)
    edge_index = jax.random.randint(ks[1], (2, E), 0, N)
    # Glorot-style init for GraphConv weights, zero bias (DGL default)
    def glorot(k, fi, fo):
        lim = np.sqrt(6.0 / (fi + fo))
        return jax.random.uniform(k, (fi, fo), minval=-lim, maxval=lim, dtype=jnp.float32)
    W1 = glorot(ks[2], D_IN, D_H)
    b1 = jnp.zeros((D_H,), dtype=jnp.float32)
    W2 = glorot(ks[3], D_H, D_H)
    b2 = jnp.zeros((D_H,), dtype=jnp.float32)
    W3 = glorot(ks[4], D_H, D_OUT)
    b3 = jnp.zeros((D_OUT,), dtype=jnp.float32)
    return {"x": x, "edge_index": edge_index, "W1": W1, "b1": b1, "W2": W2, "b2": b2, "W3": W3, "b3": b3}


def _graph_conv(h, src, dst, inv_sqrt_out, inv_sqrt_in, W, b):
    # DGL GraphConv with norm='both': h' = D_in^{-1/2} A (D_out^{-1/2} h W) + b
    h = h * inv_sqrt_out[:, None]
    h = h @ W
    agg = jax.ops.segment_sum(h[src], dst, num_segments=N)
    return agg * inv_sqrt_in[:, None] + b


def reference(x, edge_index, W1, b1, W2, b2, W3, b3):
    src = edge_index[0]
    dst = edge_index[1]
    deg_out = jnp.clip(jnp.bincount(src, length=N).astype(jnp.float32), 1.0, None)
    deg_in = jnp.clip(jnp.bincount(dst, length=N).astype(jnp.float32), 1.0, None)
    iso = deg_out ** -0.5
    isi = deg_in ** -0.5
    h = _graph_conv(x, src, dst, iso, isi, W1, b1)
    h = jax.nn.relu(h)
    h = _graph_conv(h, src, dst, iso, isi, W2, b2)
    h = jax.nn.relu(h)
    h = _graph_conv(h, src, dst, iso, isi, W3, b3)
    return h

if __name__ == "__main__":
    import jax
    _d = setup_inputs()
    print(jax.jit(kernel)(*tuple(_d.values())))

</pallas_src>

<mosaic_0001>
#map = affine_map<(d0, d1) -> (0, 0)>
#map1 = affine_map<(d0, d1) -> (0)>
#map2 = affine_map<(d0, d1) -> (0, 0, 0)>
module attributes {stable_mosaic.version = 14 : i64} {
  func.func @_agg(%arg0: i32, %arg1: i32, %arg2: memref<10240x128xf32, #tpu.memory_space<hbm>>, %arg3: memref<327680xi32, #tpu.memory_space<hbm>>, %arg4: memref<327680xi32, #tpu.memory_space<hbm>>, %arg5: memref<2x10240x128xf32, #tpu.memory_space<hbm>>, %arg6: memref<128xi32, #tpu.memory_space<vmem>>, %arg7: memref<128xi32, #tpu.memory_space<vmem>>, %arg8: memref<128xi32, #tpu.memory_space<vmem>>, %arg9: memref<128xi32, #tpu.memory_space<vmem>>, %arg10: memref<128x128xf32, #tpu.memory_space<vmem>>, %arg11: memref<128x128xf32, #tpu.memory_space<vmem>>, %arg12: memref<10240x128xf32, #tpu.memory_space<vmem_shared>>, %arg13: memref<!tpu.dma_semaphore, #tpu.memory_space<semaphore_mem>>, %arg14: memref<!tpu.dma_semaphore, #tpu.memory_space<semaphore_mem>>) attributes {dimension_semantics = [#tpu.dimension_semantics<core_parallel>, #tpu.dimension_semantics<subcore_parallel>], iteration_bounds = array<i64: 2, 16>, scalar_prefetch = 0 : i64, scratch_operands = 9 : i64, tpu.core_type = #tpu.core_type<sc_vector_subcore>, window_params = [{transform_indices = #map}, {transform_indices = #map1}, {transform_indices = #map1}, {transform_indices = #map2}]} {
    %mul3A = arith.constant 2 : i32
    %mul3A_0 = arith.muli %arg1, %mul3A : i32
    %add3A = arith.addi %mul3A_0, %arg0 : i32
    %broadcast_in_dim3A = arith.constant 0.000000e+00 : f32
    %broadcast_in_dim3A_1 = vector.broadcast %broadcast_in_dim3A : f32 to vector<16xf32>
    %scan3A = arith.constant 0 : i32
    %scan3A_2 = arith.constant 128 : i32
    %scan3A_3 = arith.addi %scan3A, %scan3A_2 : i32
    %scan3A_4 = arith.constant 1 : i32
    scf.for %scan3A_48 = %scan3A to %scan3A_3 step %scan3A_4  : i32 {
      %mul3A_49 = arith.constant 1 : i32
      %mul3A_50 = arith.muli %scan3A_48, %mul3A_49 : i32
      %add3A_51 = arith.constant 0 : i32
      %add3A_52 = arith.addi %add3A_51, %mul3A_50 : i32
      %swap3A = arith.index_cast %add3A_52 : i32 to index
      %swap3A_53 = arith.constant 0 : index
      %swap3A_54 = tpu.vector_load %arg10[%swap3A, %swap3A_53] {strides = array<i32>} : memref<128x128xf32, #tpu.memory_space<vmem>>, vector<1x16xf32>,
      %swap3A_55 = vector.shape_cast %swap3A_54 : vector<1x16xf32> to vector<16xf32>
      %swap3A_56 = vector.shape_cast %broadcast_in_dim3A_1 : vector<16xf32> to vector<1x16xf32>
      tpu.vector_store %arg10[%swap3A, %swap3A_53], %swap3A_56 {strides = array<i32>} : memref<128x128xf32, #tpu.memory_space<vmem>>, vector<1x16xf32>,
      %swap3A_57 = arith.index_cast %add3A_52 : i32 to index
      %swap3A_58 = arith.constant 16 : index
      %swap3A_59 = tpu.vector_load %arg10[%swap3A_57, %swap3A_58] {strides = array<i32>} : memref<128x128xf32, #tpu.memory_space<vmem>>, vector<1x16xf32>,
      %swap3A_60 = vector.shape_cast %swap3A_59 : vector<1x16xf32> to vector<16xf32>
      %swap3A_61 = vector.shape_cast %broadcast_in_dim3A_1 : vector<16xf32> to vector<1x16xf32>
      tpu.vector_store %arg10[%swap3A_57, %swap3A_58], %swap3A_61 {strides = array<i32>} : memref<128x128xf32, #tpu.memory_space<vmem>>, vector<1x16xf32>,
      %swap3A_62 = arith.index_cast %add3A_52 : i32 to index
      %swap3A_63 = arith.constant 32 : index
      %swap3A_64 = tpu.vector_load %arg10[%swap3A_62, %swap3A_63] {strides = array<i32>} : memref<128x128xf32, #tpu.memory_space<vmem>>, vector<1x16xf32>,
      %swap3A_65 = vector.shape_cast %swap3A_64 : vector<1x16xf32> to vector<16xf32>
      %swap3A_66 = vector.shape_cast %broadcast_in_dim3A_1 : vector<16xf32> to vector<1x16xf32>
      tpu.vector_store %arg10[%swap3A_62, %swap3A_63], %swap3A_66 {strides = array<i32>} : memref<128x128xf32, #tpu.memory_space<vmem>>, vector<1x16xf32>,
      %swap3A_67 = arith.index_cast %add3A_52 : i32 to index
      %swap3A_68 = arith.constant 48 : index
      %swap3A_69 = tpu.vector_load %arg10[%swap3A_67, %swap3A_68] {strides = array<i32>} : memref<128x128xf32, #tpu.memory_space<vmem>>, vector<1x16xf32>,
      %swap3A_70 = vector.shape_cast %swap3A_69 : vector<1x16xf32> to vector<16xf32>
      %swap3A_71 = vector.shape_cast %broadcast_in_dim3A_1 : vector<16xf32> to vector<1x16xf32>
      tpu.vector_store %arg10[%swap3A_67, %swap3A_68], %swap3A_71 {strides = array<i32>} : memref<128x128xf32, #tpu.memory_space<vmem>>, vector<1x16xf32>,
      %swap3A_72 = arith.index_cast %add3A_52 : i32 to index
      %swap3A_73 = arith.constant 64 : index
      %swap3A_74 = tpu.vector_load %arg10[%swap3A_72, %swap3A_73] {strides = array<i32>} : memref<128x128xf32, #tpu.memory_space<vmem>>, vector<1x16xf32>,
      %swap3A_75 = vector.shape_cast %swap3A_74 : vector<1x16xf32> to vector<16xf32>
      %swap3A_76 = vector.shape_cast %broadcast_in_dim3A_1 : vector<16xf32> to vector<1x16xf32>
      tpu.vector_store %arg10[%swap3A_72, %swap3A_73], %swap3A_76 {strides = array<i32>} : memref<128x128xf32, #tpu.memory_space<vmem>>, vector<1x16xf32>,
      %swap3A_77 = arith.index_cast %add3A_52 : i32 to index
      %swap3A_78 = arith.constant 80 : index
      %swap3A_79 = tpu.vector_load %arg10[%swap3A_77, %swap3A_78] {strides = array<i32>} : memref<128x128xf32, #tpu.memory_space<vmem>>, vector<1x16xf32>,
      %swap3A_80 = vector.shape_cast %swap3A_79 : vector<1x16xf32> to vector<16xf32>
      %swap3A_81 = vector.shape_cast %broadcast_in_dim3A_1 : vector<16xf32> to vector<1x16xf32>
      tpu.vector_store %arg10[%swap3A_77, %swap3A_78], %swap3A_81 {strides = array<i32>} : memref<128x128xf32, #tpu.memory_space<vmem>>, vector<1x16xf32>,
      %swap3A_82 = arith.index_cast %add3A_52 : i32 to index
      %swap3A_83 = arith.constant 96 : index
      %swap3A_84 = tpu.vector_load %arg10[%swap3A_82, %swap3A_83] {strides = array<i32>} : memref<128x128xf32, #tpu.memory_space<vmem>>, vector<1x16xf32>,
      %swap3A_85 = vector.shape_cast %swap3A_84 : vector<1x16xf32> to vector<16xf32>
      %swap3A_86 = vector.shape_cast %broadcast_in_dim3A_1 : vector<16xf32> to vector<1x16xf32>
      tpu.vector_store %arg10[%swap3A_82, %swap3A_83], %swap3A_86 {strides = array<i32>} : memref<128x128xf32, #tpu.memory_space<vmem>>, vector<1x16xf32>,
      %swap3A_87 = arith.index_cast %add3A_52 : i32 to index
      %swap3A_88 = arith.constant 112 : index
      %swap3A_89 = tpu.vector_load %arg10[%swap3A_87, %swap3A_88] {strides = array<i32>} : memref<128x128xf32, #tpu.memory_space<vmem>>, vector<1x16xf32>,
      %swap3A_90 = vector.shape_cast %swap3A_89 : vector<1x16xf32> to vector<16xf32>
      %swap3A_91 = vector.shape_cast %broadcast_in_dim3A_1 : vector<16xf32> to vector<1x16xf32>
      tpu.vector_store %arg10[%swap3A_87, %swap3A_88], %swap3A_91 {strides = array<i32>} : memref<128x128xf32, #tpu.memory_space<vmem>>, vector<1x16xf32>,
    }
    %scan3A_5 = arith.constant 128 : i32
    %mul3A_6 = arith.constant 640 : i32
    %mul3A_7 = arith.muli %arg1, %mul3A_6 : i32
    %add3A_8 = arith.constant 0 : i32
    %add3A_9 = arith.addi %mul3A_7, %add3A_8 : i32
    "tpu.region"() ({
      %run_scoped3A = tpu.sem_alloc : memref<!tpu.dma_semaphore, #tpu.memory_space<semaphore_mem>>
      %dma_start3A_48 = arith.constant 0 : i32
      %dma_start3A_49 = tpu.memref_slice %arg12[%add3A_9, %dma_start3A_48] : memref<10240x128xf32, #tpu.memory_space<vmem_shared>> -> memref<128x128xf32, #tpu.memory_space<vmem_shared>>
      %dma_start3A_50 = arith.constant 0 : i32
      %dma_start3A_51 = tpu.memref_slice %arg12[%add3A_9, %dma_start3A_50] : memref<10240x128xf32, #tpu.memory_space<vmem_shared>> -> memref<128x128xf32, #tpu.memory_space<vmem_shared>>
      tpu.enqueue_dma source(%arg10 : memref<128x128xf32, #tpu.memory_space<vmem>>) target(%dma_start3A_51 : memref<128x128xf32, #tpu.memory_space<vmem_shared>>) target_semaphore(%run_scoped3A : memref<!tpu.dma_semaphore, #tpu.memory_space<semaphore_mem>>)
      %dma_wait3A = arith.constant 0 : i32
      %dma_wait3A_52 = tpu.memref_slice %arg12[%add3A_9, %dma_wait3A] : memref<10240x128xf32, #tpu.memory_space<vmem_shared>> -> memref<128x128xf32, #tpu.memory_space<vmem_shared>>
      %dma_wait3A_53 = arith.constant 0 : i32
      %dma_wait3A_54 = tpu.memref_slice %arg12[%add3A_9, %dma_wait3A_53] : memref<10240x128xf32, #tpu.memory_space<vmem_shared>> -> memref<128x128xf32, #tpu.memory_space<vmem_shared>>
      tpu.wait_dma2 semaphore(%run_scoped3A : memref<!tpu.dma_semaphore, #tpu.memory_space<semaphore_mem>>) src(%arg10 : memref<128x128xf32, #tpu.memory_space<vmem>>) dst(%dma_wait3A_54 : memref<128x128xf32, #tpu.memory_space<vmem_shared>>)
      tpu.yield
    }) : () -> ()
    %add3A_10 = arith.constant 128 : i32
    %add3A_11 = arith.addi %mul3A_7, %add3A_10 : i32
    "tpu.region"() ({
      %run_scoped3A = tpu.sem_alloc : memref<!tpu.dma_semaphore, #tpu.memory_space<semaphore_mem>>
      %dma_start3A_48 = arith.constant 0 : i32
      %dma_start3A_49 = tpu.memref_slice %arg12[%add3A_11, %dma_start3A_48] : memref<10240x128xf32, #tpu.memory_space<vmem_shared>> -> memref<128x128xf32, #tpu.memory_space<vmem_shared>>
      %dma_start3A_50 = arith.constant 0 : i32
      %dma_start3A_51 = tpu.memref_slice %arg12[%add3A_11, %dma_start3A_50] : memref<10240x128xf32, #tpu.memory_space<vmem_shared>> -> memref<128x128xf32, #tpu.memory_space<vmem_shared>>
      tpu.enqueue_dma source(%arg10 : memref<128x128xf32, #tpu.memory_space<vmem>>) target(%dma_start3A_51 : memref<128x128xf32, #tpu.memory_space<vmem_shared>>) target_semaphore(%run_scoped3A : memref<!tpu.dma_semaphore, #tpu.memory_space<semaphore_mem>>)
      %dma_wait3A = arith.constant 0 : i32
      %dma_wait3A_52 = tpu.memref_slice %arg12[%add3A_11, %dma_wait3A] : memref<10240x128xf32, #tpu.memory_space<vmem_shared>> -> memref<128x128xf32, #tpu.memory_space<vmem_shared>>
      %dma_wait3A_53 = arith.constant 0 : i32
      %dma_wait3A_54 = tpu.memref_slice %arg12[%add3A_11, %dma_wait3A_53] : memref<10240x128xf32, #tpu.memory_space<vmem_shared>> -> memref<128x128xf32, #tpu.memory_space<vmem_shared>>
      tpu.wait_dma2 semaphore(%run_scoped3A : memref<!tpu.dma_semaphore, #tpu.memory_space<semaphore_mem>>) src(%arg10 : memref<128x128xf32, #tpu.memory_space<vmem>>) dst(%dma_wait3A_54 : memref<128x128xf32, #tpu.memory_space<vmem_shared>>)
      tpu.yield
    }) : () -> ()
    %add3A_12 = arith.constant 256 : i32
    %add3A_13 = arith.addi %mul3A_7, %add3A_12 : i32
    "tpu.region"() ({
      %run_scoped3A = tpu.sem_alloc : memref<!tpu.dma_semaphore, #tpu.memory_space<semaphore_mem>>
      %dma_start3A_48 = arith.constant 0 : i32
      %dma_start3A_49 = tpu.memref_slice %arg12[%add3A_13, %dma_start3A_48] : memref<10240x128xf32, #tpu.memory_space<vmem_shared>> -> memref<128x128xf32, #tpu.memory_space<vmem_shared>>
      %dma_start3A_50 = arith.constant 0 : i32
      %dma_start3A_51 = tpu.memref_slice %arg12[%add3A_13, %dma_start3A_50] : memref<10240x128xf32, #tpu.memory_space<vmem_shared>> -> memref<128x128xf32, #tpu.memory_space<vmem_shared>>
      tpu.enqueue_dma source(%arg10 : memref<128x128xf32, #tpu.memory_space<vmem>>) target(%dma_start3A_51 : memref<128x128xf32, #tpu.memory_space<vmem_shared>>) target_semaphore(%run_scoped3A : memref<!tpu.dma_semaphore, #tpu.memory_space<semaphore_mem>>)
      %dma_wait3A = arith.constant 0 : i32
      %dma_wait3A_52 = tpu.memref_slice %arg12[%add3A_13, %dma_wait3A] : memref<10240x128xf32, #tpu.memory_space<vmem_shared>> -> memref<128x128xf32, #tpu.memory_space<vmem_shared>>
      %dma_wait3A_53 = arith.constant 0 : i32
      %dma_wait3A_54 = tpu.memref_slice %arg12[%add3A_13, %dma_wait3A_53] : memref<10240x128xf32, #tpu.memory_space<vmem_shared>> -> memref<128x128xf32, #tpu.memory_space<vmem_shared>>
      tpu.wait_dma2 semaphore(%run_scoped3A : memref<!tpu.dma_semaphore, #tpu.memory_space<semaphore_mem>>) src(%arg10 : memref<128x128xf32, #tpu.memory_space<vmem>>) dst(%dma_wait3A_54 : memref<128x128xf32, #tpu.memory_space<vmem_shared>>)
      tpu.yield
    }) : () -> ()
    %add3A_14 = arith.constant 384 : i32
    %add3A_15 = arith.addi %mul3A_7, %add3A_14 : i32
    "tpu.region"() ({
      %run_scoped3A = tpu.sem_alloc : memref<!tpu.dma_semaphore, #tpu.memory_space<semaphore_mem>>
      %dma_start3A_48 = arith.constant 0 : i32
      %dma_start3A_49 = tpu.memref_slice %arg12[%add3A_15, %dma_start3A_48] : memref<10240x128xf32, #tpu.memory_space<vmem_shared>> -> memref<128x128xf32, #tpu.memory_space<vmem_shared>>
      %dma_start3A_50 = arith.constant 0 : i32
      %dma_start3A_51 = tpu.memref_slice %arg12[%add3A_15, %dma_start3A_50] : memref<10240x128xf32, #tpu.memory_space<vmem_shared>> -> memref<128x128xf32, #tpu.memory_space<vmem_shared>>
      tpu.enqueue_dma source(%arg10 : memref<128x128xf32, #tpu.memory_space<vmem>>) target(%dma_start3A_51 : memref<128x128xf32, #tpu.memory_space<vmem_shared>>) target_semaphore(%run_scoped3A : memref<!tpu.dma_semaphore, #tpu.memory_space<semaphore_mem>>)
      %dma_wait3A = arith.constant 0 : i32
      %dma_wait3A_52 = tpu.memref_slice %arg12[%add3A_15, %dma_wait3A] : memref<10240x128xf32, #tpu.memory_space<vmem_shared>> -> memref<128x128xf32, #tpu.memory_space<vmem_shared>>
      %dma_wait3A_53 = arith.constant 0 : i32
      %dma_wait3A_54 = tpu.memref_slice %arg12[%add3A_15, %dma_wait3A_53] : memref<10240x128xf32, #tpu.memory_space<vmem_shared>> -> memref<128x128xf32, #tpu.memory_space<vmem_shared>>
      tpu.wait_dma2 semaphore(%run_scoped3A : memref<!tpu.dma_semaphore, #tpu.memory_space<semaphore_mem>>) src(%arg10 : memref<128x128xf32, #tpu.memory_space<vmem>>) dst(%dma_wait3A_54 : memref<128x128xf32, #tpu.memory_space<vmem_shared>>)
      tpu.yield
    }) : () -> ()
    %add3A_16 = arith.constant 512 : i32
    %add3A_17 = arith.addi %mul3A_7, %add3A_16 : i32
    "tpu.region"() ({
      %run_scoped3A = tpu.sem_alloc : memref<!tpu.dma_semaphore, #tpu.memory_space<semaphore_mem>>
      %dma_start3A_48 = arith.constant 0 : i32
      %dma_start3A_49 = tpu.memref_slice %arg12[%add3A_17, %dma_start3A_48] : memref<10240x128xf32, #tpu.memory_space<vmem_shared>> -> memref<128x128xf32, #tpu.memory_space<vmem_shared>>
      %dma_start3A_50 = arith.constant 0 : i32
      %dma_start3A_51 = tpu.memref_slice %arg12[%add3A_17, %dma_start3A_50] : memref<10240x128xf32, #tpu.memory_space<vmem_shared>> -> memref<128x128xf32, #tpu.memory_space<vmem_shared>>
      tpu.enqueue_dma source(%arg10 : memref<128x128xf32, #tpu.memory_space<vmem>>) target(%dma_start3A_51 : memref<128x128xf32, #tpu.memory_space<vmem_shared>>) target_semaphore(%run_scoped3A : memref<!tpu.dma_semaphore, #tpu.memory_space<semaphore_mem>>)
      %dma_wait3A = arith.constant 0 : i32
      %dma_wait3A_52 = tpu.memref_slice %arg12[%add3A_17, %dma_wait3A] : memref<10240x128xf32, #tpu.memory_space<vmem_shared>> -> memref<128x128xf32, #tpu.memory_space<vmem_shared>>
      %dma_wait3A_53 = arith.constant 0 : i32
      %dma_wait3A_54 = tpu.memref_slice %arg12[%add3A_17, %dma_wait3A_53] : memref<10240x128xf32, #tpu.memory_space<vmem_shared>> -> memref<128x128xf32, #tpu.memory_space<vmem_shared>>
      tpu.wait_dma2 semaphore(%run_scoped3A : memref<!tpu.dma_semaphore, #tpu.memory_space<semaphore_mem>>) src(%arg10 : memref<128x128xf32, #tpu.memory_space<vmem>>) dst(%dma_wait3A_54 : memref<128x128xf32, #tpu.memory_space<vmem_shared>>)
      tpu.yield
    }) : () -> ()
    %barrier3A = arith.constant 0 : index
    tpu.barrier barrier_id(%barrier3A)
    %mul3A_18 = arith.constant 10240 : i32
    %mul3A_19 = arith.muli %add3A, %mul3A_18 : i32
    "tpu.region"() ({
      %run_scoped3A = tpu.sem_alloc : memref<!tpu.dma_semaphore, #tpu.memory_space<semaphore_mem>>
      %dma_start3A_48 = tpu.memref_slice %arg3[%mul3A_19] : memref<327680xi32, #tpu.memory_space<hbm>> -> memref<128xi32, #tpu.memory_space<hbm>>
      %dma_start3A_49 = tpu.memref_slice %arg3[%mul3A_19] : memref<327680xi32, #tpu.memory_space<hbm>> -> memref<128xi32, #tpu.memory_space<hbm>>
      tpu.enqueue_dma source(%dma_start3A_49 : memref<128xi32, #tpu.memory_space<hbm>>) target(%arg6 : memref<128xi32, #tpu.memory_space<vmem>>) target_semaphore(%run_scoped3A : memref<!tpu.dma_semaphore, #tpu.memory_space<semaphore_mem>>)
      %dma_wait3A = tpu.memref_slice %arg3[%mul3A_19] : memref<327680xi32, #tpu.memory_space<hbm>> -> memref<128xi32, #tpu.memory_space<hbm>>
      %dma_wait3A_50 = tpu.memref_slice %arg3[%mul3A_19] : memref<327680xi32, #tpu.memory_space<hbm>> -> memref<128xi32, #tpu.memory_space<hbm>>
      tpu.wait_dma2 semaphore(%run_scoped3A : memref<!tpu.dma_semaphore, #tpu.memory_space<semaphore_mem>>) src(%dma_wait3A_50 : memref<128xi32, #tpu.memory_space<hbm>>) dst(%arg6 : memref<128xi32, #tpu.memory_space<vmem>>)
      tpu.yield
    }) : () -> ()
    "tpu.region"() ({
      %run_scoped3A = tpu.sem_alloc : memref<!tpu.dma_semaphore, #tpu.memory_space<semaphore_mem>>
      %dma_start3A_48 = tpu.memref_slice %arg4[%mul3A_19] : memref<327680xi32, #tpu.memory_space<hbm>> -> memref<128xi32, #tpu.memory_space<hbm>>
      %dma_start3A_49 = tpu.memref_slice %arg4[%mul3A_19] : memref<327680xi32, #tpu.memory_space<hbm>> -> memref<128xi32, #tpu.memory_space<hbm>>
      tpu.enqueue_dma source(%dma_start3A_49 : memref<128xi32, #tpu.memory_space<hbm>>) target(%arg7 : memref<128xi32, #tpu.memory_space<vmem>>) target_semaphore(%run_scoped3A : memref<!tpu.dma_semaphore, #tpu.memory_space<semaphore_mem>>)
      %dma_wait3A = tpu.memref_slice %arg4[%mul3A_19] : memref<327680xi32, #tpu.memory_space<hbm>> -> memref<128xi32, #tpu.memory_space<hbm>>
      %dma_wait3A_50 = tpu.memref_slice %arg4[%mul3A_19] : memref<327680xi32, #tpu.memory_space<hbm>> -> memref<128xi32, #tpu.memory_space<hbm>>
      tpu.wait_dma2 semaphore(%run_scoped3A : memref<!tpu.dma_semaphore, #tpu.memory_space<semaphore_mem>>) src(%dma_wait3A_50 : memref<128xi32, #tpu.memory_space<hbm>>) dst(%arg7 : memref<128xi32, #tpu.memory_space<vmem>>)
      tpu.yield
    }) : () -> ()
    %dma_start3A = arith.constant 0 : i32
    %dma_start3A_20 = arith.constant 0 : i32
    %dma_start3A_21 = tpu.memref_slice %arg2[%dma_start3A, %dma_start3A_20] : memref<10240x128xf32, #tpu.memory_space<hbm>> -> memref<10240x128xf32, #tpu.memory_space<hbm>>
    tpu.enqueue_indirect_dma source(%dma_start3A_21 : memref<10240x128xf32, #tpu.memory_space<hbm>>) target(%arg10 : memref<128x128xf32, #tpu.memory_space<vmem>>) offsets(%arg6 : memref<128xi32, #tpu.memory_space<vmem>>) semaphore(%arg13 : memref<!tpu.dma_semaphore, #tpu.memory_space<semaphore_mem>>)
    %scan3A_22 = arith.constant 0 : i32
    %scan3A_23 = arith.constant 40 : i32
    %scan3A_24 = arith.addi %scan3A_22, %scan3A_23 : i32
    %scan3A_25 = arith.constant 1 : i32
    scf.for %scan3A_48 = %scan3A_22 to %scan3A_24 step %scan3A_25  : i32 {
      %mul3A_49 = arith.constant 1 : i32
      %mul3A_50 = arith.muli %scan3A_48, %mul3A_49 : i32
      %add3A_51 = arith.constant 0 : i32
      %add3A_52 = arith.addi %add3A_51, %mul3A_50 : i32
      %mul3A_53 = arith.constant 2 : i32
      %mul3A_54 = arith.muli %add3A_52, %mul3A_53 : i32
      %add3A_55 = arith.constant 1 : i32
      %add3A_56 = arith.addi %mul3A_54, %add3A_55 : i32
      %mul3A_57 = arith.constant 128 : i32
      %mul3A_58 = arith.muli %add3A_56, %mul3A_57 : i32
      %add3A_59 = arith.addi %mul3A_19, %mul3A_58 : i32
      "tpu.region"() ({
        %run_scoped3A = tpu.sem_alloc : memref<!tpu.dma_semaphore, #tpu.memory_space<semaphore_mem>>
        %dma_start3A_75 = tpu.memref_slice %arg3[%add3A_59] : memref<327680xi32, #tpu.memory_space<hbm>> -> memref<128xi32, #tpu.memory_space<hbm>>
        %dma_start3A_76 = tpu.memref_slice %arg3[%add3A_59] : memref<327680xi32, #tpu.memory_space<hbm>> -> memref<128xi32, #tpu.memory_space<hbm>>
        tpu.enqueue_dma source(%dma_start3A_76 : memref<128xi32, #tpu.memory_space<hbm>>) target(%arg8 : memref<128xi32, #tpu.memory_space<vmem>>) target_semaphore(%run_scoped3A : memref<!tpu.dma_semaphore, #tpu.memory_space<semaphore_mem>>)
        %dma_wait3A_77 = tpu.memref_slice %arg3[%add3A_59] : memref<327680xi32, #tpu.memory_space<hbm>> -> memref<128xi32, #tpu.memory_space<hbm>>
        %dma_wait3A_78 = tpu.memref_slice %arg3[%add3A_59] : memref<327680xi32, #tpu.memory_space<hbm>> -> memref<128xi32, #tpu.memory_space<hbm>>
        tpu.wait_dma2 semaphore(%run_scoped3A : memref<!tpu.dma_semaphore, #tpu.memory_space<semaphore_mem>>) src(%dma_wait3A_78 : memref<128xi32, #tpu.memory_space<hbm>>) dst(%arg8 : memref<128xi32, #tpu.memory_space<vmem>>)
        tpu.yield
      }) : () -> ()
      "tpu.region"() ({
        %run_scoped3A = tpu.sem_alloc : memref<!tpu.dma_semaphore, #tpu.memory_space<semaphore_mem>>
        %dma_start3A_75 = tpu.memref_slice %arg4[%add3A_59] : memref<327680xi32, #tpu.memory_space<hbm>> -> memref<128xi32, #tpu.memory_space<hbm>>
        %dma_start3A_76 = tpu.memref_slice %arg4[%add3A_59] : memref<327680xi32, #tpu.memory_space<hbm>> -> memref<128xi32, #tpu.memory_space<hbm>>
        tpu.enqueue_dma source(%dma_start3A_76 : memref<128xi32, #tpu.memory_space<hbm>>) target(%arg9 : memref<128xi32, #tpu.memory_space<vmem>>) target_semaphore(%run_scoped3A : memref<!tpu.dma_semaphore, #tpu.memory_space<semaphore_mem>>)
        %dma_wait3A_77 = tpu.memref_slice %arg4[%add3A_59] : memref<327680xi32, #tpu.memory_space<hbm>> -> memref<128xi32, #tpu.memory_space<hbm>>
        %dma_wait3A_78 = tpu.memref_slice %arg4[%add3A_59] : memref<327680xi32, #tpu.memory_space<hbm>> -> memref<128xi32, #tpu.memory_space<hbm>>
        tpu.wait_dma2 semaphore(%run_scoped3A : memref<!tpu.dma_semaphore, #tpu.memory_space<semaphore_mem>>) src(%dma_wait3A_78 : memref<128xi32, #tpu.memory_space<hbm>>) dst(%arg9 : memref<128xi32, #tpu.memory_space<vmem>>)
        tpu.yield
      }) : () -> ()
      %dma_wait3A = arith.constant 0 : i32
      %dma_wait3A_60 = arith.constant 0 : i32
      %dma_wait3A_61 = tpu.memref_slice %arg2[%dma_wait3A, %dma_wait3A_60] : memref<10240x128xf32, #tpu.memory_space<hbm>> -> memref<10240x128xf32, #tpu.memory_space<hbm>>
      tpu.wait_indirect_dma semaphore(%arg13 : memref<!tpu.dma_semaphore, #tpu.memory_space<semaphore_mem>>) src(%dma_wait3A_61 : memref<10240x128xf32, #tpu.memory_space<hbm>>) dst(%arg10 : memref<128x128xf32, #tpu.memory_space<vmem>>)
      %dma_start3A_62 = arith.constant 0 : i32
      %dma_start3A_63 = arith.constant 0 : i32
      %dma_start3A_64 = tpu.memref_slice %arg2[%dma_start3A_62, %dma_start3A_63] : memref<10240x128xf32, #tpu.memory_space<hbm>> -> memref<10240x128xf32, #tpu.memory_space<hbm>>
      tpu.enqueue_indirect_dma source(%dma_start3A_64 : memref<10240x128xf32, #tpu.memory_space<hbm>>) target(%arg11 : memref<128x128xf32, #tpu.memory_space<vmem>>) offsets(%arg8 : memref<128xi32, #tpu.memory_space<vmem>>) semaphore(%arg14 : memref<!tpu.dma_semaphore, #tpu.memory_space<semaphore_mem>>)
      "tpu.region"() ({
        %run_scoped3A = tpu.sem_alloc : memref<!tpu.dma_semaphore, #tpu.memory_space<semaphore_mem>>
        %dma_start3A_75 = arith.constant 0 : i32
        %dma_start3A_76 = arith.constant 0 : i32
        %dma_start3A_77 = tpu.memref_slice %arg12[%dma_start3A_75, %dma_start3A_76] : memref<10240x128xf32, #tpu.memory_space<vmem_shared>> -> memref<10240x128xf32, #tpu.memory_space<vmem_shared>>
        tpu.enqueue_indirect_dma source(%arg10 : memref<128x128xf32, #tpu.memory_space<vmem>>) target(%dma_start3A_77 : memref<10240x128xf32, #tpu.memory_space<vmem_shared>>) offsets(%arg7 : memref<128xi32, #tpu.memory_space<vmem>>) semaphore(%run_scoped3A : memref<!tpu.dma_semaphore, #tpu.memory_space<semaphore_mem>>) {add = true}
        %dma_wait3A_78 = arith.constant 0 : i32
        %dma_wait3A_79 = arith.constant 0 : i32
        %dma_wait3A_80 = tpu.memref_slice %arg12[%dma_wait3A_78, %dma_wait3A_79] : memref<10240x128xf32, #tpu.memory_space<vmem_shared>> -> memref<10240x128xf32, #tpu.memory_space<vmem_shared>>
        tpu.wait_indirect_dma semaphore(%run_scoped3A : memref<!tpu.dma_semaphore, #tpu.memory_space<semaphore_mem>>) src(%arg10 : memref<128x128xf32, #tpu.memory_space<vmem>>) dst(%dma_wait3A_80 : memref<10240x128xf32, #tpu.memory_space<vmem_shared>>)
        tpu.yield
      }) : () -> ()
      %lt3A = arith.constant 39 : i32
      %lt3A_65 = arith.cmpi slt, %add3A_52, %lt3A : i32
      %convert_element_type3A = arith.extui %lt3A_65 : i1 to i32
      %cond3A = arith.constant 0 : i32
      %cond3A_66 = arith.cmpi ne, %convert_element_type3A, %cond3A : i32
      scf.if %cond3A_66 {
        %add3A_75 = arith.constant 2 : i32
        %add3A_76 = arith.addi %mul3A_54, %add3A_75 : i32
        %mul3A_77 = arith.constant 128 : i32
        %mul3A_78 = arith.muli %add3A_76, %mul3A_77 : i32
        %add3A_79 = arith.addi %mul3A_19, %mul3A_78 : i32
        "tpu.region"() ({
          %run_scoped3A = tpu.sem_alloc : memref<!tpu.dma_semaphore, #tpu.memory_space<semaphore_mem>>
          %dma_start3A_80 = tpu.memref_slice %arg3[%add3A_79] : memref<327680xi32, #tpu.memory_space<hbm>> -> memref<128xi32, #tpu.memory_space<hbm>>
          %dma_start3A_81 = tpu.memref_slice %arg3[%add3A_79] : memref<327680xi32, #tpu.memory_space<hbm>> -> memref<128xi32, #tpu.memory_space<hbm>>
          tpu.enqueue_dma source(%dma_start3A_81 : memref<128xi32, #tpu.memory_space<hbm>>) target(%arg6 : memref<128xi32, #tpu.memory_space<vmem>>) target_semaphore(%run_scoped3A : memref<!tpu.dma_semaphore, #tpu.memory_space<semaphore_mem>>)
          %dma_wait3A_82 = tpu.memref_slice %arg3[%add3A_79] : memref<327680xi32, #tpu.memory_space<hbm>> -> memref<128xi32, #tpu.memory_space<hbm>>
          %dma_wait3A_83 = tpu.memref_slice %arg3[%add3A_79] : memref<327680xi32, #tpu.memory_space<hbm>> -> memref<128xi32, #tpu.memory_space<hbm>>
          tpu.wait_dma2 semaphore(%run_scoped3A : memref<!tpu.dma_semaphore, #tpu.memory_space<semaphore_mem>>) src(%dma_wait3A_83 : memref<128xi32, #tpu.memory_space<hbm>>) dst(%arg6 : memref<128xi32, #tpu.memory_space<vmem>>)
          tpu.yield
        }) : () -> ()
        "tpu.region"() ({
          %run_scoped3A = tpu.sem_alloc : memref<!tpu.dma_semaphore, #tpu.memory_space<semaphore_mem>>
          %dma_start3A_80 = tpu.memref_slice %arg4[%add3A_79] : memref<327680xi32, #tpu.memory_space<hbm>> -> memref<128xi32, #tpu.memory_space<hbm>>
          %dma_start3A_81 = tpu.memref_slice %arg4[%add3A_79] : memref<327680xi32, #tpu.memory_space<hbm>> -> memref<128xi32, #tpu.memory_space<hbm>>
          tpu.enqueue_dma source(%dma_start3A_81 : memref<128xi32, #tpu.memory_space<hbm>>) target(%arg7 : memref<128xi32, #tpu.memory_space<vmem>>) target_semaphore(%run_scoped3A : memref<!tpu.dma_semaphore, #tpu.memory_space<semaphore_mem>>)
          %dma_wait3A_82 = tpu.memref_slice %arg4[%add3A_79] : memref<327680xi32, #tpu.memory_space<hbm>> -> memref<128xi32, #tpu.memory_space<hbm>>
          %dma_wait3A_83 = tpu.memref_slice %arg4[%add3A_79] : memref<327680xi32, #tpu.memory_space<hbm>> -> memref<128xi32, #tpu.memory_space<hbm>>
          tpu.wait_dma2 semaphore(%run_scoped3A : memref<!tpu.dma_semaphore, #tpu.memory_space<semaphore_mem>>) src(%dma_wait3A_83 : memref<128xi32, #tpu.memory_space<hbm>>) dst(%arg7 : memref<128xi32, #tpu.memory_space<vmem>>)
          tpu.yield
        }) : () -> ()
      } else {
      }
      %dma_wait3A_67 = arith.constant 0 : i32
      %dma_wait3A_68 = arith.constant 0 : i32
      %dma_wait3A_69 = tpu.memref_slice %arg2[%dma_wait3A_67, %dma_wait3A_68] : memref<10240x128xf32, #tpu.memory_space<hbm>> -> memref<10240x128xf32, #tpu.memory_space<hbm>>
      tpu.wait_indirect_dma semaphore(%arg14 : memref<!tpu.dma_semaphore, #tpu.memory_space<semaphore_mem>>) src(%dma_wait3A_69 : memref<10240x128xf32, #tpu.memory_space<hbm>>) dst(%arg11 : memref<128x128xf32, #tpu.memory_space<vmem>>)
      %lt3A_70 = arith.constant 39 : i32
      %lt3A_71 = arith.cmpi slt, %add3A_52, %lt3A_70 : i32
      %convert_element_type3A_72 = arith.extui %lt3A_71 : i1 to i32
      %cond3A_73 = arith.constant 0 : i32
      %cond3A_74 = arith.cmpi ne, %convert_element_type3A_72, %cond3A_73 : i32
      scf.if %cond3A_74 {
        %dma_start3A_75 = arith.constant 0 : i32
        %dma_start3A_76 = arith.constant 0 : i32
        %dma_start3A_77 = tpu.memref_slice %arg2[%dma_start3A_75, %dma_start3A_76] : memref<10240x128xf32, #tpu.memory_space<hbm>> -> memref<10240x128xf32, #tpu.memory_space<hbm>>
        tpu.enqueue_indirect_dma source(%dma_start3A_77 : memref<10240x128xf32, #tpu.memory_space<hbm>>) target(%arg10 : memref<128x128xf32, #tpu.memory_space<vmem>>) offsets(%arg6 : memref<128xi32, #tpu.memory_space<vmem>>) semaphore(%arg13 : memref<!tpu.dma_semaphore, #tpu.memory_space<semaphore_mem>>)
      } else {
      }
      "tpu.region"() ({
        %run_scoped3A = tpu.sem_alloc : memref<!tpu.dma_semaphore, #tpu.memory_space<semaphore_mem>>
        %dma_start3A_75 = arith.constant 0 : i32
        %dma_start3A_76 = arith.constant 0 : i32
        %dma_start3A_77 = tpu.memref_slice %arg12[%dma_start3A_75, %dma_start3A_76] : memref<10240x128xf32, #tpu.memory_space<vmem_shared>> -> memref<10240x128xf32, #tpu.memory_space<vmem_shared>>
        tpu.enqueue_indirect_dma source(%arg11 : memref<128x128xf32, #tpu.memory_space<vmem>>) target(%dma_start3A_77 : memref<10240x128xf32, #tpu.memory_space<vmem_shared>>) offsets(%arg9 : memref<128xi32, #tpu.memory_space<vmem>>) semaphore(%run_scoped3A : memref<!tpu.dma_semaphore, #tpu.memory_space<semaphore_mem>>) {add = true}
        %dma_wait3A_78 = arith.constant 0 : i32
        %dma_wait3A_79 = arith.constant 0 : i32
        %dma_wait3A_80 = tpu.memref_slice %arg12[%dma_wait3A_78, %dma_wait3A_79] : memref<10240x128xf32, #tpu.memory_space<vmem_shared>> -> memref<10240x128xf32, #tpu.memory_space<vmem_shared>>
        tpu.wait_indirect_dma semaphore(%run_scoped3A : memref<!tpu.dma_semaphore, #tpu.memory_space<semaphore_mem>>) src(%arg11 : memref<128x128xf32, #tpu.memory_space<vmem>>) dst(%dma_wait3A_80 : memref<10240x128xf32, #tpu.memory_space<vmem_shared>>)
        tpu.yield
      }) : () -> ()
    }
    %scan3A_26 = arith.constant 40 : i32
    %barrier3A_27 = arith.constant 0 : index
    tpu.barrier barrier_id(%barrier3A_27)
    %add3A_28 = arith.constant 0 : i32
    %add3A_29 = arith.addi %mul3A_7, %add3A_28 : i32
    "tpu.region"() ({
      %run_scoped3A = tpu.sem_alloc : memref<!tpu.dma_semaphore, #tpu.memory_space<semaphore_mem>>
      %dma_start3A_48 = arith.constant 0 : i32
      %dma_start3A_49 = tpu.memref_slice %arg12[%add3A_29, %dma_start3A_48] : memref<10240x128xf32, #tpu.memory_space<vmem_shared>> -> memref<128x128xf32, #tpu.memory_space<vmem_shared>>
      %dma_start3A_50 = arith.constant 0 : i32
      %dma_start3A_51 = tpu.memref_slice %arg12[%add3A_29, %dma_start3A_50] : memref<10240x128xf32, #tpu.memory_space<vmem_shared>> -> memref<128x128xf32, #tpu.memory_space<vmem_shared>>
      tpu.enqueue_dma source(%dma_start3A_51 : memref<128x128xf32, #tpu.memory_space<vmem_shared>>) target(%arg10 : memref<128x128xf32, #tpu.memory_space<vmem>>) target_semaphore(%run_scoped3A : memref<!tpu.dma_semaphore, #tpu.memory_space<semaphore_mem>>)
      %dma_wait3A = arith.constant 0 : i32
      %dma_wait3A_52 = tpu.memref_slice %arg12[%add3A_29, %dma_wait3A] : memref<10240x128xf32, #tpu.memory_space<vmem_shared>> -> memref<128x128xf32, #tpu.memory_space<vmem_shared>>
      %dma_wait3A_53 = arith.constant 0 : i32
      %dma_wait3A_54 = tpu.memref_slice %arg12[%add3A_29, %dma_wait3A_53] : memref<10240x128xf32, #tpu.memory_space<vmem_shared>> -> memref<128x128xf32, #tpu.memory_space<vmem_shared>>
      tpu.wait_dma2 semaphore(%run_scoped3A : memref<!tpu.dma_semaphore, #tpu.memory_space<semaphore_mem>>) src(%dma_wait3A_54 : memref<128x128xf32, #tpu.memory_space<vmem_shared>>) dst(%arg10 : memref<128x128xf32, #tpu.memory_space<vmem>>)
      tpu.yield
    }) : () -> ()
    %add3A_30 = arith.constant 0 : i32
    %add3A_31 = arith.addi %mul3A_7, %add3A_30 : i32
    "tpu.region"() ({
      %run_scoped3A = tpu.sem_alloc : memref<!tpu.dma_semaphore, #tpu.memory_space<semaphore_mem>>
      %dma_start3A_48 = arith.constant 0 : i32
      %dma_start3A_49 = tpu.memref_slice %arg5[%arg0, %add3A_31, %dma_start3A_48] : memref<2x10240x128xf32, #tpu.memory_space<hbm>> -> memref<1x128x128xf32, #tpu.memory_space<hbm>>
      %dma_start3A_50 = tpu.memref_squeeze %dma_start3A_49 : memref<1x128x128xf32, #tpu.memory_space<hbm>> -> memref<128x128xf32, #tpu.memory_space<hbm>>
      %dma_start3A_51 = arith.constant 0 : i32
      %dma_start3A_52 = tpu.memref_slice %arg5[%arg0, %add3A_31, %dma_start3A_51] : memref<2x10240x128xf32, #tpu.memory_space<hbm>> -> memref<1x128x128xf32, #tpu.memory_space<hbm>>
      %dma_start3A_53 = tpu.memref_squeeze %dma_start3A_52 : memref<1x128x128xf32, #tpu.memory_space<hbm>> -> memref<128x128xf32, #tpu.memory_space<hbm>>
      tpu.enqueue_dma source(%arg10 : memref<128x128xf32, #tpu.memory_space<vmem>>) target(%dma_start3A_53 : memref<128x128xf32, #tpu.memory_space<hbm>>) target_semaphore(%run_scoped3A : memref<!tpu.dma_semaphore, #tpu.memory_space<semaphore_mem>>)
      %dma_wait3A = arith.constant 0 : i32
      %dma_wait3A_54 = tpu.memref_slice %arg5[%arg0, %add3A_31, %dma_wait3A] : memref<2x10240x128xf32, #tpu.memory_space<hbm>> -> memref<1x128x128xf32, #tpu.memory_space<hbm>>
      %dma_wait3A_55 = tpu.memref_squeeze %dma_wait3A_54 : memref<1x128x128xf32, #tpu.memory_space<hbm>> -> memref<128x128xf32, #tpu.memory_space<hbm>>
      %dma_wait3A_56 = arith.constant 0 : i32
      %dma_wait3A_57 = tpu.memref_slice %arg5[%arg0, %add3A_31, %dma_wait3A_56] : memref<2x10240x128xf32, #tpu.memory_space<hbm>> -> memref<1x128x128xf32, #tpu.memory_space<hbm>>
      %dma_wait3A_58 = tpu.memref_squeeze %dma_wait3A_57 : memref<1x128x128xf32, #tpu.memory_space<hbm>> -> memref<128x128xf32, #tpu.memory_space<hbm>>
      tpu.wait_dma2 semaphore(%run_scoped3A : memref<!tpu.dma_semaphore, #tpu.memory_space<semaphore_mem>>) src(%arg10 : memref<128x128xf32, #tpu.memory_space<vmem>>) dst(%dma_wait3A_58 : memref<128x128xf32, #tpu.memory_space<hbm>>)
      tpu.yield
    }) : () -> ()
    %add3A_32 = arith.constant 128 : i32
    %add3A_33 = arith.addi %mul3A_7, %add3A_32 : i32
    "tpu.region"() ({
      %run_scoped3A = tpu.sem_alloc : memref<!tpu.dma_semaphore, #tpu.memory_space<semaphore_mem>>
      %dma_start3A_48 = arith.constant 0 : i32
      %dma_start3A_49 = tpu.memref_slice %arg12[%add3A_33, %dma_start3A_48] : memref<10240x128xf32, #tpu.memory_space<vmem_shared>> -> memref<128x128xf32, #tpu.memory_space<vmem_shared>>
      %dma_start3A_50 = arith.constant 0 : i32
      %dma_start3A_51 = tpu.memref_slice %arg12[%add3A_33, %dma_start3A_50] : memref<10240x128xf32, #tpu.memory_space<vmem_shared>> -> memref<128x128xf32, #tpu.memory_space<vmem_shared>>
      tpu.enqueue_dma source(%dma_start3A_51 : memref<128x128xf32, #tpu.memory_space<vmem_shared>>) target(%arg10 : memref<128x128xf32, #tpu.memory_space<vmem>>) target_semaphore(%run_scoped3A : memref<!tpu.dma_semaphore, #tpu.memory_space<semaphore_mem>>)
      %dma_wait3A = arith.constant 0 : i32
      %dma_wait3A_52 = tpu.memref_slice %arg12[%add3A_33, %dma_wait3A] : memref<10240x128xf32, #tpu.memory_space<vmem_shared>> -> memref<128x128xf32, #tpu.memory_space<vmem_shared>>
      %dma_wait3A_53 = arith.constant 0 : i32
      %dma_wait3A_54 = tpu.memref_slice %arg12[%add3A_33, %dma_wait3A_53] : memref<10240x128xf32, #tpu.memory_space<vmem_shared>> -> memref<128x128xf32, #tpu.memory_space<vmem_shared>>
      tpu.wait_dma2 semaphore(%run_scoped3A : memref<!tpu.dma_semaphore, #tpu.memory_space<semaphore_mem>>) src(%dma_wait3A_54 : memref<128x128xf32, #tpu.memory_space<vmem_shared>>) dst(%arg10 : memref<128x128xf32, #tpu.memory_space<vmem>>)
      tpu.yield
    }) : () -> ()
    %add3A_34 = arith.constant 128 : i32
    %add3A_35 = arith.addi %mul3A_7, %add3A_34 : i32
    "tpu.region"() ({
      %run_scoped3A = tpu.sem_alloc : memref<!tpu.dma_semaphore, #tpu.memory_space<semaphore_mem>>
      %dma_start3A_48 = arith.constant 0 : i32
      %dma_start3A_49 = tpu.memref_slice %arg5[%arg0, %add3A_35, %dma_start3A_48] : memref<2x10240x128xf32, #tpu.memory_space<hbm>> -> memref<1x128x128xf32, #tpu.memory_space<hbm>>
      %dma_start3A_50 = tpu.memref_squeeze %dma_start3A_49 : memref<1x128x128xf32, #tpu.memory_space<hbm>> -> memref<128x128xf32, #tpu.memory_space<hbm>>
      %dma_start3A_51 = arith.constant 0 : i32
      %dma_start3A_52 = tpu.memref_slice %arg5[%arg0, %add3A_35, %dma_start3A_51] : memref<2x10240x128xf32, #tpu.memory_space<hbm>> -> memref<1x128x128xf32, #tpu.memory_space<hbm>>
      %dma_start3A_53 = tpu.memref_squeeze %dma_start3A_52 : memref<1x128x128xf32, #tpu.memory_space<hbm>> -> memref<128x128xf32, #tpu.memory_space<hbm>>
      tpu.enqueue_dma source(%arg10 : memref<128x128xf32, #tpu.memory_space<vmem>>) target(%dma_start3A_53 : memref<128x128xf32, #tpu.memory_space<hbm>>) target_semaphore(%run_scoped3A : memref<!tpu.dma_semaphore, #tpu.memory_space<semaphore_mem>>)
      %dma_wait3A = arith.constant 0 : i32
      %dma_wait3A_54 = tpu.memref_slice %arg5[%arg0, %add3A_35, %dma_wait3A] : memref<2x10240x128xf32, #tpu.memory_space<hbm>> -> memref<1x128x128xf32, #tpu.memory_space<hbm>>
      %dma_wait3A_55 = tpu.memref_squeeze %dma_wait3A_54 : memref<1x128x128xf32, #tpu.memory_space<hbm>> -> memref<128x128xf32, #tpu.memory_space<hbm>>
      %dma_wait3A_56 = arith.constant 0 : i32
      %dma_wait3A_57 = tpu.memref_slice %arg5[%arg0, %add3A_35, %dma_wait3A_56] : memref<2x10240x128xf32, #tpu.memory_space<hbm>> -> memref<1x128x128xf32, #tpu.memory_space<hbm>>
      %dma_wait3A_58 = tpu.memref_squeeze %dma_wait3A_57 : memref<1x128x128xf32, #tpu.memory_space<hbm>> -> memref<128x128xf32, #tpu.memory_space<hbm>>
      tpu.wait_dma2 semaphore(%run_scoped3A : memref<!tpu.dma_semaphore, #tpu.memory_space<semaphore_mem>>) src(%arg10 : memref<128x128xf32, #tpu.memory_space<vmem>>) dst(%dma_wait3A_58 : memref<128x128xf32, #tpu.memory_space<hbm>>)
      tpu.yield
    }) : () -> ()
    %add3A_36 = arith.constant 256 : i32
    %add3A_37 = arith.addi %mul3A_7, %add3A_36 : i32
    "tpu.region"() ({
      %run_scoped3A = tpu.sem_alloc : memref<!tpu.dma_semaphore, #tpu.memory_space<semaphore_mem>>
      %dma_start3A_48 = arith.constant 0 : i32
      %dma_start3A_49 = tpu.memref_slice %arg12[%add3A_37, %dma_start3A_48] : memref<10240x128xf32, #tpu.memory_space<vmem_shared>> -> memref<128x128xf32, #tpu.memory_space<vmem_shared>>
      %dma_start3A_50 = arith.constant 0 : i32
      %dma_start3A_51 = tpu.memref_slice %arg12[%add3A_37, %dma_start3A_50] : memref<10240x128xf32, #tpu.memory_space<vmem_shared>> -> memref<128x128xf32, #tpu.memory_space<vmem_shared>>
      tpu.enqueue_dma source(%dma_start3A_51 : memref<128x128xf32, #tpu.memory_space<vmem_shared>>) target(%arg10 : memref<128x128xf32, #tpu.memory_space<vmem>>) target_semaphore(%run_scoped3A : memref<!tpu.dma_semaphore, #tpu.memory_space<semaphore_mem>>)
      %dma_wait3A = arith.constant 0 : i32
      %dma_wait3A_52 = tpu.memref_slice %arg12[%add3A_37, %dma_wait3A] : memref<10240x128xf32, #tpu.memory_space<vmem_shared>> -> memref<128x128xf32, #tpu.memory_space<vmem_shared>>
      %dma_wait3A_53 = arith.constant 0 : i32
      %dma_wait3A_54 = tpu.memref_slice %arg12[%add3A_37, %dma_wait3A_53] : memref<10240x128xf32, #tpu.memory_space<vmem_shared>> -> memref<128x128xf32, #tpu.memory_space<vmem_shared>>
      tpu.wait_dma2 semaphore(%run_scoped3A : memref<!tpu.dma_semaphore, #tpu.memory_space<semaphore_mem>>) src(%dma_wait3A_54 : memref<128x128xf32, #tpu.memory_space<vmem_shared>>) dst(%arg10 : memref<128x128xf32, #tpu.memory_space<vmem>>)
      tpu.yield
    }) : () -> ()
    %add3A_38 = arith.constant 256 : i32
    %add3A_39 = arith.addi %mul3A_7, %add3A_38 : i32
    "tpu.region"() ({
      %run_scoped3A = tpu.sem_alloc : memref<!tpu.dma_semaphore, #tpu.memory_space<semaphore_mem>>
      %dma_start3A_48 = arith.constant 0 : i32
      %dma_start3A_49 = tpu.memref_slice %arg5[%arg0, %add3A_39, %dma_start3A_48] : memref<2x10240x128xf32, #tpu.memory_space<hbm>> -> memref<1x128x128xf32, #tpu.memory_space<hbm>>
      %dma_start3A_50 = tpu.memref_squeeze %dma_start3A_49 : memref<1x128x128xf32, #tpu.memory_space<hbm>> -> memref<128x128xf32, #tpu.memory_space<hbm>>
      %dma_start3A_51 = arith.constant 0 : i32
      %dma_start3A_52 = tpu.memref_slice %arg5[%arg0, %add3A_39, %dma_start3A_51] : memref<2x10240x128xf32, #tpu.memory_space<hbm>> -> memref<1x128x128xf32, #tpu.memory_space<hbm>>
      %dma_start3A_53 = tpu.memref_squeeze %dma_start3A_52 : memref<1x128x128xf32, #tpu.memory_space<hbm>> -> memref<128x128xf32, #tpu.memory_space<hbm>>
      tpu.enqueue_dma source(%arg10 : memref<128x128xf32, #tpu.memory_space<vmem>>) target(%dma_start3A_53 : memref<128x128xf32, #tpu.memory_space<hbm>>) target_semaphore(%run_scoped3A : memref<!tpu.dma_semaphore, #tpu.memory_space<semaphore_mem>>)
      %dma_wait3A = arith.constant 0 : i32
      %dma_wait3A_54 = tpu.memref_slice %arg5[%arg0, %add3A_39, %dma_wait3A] : memref<2x10240x128xf32, #tpu.memory_space<hbm>> -> memref<1x128x128xf32, #tpu.memory_space<hbm>>
      %dma_wait3A_55 = tpu.memref_squeeze %dma_wait3A_54 : memref<1x128x128xf32, #tpu.memory_space<hbm>> -> memref<128x128xf32, #tpu.memory_space<hbm>>
      %dma_wait3A_56 = arith.constant 0 : i32
      %dma_wait3A_57 = tpu.memref_slice %arg5[%arg0, %add3A_39, %dma_wait3A_56] : memref<2x10240x128xf32, #tpu.memory_space<hbm>> -> memref<1x128x128xf32, #tpu.memory_space<hbm>>
      %dma_wait3A_58 = tpu.memref_squeeze %dma_wait3A_57 : memref<1x128x128xf32, #tpu.memory_space<hbm>> -> memref<128x128xf32, #tpu.memory_space<hbm>>
      tpu.wait_dma2 semaphore(%run_scoped3A : memref<!tpu.dma_semaphore, #tpu.memory_space<semaphore_mem>>) src(%arg10 : memref<128x128xf32, #tpu.memory_space<vmem>>) dst(%dma_wait3A_58 : memref<128x128xf32, #tpu.memory_space<hbm>>)
      tpu.yield
    }) : () -> ()
    %add3A_40 = arith.constant 384 : i32
    %add3A_41 = arith.addi %mul3A_7, %add3A_40 : i32
    "tpu.region"() ({
      %run_scoped3A = tpu.sem_alloc : memref<!tpu.dma_semaphore, #tpu.memory_space<semaphore_mem>>
      %dma_start3A_48 = arith.constant 0 : i32
      %dma_start3A_49 = tpu.memref_slice %arg12[%add3A_41, %dma_start3A_48] : memref<10240x128xf32, #tpu.memory_space<vmem_shared>> -> memref<128x128xf32, #tpu.memory_space<vmem_shared>>
      %dma_start3A_50 = arith.constant 0 : i32
      %dma_start3A_51 = tpu.memref_slice %arg12[%add3A_41, %dma_start3A_50] : memref<10240x128xf32, #tpu.memory_space<vmem_shared>> -> memref<128x128xf32, #tpu.memory_space<vmem_shared>>
      tpu.enqueue_dma source(%dma_start3A_51 : memref<128x128xf32, #tpu.memory_space<vmem_shared>>) target(%arg10 : memref<128x128xf32, #tpu.memory_space<vmem>>) target_semaphore(%run_scoped3A : memref<!tpu.dma_semaphore, #tpu.memory_space<semaphore_mem>>)
      %dma_wait3A = arith.constant 0 : i32
      %dma_wait3A_52 = tpu.memref_slice %arg12[%add3A_41, %dma_wait3A] : memref<10240x128xf32, #tpu.memory_space<vmem_shared>> -> memref<128x128xf32, #tpu.memory_space<vmem_shared>>
      %dma_wait3A_53 = arith.constant 0 : i32
      %dma_wait3A_54 = tpu.memref_slice %arg12[%add3A_41, %dma_wait3A_53] : memref<10240x128xf32, #tpu.memory_space<vmem_shared>> -> memref<128x128xf32, #tpu.memory_space<vmem_shared>>
      tpu.wait_dma2 semaphore(%run_scoped3A : memref<!tpu.dma_semaphore, #tpu.memory_space<semaphore_mem>>) src(%dma_wait3A_54 : memref<128x128xf32, #tpu.memory_space<vmem_shared>>) dst(%arg10 : memref<128x128xf32, #tpu.memory_space<vmem>>)
      tpu.yield
    }) : () -> ()
    %add3A_42 = arith.constant 384 : i32
    %add3A_43 = arith.addi %mul3A_7, %add3A_42 : i32
    "tpu.region"() ({
      %run_scoped3A = tpu.sem_alloc : memref<!tpu.dma_semaphore, #tpu.memory_space<semaphore_mem>>
      %dma_start3A_48 = arith.constant 0 : i32
      %dma_start3A_49 = tpu.memref_slice %arg5[%arg0, %add3A_43, %dma_start3A_48] : memref<2x10240x128xf32, #tpu.memory_space<hbm>> -> memref<1x128x128xf32, #tpu.memory_space<hbm>>
      %dma_start3A_50 = tpu.memref_squeeze %dma_start3A_49 : memref<1x128x128xf32, #tpu.memory_space<hbm>> -> memref<128x128xf32, #tpu.memory_space<hbm>>
      %dma_start3A_51 = arith.constant 0 : i32
      %dma_start3A_52 = tpu.memref_slice %arg5[%arg0, %add3A_43, %dma_start3A_51] : memref<2x10240x128xf32, #tpu.memory_space<hbm>> -> memref<1x128x128xf32, #tpu.memory_space<hbm>>
      %dma_start3A_53 = tpu.memref_squeeze %dma_start3A_52 : memref<1x128x128xf32, #tpu.memory_space<hbm>> -> memref<128x128xf32, #tpu.memory_space<hbm>>
      tpu.enqueue_dma source(%arg10 : memref<128x128xf32, #tpu.memory_space<vmem>>) target(%dma_start3A_53 : memref<128x128xf32, #tpu.memory_space<hbm>>) target_semaphore(%run_scoped3A : memref<!tpu.dma_semaphore, #tpu.memory_space<semaphore_mem>>)
      %dma_wait3A = arith.constant 0 : i32
      %dma_wait3A_54 = tpu.memref_slice %arg5[%arg0, %add3A_43, %dma_wait3A] : memref<2x10240x128xf32, #tpu.memory_space<hbm>> -> memref<1x128x128xf32, #tpu.memory_space<hbm>>
      %dma_wait3A_55 = tpu.memref_squeeze %dma_wait3A_54 : memref<1x128x128xf32, #tpu.memory_space<hbm>> -> memref<128x128xf32, #tpu.memory_space<hbm>>
      %dma_wait3A_56 = arith.constant 0 : i32
      %dma_wait3A_57 = tpu.memref_slice %arg5[%arg0, %add3A_43, %dma_wait3A_56] : memref<2x10240x128xf32, #tpu.memory_space<hbm>> -> memref<1x128x128xf32, #tpu.memory_space<hbm>>
      %dma_wait3A_58 = tpu.memref_squeeze %dma_wait3A_57 : memref<1x128x128xf32, #tpu.memory_space<hbm>> -> memref<128x128xf32, #tpu.memory_space<hbm>>
      tpu.wait_dma2 semaphore(%run_scoped3A : memref<!tpu.dma_semaphore, #tpu.memory_space<semaphore_mem>>) src(%arg10 : memref<128x128xf32, #tpu.memory_space<vmem>>) dst(%dma_wait3A_58 : memref<128x128xf32, #tpu.memory_space<hbm>>)
      tpu.yield
    }) : () -> ()
    %add3A_44 = arith.constant 512 : i32
    %add3A_45 = arith.addi %mul3A_7, %add3A_44 : i32
    "tpu.region"() ({
      %run_scoped3A = tpu.sem_alloc : memref<!tpu.dma_semaphore, #tpu.memory_space<semaphore_mem>>
      %dma_start3A_48 = arith.constant 0 : i32
      %dma_start3A_49 = tpu.memref_slice %arg12[%add3A_45, %dma_start3A_48] : memref<10240x128xf32, #tpu.memory_space<vmem_shared>> -> memref<128x128xf32, #tpu.memory_space<vmem_shared>>
      %dma_start3A_50 = arith.constant 0 : i32
      %dma_start3A_51 = tpu.memref_slice %arg12[%add3A_45, %dma_start3A_50] : memref<10240x128xf32, #tpu.memory_space<vmem_shared>> -> memref<128x128xf32, #tpu.memory_space<vmem_shared>>
      tpu.enqueue_dma source(%dma_start3A_51 : memref<128x128xf32, #tpu.memory_space<vmem_shared>>) target(%arg10 : memref<128x128xf32, #tpu.memory_space<vmem>>) target_semaphore(%run_scoped3A : memref<!tpu.dma_semaphore, #tpu.memory_space<semaphore_mem>>)
      %dma_wait3A = arith.constant 0 : i32
      %dma_wait3A_52 = tpu.memref_slice %arg12[%add3A_45, %dma_wait3A] : memref<10240x128xf32, #tpu.memory_space<vmem_shared>> -> memref<128x128xf32, #tpu.memory_space<vmem_shared>>
      %dma_wait3A_53 = arith.constant 0 : i32
      %dma_wait3A_54 = tpu.memref_slice %arg12[%add3A_45, %dma_wait3A_53] : memref<10240x128xf32, #tpu.memory_space<vmem_shared>> -> memref<128x128xf32, #tpu.memory_space<vmem_shared>>
      tpu.wait_dma2 semaphore(%run_scoped3A : memref<!tpu.dma_semaphore, #tpu.memory_space<semaphore_mem>>) src(%dma_wait3A_54 : memref<128x128xf32, #tpu.memory_space<vmem_shared>>) dst(%arg10 : memref<128x128xf32, #tpu.memory_space<vmem>>)
      tpu.yield
    }) : () -> ()
    %add3A_46 = arith.constant 512 : i32
    %add3A_47 = arith.addi %mul3A_7, %add3A_46 : i32
    "tpu.region"() ({
      %run_scoped3A = tpu.sem_alloc : memref<!tpu.dma_semaphore, #tpu.memory_space<semaphore_mem>>
      %dma_start3A_48 = arith.constant 0 : i32
      %dma_start3A_49 = tpu.memref_slice %arg5[%arg0, %add3A_47, %dma_start3A_48] : memref<2x10240x128xf32, #tpu.memory_space<hbm>> -> memref<1x128x128xf32, #tpu.memory_space<hbm>>
      %dma_start3A_50 = tpu.memref_squeeze %dma_start3A_49 : memref<1x128x128xf32, #tpu.memory_space<hbm>> -> memref<128x128xf32, #tpu.memory_space<hbm>>
      %dma_start3A_51 = arith.constant 0 : i32
      %dma_start3A_52 = tpu.memref_slice %arg5[%arg0, %add3A_47, %dma_start3A_51] : memref<2x10240x128xf32, #tpu.memory_space<hbm>> -> memref<1x128x128xf32, #tpu.memory_space<hbm>>
      %dma_start3A_53 = tpu.memref_squeeze %dma_start3A_52 : memref<1x128x128xf32, #tpu.memory_space<hbm>> -> memref<128x128xf32, #tpu.memory_space<hbm>>
      tpu.enqueue_dma source(%arg10 : memref<128x128xf32, #tpu.memory_space<vmem>>) target(%dma_start3A_53 : memref<128x128xf32, #tpu.memory_space<hbm>>) target_semaphore(%run_scoped3A : memref<!tpu.dma_semaphore, #tpu.memory_space<semaphore_mem>>)
      %dma_wait3A = arith.constant 0 : i32
      %dma_wait3A_54 = tpu.memref_slice %arg5[%arg0, %add3A_47, %dma_wait3A] : memref<2x10240x128xf32, #tpu.memory_space<hbm>> -> memref<1x128x128xf32, #tpu.memory_space<hbm>>
      %dma_wait3A_55 = tpu.memref_squeeze %dma_wait3A_54 : memref<1x128x128xf32, #tpu.memory_space<hbm>> -> memref<128x128xf32, #tpu.memory_space<hbm>>
      %dma_wait3A_56 = arith.constant 0 : i32
      %dma_wait3A_57 = tpu.memref_slice %arg5[%arg0, %add3A_47, %dma_wait3A_56] : memref<2x10240x128xf32, #tpu.memory_space<hbm>> -> memref<1x128x128xf32, #tpu.memory_space<hbm>>
      %dma_wait3A_58 = tpu.memref_squeeze %dma_wait3A_57 : memref<1x128x128xf32, #tpu.memory_space<hbm>> -> memref<128x128xf32, #tpu.memory_space<hbm>>
      tpu.wait_dma2 semaphore(%run_scoped3A : memref<!tpu.dma_semaphore, #tpu.memory_space<semaphore_mem>>) src(%arg10 : memref<128x128xf32, #tpu.memory_space<vmem>>) dst(%dma_wait3A_58 : memref<128x128xf32, #tpu.memory_space<hbm>>)
      tpu.yield
    }) : () -> ()
    return
  }
}

#map = affine_map<(d0, d1) -> (0, 0)>
#map1 = affine_map<(d0, d1) -> (0)>
#map2 = affine_map<(d0, d1) -> (0, 0, 0)>
module attributes {stable_mosaic.version = 14 : i64} {
  func.func @_agg(%arg0: i32, %arg1: i32, %arg2: memref<10240x128xf32, #tpu.memory_space<hbm>>, %arg3: memref<327680xi32, #tpu.memory_space<hbm>>, %arg4: memref<327680xi32, #tpu.memory_space<hbm>>, %arg5: memref<2x10240x128xf32, #tpu.memory_space<hbm>>, %arg6: memref<128xi32, #tpu.memory_space<vmem>>, %arg7: memref<128xi32, #tpu.memory_space<vmem>>, %arg8: memref<128xi32, #tpu.memory_space<vmem>>, %arg9: memref<128xi32, #tpu.memory_space<vmem>>, %arg10: memref<128x128xf32, #tpu.memory_space<vmem>>, %arg11: memref<128x128xf32, #tpu.memory_space<vmem>>, %arg12: memref<10240x128xf32, #tpu.memory_space<vmem_shared>>, %arg13: memref<!tpu.dma_semaphore, #tpu.memory_space<semaphore_mem>>, %arg14: memref<!tpu.dma_semaphore, #tpu.memory_space<semaphore_mem>>) attributes {dimension_semantics = [#tpu.dimension_semantics<core_parallel>, #tpu.dimension_semantics<subcore_parallel>], iteration_bounds = array<i64: 2, 16>, scalar_prefetch = 0 : i64, scratch_operands = 9 : i64, tpu.core_type = #tpu.core_type<sc_vector_subcore>, window_params = [{transform_indices = #map}, {transform_indices = #map1}, {transform_indices = #map1}, {transform_indices = #map2}]} {
    %mul3A = arith.constant 2 : i32
    %mul3A_0 = arith.muli %arg1, %mul3A : i32
    %add3A = arith.addi %mul3A_0, %arg0 : i32
    %broadcast_in_dim3A = arith.constant 0.000000e+00 : f32
    %broadcast_in_dim3A_1 = vector.broadcast %broadcast_in_dim3A : f32 to vector<16xf32>
    %scan3A = arith.constant 0 : i32
    %scan3A_2 = arith.constant 128 : i32
    %scan3A_3 = arith.addi %scan3A, %scan3A_2 : i32
    %scan3A_4 = arith.constant 1 : i32
    scf.for %scan3A_48 = %scan3A to %scan3A_3 step %scan3A_4  : i32 {
      %mul3A_49 = arith.constant 1 : i32
      %mul3A_50 = arith.muli %scan3A_48, %mul3A_49 : i32
      %add3A_51 = arith.constant 0 : i32
      %add3A_52 = arith.addi %add3A_51, %mul3A_50 : i32
      %swap3A = arith.index_cast %add3A_52 : i32 to index
      %swap3A_53 = arith.constant 0 : index
      %swap3A_54 = tpu.vector_load %arg10[%swap3A, %swap3A_53] {strides = array<i32>} : memref<128x128xf32, #tpu.memory_space<vmem>>, vector<1x16xf32>,
      %swap3A_55 = vector.shape_cast %swap3A_54 : vector<1x16xf32> to vector<16xf32>
      %swap3A_56 = vector.shape_cast %broadcast_in_dim3A_1 : vector<16xf32> to vector<1x16xf32>
      tpu.vector_store %arg10[%swap3A, %swap3A_53], %swap3A_56 {strides = array<i32>} : memref<128x128xf32, #tpu.memory_space<vmem>>, vector<1x16xf32>,
      %swap3A_57 = arith.index_cast %add3A_52 : i32 to index
      %swap3A_58 = arith.constant 16 : index
      %swap3A_59 = tpu.vector_load %arg10[%swap3A_57, %swap3A_58] {strides = array<i32>} : memref<128x128xf32, #tpu.memory_space<vmem>>, vector<1x16xf32>,
      %swap3A_60 = vector.shape_cast %swap3A_59 : vector<1x16xf32> to vector<16xf32>
      %swap3A_61 = vector.shape_cast %broadcast_in_dim3A_1 : vector<16xf32> to vector<1x16xf32>
      tpu.vector_store %arg10[%swap3A_57, %swap3A_58], %swap3A_61 {strides = array<i32>} : memref<128x128xf32, #tpu.memory_space<vmem>>, vector<1x16xf32>,
      %swap3A_62 = arith.index_cast %add3A_52 : i32 to index
      %swap3A_63 = arith.constant 32 : index
      %swap3A_64 = tpu.vector_load %arg10[%swap3A_62, %swap3A_63] {strides = array<i32>} : memref<128x128xf32, #tpu.memory_space<vmem>>, vector<1x16xf32>,
      %swap3A_65 = vector.shape_cast %swap3A_64 : vector<1x16xf32> to vector<16xf32>
      %swap3A_66 = vector.shape_cast %broadcast_in_dim3A_1 : vector<16xf32> to vector<1x16xf32>
      tpu.vector_store %arg10[%swap3A_62, %swap3A_63], %swap3A_66 {strides = array<i32>} : memref<128x128xf32, #tpu.memory_space<vmem>>, vector<1x16xf32>,
      %swap3A_67 = arith.index_cast %add3A_52 : i32 to index
      %swap3A_68 = arith.constant 48 : index
      %swap3A_69 = tpu.vector_load %arg10[%swap3A_67, %swap3A_68] {strides = array<i32>} : memref<128x128xf32, #tpu.memory_space<vmem>>, vector<1x16xf32>,
      %swap3A_70 = vector.shape_cast %swap3A_69 : vector<1x16xf32> to vector<16xf32>
      %swap3A_71 = vector.shape_cast %broadcast_in_dim3A_1 : vector<16xf32> to vector<1x16xf32>
      tpu.vector_store %arg10[%swap3A_67, %swap3A_68], %swap3A_71 {strides = array<i32>} : memref<128x128xf32, #tpu.memory_space<vmem>>, vector<1x16xf32>,
      %swap3A_72 = arith.index_cast %add3A_52 : i32 to index
      %swap3A_73 = arith.constant 64 : index
      %swap3A_74 = tpu.vector_load %arg10[%swap3A_72, %swap3A_73] {strides = array<i32>} : memref<128x128xf32, #tpu.memory_space<vmem>>, vector<1x16xf32>,
      %swap3A_75 = vector.shape_cast %swap3A_74 : vector<1x16xf32> to vector<16xf32>
      %swap3A_76 = vector.shape_cast %broadcast_in_dim3A_1 : vector<16xf32> to vector<1x16xf32>
      tpu.vector_store %arg10[%swap3A_72, %swap3A_73], %swap3A_76 {strides = array<i32>} : memref<128x128xf32, #tpu.memory_space<vmem>>, vector<1x16xf32>,
      %swap3A_77 = arith.index_cast %add3A_52 : i32 to index
      %swap3A_78 = arith.constant 80 : index
      %swap3A_79 = tpu.vector_load %arg10[%swap3A_77, %swap3A_78] {strides = array<i32>} : memref<128x128xf32, #tpu.memory_space<vmem>>, vector<1x16xf32>,
      %swap3A_80 = vector.shape_cast %swap3A_79 : vector<1x16xf32> to vector<16xf32>
      %swap3A_81 = vector.shape_cast %broadcast_in_dim3A_1 : vector<16xf32> to vector<1x16xf32>
      tpu.vector_store %arg10[%swap3A_77, %swap3A_78], %swap3A_81 {strides = array<i32>} : memref<128x128xf32, #tpu.memory_space<vmem>>, vector<1x16xf32>,
      %swap3A_82 = arith.index_cast %add3A_52 : i32 to index
      %swap3A_83 = arith.constant 96 : index
      %swap3A_84 = tpu.vector_load %arg10[%swap3A_82, %swap3A_83] {strides = array<i32>} : memref<128x128xf32, #tpu.memory_space<vmem>>, vector<1x16xf32>,
      %swap3A_85 = vector.shape_cast %swap3A_84 : vector<1x16xf32> to vector<16xf32>
      %swap3A_86 = vector.shape_cast %broadcast_in_dim3A_1 : vector<16xf32> to vector<1x16xf32>
      tpu.vector_store %arg10[%swap3A_82, %swap3A_83], %swap3A_86 {strides = array<i32>} : memref<128x128xf32, #tpu.memory_space<vmem>>, vector<1x16xf32>,
      %swap3A_87 = arith.index_cast %add3A_52 : i32 to index
      %swap3A_88 = arith.constant 112 : index
      %swap3A_89 = tpu.vector_load %arg10[%swap3A_87, %swap3A_88] {strides = array<i32>} : memref<128x128xf32, #tpu.memory_space<vmem>>, vector<1x16xf32>,
      %swap3A_90 = vector.shape_cast %swap3A_89 : vector<1x16xf32> to vector<16xf32>
      %swap3A_91 = vector.shape_cast %broadcast_in_dim3A_1 : vector<16xf32> to vector<1x16xf32>
      tpu.vector_store %arg10[%swap3A_87, %swap3A_88], %swap3A_91 {strides = array<i32>} : memref<128x128xf32, #tpu.memory_space<vmem>>, vector<1x16xf32>,
    }
    %scan3A_5 = arith.constant 128 : i32
    %mul3A_6 = arith.constant 640 : i32
    %mul3A_7 = arith.muli %arg1, %mul3A_6 : i32
    %add3A_8 = arith.constant 0 : i32
    %add3A_9 = arith.addi %mul3A_7, %add3A_8 : i32
    "tpu.region"() ({
      %run_scoped3A = tpu.sem_alloc : memref<!tpu.dma_semaphore, #tpu.memory_space<semaphore_mem>>
      %dma_start3A_48 = arith.constant 0 : i32
      %dma_start3A_49 = tpu.memref_slice %arg12[%add3A_9, %dma_start3A_48] : memref<10240x128xf32, #tpu.memory_space<vmem_shared>> -> memref<128x128xf32, #tpu.memory_space<vmem_shared>>
      %dma_start3A_50 = arith.constant 0 : i32
      %dma_start3A_51 = tpu.memref_slice %arg12[%add3A_9, %dma_start3A_50] : memref<10240x128xf32, #tpu.memory_space<vmem_shared>> -> memref<128x128xf32, #tpu.memory_space<vmem_shared>>
      tpu.enqueue_dma source(%arg10 : memref<128x128xf32, #tpu.memory_space<vmem>>) target(%dma_start3A_51 : memref<128x128xf32, #tpu.memory_space<vmem_shared>>) target_semaphore(%run_scoped3A : memref<!tpu.dma_semaphore, #tpu.memory_space<semaphore_mem>>)
      %dma_wait3A = arith.constant 0 : i32
      %dma_wait3A_52 = tpu.memref_slice %arg12[%add3A_9, %dma_wait3A] : memref<10240x128xf32, #tpu.memory_space<vmem_shared>> -> memref<128x128xf32, #tpu.memory_space<vmem_shared>>
      %dma_wait3A_53 = arith.constant 0 : i32
      %dma_wait3A_54 = tpu.memref_slice %arg12[%add3A_9, %dma_wait3A_53] : memref<10240x128xf32, #tpu.memory_space<vmem_shared>> -> memref<128x128xf32, #tpu.memory_space<vmem_shared>>
      tpu.wait_dma2 semaphore(%run_scoped3A : memref<!tpu.dma_semaphore, #tpu.memory_space<semaphore_mem>>) src(%arg10 : memref<128x128xf32, #tpu.memory_space<vmem>>) dst(%dma_wait3A_54 : memref<128x128xf32, #tpu.memory_space<vmem_shared>>)
      tpu.yield
    }) : () -> ()
    %add3A_10 = arith.constant 128 : i32
    %add3A_11 = arith.addi %mul3A_7, %add3A_10 : i32
    "tpu.region"() ({
      %run_scoped3A = tpu.sem_alloc : memref<!tpu.dma_semaphore, #tpu.memory_space<semaphore_mem>>
      %dma_start3A_48 = arith.constant 0 : i32
      %dma_start3A_49 = tpu.memref_slice %arg12[%add3A_11, %dma_start3A_48] : memref<10240x128xf32, #tpu.memory_space<vmem_shared>> -> memref<128x128xf32, #tpu.memory_space<vmem_shared>>
      %dma_start3A_50 = arith.constant 0 : i32
      %dma_start3A_51 = tpu.memref_slice %arg12[%add3A_11, %dma_start3A_50] : memref<10240x128xf32, #tpu.memory_space<vmem_shared>> -> memref<128x128xf32, #tpu.memory_space<vmem_shared>>
      tpu.enqueue_dma source(%arg10 : memref<128x128xf32, #tpu.memory_space<vmem>>) target(%dma_start3A_51 : memref<128x128xf32, #tpu.memory_space<vmem_shared>>) target_semaphore(%run_scoped3A : memref<!tpu.dma_semaphore, #tpu.memory_space<semaphore_mem>>)
      %dma_wait3A = arith.constant 0 : i32
      %dma_wait3A_52 = tpu.memref_slice %arg12[%add3A_11, %dma_wait3A] : memref<10240x128xf32, #tpu.memory_space<vmem_shared>> -> memref<128x128xf32, #tpu.memory_space<vmem_shared>>
      %dma_wait3A_53 = arith.constant 0 : i32
      %dma_wait3A_54 = tpu.memref_slice %arg12[%add3A_11, %dma_wait3A_53] : memref<10240x128xf32, #tpu.memory_space<vmem_shared>> -> memref<128x128xf32, #tpu.memory_space<vmem_shared>>
      tpu.wait_dma2 semaphore(%run_scoped3A : memref<!tpu.dma_semaphore, #tpu.memory_space<semaphore_mem>>) src(%arg10 : memref<128x128xf32, #tpu.memory_space<vmem>>) dst(%dma_wait3A_54 : memref<128x128xf32, #tpu.memory_space<vmem_shared>>)
      tpu.yield
    }) : () -> ()
    %add3A_12 = arith.constant 256 : i32
    %add3A_13 = arith.addi %mul3A_7, %add3A_12 : i32
    "tpu.region"() ({
      %run_scoped3A = tpu.sem_alloc : memref<!tpu.dma_semaphore, #tpu.memory_space<semaphore_mem>>
      %dma_start3A_48 = arith.constant 0 : i32
      %dma_start3A_49 = tpu.memref_slice %arg12[%add3A_13, %dma_start3A_48] : memref<10240x128xf32, #tpu.memory_space<vmem_shared>> -> memref<128x128xf32, #tpu.memory_space<vmem_shared>>
      %dma_start3A_50 = arith.constant 0 : i32
      %dma_start3A_51 = tpu.memref_slice %arg12[%add3A_13, %dma_start3A_50] : memref<10240x128xf32, #tpu.memory_space<vmem_shared>> -> memref<128x128xf32, #tpu.memory_space<vmem_shared>>
      tpu.enqueue_dma source(%arg10 : memref<128x128xf32, #tpu.memory_space<vmem>>) target(%dma_start3A_51 : memref<128x128xf32, #tpu.memory_space<vmem_shared>>) target_semaphore(%run_scoped3A : memref<!tpu.dma_semaphore, #tpu.memory_space<semaphore_mem>>)
      %dma_wait3A = arith.constant 0 : i32
      %dma_wait3A_52 = tpu.memref_slice %arg12[%add3A_13, %dma_wait3A] : memref<10240x128xf32, #tpu.memory_space<vmem_shared>> -> memref<128x128xf32, #tpu.memory_space<vmem_shared>>
      %dma_wait3A_53 = arith.constant 0 : i32
      %dma_wait3A_54 = tpu.memref_slice %arg12[%add3A_13, %dma_wait3A_53] : memref<10240x128xf32, #tpu.memory_space<vmem_shared>> -> memref<128x128xf32, #tpu.memory_space<vmem_shared>>
      tpu.wait_dma2 semaphore(%run_scoped3A : memref<!tpu.dma_semaphore, #tpu.memory_space<semaphore_mem>>) src(%arg10 : memref<128x128xf32, #tpu.memory_space<vmem>>) dst(%dma_wait3A_54 : memref<128x128xf32, #tpu.memory_space<vmem_shared>>)
      tpu.yield
    }) : () -> ()
    %add3A_14 = arith.constant 384 : i32
    %add3A_15 = arith.addi %mul3A_7, %add3A_14 : i32
    "tpu.region"() ({
      %run_scoped3A = tpu.sem_alloc : memref<!tpu.dma_semaphore, #tpu.memory_space<semaphore_mem>>
      %dma_start3A_48 = arith.constant 0 : i32
      %dma_start3A_49 = tpu.memref_slice %arg12[%add3A_15, %dma_start3A_48] : memref<10240x128xf32, #tpu.memory_space<vmem_shared>> -> memref<128x128xf32, #tpu.memory_space<vmem_shared>>
      %dma_start3A_50 = arith.constant 0 : i32
      %dma_start3A_51 = tpu.memref_slice %arg12[%add3A_15, %dma_start3A_50] : memref<10240x128xf32, #tpu.memory_space<vmem_shared>> -> memref<128x128xf32, #tpu.memory_space<vmem_shared>>
      tpu.enqueue_dma source(%arg10 : memref<128x128xf32, #tpu.memory_space<vmem>>) target(%dma_start3A_51 : memref<128x128xf32, #tpu.memory_space<vmem_shared>>) target_semaphore(%run_scoped3A : memref<!tpu.dma_semaphore, #tpu.memory_space<semaphore_mem>>)
      %dma_wait3A = arith.constant 0 : i32
      %dma_wait3A_52 = tpu.memref_slice %arg12[%add3A_15, %dma_wait3A] : memref<10240x128xf32, #tpu.memory_space<vmem_shared>> -> memref<128x128xf32, #tpu.memory_space<vmem_shared>>
      %dma_wait3A_53 = arith.constant 0 : i32
      %dma_wait3A_54 = tpu.memref_slice %arg12[%add3A_15, %dma_wait3A_53] : memref<10240x128xf32, #tpu.memory_space<vmem_shared>> -> memref<128x128xf32, #tpu.memory_space<vmem_shared>>
      tpu.wait_dma2 semaphore(%run_scoped3A : memref<!tpu.dma_semaphore, #tpu.memory_space<semaphore_mem>>) src(%arg10 : memref<128x128xf32, #tpu.memory_space<vmem>>) dst(%dma_wait3A_54 : memref<128x128xf32, #tpu.memory_space<vmem_shared>>)
      tpu.yield
    }) : () -> ()
    %add3A_16 = arith.constant 512 : i32
    %add3A_17 = arith.addi %mul3A_7, %add3A_16 : i32
    "tpu.region"() ({
      %run_scoped3A = tpu.sem_alloc : memref<!tpu.dma_semaphore, #tpu.memory_space<semaphore_mem>>
      %dma_start3A_48 = arith.constant 0 : i32
      %dma_start3A_49 = tpu.memref_slice %arg12[%add3A_17, %dma_start3A_48] : memref<10240x128xf32, #tpu.memory_space<vmem_shared>> -> memref<128x128xf32, #tpu.memory_space<vmem_shared>>
      %dma_start3A_50 = arith.constant 0 : i32
      %dma_start3A_51 = tpu.memref_slice %arg12[%add3A_17, %dma_start3A_50] : memref<10240x128xf32, #tpu.memory_space<vmem_shared>> -> memref<128x128xf32, #tpu.memory_space<vmem_shared>>
      tpu.enqueue_dma source(%arg10 : memref<128x128xf32, #tpu.memory_space<vmem>>) target(%dma_start3A_51 : memref<128x128xf32, #tpu.memory_space<vmem_shared>>) target_semaphore(%run_scoped3A : memref<!tpu.dma_semaphore, #tpu.memory_space<semaphore_mem>>)
      %dma_wait3A = arith.constant 0 : i32
      %dma_wait3A_52 = tpu.memref_slice %arg12[%add3A_17, %dma_wait3A] : memref<10240x128xf32, #tpu.memory_space<vmem_shared>> -> memref<128x128xf32, #tpu.memory_space<vmem_shared>>
      %dma_wait3A_53 = arith.constant 0 : i32
      %dma_wait3A_54 = tpu.memref_slice %arg12[%add3A_17, %dma_wait3A_53] : memref<10240x128xf32, #tpu.memory_space<vmem_shared>> -> memref<128x128xf32, #tpu.memory_space<vmem_shared>>
      tpu.wait_dma2 semaphore(%run_scoped3A : memref<!tpu.dma_semaphore, #tpu.memory_space<semaphore_mem>>) src(%arg10 : memref<128x128xf32, #tpu.memory_space<vmem>>) dst(%dma_wait3A_54 : memref<128x128xf32, #tpu.memory_space<vmem_shared>>)
      tpu.yield
    }) : () -> ()
    %barrier3A = arith.constant 0 : index
    tpu.barrier barrier_id(%barrier3A)
    %mul3A_18 = arith.constant 10240 : i32
    %mul3A_19 = arith.muli %add3A, %mul3A_18 : i32
    "tpu.region"() ({
      %run_scoped3A = tpu.sem_alloc : memref<!tpu.dma_semaphore, #tpu.memory_space<semaphore_mem>>
      %dma_start3A_48 = tpu.memref_slice %arg3[%mul3A_19] : memref<327680xi32, #tpu.memory_space<hbm>> -> memref<128xi32, #tpu.memory_space<hbm>>
      %dma_start3A_49 = tpu.memref_slice %arg3[%mul3A_19] : memref<327680xi32, #tpu.memory_space<hbm>> -> memref<128xi32, #tpu.memory_space<hbm>>
      tpu.enqueue_dma source(%dma_start3A_49 : memref<128xi32, #tpu.memory_space<hbm>>) target(%arg6 : memref<128xi32, #tpu.memory_space<vmem>>) target_semaphore(%run_scoped3A : memref<!tpu.dma_semaphore, #tpu.memory_space<semaphore_mem>>)
      %dma_wait3A = tpu.memref_slice %arg3[%mul3A_19] : memref<327680xi32, #tpu.memory_space<hbm>> -> memref<128xi32, #tpu.memory_space<hbm>>
      %dma_wait3A_50 = tpu.memref_slice %arg3[%mul3A_19] : memref<327680xi32, #tpu.memory_space<hbm>> -> memref<128xi32, #tpu.memory_space<hbm>>
      tpu.wait_dma2 semaphore(%run_scoped3A : memref<!tpu.dma_semaphore, #tpu.memory_space<semaphore_mem>>) src(%dma_wait3A_50 : memref<128xi32, #tpu.memory_space<hbm>>) dst(%arg6 : memref<128xi32, #tpu.memory_space<vmem>>)
      tpu.yield
    }) : () -> ()
    "tpu.region"() ({
      %run_scoped3A = tpu.sem_alloc : memref<!tpu.dma_semaphore, #tpu.memory_space<semaphore_mem>>
      %dma_start3A_48 = tpu.memref_slice %arg4[%mul3A_19] : memref<327680xi32, #tpu.memory_space<hbm>> -> memref<128xi32, #tpu.memory_space<hbm>>
      %dma_start3A_49 = tpu.memref_slice %arg4[%mul3A_19] : memref<327680xi32, #tpu.memory_space<hbm>> -> memref<128xi32, #tpu.memory_space<hbm>>
      tpu.enqueue_dma source(%dma_start3A_49 : memref<128xi32, #tpu.memory_space<hbm>>) target(%arg7 : memref<128xi32, #tpu.memory_space<vmem>>) target_semaphore(%run_scoped3A : memref<!tpu.dma_semaphore, #tpu.memory_space<semaphore_mem>>)
      %dma_wait3A = tpu.memref_slice %arg4[%mul3A_19] : memref<327680xi32, #tpu.memory_space<hbm>> -> memref<128xi32, #tpu.memory_space<hbm>>
      %dma_wait3A_50 = tpu.memref_slice %arg4[%mul3A_19] : memref<327680xi32, #tpu.memory_space<hbm>> -> memref<128xi32, #tpu.memory_space<hbm>>
      tpu.wait_dma2 semaphore(%run_scoped3A : memref<!tpu.dma_semaphore, #tpu.memory_space<semaphore_mem>>) src(%dma_wait3A_50 : memref<128xi32, #tpu.memory_space<hbm>>) dst(%arg7 : memref<128xi32, #tpu.memory_space<vmem>>)
      tpu.yield
    }) : () -> ()
    %dma_start3A = arith.constant 0 : i32
    %dma_start3A_20 = arith.constant 0 : i32
    %dma_start3A_21 = tpu.memref_slice %arg2[%dma_start3A, %dma_start3A_20] : memref<10240x128xf32, #tpu.memory_space<hbm>> -> memref<10240x128xf32, #tpu.memory_space<hbm>>
    tpu.enqueue_indirect_dma source(%dma_start3A_21 : memref<10240x128xf32, #tpu.memory_space<hbm>>) target(%arg10 : memref<128x128xf32, #tpu.memory_space<vmem>>) offsets(%arg6 : memref<128xi32, #tpu.memory_space<vmem>>) semaphore(%arg13 : memref<!tpu.dma_semaphore, #tpu.memory_space<semaphore_mem>>)
    %scan3A_22 = arith.constant 0 : i32
    %scan3A_23 = arith.constant 40 : i32
    %scan3A_24 = arith.addi %scan3A_22, %scan3A_23 : i32
    %scan3A_25 = arith.constant 1 : i32
    scf.for %scan3A_48 = %scan3A_22 to %scan3A_24 step %scan3A_25  : i32 {
      %mul3A_49 = arith.constant 1 : i32
      %mul3A_50 = arith.muli %scan3A_48, %mul3A_49 : i32
      %add3A_51 = arith.constant 0 : i32
      %add3A_52 = arith.addi %add3A_51, %mul3A_50 : i32
      %mul3A_53 = arith.constant 2 : i32
      %mul3A_54 = arith.muli %add3A_52, %mul3A_53 : i32
      %add3A_55 = arith.constant 1 : i32
      %add3A_56 = arith.addi %mul3A_54, %add3A_55 : i32
      %mul3A_57 = arith.constant 128 : i32
      %mul3A_58 = arith.muli %add3A_56, %mul3A_57 : i32
      %add3A_59 = arith.addi %mul3A_19, %mul3A_58 : i32
      "tpu.region"() ({
        %run_scoped3A = tpu.sem_alloc : memref<!tpu.dma_semaphore, #tpu.memory_space<semaphore_mem>>
        %dma_start3A_75 = tpu.memref_slice %arg3[%add3A_59] : memref<327680xi32, #tpu.memory_space<hbm>> -> memref<128xi32, #tpu.memory_space<hbm>>
        %dma_start3A_76 = tpu.memref_slice %arg3[%add3A_59] : memref<327680xi32, #tpu.memory_space<hbm>> -> memref<128xi32, #tpu.memory_space<hbm>>
        tpu.enqueue_dma source(%dma_start3A_76 : memref<128xi32, #tpu.memory_space<hbm>>) target(%arg8 : memref<128xi32, #tpu.memory_space<vmem>>) target_semaphore(%run_scoped3A : memref<!tpu.dma_semaphore, #tpu.memory_space<semaphore_mem>>)
        %dma_wait3A_77 = tpu.memref_slice %arg3[%add3A_59] : memref<327680xi32, #tpu.memory_space<hbm>> -> memref<128xi32, #tpu.memory_space<hbm>>
        %dma_wait3A_78 = tpu.memref_slice %arg3[%add3A_59] : memref<327680xi32, #tpu.memory_space<hbm>> -> memref<128xi32, #tpu.memory_space<hbm>>
        tpu.wait_dma2 semaphore(%run_scoped3A : memref<!tpu.dma_semaphore, #tpu.memory_space<semaphore_mem>>) src(%dma_wait3A_78 : memref<128xi32, #tpu.memory_space<hbm>>) dst(%arg8 : memref<128xi32, #tpu.memory_space<vmem>>)
        tpu.yield
      }) : () -> ()
      "tpu.region"() ({
        %run_scoped3A = tpu.sem_alloc : memref<!tpu.dma_semaphore, #tpu.memory_space<semaphore_mem>>
        %dma_start3A_75 = tpu.memref_slice %arg4[%add3A_59] : memref<327680xi32, #tpu.memory_space<hbm>> -> memref<128xi32, #tpu.memory_space<hbm>>
        %dma_start3A_76 = tpu.memref_slice %arg4[%add3A_59] : memref<327680xi32, #tpu.memory_space<hbm>> -> memref<128xi32, #tpu.memory_space<hbm>>
        tpu.enqueue_dma source(%dma_start3A_76 : memref<128xi32, #tpu.memory_space<hbm>>) target(%arg9 : memref<128xi32, #tpu.memory_space<vmem>>) target_semaphore(%run_scoped3A : memref<!tpu.dma_semaphore, #tpu.memory_space<semaphore_mem>>)
        %dma_wait3A_77 = tpu.memref_slice %arg4[%add3A_59] : memref<327680xi32, #tpu.memory_space<hbm>> -> memref<128xi32, #tpu.memory_space<hbm>>
        %dma_wait3A_78 = tpu.memref_slice %arg4[%add3A_59] : memref<327680xi32, #tpu.memory_space<hbm>> -> memref<128xi32, #tpu.memory_space<hbm>>
        tpu.wait_dma2 semaphore(%run_scoped3A : memref<!tpu.dma_semaphore, #tpu.memory_space<semaphore_mem>>) src(%dma_wait3A_78 : memref<128xi32, #tpu.memory_space<hbm>>) dst(%arg9 : memref<128xi32, #tpu.memory_space<vmem>>)
        tpu.yield
      }) : () -> ()
      %dma_wait3A = arith.constant 0 : i32
      %dma_wait3A_60 = arith.constant 0 : i32
      %dma_wait3A_61 = tpu.memref_slice %arg2[%dma_wait3A, %dma_wait3A_60] : memref<10240x128xf32, #tpu.memory_space<hbm>> -> memref<10240x128xf32, #tpu.memory_space<hbm>>
      tpu.wait_indirect_dma semaphore(%arg13 : memref<!tpu.dma_semaphore, #tpu.memory_space<semaphore_mem>>) src(%dma_wait3A_61 : memref<10240x128xf32, #tpu.memory_space<hbm>>) dst(%arg10 : memref<128x128xf32, #tpu.memory_space<vmem>>)
      %dma_start3A_62 = arith.constant 0 : i32
      %dma_start3A_63 = arith.constant 0 : i32
      %dma_start3A_64 = tpu.memref_slice %arg2[%dma_start3A_62, %dma_start3A_63] : memref<10240x128xf32, #tpu.memory_space<hbm>> -> memref<10240x128xf32, #tpu.memory_space<hbm>>
      tpu.enqueue_indirect_dma source(%dma_start3A_64 : memref<10240x128xf32, #tpu.memory_space<hbm>>) target(%arg11 : memref<128x128xf32, #tpu.memory_space<vmem>>) offsets(%arg8 : memref<128xi32, #tpu.memory_space<vmem>>) semaphore(%arg14 : memref<!tpu.dma_semaphore, #tpu.memory_space<semaphore_mem>>)
      "tpu.region"() ({
        %run_scoped3A = tpu.sem_alloc : memref<!tpu.dma_semaphore, #tpu.memory_space<semaphore_mem>>
        %dma_start3A_75 = arith.constant 0 : i32
        %dma_start3A_76 = arith.constant 0 : i32
        %dma_start3A_77 = tpu.memref_slice %arg12[%dma_start3A_75, %dma_start3A_76] : memref<10240x128xf32, #tpu.memory_space<vmem_shared>> -> memref<10240x128xf32, #tpu.memory_space<vmem_shared>>
        tpu.enqueue_indirect_dma source(%arg10 : memref<128x128xf32, #tpu.memory_space<vmem>>) target(%dma_start3A_77 : memref<10240x128xf32, #tpu.memory_space<vmem_shared>>) offsets(%arg7 : memref<128xi32, #tpu.memory_space<vmem>>) semaphore(%run_scoped3A : memref<!tpu.dma_semaphore, #tpu.memory_space<semaphore_mem>>) {add = true}
        %dma_wait3A_78 = arith.constant 0 : i32
        %dma_wait3A_79 = arith.constant 0 : i32
        %dma_wait3A_80 = tpu.memref_slice %arg12[%dma_wait3A_78, %dma_wait3A_79] : memref<10240x128xf32, #tpu.memory_space<vmem_shared>> -> memref<10240x128xf32, #tpu.memory_space<vmem_shared>>
        tpu.wait_indirect_dma semaphore(%run_scoped3A : memref<!tpu.dma_semaphore, #tpu.memory_space<semaphore_mem>>) src(%arg10 : memref<128x128xf32, #tpu.memory_space<vmem>>) dst(%dma_wait3A_80 : memref<10240x128xf32, #tpu.memory_space<vmem_shared>>)
        tpu.yield
      }) : () -> ()
      %lt3A = arith.constant 39 : i32
      %lt3A_65 = arith.cmpi slt, %add3A_52, %lt3A : i32
      %convert_element_type3A = arith.extui %lt3A_65 : i1 to i32
      %cond3A = arith.constant 0 : i32
      %cond3A_66 = arith.cmpi ne, %convert_element_type3A, %cond3A : i32
      scf.if %cond3A_66 {
        %add3A_75 = arith.constant 2 : i32
        %add3A_76 = arith.addi %mul3A_54, %add3A_75 : i32
        %mul3A_77 = arith.constant 128 : i32
        %mul3A_78 = arith.muli %add3A_76, %mul3A_77 : i32
        %add3A_79 = arith.addi %mul3A_19, %mul3A_78 : i32
        "tpu.region"() ({
          %run_scoped3A = tpu.sem_alloc : memref<!tpu.dma_semaphore, #tpu.memory_space<semaphore_mem>>
          %dma_start3A_80 = tpu.memref_slice %arg3[%add3A_79] : memref<327680xi32, #tpu.memory_space<hbm>> -> memref<128xi32, #tpu.memory_space<hbm>>
          %dma_start3A_81 = tpu.memref_slice %arg3[%add3A_79] : memref<327680xi32, #tpu.memory_space<hbm>> -> memref<128xi32, #tpu.memory_space<hbm>>
          tpu.enqueue_dma source(%dma_start3A_81 : memref<128xi32, #tpu.memory_space<hbm>>) target(%arg6 : memref<128xi32, #tpu.memory_space<vmem>>) target_semaphore(%run_scoped3A : memref<!tpu.dma_semaphore, #tpu.memory_space<semaphore_mem>>)
          %dma_wait3A_82 = tpu.memref_slice %arg3[%add3A_79] : memref<327680xi32, #tpu.memory_space<hbm>> -> memref<128xi32, #tpu.memory_space<hbm>>
          %dma_wait3A_83 = tpu.memref_slice %arg3[%add3A_79] : memref<327680xi32, #tpu.memory_space<hbm>> -> memref<128xi32, #tpu.memory_space<hbm>>
          tpu.wait_dma2 semaphore(%run_scoped3A : memref<!tpu.dma_semaphore, #tpu.memory_space<semaphore_mem>>) src(%dma_wait3A_83 : memref<128xi32, #tpu.memory_space<hbm>>) dst(%arg6 : memref<128xi32, #tpu.memory_space<vmem>>)
          tpu.yield
        }) : () -> ()
        "tpu.region"() ({
          %run_scoped3A = tpu.sem_alloc : memref<!tpu.dma_semaphore, #tpu.memory_space<semaphore_mem>>
          %dma_start3A_80 = tpu.memref_slice %arg4[%add3A_79] : memref<327680xi32, #tpu.memory_space<hbm>> -> memref<128xi32, #tpu.memory_space<hbm>>
          %dma_start3A_81 = tpu.memref_slice %arg4[%add3A_79] : memref<327680xi32, #tpu.memory_space<hbm>> -> memref<128xi32, #tpu.memory_space<hbm>>
          tpu.enqueue_dma source(%dma_start3A_81 : memref<128xi32, #tpu.memory_space<hbm>>) target(%arg7 : memref<128xi32, #tpu.memory_space<vmem>>) target_semaphore(%run_scoped3A : memref<!tpu.dma_semaphore, #tpu.memory_space<semaphore_mem>>)
          %dma_wait3A_82 = tpu.memref_slice %arg4[%add3A_79] : memref<327680xi32, #tpu.memory_space<hbm>> -> memref<128xi32, #tpu.memory_space<hbm>>
          %dma_wait3A_83 = tpu.memref_slice %arg4[%add3A_79] : memref<327680xi32, #tpu.memory_space<hbm>> -> memref<128xi32, #tpu.memory_space<hbm>>
          tpu.wait_dma2 semaphore(%run_scoped3A : memref<!tpu.dma_semaphore, #tpu.memory_space<semaphore_mem>>) src(%dma_wait3A_83 : memref<128xi32, #tpu.memory_space<hbm>>) dst(%arg7 : memref<128xi32, #tpu.memory_space<vmem>>)
          tpu.yield
        }) : () -> ()
      } else {
      }
      %dma_wait3A_67 = arith.constant 0 : i32
      %dma_wait3A_68 = arith.constant 0 : i32
      %dma_wait3A_69 = tpu.memref_slice %arg2[%dma_wait3A_67, %dma_wait3A_68] : memref<10240x128xf32, #tpu.memory_space<hbm>> -> memref<10240x128xf32, #tpu.memory_space<hbm>>
      tpu.wait_indirect_dma semaphore(%arg14 : memref<!tpu.dma_semaphore, #tpu.memory_space<semaphore_mem>>) src(%dma_wait3A_69 : memref<10240x128xf32, #tpu.memory_space<hbm>>) dst(%arg11 : memref<128x128xf32, #tpu.memory_space<vmem>>)
      %lt3A_70 = arith.constant 39 : i32
      %lt3A_71 = arith.cmpi slt, %add3A_52, %lt3A_70 : i32
      %convert_element_type3A_72 = arith.extui %lt3A_71 : i1 to i32
      %cond3A_73 = arith.constant 0 : i32
      %cond3A_74 = arith.cmpi ne, %convert_element_type3A_72, %cond3A_73 : i32
      scf.if %cond3A_74 {
        %dma_start3A_75 = arith.constant 0 : i32
        %dma_start3A_76 = arith.constant 0 : i32
        %dma_start3A_77 = tpu.memref_slice %arg2[%dma_start3A_75, %dma_start3A_76] : memref<10240x128xf32, #tpu.memory_space<hbm>> -> memref<10240x128xf32, #tpu.memory_space<hbm>>
        tpu.enqueue_indirect_dma source(%dma_start3A_77 : memref<10240x128xf32, #tpu.memory_space<hbm>>) target(%arg10 : memref<128x128xf32, #tpu.memory_space<vmem>>) offsets(%arg6 : memref<128xi32, #tpu.memory_space<vmem>>) semaphore(%arg13 : memref<!tpu.dma_semaphore, #tpu.memory_space<semaphore_mem>>)
      } else {
      }
      "tpu.region"() ({
        %run_scoped3A = tpu.sem_alloc : memref<!tpu.dma_semaphore, #tpu.memory_space<semaphore_mem>>
        %dma_start3A_75 = arith.constant 0 : i32
        %dma_start3A_76 = arith.constant 0 : i32
        %dma_start3A_77 = tpu.memref_slice %arg12[%dma_start3A_75, %dma_start3A_76] : memref<10240x128xf32, #tpu.memory_space<vmem_shared>> -> memref<10240x128xf32, #tpu.memory_space<vmem_shared>>
        tpu.enqueue_indirect_dma source(%arg11 : memref<128x128xf32, #tpu.memory_space<vmem>>) target(%dma_start3A_77 : memref<10240x128xf32, #tpu.memory_space<vmem_shared>>) offsets(%arg9 : memref<128xi32, #tpu.memory_space<vmem>>) semaphore(%run_scoped3A : memref<!tpu.dma_semaphore, #tpu.memory_space<semaphore_mem>>) {add = true}
        %dma_wait3A_78 = arith.constant 0 : i32
        %dma_wait3A_79 = arith.constant 0 : i32
        %dma_wait3A_80 = tpu.memref_slice %arg12[%dma_wait3A_78, %dma_wait3A_79] : memref<10240x128xf32, #tpu.memory_space<vmem_shared>> -> memref<10240x128xf32, #tpu.memory_space<vmem_shared>>
        tpu.wait_indirect_dma semaphore(%run_scoped3A : memref<!tpu.dma_semaphore, #tpu.memory_space<semaphore_mem>>) src(%arg11 : memref<128x128xf32, #tpu.memory_space<vmem>>) dst(%dma_wait3A_80 : memref<10240x128xf32, #tpu.memory_space<vmem_shared>>)
        tpu.yield
      }) : () -> ()
    }
    %scan3A_26 = arith.constant 40 : i32
    %barrier3A_27 = arith.constant 0 : index
    tpu.barrier barrier_id(%barrier3A_27)
    %add3A_28 = arith.constant 0 : i32
    %add3A_29 = arith.addi %mul3A_7, %add3A_28 : i32
    "tpu.region"() ({
      %run_scoped3A = tpu.sem_alloc : memref<!tpu.dma_semaphore, #tpu.memory_space<semaphore_mem>>
      %dma_start3A_48 = arith.constant 0 : i32
      %dma_start3A_49 = tpu.memref_slice %arg12[%add3A_29, %dma_start3A_48] : memref<10240x128xf32, #tpu.memory_space<vmem_shared>> -> memref<128x128xf32, #tpu.memory_space<vmem_shared>>
      %dma_start3A_50 = arith.constant 0 : i32
      %dma_start3A_51 = tpu.memref_slice %arg12[%add3A_29, %dma_start3A_50] : memref<10240x128xf32, #tpu.memory_space<vmem_shared>> -> memref<128x128xf32, #tpu.memory_space<vmem_shared>>
      tpu.enqueue_dma source(%dma_start3A_51 : memref<128x128xf32, #tpu.memory_space<vmem_shared>>) target(%arg10 : memref<128x128xf32, #tpu.memory_space<vmem>>) target_semaphore(%run_scoped3A : memref<!tpu.dma_semaphore, #tpu.memory_space<semaphore_mem>>)
      %dma_wait3A = arith.constant 0 : i32
      %dma_wait3A_52 = tpu.memref_slice %arg12[%add3A_29, %dma_wait3A] : memref<10240x128xf32, #tpu.memory_space<vmem_shared>> -> memref<128x128xf32, #tpu.memory_space<vmem_shared>>
      %dma_wait3A_53 = arith.constant 0 : i32
      %dma_wait3A_54 = tpu.memref_slice %arg12[%add3A_29, %dma_wait3A_53] : memref<10240x128xf32, #tpu.memory_space<vmem_shared>> -> memref<128x128xf32, #tpu.memory_space<vmem_shared>>
      tpu.wait_dma2 semaphore(%run_scoped3A : memref<!tpu.dma_semaphore, #tpu.memory_space<semaphore_mem>>) src(%dma_wait3A_54 : memref<128x128xf32, #tpu.memory_space<vmem_shared>>) dst(%arg10 : memref<128x128xf32, #tpu.memory_space<vmem>>)
      tpu.yield
    }) : () -> ()
    %add3A_30 = arith.constant 0 : i32
    %add3A_31 = arith.addi %mul3A_7, %add3A_30 : i32
    "tpu.region"() ({
      %run_scoped3A = tpu.sem_alloc : memref<!tpu.dma_semaphore, #tpu.memory_space<semaphore_mem>>
      %dma_start3A_48 = arith.constant 0 : i32
      %dma_start3A_49 = tpu.memref_slice %arg5[%arg0, %add3A_31, %dma_start3A_48] : memref<2x10240x128xf32, #tpu.memory_space<hbm>> -> memref<1x128x128xf32, #tpu.memory_space<hbm>>
      %dma_start3A_50 = tpu.memref_squeeze %dma_start3A_49 : memref<1x128x128xf32, #tpu.memory_space<hbm>> -> memref<128x128xf32, #tpu.memory_space<hbm>>
      %dma_start3A_51 = arith.constant 0 : i32
      %dma_start3A_52 = tpu.memref_slice %arg5[%arg0, %add3A_31, %dma_start3A_51] : memref<2x10240x128xf32, #tpu.memory_space<hbm>> -> memref<1x128x128xf32, #tpu.memory_space<hbm>>
      %dma_start3A_53 = tpu.memref_squeeze %dma_start3A_52 : memref<1x128x128xf32, #tpu.memory_space<hbm>> -> memref<128x128xf32, #tpu.memory_space<hbm>>
      tpu.enqueue_dma source(%arg10 : memref<128x128xf32, #tpu.memory_space<vmem>>) target(%dma_start3A_53 : memref<128x128xf32, #tpu.memory_space<hbm>>) target_semaphore(%run_scoped3A : memref<!tpu.dma_semaphore, #tpu.memory_space<semaphore_mem>>)
      %dma_wait3A = arith.constant 0 : i32
      %dma_wait3A_54 = tpu.memref_slice %arg5[%arg0, %add3A_31, %dma_wait3A] : memref<2x10240x128xf32, #tpu.memory_space<hbm>> -> memref<1x128x128xf32, #tpu.memory_space<hbm>>
      %dma_wait3A_55 = tpu.memref_squeeze %dma_wait3A_54 : memref<1x128x128xf32, #tpu.memory_space<hbm>> -> memref<128x128xf32, #tpu.memory_space<hbm>>
      %dma_wait3A_56 = arith.constant 0 : i32
      %dma_wait3A_57 = tpu.memref_slice %arg5[%arg0, %add3A_31, %dma_wait3A_56] : memref<2x10240x128xf32, #tpu.memory_space<hbm>> -> memref<1x128x128xf32, #tpu.memory_space<hbm>>
      %dma_wait3A_58 = tpu.memref_squeeze %dma_wait3A_57 : memref<1x128x128xf32, #tpu.memory_space<hbm>> -> memref<128x128xf32, #tpu.memory_space<hbm>>
      tpu.wait_dma2 semaphore(%run_scoped3A : memref<!tpu.dma_semaphore, #tpu.memory_space<semaphore_mem>>) src(%arg10 : memref<128x128xf32, #tpu.memory_space<vmem>>) dst(%dma_wait3A_58 : memref<128x128xf32, #tpu.memory_space<hbm>>)
      tpu.yield
    }) : () -> ()
    %add3A_32 = arith.constant 128 : i32
    %add3A_33 = arith.addi %mul3A_7, %add3A_32 : i32
    "tpu.region"() ({
      %run_scoped3A = tpu.sem_alloc : memref<!tpu.dma_semaphore, #tpu.memory_space<semaphore_mem>>
      %dma_start3A_48 = arith.constant 0 : i32
      %dma_start3A_49 = tpu.memref_slice %arg12[%add3A_33, %dma_start3A_48] : memref<10240x128xf32, #tpu.memory_space<vmem_shared>> -> memref<128x128xf32, #tpu.memory_space<vmem_shared>>
      %dma_start3A_50 = arith.constant 0 : i32
      %dma_start3A_51 = tpu.memref_slice %arg12[%add3A_33, %dma_start3A_50] : memref<10240x128xf32, #tpu.memory_space<vmem_shared>> -> memref<128x128xf32, #tpu.memory_space<vmem_shared>>
      tpu.enqueue_dma source(%dma_start3A_51 : memref<128x128xf32, #tpu.memory_space<vmem_shared>>) target(%arg10 : memref<128x128xf32, #tpu.memory_space<vmem>>) target_semaphore(%run_scoped3A : memref<!tpu.dma_semaphore, #tpu.memory_space<semaphore_mem>>)
      %dma_wait3A = arith.constant 0 : i32
      %dma_wait3A_52 = tpu.memref_slice %arg12[%add3A_33, %dma_wait3A] : memref<10240x128xf32, #tpu.memory_space<vmem_shared>> -> memref<128x128xf32, #tpu.memory_space<vmem_shared>>
      %dma_wait3A_53 = arith.constant 0 : i32
      %dma_wait3A_54 = tpu.memref_slice %arg12[%add3A_33, %dma_wait3A_53] : memref<10240x128xf32, #tpu.memory_space<vmem_shared>> -> memref<128x128xf32, #tpu.memory_space<vmem_shared>>
      tpu.wait_dma2 semaphore(%run_scoped3A : memref<!tpu.dma_semaphore, #tpu.memory_space<semaphore_mem>>) src(%dma_wait3A_54 : memref<128x128xf32, #tpu.memory_space<vmem_shared>>) dst(%arg10 : memref<128x128xf32, #tpu.memory_space<vmem>>)
      tpu.yield
    }) : () -> ()
    %add3A_34 = arith.constant 128 : i32
    %add3A_35 = arith.addi %mul3A_7, %add3A_34 : i32
    "tpu.region"() ({
      %run_scoped3A = tpu.sem_alloc : memref<!tpu.dma_semaphore, #tpu.memory_space<semaphore_mem>>
      %dma_start3A_48 = arith.constant 0 : i32
      %dma_start3A_49 = tpu.memref_slice %arg5[%arg0, %add3A_35, %dma_start3A_48] : memref<2x10240x128xf32, #tpu.memory_space<hbm>> -> memref<1x128x128xf32, #tpu.memory_space<hbm>>
      %dma_start3A_50 = tpu.memref_squeeze %dma_start3A_49 : memref<1x128x128xf32, #tpu.memory_space<hbm>> -> memref<128x128xf32, #tpu.memory_space<hbm>>
      %dma_start3A_51 = arith.constant 0 : i32
      %dma_start3A_52 = tpu.memref_slice %arg5[%arg0, %add3A_35, %dma_start3A_51] : memref<2x10240x128xf32, #tpu.memory_space<hbm>> -> memref<1x128x128xf32, #tpu.memory_space<hbm>>
      %dma_start3A_53 = tpu.memref_squeeze %dma_start3A_52 : memref<1x128x128xf32, #tpu.memory_space<hbm>> -> memref<128x128xf32, #tpu.memory_space<hbm>>
      tpu.enqueue_dma source(%arg10 : memref<128x128xf32, #tpu.memory_space<vmem>>) target(%dma_start3A_53 : memref<128x128xf32, #tpu.memory_space<hbm>>) target_semaphore(%run_scoped3A : memref<!tpu.dma_semaphore, #tpu.memory_space<semaphore_mem>>)
      %dma_wait3A = arith.constant 0 : i32
      %dma_wait3A_54 = tpu.memref_slice %arg5[%arg0, %add3A_35, %dma_wait3A] : memref<2x10240x128xf32, #tpu.memory_space<hbm>> -> memref<1x128x128xf32, #tpu.memory_space<hbm>>
      %dma_wait3A_55 = tpu.memref_squeeze %dma_wait3A_54 : memref<1x128x128xf32, #tpu.memory_space<hbm>> -> memref<128x128xf32, #tpu.memory_space<hbm>>
      %dma_wait3A_56 = arith.constant 0 : i32
      %dma_wait3A_57 = tpu.memref_slice %arg5[%arg0, %add3A_35, %dma_wait3A_56] : memref<2x10240x128xf32, #tpu.memory_space<hbm>> -> memref<1x128x128xf32, #tpu.memory_space<hbm>>
      %dma_wait3A_58 = tpu.memref_squeeze %dma_wait3A_57 : memref<1x128x128xf32, #tpu.memory_space<hbm>> -> memref<128x128xf32, #tpu.memory_space<hbm>>
      tpu.wait_dma2 semaphore(%run_scoped3A : memref<!tpu.dma_semaphore, #tpu.memory_space<semaphore_mem>>) src(%arg10 : memref<128x128xf32, #tpu.memory_space<vmem>>) dst(%dma_wait3A_58 : memref<128x128xf32, #tpu.memory_space<hbm>>)
      tpu.yield
    }) : () -> ()
    %add3A_36 = arith.constant 256 : i32
    %add3A_37 = arith.addi %mul3A_7, %add3A_36 : i32
    "tpu.region"() ({
      %run_scoped3A = tpu.sem_alloc : memref<!tpu.dma_semaphore, #tpu.memory_space<semaphore_mem>>
      %dma_start3A_48 = arith.constant 0 : i32
      %dma_start3A_49 = tpu.memref_slice %arg12[%add3A_37, %dma_start3A_48] : memref<10240x128xf32, #tpu.memory_space<vmem_shared>> -> memref<128x128xf32, #tpu.memory_space<vmem_shared>>
      %dma_start3A_50 = arith.constant 0 : i32
      %dma_start3A_51 = tpu.memref_slice %arg12[%add3A_37, %dma_start3A_50] : memref<10240x128xf32, #tpu.memory_space<vmem_shared>> -> memref<128x128xf32, #tpu.memory_space<vmem_shared>>
      tpu.enqueue_dma source(%dma_start3A_51 : memref<128x128xf32, #tpu.memory_space<vmem_shared>>) target(%arg10 : memref<128x128xf32, #tpu.memory_space<vmem>>) target_semaphore(%run_scoped3A : memref<!tpu.dma_semaphore, #tpu.memory_space<semaphore_mem>>)
      %dma_wait3A = arith.constant 0 : i32
      %dma_wait3A_52 = tpu.memref_slice %arg12[%add3A_37, %dma_wait3A] : memref<10240x128xf32, #tpu.memory_space<vmem_shared>> -> memref<128x128xf32, #tpu.memory_space<vmem_shared>>
      %dma_wait3A_53 = arith.constant 0 : i32
      %dma_wait3A_54 = tpu.memref_slice %arg12[%add3A_37, %dma_wait3A_53] : memref<10240x128xf32, #tpu.memory_space<vmem_shared>> -> memref<128x128xf32, #tpu.memory_space<vmem_shared>>
      tpu.wait_dma2 semaphore(%run_scoped3A : memref<!tpu.dma_semaphore, #tpu.memory_space<semaphore_mem>>) src(%dma_wait3A_54 : memref<128x128xf32, #tpu.memory_space<vmem_shared>>) dst(%arg10 : memref<128x128xf32, #tpu.memory_space<vmem>>)
      tpu.yield
    }) : () -> ()
    %add3A_38 = arith.constant 256 : i32
    %add3A_39 = arith.addi %mul3A_7, %add3A_38 : i32
    "tpu.region"() ({
      %run_scoped3A = tpu.sem_alloc : memref<!tpu.dma_semaphore, #tpu.memory_space<semaphore_mem>>
      %dma_start3A_48 = arith.constant 0 : i32
      %dma_start3A_49 = tpu.memref_slice %arg5[%arg0, %add3A_39, %dma_start3A_48] : memref<2x10240x128xf32, #tpu.memory_space<hbm>> -> memref<1x128x128xf32, #tpu.memory_space<hbm>>
      %dma_start3A_50 = tpu.memref_squeeze %dma_start3A_49 : memref<1x128x128xf32, #tpu.memory_space<hbm>> -> memref<128x128xf32, #tpu.memory_space<hbm>>
      %dma_start3A_51 = arith.constant 0 : i32
      %dma_start3A_52 = tpu.memref_slice %arg5[%arg0, %add3A_39, %dma_start3A_51] : memref<2x10240x128xf32, #tpu.memory_space<hbm>> -> memref<1x128x128xf32, #tpu.memory_space<hbm>>
      %dma_start3A_53 = tpu.memref_squeeze %dma_start3A_52 : memref<1x128x128xf32, #tpu.memory_space<hbm>> -> memref<128x128xf32, #tpu.memory_space<hbm>>
      tpu.enqueue_dma source(%arg10 : memref<128x128xf32, #tpu.memory_space<vmem>>) target(%dma_start3A_53 : memref<128x128xf32, #tpu.memory_space<hbm>>) target_semaphore(%run_scoped3A : memref<!tpu.dma_semaphore, #tpu.memory_space<semaphore_mem>>)
      %dma_wait3A = arith.constant 0 : i32
      %dma_wait3A_54 = tpu.memref_slice %arg5[%arg0, %add3A_39, %dma_wait3A] : memref<2x10240x128xf32, #tpu.memory_space<hbm>> -> memref<1x128x128xf32, #tpu.memory_space<hbm>>
      %dma_wait3A_55 = tpu.memref_squeeze %dma_wait3A_54 : memref<1x128x128xf32, #tpu.memory_space<hbm>> -> memref<128x128xf32, #tpu.memory_space<hbm>>
      %dma_wait3A_56 = arith.constant 0 : i32
      %dma_wait3A_57 = tpu.memref_slice %arg5[%arg0, %add3A_39, %dma_wait3A_56] : memref<2x10240x128xf32, #tpu.memory_space<hbm>> -> memref<1x128x128xf32, #tpu.memory_space<hbm>>
      %dma_wait3A_58 = tpu.memref_squeeze %dma_wait3A_57 : memref<1x128x128xf32, #tpu.memory_space<hbm>> -> memref<128x128xf32, #tpu.memory_space<hbm>>
      tpu.wait_dma2 semaphore(%run_scoped3A : memref<!tpu.dma_semaphore, #tpu.memory_space<semaphore_mem>>) src(%arg10 : memref<128x128xf32, #tpu.memory_space<vmem>>) dst(%dma_wait3A_58 : memref<128x128xf32, #tpu.memory_space<hbm>>)
      tpu.yield
    }) : () -> ()
    %add3A_40 = arith.constant 384 : i32
    %add3A_41 = arith.addi %mul3A_7, %add3A_40 : i32
    "tpu.region"() ({
      %run_scoped3A = tpu.sem_alloc : memref<!tpu.dma_semaphore, #tpu.memory_space<semaphore_mem>>
      %dma_start3A_48 = arith.constant 0 : i32
      %dma_start3A_49 = tpu.memref_slice %arg12[%add3A_41, %dma_start3A_48] : memref<10240x128xf32, #tpu.memory_space<vmem_shared>> -> memref<128x128xf32, #tpu.memory_space<vmem_shared>>
      %dma_start3A_50 = arith.constant 0 : i32
      %dma_start3A_51 = tpu.memref_slice %arg12[%add3A_41, %dma_start3A_50] : memref<10240x128xf32, #tpu.memory_space<vmem_shared>> -> memref<128x128xf32, #tpu.memory_space<vmem_shared>>
      tpu.enqueue_dma source(%dma_start3A_51 : memref<128x128xf32, #tpu.memory_space<vmem_shared>>) target(%arg10 : memref<128x128xf32, #tpu.memory_space<vmem>>) target_semaphore(%run_scoped3A : memref<!tpu.dma_semaphore, #tpu.memory_space<semaphore_mem>>)
      %dma_wait3A = arith.constant 0 : i32
      %dma_wait3A_52 = tpu.memref_slice %arg12[%add3A_41, %dma_wait3A] : memref<10240x128xf32, #tpu.memory_space<vmem_shared>> -> memref<128x128xf32, #tpu.memory_space<vmem_shared>>
      %dma_wait3A_53 = arith.constant 0 : i32
      %dma_wait3A_54 = tpu.memref_slice %arg12[%add3A_41, %dma_wait3A_53] : memref<10240x128xf32, #tpu.memory_space<vmem_shared>> -> memref<128x128xf32, #tpu.memory_space<vmem_shared>>
      tpu.wait_dma2 semaphore(%run_scoped3A : memref<!tpu.dma_semaphore, #tpu.memory_space<semaphore_mem>>) src(%dma_wait3A_54 : memref<128x128xf32, #tpu.memory_space<vmem_shared>>) dst(%arg10 : memref<128x128xf32, #tpu.memory_space<vmem>>)
      tpu.yield
    }) : () -> ()
    %add3A_42 = arith.constant 384 : i32
    %add3A_43 = arith.addi %mul3A_7, %add3A_42 : i32
    "tpu.region"() ({
      %run_scoped3A = tpu.sem_alloc : memref<!tpu.dma_semaphore, #tpu.memory_space<semaphore_mem>>
      %dma_start3A_48 = arith.constant 0 : i32
      %dma_start3A_49 = tpu.memref_slice %arg5[%arg0, %add3A_43, %dma_start3A_48] : memref<2x10240x128xf32, #tpu.memory_space<hbm>> -> memref<1x128x128xf32, #tpu.memory_space<hbm>>
      %dma_start3A_50 = tpu.memref_squeeze %dma_start3A_49 : memref<1x128x128xf32, #tpu.memory_space<hbm>> -> memref<128x128xf32, #tpu.memory_space<hbm>>
      %dma_start3A_51 = arith.constant 0 : i32
      %dma_start3A_52 = tpu.memref_slice %arg5[%arg0, %add3A_43, %dma_start3A_51] : memref<2x10240x128xf32, #tpu.memory_space<hbm>> -> memref<1x128x128xf32, #tpu.memory_space<hbm>>
      %dma_start3A_53 = tpu.memref_squeeze %dma_start3A_52 : memref<1x128x128xf32, #tpu.memory_space<hbm>> -> memref<128x128xf32, #tpu.memory_space<hbm>>
      tpu.enqueue_dma source(%arg10 : memref<128x128xf32, #tpu.memory_space<vmem>>) target(%dma_start3A_53 : memref<128x128xf32, #tpu.memory_space<hbm>>) target_semaphore(%run_scoped3A : memref<!tpu.dma_semaphore, #tpu.memory_space<semaphore_mem>>)
      %dma_wait3A = arith.constant 0 : i32
      %dma_wait3A_54 = tpu.memref_slice %arg5[%arg0, %add3A_43, %dma_wait3A] : memref<2x10240x128xf32, #tpu.memory_space<hbm>> -> memref<1x128x128xf32, #tpu.memory_space<hbm>>
      %dma_wait3A_55 = tpu.memref_squeeze %dma_wait3A_54 : memref<1x128x128xf32, #tpu.memory_space<hbm>> -> memref<128x128xf32, #tpu.memory_space<hbm>>
      %dma_wait3A_56 = arith.constant 0 : i32
      %dma_wait3A_57 = tpu.memref_slice %arg5[%arg0, %add3A_43, %dma_wait3A_56] : memref<2x10240x128xf32, #tpu.memory_space<hbm>> -> memref<1x128x128xf32, #tpu.memory_space<hbm>>
      %dma_wait3A_58 = tpu.memref_squeeze %dma_wait3A_57 : memref<1x128x128xf32, #tpu.memory_space<hbm>> -> memref<128x128xf32, #tpu.memory_space<hbm>>
      tpu.wait_dma2 semaphore(%run_scoped3A : memref<!tpu.dma_semaphore, #tpu.memory_space<semaphore_mem>>) src(%arg10 : memref<128x128xf32, #tpu.memory_space<vmem>>) dst(%dma_wait3A_58 : memref<128x128xf32, #tpu.memory_space<hbm>>)
      tpu.yield
    }) : () -> ()
    %add3A_44 = arith.constant 512 : i32
    %add3A_45 = arith.addi %mul3A_7, %add3A_44 : i32
    "tpu.region"() ({
      %run_scoped3A = tpu.sem_alloc : memref<!tpu.dma_semaphore, #tpu.memory_space<semaphore_mem>>
      %dma_start3A_48 = arith.constant 0 : i32
      %dma_start3A_49 = tpu.memref_slice %arg12[%add3A_45, %dma_start3A_48] : memref<10240x128xf32, #tpu.memory_space<vmem_shared>> -> memref<128x128xf32, #tpu.memory_space<vmem_shared>>
      %dma_start3A_50 = arith.constant 0 : i32
      %dma_start3A_51 = tpu.memref_slice %arg12[%add3A_45, %dma_start3A_50] : memref<10240x128xf32, #tpu.memory_space<vmem_shared>> -> memref<128x128xf32, #tpu.memory_space<vmem_shared>>
      tpu.enqueue_dma source(%dma_start3A_51 : memref<128x128xf32, #tpu.memory_space<vmem_shared>>) target(%arg10 : memref<128x128xf32, #tpu.memory_space<vmem>>) target_semaphore(%run_scoped3A : memref<!tpu.dma_semaphore, #tpu.memory_space<semaphore_mem>>)
      %dma_wait3A = arith.constant 0 : i32
      %dma_wait3A_52 = tpu.memref_slice %arg12[%add3A_45, %dma_wait3A] : memref<10240x128xf32, #tpu.memory_space<vmem_shared>> -> memref<128x128xf32, #tpu.memory_space<vmem_shared>>
      %dma_wait3A_53 = arith.constant 0 : i32
      %dma_wait3A_54 = tpu.memref_slice %arg12[%add3A_45, %dma_wait3A_53] : memref<10240x128xf32, #tpu.memory_space<vmem_shared>> -> memref<128x128xf32, #tpu.memory_space<vmem_shared>>
      tpu.wait_dma2 semaphore(%run_scoped3A : memref<!tpu.dma_semaphore, #tpu.memory_space<semaphore_mem>>) src(%dma_wait3A_54 : memref<128x128xf32, #tpu.memory_space<vmem_shared>>) dst(%arg10 : memref<128x128xf32, #tpu.memory_space<vmem>>)
      tpu.yield
    }) : () -> ()
    %add3A_46 = arith.constant 512 : i32
    %add3A_47 = arith.addi %mul3A_7, %add3A_46 : i32
    "tpu.region"() ({
      %run_scoped3A = tpu.sem_alloc : memref<!tpu.dma_semaphore, #tpu.memory_space<semaphore_mem>>
      %dma_start3A_48 = arith.constant 0 : i32
      %dma_start3A_49 = tpu.memref_slice %arg5[%arg0, %add3A_47, %dma_start3A_48] : memref<2x10240x128xf32, #tpu.memory_space<hbm>> -> memref<1x128x128xf32, #tpu.memory_space<hbm>>
      %dma_start3A_50 = tpu.memref_squeeze %dma_start3A_49 : memref<1x128x128xf32, #tpu.memory_space<hbm>> -> memref<128x128xf32, #tpu.memory_space<hbm>>
      %dma_start3A_51 = arith.constant 0 : i32
      %dma_start3A_52 = tpu.memref_slice %arg5[%arg0, %add3A_47, %dma_start3A_51] : memref<2x10240x128xf32, #tpu.memory_space<hbm>> -> memref<1x128x128xf32, #tpu.memory_space<hbm>>
      %dma_start3A_53 = tpu.memref_squeeze %dma_start3A_52 : memref<1x128x128xf32, #tpu.memory_space<hbm>> -> memref<128x128xf32, #tpu.memory_space<hbm>>
      tpu.enqueue_dma source(%arg10 : memref<128x128xf32, #tpu.memory_space<vmem>>) target(%dma_start3A_53 : memref<128x128xf32, #tpu.memory_space<hbm>>) target_semaphore(%run_scoped3A : memref<!tpu.dma_semaphore, #tpu.memory_space<semaphore_mem>>)
      %dma_wait3A = arith.constant 0 : i32
      %dma_wait3A_54 = tpu.memref_slice %arg5[%arg0, %add3A_47, %dma_wait3A] : memref<2x10240x128xf32, #tpu.memory_space<hbm>> -> memref<1x128x128xf32, #tpu.memory_space<hbm>>
      %dma_wait3A_55 = tpu.memref_squeeze %dma_wait3A_54 : memref<1x128x128xf32, #tpu.memory_space<hbm>> -> memref<128x128xf32, #tpu.memory_space<hbm>>
      %dma_wait3A_56 = arith.constant 0 : i32
      %dma_wait3A_57 = tpu.memref_slice %arg5[%arg0, %add3A_47, %dma_wait3A_56] : memref<2x10240x128xf32, #tpu.memory_space<hbm>> -> memref<1x128x128xf32, #tpu.memory_space<hbm>>
      %dma_wait3A_58 = tpu.memref_squeeze %dma_wait3A_57 : memref<1x128x128xf32, #tpu.memory_space<hbm>> -> memref<128x128xf32, #tpu.memory_space<hbm>>
      tpu.wait_dma2 semaphore(%run_scoped3A : memref<!tpu.dma_semaphore, #tpu.memory_space<semaphore_mem>>) src(%arg10 : memref<128x128xf32, #tpu.memory_space<vmem>>) dst(%dma_wait3A_58 : memref<128x128xf32, #tpu.memory_space<hbm>>)
      tpu.yield
    }) : () -> ()
    return
  }
}

#map = affine_map<(d0, d1) -> (0)>
#map1 = affine_map<(d0, d1) -> (0, 0, 0)>
module attributes {stable_mosaic.version = 14 : i64} {
  func.func @_degree_kernel(%arg0: i32, %arg1: i32, %arg2: memref<655360xi32, #tpu.memory_space<hbm>>, %arg3: memref<2x10240x128xf32, #tpu.memory_space<hbm>>, %arg4: memref<128xi32, #tpu.memory_space<vmem>>, %arg5: memref<128x128xf32, #tpu.memory_space<vmem>>, %arg6: memref<128x128xf32, #tpu.memory_space<vmem>>, %arg7: memref<10240x128xf32, #tpu.memory_space<vmem_shared>>) attributes {dimension_semantics = [#tpu.dimension_semantics<core_parallel>, #tpu.dimension_semantics<subcore_parallel>], iteration_bounds = array<i64: 2, 16>, scalar_prefetch = 0 : i64, scratch_operands = 4 : i64, tpu.core_type = #tpu.core_type<sc_vector_subcore>, window_params = [{transform_indices = #map}, {transform_indices = #map1}]} {
    %broadcast_in_dim3A = arith.constant 0.000000e+00 : f32
    %broadcast_in_dim3A_0 = vector.broadcast %broadcast_in_dim3A : f32 to vector<16xf32>
    %broadcast_in_dim3A_1 = arith.constant 1.000000e+00 : f32
    %broadcast_in_dim3A_2 = vector.broadcast %broadcast_in_dim3A_1 : f32 to vector<16xf32>
    %scan3A = arith.constant 0 : i32
    %scan3A_3 = arith.constant 128 : i32
    %scan3A_4 = arith.addi %scan3A, %scan3A_3 : i32
    %scan3A_5 = arith.constant 1 : i32
    scf.for %scan3A_53 = %scan3A to %scan3A_4 step %scan3A_5  : i32 {
      %mul3A_54 = arith.constant 1 : i32
      %mul3A_55 = arith.muli %scan3A_53, %mul3A_54 : i32
      %add3A_56 = arith.constant 0 : i32
      %add3A_57 = arith.addi %add3A_56, %mul3A_55 : i32
      %swap3A = arith.index_cast %add3A_57 : i32 to index
      %swap3A_58 = arith.constant 0 : index
      %swap3A_59 = tpu.vector_load %arg6[%swap3A, %swap3A_58] {strides = array<i32>} : memref<128x128xf32, #tpu.memory_space<vmem>>, vector<1x16xf32>,
      %swap3A_60 = vector.shape_cast %swap3A_59 : vector<1x16xf32> to vector<16xf32>
      %swap3A_61 = vector.shape_cast %broadcast_in_dim3A_0 : vector<16xf32> to vector<1x16xf32>
      tpu.vector_store %arg6[%swap3A, %swap3A_58], %swap3A_61 {strides = array<i32>} : memref<128x128xf32, #tpu.memory_space<vmem>>, vector<1x16xf32>,
      %swap3A_62 = arith.index_cast %add3A_57 : i32 to index
      %swap3A_63 = arith.constant 16 : index
      %swap3A_64 = tpu.vector_load %arg6[%swap3A_62, %swap3A_63] {strides = array<i32>} : memref<128x128xf32, #tpu.memory_space<vmem>>, vector<1x16xf32>,
      %swap3A_65 = vector.shape_cast %swap3A_64 : vector<1x16xf32> to vector<16xf32>
      %swap3A_66 = vector.shape_cast %broadcast_in_dim3A_0 : vector<16xf32> to vector<1x16xf32>
      tpu.vector_store %arg6[%swap3A_62, %swap3A_63], %swap3A_66 {strides = array<i32>} : memref<128x128xf32, #tpu.memory_space<vmem>>, vector<1x16xf32>,
      %swap3A_67 = arith.index_cast %add3A_57 : i32 to index
      %swap3A_68 = arith.constant 32 : index
      %swap3A_69 = tpu.vector_load %arg6[%swap3A_67, %swap3A_68] {strides = array<i32>} : memref<128x128xf32, #tpu.memory_space<vmem>>, vector<1x16xf32>,
      %swap3A_70 = vector.shape_cast %swap3A_69 : vector<1x16xf32> to vector<16xf32>
      %swap3A_71 = vector.shape_cast %broadcast_in_dim3A_0 : vector<16xf32> to vector<1x16xf32>
      tpu.vector_store %arg6[%swap3A_67, %swap3A_68], %swap3A_71 {strides = array<i32>} : memref<128x128xf32, #tpu.memory_space<vmem>>, vector<1x16xf32>,
      %swap3A_72 = arith.index_cast %add3A_57 : i32 to index
      %swap3A_73 = arith.constant 48 : index
      %swap3A_74 = tpu.vector_load %arg6[%swap3A_72, %swap3A_73] {strides = array<i32>} : memref<128x128xf32, #tpu.memory_space<vmem>>, vector<1x16xf32>,
      %swap3A_75 = vector.shape_cast %swap3A_74 : vector<1x16xf32> to vector<16xf32>
      %swap3A_76 = vector.shape_cast %broadcast_in_dim3A_0 : vector<16xf32> to vector<1x16xf32>
      tpu.vector_store %arg6[%swap3A_72, %swap3A_73], %swap3A_76 {strides = array<i32>} : memref<128x128xf32, #tpu.memory_space<vmem>>, vector<1x16xf32>,
      %swap3A_77 = arith.index_cast %add3A_57 : i32 to index
      %swap3A_78 = arith.constant 64 : index
      %swap3A_79 = tpu.vector_load %arg6[%swap3A_77, %swap3A_78] {strides = array<i32>} : memref<128x128xf32, #tpu.memory_space<vmem>>, vector<1x16xf32>,
      %swap3A_80 = vector.shape_cast %swap3A_79 : vector<1x16xf32> to vector<16xf32>
      %swap3A_81 = vector.shape_cast %broadcast_in_dim3A_0 : vector<16xf32> to vector<1x16xf32>
      tpu.vector_store %arg6[%swap3A_77, %swap3A_78], %swap3A_81 {strides = array<i32>} : memref<128x128xf32, #tpu.memory_space<vmem>>, vector<1x16xf32>,
      %swap3A_82 = arith.index_cast %add3A_57 : i32 to index
      %swap3A_83 = arith.constant 80 : index
      %swap3A_84 = tpu.vector_load %arg6[%swap3A_82, %swap3A_83] {strides = array<i32>} : memref<128x128xf32, #tpu.memory_space<vmem>>, vector<1x16xf32>,
      %swap3A_85 = vector.shape_cast %swap3A_84 : vector<1x16xf32> to vector<16xf32>
      %swap3A_86 = vector.shape_cast %broadcast_in_dim3A_0 : vector<16xf32> to vector<1x16xf32>
      tpu.vector_store %arg6[%swap3A_82, %swap3A_83], %swap3A_86 {strides = array<i32>} : memref<128x128xf32, #tpu.memory_space<vmem>>, vector<1x16xf32>,
      %swap3A_87 = arith.index_cast %add3A_57 : i32 to index
      %swap3A_88 = arith.constant 96 : index
      %swap3A_89 = tpu.vector_load %arg6[%swap3A_87, %swap3A_88] {strides = array<i32>} : memref<128x128xf32, #tpu.memory_space<vmem>>, vector<1x16xf32>,
      %swap3A_90 = vector.shape_cast %swap3A_89 : vector<1x16xf32> to vector<16xf32>
      %swap3A_91 = vector.shape_cast %broadcast_in_dim3A_0 : vector<16xf32> to vector<1x16xf32>
      tpu.vector_store %arg6[%swap3A_87, %swap3A_88], %swap3A_91 {strides = array<i32>} : memref<128x128xf32, #tpu.memory_space<vmem>>, vector<1x16xf32>,
      %swap3A_92 = arith.index_cast %add3A_57 : i32 to index
      %swap3A_93 = arith.constant 112 : index
      %swap3A_94 = tpu.vector_load %arg6[%swap3A_92, %swap3A_93] {strides = array<i32>} : memref<128x128xf32, #tpu.memory_space<vmem>>, vector<1x16xf32>,
      %swap3A_95 = vector.shape_cast %swap3A_94 : vector<1x16xf32> to vector<16xf32>
      %swap3A_96 = vector.shape_cast %broadcast_in_dim3A_0 : vector<16xf32> to vector<1x16xf32>
      tpu.vector_store %arg6[%swap3A_92, %swap3A_93], %swap3A_96 {strides = array<i32>} : memref<128x128xf32, #tpu.memory_space<vmem>>, vector<1x16xf32>,
    }
    %scan3A_6 = arith.constant 128 : i32
    %scan3A_7 = arith.constant 0 : i32
    %scan3A_8 = arith.constant 128 : i32
    %scan3A_9 = arith.addi %scan3A_7, %scan3A_8 : i32
    %scan3A_10 = arith.constant 1 : i32
    scf.for %scan3A_53 = %scan3A_7 to %scan3A_9 step %scan3A_10  : i32 {
      %mul3A_54 = arith.constant 1 : i32
      %mul3A_55 = arith.muli %scan3A_53, %mul3A_54 : i32
      %add3A_56 = arith.constant 0 : i32
      %add3A_57 = arith.addi %add3A_56, %mul3A_55 : i32
      %swap3A = arith.index_cast %add3A_57 : i32 to index
      %swap3A_58 = arith.constant 0 : index
      %swap3A_59 = tpu.vector_load %arg5[%swap3A, %swap3A_58] {strides = array<i32>} : memref<128x128xf32, #tpu.memory_space<vmem>>, vector<1x16xf32>,
      %swap3A_60 = vector.shape_cast %swap3A_59 : vector<1x16xf32> to vector<16xf32>
      %swap3A_61 = vector.shape_cast %broadcast_in_dim3A_2 : vector<16xf32> to vector<1x16xf32>
      tpu.vector_store %arg5[%swap3A, %swap3A_58], %swap3A_61 {strides = array<i32>} : memref<128x128xf32, #tpu.memory_space<vmem>>, vector<1x16xf32>,
      %swap3A_62 = arith.index_cast %add3A_57 : i32 to index
      %swap3A_63 = arith.constant 16 : index
      %swap3A_64 = tpu.vector_load %arg5[%swap3A_62, %swap3A_63] {strides = array<i32>} : memref<128x128xf32, #tpu.memory_space<vmem>>, vector<1x16xf32>,
      %swap3A_65 = vector.shape_cast %swap3A_64 : vector<1x16xf32> to vector<16xf32>
      %swap3A_66 = vector.shape_cast %broadcast_in_dim3A_2 : vector<16xf32> to vector<1x16xf32>
      tpu.vector_store %arg5[%swap3A_62, %swap3A_63], %swap3A_66 {strides = array<i32>} : memref<128x128xf32, #tpu.memory_space<vmem>>, vector<1x16xf32>,
      %swap3A_67 = arith.index_cast %add3A_57 : i32 to index
      %swap3A_68 = arith.constant 32 : index
      %swap3A_69 = tpu.vector_load %arg5[%swap3A_67, %swap3A_68] {strides = array<i32>} : memref<128x128xf32, #tpu.memory_space<vmem>>, vector<1x16xf32>,
      %swap3A_70 = vector.shape_cast %swap3A_69 : vector<1x16xf32> to vector<16xf32>
      %swap3A_71 = vector.shape_cast %broadcast_in_dim3A_2 : vector<16xf32> to vector<1x16xf32>
      tpu.vector_store %arg5[%swap3A_67, %swap3A_68], %swap3A_71 {strides = array<i32>} : memref<128x128xf32, #tpu.memory_space<vmem>>, vector<1x16xf32>,
      %swap3A_72 = arith.index_cast %add3A_57 : i32 to index
      %swap3A_73 = arith.constant 48 : index
      %swap3A_74 = tpu.vector_load %arg5[%swap3A_72, %swap3A_73] {strides = array<i32>} : memref<128x128xf32, #tpu.memory_space<vmem>>, vector<1x16xf32>,
      %swap3A_75 = vector.shape_cast %swap3A_74 : vector<1x16xf32> to vector<16xf32>
      %swap3A_76 = vector.shape_cast %broadcast_in_dim3A_2 : vector<16xf32> to vector<1x16xf32>
      tpu.vector_store %arg5[%swap3A_72, %swap3A_73], %swap3A_76 {strides = array<i32>} : memref<128x128xf32, #tpu.memory_space<vmem>>, vector<1x16xf32>,
      %swap3A_77 = arith.index_cast %add3A_57 : i32 to index
      %swap3A_78 = arith.constant 64 : index
      %swap3A_79 = tpu.vector_load %arg5[%swap3A_77, %swap3A_78] {strides = array<i32>} : memref<128x128xf32, #tpu.memory_space<vmem>>, vector<1x16xf32>,
      %swap3A_80 = vector.shape_cast %swap3A_79 : vector<1x16xf32> to vector<16xf32>
      %swap3A_81 = vector.shape_cast %broadcast_in_dim3A_2 : vector<16xf32> to vector<1x16xf32>
      tpu.vector_store %arg5[%swap3A_77, %swap3A_78], %swap3A_81 {strides = array<i32>} : memref<128x128xf32, #tpu.memory_space<vmem>>, vector<1x16xf32>,
      %swap3A_82 = arith.index_cast %add3A_57 : i32 to index
      %swap3A_83 = arith.constant 80 : index
      %swap3A_84 = tpu.vector_load %arg5[%swap3A_82, %swap3A_83] {strides = array<i32>} : memref<128x128xf32, #tpu.memory_space<vmem>>, vector<1x16xf32>,
      %swap3A_85 = vector.shape_cast %swap3A_84 : vector<1x16xf32> to vector<16xf32>
      %swap3A_86 = vector.shape_cast %broadcast_in_dim3A_2 : vector<16xf32> to vector<1x16xf32>
      tpu.vector_store %arg5[%swap3A_82, %swap3A_83], %swap3A_86 {strides = array<i32>} : memref<128x128xf32, #tpu.memory_space<vmem>>, vector<1x16xf32>,
      %swap3A_87 = arith.index_cast %add3A_57 : i32 to index
      %swap3A_88 = arith.constant 96 : index
      %swap3A_89 = tpu.vector_load %arg5[%swap3A_87, %swap3A_88] {strides = array<i32>} : memref<128x128xf32, #tpu.memory_space<vmem>>, vector<1x16xf32>,
      %swap3A_90 = vector.shape_cast %swap3A_89 : vector<1x16xf32> to vector<16xf32>
      %swap3A_91 = vector.shape_cast %broadcast_in_dim3A_2 : vector<16xf32> to vector<1x16xf32>
      tpu.vector_store %arg5[%swap3A_87, %swap3A_88], %swap3A_91 {strides = array<i32>} : memref<128x128xf32, #tpu.memory_space<vmem>>, vector<1x16xf32>,
      %swap3A_92 = arith.index_cast %add3A_57 : i32 to index
      %swap3A_93 = arith.constant 112 : index
      %swap3A_94 = tpu.vector_load %arg5[%swap3A_92, %swap3A_93] {strides = array<i32>} : memref<128x128xf32, #tpu.memory_space<vmem>>, vector<1x16xf32>,
      %swap3A_95 = vector.shape_cast %swap3A_94 : vector<1x16xf32> to vector<16xf32>
      %swap3A_96 = vector.shape_cast %broadcast_in_dim3A_2 : vector<16xf32> to vector<1x16xf32>
      tpu.vector_store %arg5[%swap3A_92, %swap3A_93], %swap3A_96 {strides = array<i32>} : memref<128x128xf32, #tpu.memory_space<vmem>>, vector<1x16xf32>,
    }
    %scan3A_11 = arith.constant 128 : i32
    %mul3A = arith.constant 640 : i32
    %mul3A_12 = arith.muli %arg1, %mul3A : i32
    %add3A = arith.constant 0 : i32
    %add3A_13 = arith.addi %mul3A_12, %add3A : i32
    "tpu.region"() ({
      %run_scoped3A = tpu.sem_alloc : memref<!tpu.dma_semaphore, #tpu.memory_space<semaphore_mem>>
      %dma_start3A = arith.constant 0 : i32
      %dma_start3A_53 = tpu.memref_slice %arg7[%add3A_13, %dma_start3A] : memref<10240x128xf32, #tpu.memory_space<vmem_shared>> -> memref<128x128xf32, #tpu.memory_space<vmem_shared>>
      %dma_start3A_54 = arith.constant 0 : i32
      %dma_start3A_55 = tpu.memref_slice %arg7[%add3A_13, %dma_start3A_54] : memref<10240x128xf32, #tpu.memory_space<vmem_shared>> -> memref<128x128xf32, #tpu.memory_space<vmem_shared>>
      tpu.enqueue_dma source(%arg6 : memref<128x128xf32, #tpu.memory_space<vmem>>) target(%dma_start3A_55 : memref<128x128xf32, #tpu.memory_space<vmem_shared>>) target_semaphore(%run_scoped3A : memref<!tpu.dma_semaphore, #tpu.memory_space<semaphore_mem>>)
      %dma_wait3A = arith.constant 0 : i32
      %dma_wait3A_56 = tpu.memref_slice %arg7[%add3A_13, %dma_wait3A] : memref<10240x128xf32, #tpu.memory_space<vmem_shared>> -> memref<128x128xf32, #tpu.memory_space<vmem_shared>>
      %dma_wait3A_57 = arith.constant 0 : i32
      %dma_wait3A_58 = tpu.memref_slice %arg7[%add3A_13, %dma_wait3A_57] : memref<10240x128xf32, #tpu.memory_space<vmem_shared>> -> memref<128x128xf32, #tpu.memory_space<vmem_shared>>
      tpu.wait_dma2 semaphore(%run_scoped3A : memref<!tpu.dma_semaphore, #tpu.memory_space<semaphore_mem>>) src(%arg6 : memref<128x128xf32, #tpu.memory_space<vmem>>) dst(%dma_wait3A_58 : memref<128x128xf32, #tpu.memory_space<vmem_shared>>)
      tpu.yield
    }) : () -> ()
    %add3A_14 = arith.constant 128 : i32
    %add3A_15 = arith.addi %mul3A_12, %add3A_14 : i32
    "tpu.region"() ({
      %run_scoped3A = tpu.sem_alloc : memref<!tpu.dma_semaphore, #tpu.memory_space<semaphore_mem>>
      %dma_start3A = arith.constant 0 : i32
      %dma_start3A_53 = tpu.memref_slice %arg7[%add3A_15, %dma_start3A] : memref<10240x128xf32, #tpu.memory_space<vmem_shared>> -> memref<128x128xf32, #tpu.memory_space<vmem_shared>>
      %dma_start3A_54 = arith.constant 0 : i32
      %dma_start3A_55 = tpu.memref_slice %arg7[%add3A_15, %dma_start3A_54] : memref<10240x128xf32, #tpu.memory_space<vmem_shared>> -> memref<128x128xf32, #tpu.memory_space<vmem_shared>>
      tpu.enqueue_dma source(%arg6 : memref<128x128xf32, #tpu.memory_space<vmem>>) target(%dma_start3A_55 : memref<128x128xf32, #tpu.memory_space<vmem_shared>>) target_semaphore(%run_scoped3A : memref<!tpu.dma_semaphore, #tpu.memory_space<semaphore_mem>>)
      %dma_wait3A = arith.constant 0 : i32
      %dma_wait3A_56 = tpu.memref_slice %arg7[%add3A_15, %dma_wait3A] : memref<10240x128xf32, #tpu.memory_space<vmem_shared>> -> memref<128x128xf32, #tpu.memory_space<vmem_shared>>
      %dma_wait3A_57 = arith.constant 0 : i32
      %dma_wait3A_58 = tpu.memref_slice %arg7[%add3A_15, %dma_wait3A_57] : memref<10240x128xf32, #tpu.memory_space<vmem_shared>> -> memref<128x128xf32, #tpu.memory_space<vmem_shared>>
      tpu.wait_dma2 semaphore(%run_scoped3A : memref<!tpu.dma_semaphore, #tpu.memory_space<semaphore_mem>>) src(%arg6 : memref<128x128xf32, #tpu.memory_space<vmem>>) dst(%dma_wait3A_58 : memref<128x128xf32, #tpu.memory_space<vmem_shared>>)
      tpu.yield
    }) : () -> ()
    %add3A_16 = arith.constant 256 : i32
    %add3A_17 = arith.addi %mul3A_12, %add3A_16 : i32
    "tpu.region"() ({
      %run_scoped3A = tpu.sem_alloc : memref<!tpu.dma_semaphore, #tpu.memory_space<semaphore_mem>>
      %dma_start3A = arith.constant 0 : i32
      %dma_start3A_53 = tpu.memref_slice %arg7[%add3A_17, %dma_start3A] : memref<10240x128xf32, #tpu.memory_space<vmem_shared>> -> memref<128x128xf32, #tpu.memory_space<vmem_shared>>
      %dma_start3A_54 = arith.constant 0 : i32
      %dma_start3A_55 = tpu.memref_slice %arg7[%add3A_17, %dma_start3A_54] : memref<10240x128xf32, #tpu.memory_space<vmem_shared>> -> memref<128x128xf32, #tpu.memory_space<vmem_shared>>
      tpu.enqueue_dma source(%arg6 : memref<128x128xf32, #tpu.memory_space<vmem>>) target(%dma_start3A_55 : memref<128x128xf32, #tpu.memory_space<vmem_shared>>) target_semaphore(%run_scoped3A : memref<!tpu.dma_semaphore, #tpu.memory_space<semaphore_mem>>)
      %dma_wait3A = arith.constant 0 : i32
      %dma_wait3A_56 = tpu.memref_slice %arg7[%add3A_17, %dma_wait3A] : memref<10240x128xf32, #tpu.memory_space<vmem_shared>> -> memref<128x128xf32, #tpu.memory_space<vmem_shared>>
      %dma_wait3A_57 = arith.constant 0 : i32
      %dma_wait3A_58 = tpu.memref_slice %arg7[%add3A_17, %dma_wait3A_57] : memref<10240x128xf32, #tpu.memory_space<vmem_shared>> -> memref<128x128xf32, #tpu.memory_space<vmem_shared>>
      tpu.wait_dma2 semaphore(%run_scoped3A : memref<!tpu.dma_semaphore, #tpu.memory_space<semaphore_mem>>) src(%arg6 : memref<128x128xf32, #tpu.memory_space<vmem>>) dst(%dma_wait3A_58 : memref<128x128xf32, #tpu.memory_space<vmem_shared>>)
      tpu.yield
    }) : () -> ()
    %add3A_18 = arith.constant 384 : i32
    %add3A_19 = arith.addi %mul3A_12, %add3A_18 : i32
    "tpu.region"() ({
      %run_scoped3A = tpu.sem_alloc : memref<!tpu.dma_semaphore, #tpu.memory_space<semaphore_mem>>
      %dma_start3A = arith.constant 0 : i32
      %dma_start3A_53 = tpu.memref_slice %arg7[%add3A_19, %dma_start3A] : memref<10240x128xf32, #tpu.memory_space<vmem_shared>> -> memref<128x128xf32, #tpu.memory_space<vmem_shared>>
      %dma_start3A_54 = arith.constant 0 : i32
      %dma_start3A_55 = tpu.memref_slice %arg7[%add3A_19, %dma_start3A_54] : memref<10240x128xf32, #tpu.memory_space<vmem_shared>> -> memref<128x128xf32, #tpu.memory_space<vmem_shared>>
      tpu.enqueue_dma source(%arg6 : memref<128x128xf32, #tpu.memory_space<vmem>>) target(%dma_start3A_55 : memref<128x128xf32, #tpu.memory_space<vmem_shared>>) target_semaphore(%run_scoped3A : memref<!tpu.dma_semaphore, #tpu.memory_space<semaphore_mem>>)
      %dma_wait3A = arith.constant 0 : i32
      %dma_wait3A_56 = tpu.memref_slice %arg7[%add3A_19, %dma_wait3A] : memref<10240x128xf32, #tpu.memory_space<vmem_shared>> -> memref<128x128xf32, #tpu.memory_space<vmem_shared>>
      %dma_wait3A_57 = arith.constant 0 : i32
      %dma_wait3A_58 = tpu.memref_slice %arg7[%add3A_19, %dma_wait3A_57] : memref<10240x128xf32, #tpu.memory_space<vmem_shared>> -> memref<128x128xf32, #tpu.memory_space<vmem_shared>>
      tpu.wait_dma2 semaphore(%run_scoped3A : memref<!tpu.dma_semaphore, #tpu.memory_space<semaphore_mem>>) src(%arg6 : memref<128x128xf32, #tpu.memory_space<vmem>>) dst(%dma_wait3A_58 : memref<128x128xf32, #tpu.memory_space<vmem_shared>>)
      tpu.yield
    }) : () -> ()
    %add3A_20 = arith.constant 512 : i32
    %add3A_21 = arith.addi %mul3A_12, %add3A_20 : i32
    "tpu.region"() ({
      %run_scoped3A = tpu.sem_alloc : memref<!tpu.dma_semaphore, #tpu.memory_space<semaphore_mem>>
      %dma_start3A = arith.constant 0 : i32
      %dma_start3A_53 = tpu.memref_slice %arg7[%add3A_21, %dma_start3A] : memref<10240x128xf32, #tpu.memory_space<vmem_shared>> -> memref<128x128xf32, #tpu.memory_space<vmem_shared>>
      %dma_start3A_54 = arith.constant 0 : i32
      %dma_start3A_55 = tpu.memref_slice %arg7[%add3A_21, %dma_start3A_54] : memref<10240x128xf32, #tpu.memory_space<vmem_shared>> -> memref<128x128xf32, #tpu.memory_space<vmem_shared>>
      tpu.enqueue_dma source(%arg6 : memref<128x128xf32, #tpu.memory_space<vmem>>) target(%dma_start3A_55 : memref<128x128xf32, #tpu.memory_space<vmem_shared>>) target_semaphore(%run_scoped3A : memref<!tpu.dma_semaphore, #tpu.memory_space<semaphore_mem>>)
      %dma_wait3A = arith.constant 0 : i32
      %dma_wait3A_56 = tpu.memref_slice %arg7[%add3A_21, %dma_wait3A] : memref<10240x128xf32, #tpu.memory_space<vmem_shared>> -> memref<128x128xf32, #tpu.memory_space<vmem_shared>>
      %dma_wait3A_57 = arith.constant 0 : i32
      %dma_wait3A_58 = tpu.memref_slice %arg7[%add3A_21, %dma_wait3A_57] : memref<10240x128xf32, #tpu.memory_space<vmem_shared>> -> memref<128x128xf32, #tpu.memory_space<vmem_shared>>
      tpu.wait_dma2 semaphore(%run_scoped3A : memref<!tpu.dma_semaphore, #tpu.memory_space<semaphore_mem>>) src(%arg6 : memref<128x128xf32, #tpu.memory_space<vmem>>) dst(%dma_wait3A_58 : memref<128x128xf32, #tpu.memory_space<vmem_shared>>)
      tpu.yield
    }) : () -> ()
    %barrier3A = arith.constant 0 : index
    tpu.barrier barrier_id(%barrier3A)
    %mul3A_22 = arith.constant 327680 : i32
    %mul3A_23 = arith.muli %arg0, %mul3A_22 : i32
    %mul3A_24 = arith.constant 20480 : i32
    %mul3A_25 = arith.muli %arg1, %mul3A_24 : i32
    %add3A_26 = arith.addi %mul3A_23, %mul3A_25 : i32
    %scan3A_27 = arith.constant 0 : i32
    %scan3A_28 = arith.constant 160 : i32
    %scan3A_29 = arith.addi %scan3A_27, %scan3A_28 : i32
    %scan3A_30 = arith.constant 1 : i32
    scf.for %scan3A_53 = %scan3A_27 to %scan3A_29 step %scan3A_30  : i32 {
      %mul3A_54 = arith.constant 1 : i32
      %mul3A_55 = arith.muli %scan3A_53, %mul3A_54 : i32
      %add3A_56 = arith.constant 0 : i32
      %add3A_57 = arith.addi %add3A_56, %mul3A_55 : i32
      %mul3A_58 = arith.constant 128 : i32
      %mul3A_59 = arith.muli %add3A_57, %mul3A_58 : i32
      %add3A_60 = arith.addi %add3A_26, %mul3A_59 : i32
      "tpu.region"() ({
        %run_scoped3A = tpu.sem_alloc : memref<!tpu.dma_semaphore, #tpu.memory_space<semaphore_mem>>
        %dma_start3A = tpu.memref_slice %arg2[%add3A_60] : memref<655360xi32, #tpu.memory_space<hbm>> -> memref<128xi32, #tpu.memory_space<hbm>>
        %dma_start3A_61 = tpu.memref_slice %arg2[%add3A_60] : memref<655360xi32, #tpu.memory_space<hbm>> -> memref<128xi32, #tpu.memory_space<hbm>>
        tpu.enqueue_dma source(%dma_start3A_61 : memref<128xi32, #tpu.memory_space<hbm>>) target(%arg4 : memref<128xi32, #tpu.memory_space<vmem>>) target_semaphore(%run_scoped3A : memref<!tpu.dma_semaphore, #tpu.memory_space<semaphore_mem>>)
        %dma_wait3A = tpu.memref_slice %arg2[%add3A_60] : memref<655360xi32, #tpu.memory_space<hbm>> -> memref<128xi32, #tpu.memory_space<hbm>>
        %dma_wait3A_62 = tpu.memref_slice %arg2[%add3A_60] : memref<655360xi32, #tpu.memory_space<hbm>> -> memref<128xi32, #tpu.memory_space<hbm>>
        tpu.wait_dma2 semaphore(%run_scoped3A : memref<!tpu.dma_semaphore, #tpu.memory_space<semaphore_mem>>) src(%dma_wait3A_62 : memref<128xi32, #tpu.memory_space<hbm>>) dst(%arg4 : memref<128xi32, #tpu.memory_space<vmem>>)
        tpu.yield
      }) : () -> ()
      "tpu.region"() ({
        %run_scoped3A = tpu.sem_alloc : memref<!tpu.dma_semaphore, #tpu.memory_space<semaphore_mem>>
        %dma_start3A = arith.constant 0 : i32
        %dma_start3A_61 = arith.constant 0 : i32
        %dma_start3A_62 = tpu.memref_slice %arg7[%dma_start3A, %dma_start3A_61] : memref<10240x128xf32, #tpu.memory_space<vmem_shared>> -> memref<10240x128xf32, #tpu.memory_space<vmem_shared>>
        tpu.enqueue_indirect_dma source(%arg5 : memref<128x128xf32, #tpu.memory_space<vmem>>) target(%dma_start3A_62 : memref<10240x128xf32, #tpu.memory_space<vmem_shared>>) offsets(%arg4 : memref<128xi32, #tpu.memory_space<vmem>>) semaphore(%run_scoped3A : memref<!tpu.dma_semaphore, #tpu.memory_space<semaphore_mem>>) {add = true}
        %dma_wait3A = arith.constant 0 : i32
        %dma_wait3A_63 = arith.constant 0 : i32
        %dma_wait3A_64 = tpu.memref_slice %arg7[%dma_wait3A, %dma_wait3A_63] : memref<10240x128xf32, #tpu.memory_space<vmem_shared>> -> memref<10240x128xf32, #tpu.memory_space<vmem_shared>>
        tpu.wait_indirect_dma semaphore(%run_scoped3A : memref<!tpu.dma_semaphore, #tpu.memory_space<semaphore_mem>>) src(%arg5 : memref<128x128xf32, #tpu.memory_space<vmem>>) dst(%dma_wait3A_64 : memref<10240x128xf32, #tpu.memory_space<vmem_shared>>)
        tpu.yield
      }) : () -> ()
    }
    %scan3A_31 = arith.constant 160 : i32
    %barrier3A_32 = arith.constant 0 : index
    tpu.barrier barrier_id(%barrier3A_32)
    %add3A_33 = arith.constant 0 : i32
    %add3A_34 = arith.addi %mul3A_12, %add3A_33 : i32
    "tpu.region"() ({
      %run_scoped3A = tpu.sem_alloc : memref<!tpu.dma_semaphore, #tpu.memory_space<semaphore_mem>>
      %dma_start3A = arith.constant 0 : i32
      %dma_start3A_53 = tpu.memref_slice %arg7[%add3A_34, %dma_start3A] : memref<10240x128xf32, #tpu.memory_space<vmem_shared>> -> memref<128x128xf32, #tpu.memory_space<vmem_shared>>
      %dma_start3A_54 = arith.constant 0 : i32
      %dma_start3A_55 = tpu.memref_slice %arg7[%add3A_34, %dma_start3A_54] : memref<10240x128xf32, #tpu.memory_space<vmem_shared>> -> memref<128x128xf32, #tpu.memory_space<vmem_shared>>
      tpu.enqueue_dma source(%dma_start3A_55 : memref<128x128xf32, #tpu.memory_space<vmem_shared>>) target(%arg6 : memref<128x128xf32, #tpu.memory_space<vmem>>) target_semaphore(%run_scoped3A : memref<!tpu.dma_semaphore, #tpu.memory_space<semaphore_mem>>)
      %dma_wait3A = arith.constant 0 : i32
      %dma_wait3A_56 = tpu.memref_slice %arg7[%add3A_34, %dma_wait3A] : memref<10240x128xf32, #tpu.memory_space<vmem_shared>> -> memref<128x128xf32, #tpu.memory_space<vmem_shared>>
      %dma_wait3A_57 = arith.constant 0 : i32
      %dma_wait3A_58 = tpu.memref_slice %arg7[%add3A_34, %dma_wait3A_57] : memref<10240x128xf32, #tpu.memory_space<vmem_shared>> -> memref<128x128xf32, #tpu.memory_space<vmem_shared>>
      tpu.wait_dma2 semaphore(%run_scoped3A : memref<!tpu.dma_semaphore, #tpu.memory_space<semaphore_mem>>) src(%dma_wait3A_58 : memref<128x128xf32, #tpu.memory_space<vmem_shared>>) dst(%arg6 : memref<128x128xf32, #tpu.memory_space<vmem>>)
      tpu.yield
    }) : () -> ()
    %add3A_35 = arith.constant 0 : i32
    %add3A_36 = arith.addi %mul3A_12, %add3A_35 : i32
    "tpu.region"() ({
      %run_scoped3A = tpu.sem_alloc : memref<!tpu.dma_semaphore, #tpu.memory_space<semaphore_mem>>
      %dma_start3A = arith.constant 0 : i32
      %dma_start3A_53 = tpu.memref_slice %arg3[%arg0, %add3A_36, %dma_start3A] : memref<2x10240x128xf32, #tpu.memory_space<hbm>> -> memref<1x128x128xf32, #tpu.memory_space<hbm>>
      %dma_start3A_54 = tpu.memref_squeeze %dma_start3A_53 : memref<1x128x128xf32, #tpu.memory_space<hbm>> -> memref<128x128xf32, #tpu.memory_space<hbm>>
      %dma_start3A_55 = arith.constant 0 : i32
      %dma_start3A_56 = tpu.memref_slice %arg3[%arg0, %add3A_36, %dma_start3A_55] : memref<2x10240x128xf32, #tpu.memory_space<hbm>> -> memref<1x128x128xf32, #tpu.memory_space<hbm>>
      %dma_start3A_57 = tpu.memref_squeeze %dma_start3A_56 : memref<1x128x128xf32, #tpu.memory_space<hbm>> -> memref<128x128xf32, #tpu.memory_space<hbm>>
      tpu.enqueue_dma source(%arg6 : memref<128x128xf32, #tpu.memory_space<vmem>>) target(%dma_start3A_57 : memref<128x128xf32, #tpu.memory_space<hbm>>) target_semaphore(%run_scoped3A : memref<!tpu.dma_semaphore, #tpu.memory_space<semaphore_mem>>)
      %dma_wait3A = arith.constant 0 : i32
      %dma_wait3A_58 = tpu.memref_slice %arg3[%arg0, %add3A_36, %dma_wait3A] : memref<2x10240x128xf32, #tpu.memory_space<hbm>> -> memref<1x128x128xf32, #tpu.memory_space<hbm>>
      %dma_wait3A_59 = tpu.memref_squeeze %dma_wait3A_58 : memref<1x128x128xf32, #tpu.memory_space<hbm>> -> memref<128x128xf32, #tpu.memory_space<hbm>>
      %dma_wait3A_60 = arith.constant 0 : i32
      %dma_wait3A_61 = tpu.memref_slice %arg3[%arg0, %add3A_36, %dma_wait3A_60] : memref<2x10240x128xf32, #tpu.memory_space<hbm>> -> memref<1x128x128xf32, #tpu.memory_space<hbm>>
      %dma_wait3A_62 = tpu.memref_squeeze %dma_wait3A_61 : memref<1x128x128xf32, #tpu.memory_space<hbm>> -> memref<128x128xf32, #tpu.memory_space<hbm>>
      tpu.wait_dma2 semaphore(%run_scoped3A : memref<!tpu.dma_semaphore, #tpu.memory_space<semaphore_mem>>) src(%arg6 : memref<128x128xf32, #tpu.memory_space<vmem>>) dst(%dma_wait3A_62 : memref<128x128xf32, #tpu.memory_space<hbm>>)
      tpu.yield
    }) : () -> ()
    %add3A_37 = arith.constant 128 : i32
    %add3A_38 = arith.addi %mul3A_12, %add3A_37 : i32
    "tpu.region"() ({
      %run_scoped3A = tpu.sem_alloc : memref<!tpu.dma_semaphore, #tpu.memory_space<semaphore_mem>>
      %dma_start3A = arith.constant 0 : i32
      %dma_start3A_53 = tpu.memref_slice %arg7[%add3A_38, %dma_start3A] : memref<10240x128xf32, #tpu.memory_space<vmem_shared>> -> memref<128x128xf32, #tpu.memory_space<vmem_shared>>
      %dma_start3A_54 = arith.constant 0 : i32
      %dma_start3A_55 = tpu.memref_slice %arg7[%add3A_38, %dma_start3A_54] : memref<10240x128xf32, #tpu.memory_space<vmem_shared>> -> memref<128x128xf32, #tpu.memory_space<vmem_shared>>
      tpu.enqueue_dma source(%dma_start3A_55 : memref<128x128xf32, #tpu.memory_space<vmem_shared>>) target(%arg6 : memref<128x128xf32, #tpu.memory_space<vmem>>) target_semaphore(%run_scoped3A : memref<!tpu.dma_semaphore, #tpu.memory_space<semaphore_mem>>)
      %dma_wait3A = arith.constant 0 : i32
      %dma_wait3A_56 = tpu.memref_slice %arg7[%add3A_38, %dma_wait3A] : memref<10240x128xf32, #tpu.memory_space<vmem_shared>> -> memref<128x128xf32, #tpu.memory_space<vmem_shared>>
      %dma_wait3A_57 = arith.constant 0 : i32
      %dma_wait3A_58 = tpu.memref_slice %arg7[%add3A_38, %dma_wait3A_57] : memref<10240x128xf32, #tpu.memory_space<vmem_shared>> -> memref<128x128xf32, #tpu.memory_space<vmem_shared>>
      tpu.wait_dma2 semaphore(%run_scoped3A : memref<!tpu.dma_semaphore, #tpu.memory_space<semaphore_mem>>) src(%dma_wait3A_58 : memref<128x128xf32, #tpu.memory_space<vmem_shared>>) dst(%arg6 : memref<128x128xf32, #tpu.memory_space<vmem>>)
      tpu.yield
    }) : () -> ()
    %add3A_39 = arith.constant 128 : i32
    %add3A_40 = arith.addi %mul3A_12, %add3A_39 : i32
    "tpu.region"() ({
      %run_scoped3A = tpu.sem_alloc : memref<!tpu.dma_semaphore, #tpu.memory_space<semaphore_mem>>
      %dma_start3A = arith.constant 0 : i32
      %dma_start3A_53 = tpu.memref_slice %arg3[%arg0, %add3A_40, %dma_start3A] : memref<2x10240x128xf32, #tpu.memory_space<hbm>> -> memref<1x128x128xf32, #tpu.memory_space<hbm>>
      %dma_start3A_54 = tpu.memref_squeeze %dma_start3A_53 : memref<1x128x128xf32, #tpu.memory_space<hbm>> -> memref<128x128xf32, #tpu.memory_space<hbm>>
      %dma_start3A_55 = arith.constant 0 : i32
      %dma_start3A_56 = tpu.memref_slice %arg3[%arg0, %add3A_40, %dma_start3A_55] : memref<2x10240x128xf32, #tpu.memory_space<hbm>> -> memref<1x128x128xf32, #tpu.memory_space<hbm>>
      %dma_start3A_57 = tpu.memref_squeeze %dma_start3A_56 : memref<1x128x128xf32, #tpu.memory_space<hbm>> -> memref<128x128xf32, #tpu.memory_space<hbm>>
      tpu.enqueue_dma source(%arg6 : memref<128x128xf32, #tpu.memory_space<vmem>>) target(%dma_start3A_57 : memref<128x128xf32, #tpu.memory_space<hbm>>) target_semaphore(%run_scoped3A : memref<!tpu.dma_semaphore, #tpu.memory_space<semaphore_mem>>)
      %dma_wait3A = arith.constant 0 : i32
      %dma_wait3A_58 = tpu.memref_slice %arg3[%arg0, %add3A_40, %dma_wait3A] : memref<2x10240x128xf32, #tpu.memory_space<hbm>> -> memref<1x128x128xf32, #tpu.memory_space<hbm>>
      %dma_wait3A_59 = tpu.memref_squeeze %dma_wait3A_58 : memref<1x128x128xf32, #tpu.memory_space<hbm>> -> memref<128x128xf32, #tpu.memory_space<hbm>>
      %dma_wait3A_60 = arith.constant 0 : i32
      %dma_wait3A_61 = tpu.memref_slice %arg3[%arg0, %add3A_40, %dma_wait3A_60] : memref<2x10240x128xf32, #tpu.memory_space<hbm>> -> memref<1x128x128xf32, #tpu.memory_space<hbm>>
      %dma_wait3A_62 = tpu.memref_squeeze %dma_wait3A_61 : memref<1x128x128xf32, #tpu.memory_space<hbm>> -> memref<128x128xf32, #tpu.memory_space<hbm>>
      tpu.wait_dma2 semaphore(%run_scoped3A : memref<!tpu.dma_semaphore, #tpu.memory_space<semaphore_mem>>) src(%arg6 : memref<128x128xf32, #tpu.memory_space<vmem>>) dst(%dma_wait3A_62 : memref<128x128xf32, #tpu.memory_space<hbm>>)
      tpu.yield
    }) : () -> ()
    %add3A_41 = arith.constant 256 : i32
    %add3A_42 = arith.addi %mul3A_12, %add3A_41 : i32
    "tpu.region"() ({
      %run_scoped3A = tpu.sem_alloc : memref<!tpu.dma_semaphore, #tpu.memory_space<semaphore_mem>>
      %dma_start3A = arith.constant 0 : i32
      %dma_start3A_53 = tpu.memref_slice %arg7[%add3A_42, %dma_start3A] : memref<10240x128xf32, #tpu.memory_space<vmem_shared>> -> memref<128x128xf32, #tpu.memory_space<vmem_shared>>
      %dma_start3A_54 = arith.constant 0 : i32
      %dma_start3A_55 = tpu.memref_slice %arg7[%add3A_42, %dma_start3A_54] : memref<10240x128xf32, #tpu.memory_space<vmem_shared>> -> memref<128x128xf32, #tpu.memory_space<vmem_shared>>
      tpu.enqueue_dma source(%dma_start3A_55 : memref<128x128xf32, #tpu.memory_space<vmem_shared>>) target(%arg6 : memref<128x128xf32, #tpu.memory_space<vmem>>) target_semaphore(%run_scoped3A : memref<!tpu.dma_semaphore, #tpu.memory_space<semaphore_mem>>)
      %dma_wait3A = arith.constant 0 : i32
      %dma_wait3A_56 = tpu.memref_slice %arg7[%add3A_42, %dma_wait3A] : memref<10240x128xf32, #tpu.memory_space<vmem_shared>> -> memref<128x128xf32, #tpu.memory_space<vmem_shared>>
      %dma_wait3A_57 = arith.constant 0 : i32
      %dma_wait3A_58 = tpu.memref_slice %arg7[%add3A_42, %dma_wait3A_57] : memref<10240x128xf32, #tpu.memory_space<vmem_shared>> -> memref<128x128xf32, #tpu.memory_space<vmem_shared>>
      tpu.wait_dma2 semaphore(%run_scoped3A : memref<!tpu.dma_semaphore, #tpu.memory_space<semaphore_mem>>) src(%dma_wait3A_58 : memref<128x128xf32, #tpu.memory_space<vmem_shared>>) dst(%arg6 : memref<128x128xf32, #tpu.memory_space<vmem>>)
      tpu.yield
    }) : () -> ()
    %add3A_43 = arith.constant 256 : i32
    %add3A_44 = arith.addi %mul3A_12, %add3A_43 : i32
    "tpu.region"() ({
      %run_scoped3A = tpu.sem_alloc : memref<!tpu.dma_semaphore, #tpu.memory_space<semaphore_mem>>
      %dma_start3A = arith.constant 0 : i32
      %dma_start3A_53 = tpu.memref_slice %arg3[%arg0, %add3A_44, %dma_start3A] : memref<2x10240x128xf32, #tpu.memory_space<hbm>> -> memref<1x128x128xf32, #tpu.memory_space<hbm>>
      %dma_start3A_54 = tpu.memref_squeeze %dma_start3A_53 : memref<1x128x128xf32, #tpu.memory_space<hbm>> -> memref<128x128xf32, #tpu.memory_space<hbm>>
      %dma_start3A_55 = arith.constant 0 : i32
      %dma_start3A_56 = tpu.memref_slice %arg3[%arg0, %add3A_44, %dma_start3A_55] : memref<2x10240x128xf32, #tpu.memory_space<hbm>> -> memref<1x128x128xf32, #tpu.memory_space<hbm>>
      %dma_start3A_57 = tpu.memref_squeeze %dma_start3A_56 : memref<1x128x128xf32, #tpu.memory_space<hbm>> -> memref<128x128xf32, #tpu.memory_space<hbm>>
      tpu.enqueue_dma source(%arg6 : memref<128x128xf32, #tpu.memory_space<vmem>>) target(%dma_start3A_57 : memref<128x128xf32, #tpu.memory_space<hbm>>) target_semaphore(%run_scoped3A : memref<!tpu.dma_semaphore, #tpu.memory_space<semaphore_mem>>)
      %dma_wait3A = arith.constant 0 : i32
      %dma_wait3A_58 = tpu.memref_slice %arg3[%arg0, %add3A_44, %dma_wait3A] : memref<2x10240x128xf32, #tpu.memory_space<hbm>> -> memref<1x128x128xf32, #tpu.memory_space<hbm>>
      %dma_wait3A_59 = tpu.memref_squeeze %dma_wait3A_58 : memref<1x128x128xf32, #tpu.memory_space<hbm>> -> memref<128x128xf32, #tpu.memory_space<hbm>>
      %dma_wait3A_60 = arith.constant 0 : i32
      %dma_wait3A_61 = tpu.memref_slice %arg3[%arg0, %add3A_44, %dma_wait3A_60] : memref<2x10240x128xf32, #tpu.memory_space<hbm>> -> memref<1x128x128xf32, #tpu.memory_space<hbm>>
      %dma_wait3A_62 = tpu.memref_squeeze %dma_wait3A_61 : memref<1x128x128xf32, #tpu.memory_space<hbm>> -> memref<128x128xf32, #tpu.memory_space<hbm>>
      tpu.wait_dma2 semaphore(%run_scoped3A : memref<!tpu.dma_semaphore, #tpu.memory_space<semaphore_mem>>) src(%arg6 : memref<128x128xf32, #tpu.memory_space<vmem>>) dst(%dma_wait3A_62 : memref<128x128xf32, #tpu.memory_space<hbm>>)
      tpu.yield
    }) : () -> ()
    %add3A_45 = arith.constant 384 : i32
    %add3A_46 = arith.addi %mul3A_12, %add3A_45 : i32
    "tpu.region"() ({
      %run_scoped3A = tpu.sem_alloc : memref<!tpu.dma_semaphore, #tpu.memory_space<semaphore_mem>>
      %dma_start3A = arith.constant 0 : i32
      %dma_start3A_53 = tpu.memref_slice %arg7[%add3A_46, %dma_start3A] : memref<10240x128xf32, #tpu.memory_space<vmem_shared>> -> memref<128x128xf32, #tpu.memory_space<vmem_shared>>
      %dma_start3A_54 = arith.constant 0 : i32
      %dma_start3A_55 = tpu.memref_slice %arg7[%add3A_46, %dma_start3A_54] : memref<10240x128xf32, #tpu.memory_space<vmem_shared>> -> memref<128x128xf32, #tpu.memory_space<vmem_shared>>
      tpu.enqueue_dma source(%dma_start3A_55 : memref<128x128xf32, #tpu.memory_space<vmem_shared>>) target(%arg6 : memref<128x128xf32, #tpu.memory_space<vmem>>) target_semaphore(%run_scoped3A : memref<!tpu.dma_semaphore, #tpu.memory_space<semaphore_mem>>)
      %dma_wait3A = arith.constant 0 : i32
      %dma_wait3A_56 = tpu.memref_slice %arg7[%add3A_46, %dma_wait3A] : memref<10240x128xf32, #tpu.memory_space<vmem_shared>> -> memref<128x128xf32, #tpu.memory_space<vmem_shared>>
      %dma_wait3A_57 = arith.constant 0 : i32
      %dma_wait3A_58 = tpu.memref_slice %arg7[%add3A_46, %dma_wait3A_57] : memref<10240x128xf32, #tpu.memory_space<vmem_shared>> -> memref<128x128xf32, #tpu.memory_space<vmem_shared>>
      tpu.wait_dma2 semaphore(%run_scoped3A : memref<!tpu.dma_semaphore, #tpu.memory_space<semaphore_mem>>) src(%dma_wait3A_58 : memref<128x128xf32, #tpu.memory_space<vmem_shared>>) dst(%arg6 : memref<128x128xf32, #tpu.memory_space<vmem>>)
      tpu.yield
    }) : () -> ()
    %add3A_47 = arith.constant 384 : i32
    %add3A_48 = arith.addi %mul3A_12, %add3A_47 : i32
    "tpu.region"() ({
      %run_scoped3A = tpu.sem_alloc : memref<!tpu.dma_semaphore, #tpu.memory_space<semaphore_mem>>
      %dma_start3A = arith.constant 0 : i32
      %dma_start3A_53 = tpu.memref_slice %arg3[%arg0, %add3A_48, %dma_start3A] : memref<2x10240x128xf32, #tpu.memory_space<hbm>> -> memref<1x128x128xf32, #tpu.memory_space<hbm>>
      %dma_start3A_54 = tpu.memref_squeeze %dma_start3A_53 : memref<1x128x128xf32, #tpu.memory_space<hbm>> -> memref<128x128xf32, #tpu.memory_space<hbm>>
      %dma_start3A_55 = arith.constant 0 : i32
      %dma_start3A_56 = tpu.memref_slice %arg3[%arg0, %add3A_48, %dma_start3A_55] : memref<2x10240x128xf32, #tpu.memory_space<hbm>> -> memref<1x128x128xf32, #tpu.memory_space<hbm>>
      %dma_start3A_57 = tpu.memref_squeeze %dma_start3A_56 : memref<1x128x128xf32, #tpu.memory_space<hbm>> -> memref<128x128xf32, #tpu.memory_space<hbm>>
      tpu.enqueue_dma source(%arg6 : memref<128x128xf32, #tpu.memory_space<vmem>>) target(%dma_start3A_57 : memref<128x128xf32, #tpu.memory_space<hbm>>) target_semaphore(%run_scoped3A : memref<!tpu.dma_semaphore, #tpu.memory_space<semaphore_mem>>)
      %dma_wait3A = arith.constant 0 : i32
      %dma_wait3A_58 = tpu.memref_slice %arg3[%arg0, %add3A_48, %dma_wait3A] : memref<2x10240x128xf32, #tpu.memory_space<hbm>> -> memref<1x128x128xf32, #tpu.memory_space<hbm>>
      %dma_wait3A_59 = tpu.memref_squeeze %dma_wait3A_58 : memref<1x128x128xf32, #tpu.memory_space<hbm>> -> memref<128x128xf32, #tpu.memory_space<hbm>>
      %dma_wait3A_60 = arith.constant 0 : i32
      %dma_wait3A_61 = tpu.memref_slice %arg3[%arg0, %add3A_48, %dma_wait3A_60] : memref<2x10240x128xf32, #tpu.memory_space<hbm>> -> memref<1x128x128xf32, #tpu.memory_space<hbm>>
      %dma_wait3A_62 = tpu.memref_squeeze %dma_wait3A_61 : memref<1x128x128xf32, #tpu.memory_space<hbm>> -> memref<128x128xf32, #tpu.memory_space<hbm>>
      tpu.wait_dma2 semaphore(%run_scoped3A : memref<!tpu.dma_semaphore, #tpu.memory_space<semaphore_mem>>) src(%arg6 : memref<128x128xf32, #tpu.memory_space<vmem>>) dst(%dma_wait3A_62 : memref<128x128xf32, #tpu.memory_space<hbm>>)
      tpu.yield
    }) : () -> ()
    %add3A_49 = arith.constant 512 : i32
    %add3A_50 = arith.addi %mul3A_12, %add3A_49 : i32
    "tpu.region"() ({
      %run_scoped3A = tpu.sem_alloc : memref<!tpu.dma_semaphore, #tpu.memory_space<semaphore_mem>>
      %dma_start3A = arith.constant 0 : i32
      %dma_start3A_53 = tpu.memref_slice %arg7[%add3A_50, %dma_start3A] : memref<10240x128xf32, #tpu.memory_space<vmem_shared>> -> memref<128x128xf32, #tpu.memory_space<vmem_shared>>
      %dma_start3A_54 = arith.constant 0 : i32
      %dma_start3A_55 = tpu.memref_slice %arg7[%add3A_50, %dma_start3A_54] : memref<10240x128xf32, #tpu.memory_space<vmem_shared>> -> memref<128x128xf32, #tpu.memory_space<vmem_shared>>
      tpu.enqueue_dma source(%dma_start3A_55 : memref<128x128xf32, #tpu.memory_space<vmem_shared>>) target(%arg6 : memref<128x128xf32, #tpu.memory_space<vmem>>) target_semaphore(%run_scoped3A : memref<!tpu.dma_semaphore, #tpu.memory_space<semaphore_mem>>)
      %dma_wait3A = arith.constant 0 : i32
      %dma_wait3A_56 = tpu.memref_slice %arg7[%add3A_50, %dma_wait3A] : memref<10240x128xf32, #tpu.memory_space<vmem_shared>> -> memref<128x128xf32, #tpu.memory_space<vmem_shared>>
      %dma_wait3A_57 = arith.constant 0 : i32
      %dma_wait3A_58 = tpu.memref_slice %arg7[%add3A_50, %dma_wait3A_57] : memref<10240x128xf32, #tpu.memory_space<vmem_shared>> -> memref<128x128xf32, #tpu.memory_space<vmem_shared>>
      tpu.wait_dma2 semaphore(%run_scoped3A : memref<!tpu.dma_semaphore, #tpu.memory_space<semaphore_mem>>) src(%dma_wait3A_58 : memref<128x128xf32, #tpu.memory_space<vmem_shared>>) dst(%arg6 : memref<128x128xf32, #tpu.memory_space<vmem>>)
      tpu.yield
    }) : () -> ()
    %add3A_51 = arith.constant 512 : i32
    %add3A_52 = arith.addi %mul3A_12, %add3A_51 : i32
    "tpu.region"() ({
      %run_scoped3A = tpu.sem_alloc : memref<!tpu.dma_semaphore, #tpu.memory_space<semaphore_mem>>
      %dma_start3A = arith.constant 0 : i32
      %dma_start3A_53 = tpu.memref_slice %arg3[%arg0, %add3A_52, %dma_start3A] : memref<2x10240x128xf32, #tpu.memory_space<hbm>> -> memref<1x128x128xf32, #tpu.memory_space<hbm>>
      %dma_start3A_54 = tpu.memref_squeeze %dma_start3A_53 : memref<1x128x128xf32, #tpu.memory_space<hbm>> -> memref<128x128xf32, #tpu.memory_space<hbm>>
      %dma_start3A_55 = arith.constant 0 : i32
      %dma_start3A_56 = tpu.memref_slice %arg3[%arg0, %add3A_52, %dma_start3A_55] : memref<2x10240x128xf32, #tpu.memory_space<hbm>> -> memref<1x128x128xf32, #tpu.memory_space<hbm>>
      %dma_start3A_57 = tpu.memref_squeeze %dma_start3A_56 : memref<1x128x128xf32, #tpu.memory_space<hbm>> -> memref<128x128xf32, #tpu.memory_space<hbm>>
      tpu.enqueue_dma source(%arg6 : memref<128x128xf32, #tpu.memory_space<vmem>>) target(%dma_start3A_57 : memref<128x128xf32, #tpu.memory_space<hbm>>) target_semaphore(%run_scoped3A : memref<!tpu.dma_semaphore, #tpu.memory_space<semaphore_mem>>)
      %dma_wait3A = arith.constant 0 : i32
      %dma_wait3A_58 = tpu.memref_slice %arg3[%arg0, %add3A_52, %dma_wait3A] : memref<2x10240x128xf32, #tpu.memory_space<hbm>> -> memref<1x128x128xf32, #tpu.memory_space<hbm>>
      %dma_wait3A_59 = tpu.memref_squeeze %dma_wait3A_58 : memref<1x128x128xf32, #tpu.memory_space<hbm>> -> memref<128x128xf32, #tpu.memory_space<hbm>>
      %dma_wait3A_60 = arith.constant 0 : i32
      %dma_wait3A_61 = tpu.memref_slice %arg3[%arg0, %add3A_52, %dma_wait3A_60] : memref<2x10240x128xf32, #tpu.memory_space<hbm>> -> memref<1x128x128xf32, #tpu.memory_space<hbm>>
      %dma_wait3A_62 = tpu.memref_squeeze %dma_wait3A_61 : memref<1x128x128xf32, #tpu.memory_space<hbm>> -> memref<128x128xf32, #tpu.memory_space<hbm>>
      tpu.wait_dma2 semaphore(%run_scoped3A : memref<!tpu.dma_semaphore, #tpu.memory_space<semaphore_mem>>) src(%arg6 : memref<128x128xf32, #tpu.memory_space<vmem>>) dst(%dma_wait3A_62 : memref<128x128xf32, #tpu.memory_space<hbm>>)
      tpu.yield
    }) : () -> ()
    return
  }
}

#map = affine_map<(d0, d1) -> (0, 0)>
#map1 = affine_map<(d0, d1) -> (0)>
#map2 = affine_map<(d0, d1) -> (0, 0, 0)>
module attributes {stable_mosaic.version = 14 : i64} {
  func.func @_agg(%arg0: i32, %arg1: i32, %arg2: memref<10240x128xf32, #tpu.memory_space<hbm>>, %arg3: memref<327680xi32, #tpu.memory_space<hbm>>, %arg4: memref<327680xi32, #tpu.memory_space<hbm>>, %arg5: memref<2x10240x128xf32, #tpu.memory_space<hbm>>, %arg6: memref<128xi32, #tpu.memory_space<vmem>>, %arg7: memref<128xi32, #tpu.memory_space<vmem>>, %arg8: memref<128xi32, #tpu.memory_space<vmem>>, %arg9: memref<128xi32, #tpu.memory_space<vmem>>, %arg10: memref<128x128xf32, #tpu.memory_space<vmem>>, %arg11: memref<128x128xf32, #tpu.memory_space<vmem>>, %arg12: memref<10240x128xf32, #tpu.memory_space<vmem_shared>>, %arg13: memref<!tpu.dma_semaphore, #tpu.memory_space<semaphore_mem>>, %arg14: memref<!tpu.dma_semaphore, #tpu.memory_space<semaphore_mem>>) attributes {dimension_semantics = [#tpu.dimension_semantics<core_parallel>, #tpu.dimension_semantics<subcore_parallel>], iteration_bounds = array<i64: 2, 16>, scalar_prefetch = 0 : i64, scratch_operands = 9 : i64, tpu.core_type = #tpu.core_type<sc_vector_subcore>, window_params = [{transform_indices = #map}, {transform_indices = #map1}, {transform_indices = #map1}, {transform_indices = #map2}]} {
    %mul3A = arith.constant 2 : i32
    %mul3A_0 = arith.muli %arg1, %mul3A : i32
    %add3A = arith.addi %mul3A_0, %arg0 : i32
    %broadcast_in_dim3A = arith.constant 0.000000e+00 : f32
    %broadcast_in_dim3A_1 = vector.broadcast %broadcast_in_dim3A : f32 to vector<16xf32>
    %scan3A = arith.constant 0 : i32
    %scan3A_2 = arith.constant 128 : i32
    %scan3A_3 = arith.addi %scan3A, %scan3A_2 : i32
    %scan3A_4 = arith.constant 1 : i32
    scf.for %scan3A_48 = %scan3A to %scan3A_3 step %scan3A_4  : i32 {
      %mul3A_49 = arith.constant 1 : i32
      %mul3A_50 = arith.muli %scan3A_48, %mul3A_49 : i32
      %add3A_51 = arith.constant 0 : i32
      %add3A_52 = arith.addi %add3A_51, %mul3A_50 : i32
      %swap3A = arith.index_cast %add3A_52 : i32 to index
      %swap3A_53 = arith.constant 0 : index
      %swap3A_54 = tpu.vector_load %arg10[%swap3A, %swap3A_53] {strides = array<i32>} : memref<128x128xf32, #tpu.memory_space<vmem>>, vector<1x16xf32>,
      %swap3A_55 = vector.shape_cast %swap3A_54 : vector<1x16xf32> to vector<16xf32>
      %swap3A_56 = vector.shape_cast %broadcast_in_dim3A_1 : vector<16xf32> to vector<1x16xf32>
      tpu.vector_store %arg10[%swap3A, %swap3A_53], %swap3A_56 {strides = array<i32>} : memref<128x128xf32, #tpu.memory_space<vmem>>, vector<1x16xf32>,
      %swap3A_57 = arith.index_cast %add3A_52 : i32 to index
      %swap3A_58 = arith.constant 16 : index
      %swap3A_59 = tpu.vector_load %arg10[%swap3A_57, %swap3A_58] {strides = array<i32>} : memref<128x128xf32, #tpu.memory_space<vmem>>, vector<1x16xf32>,
      %swap3A_60 = vector.shape_cast %swap3A_59 : vector<1x16xf32> to vector<16xf32>
      %swap3A_61 = vector.shape_cast %broadcast_in_dim3A_1 : vector<16xf32> to vector<1x16xf32>
      tpu.vector_store %arg10[%swap3A_57, %swap3A_58], %swap3A_61 {strides = array<i32>} : memref<128x128xf32, #tpu.memory_space<vmem>>, vector<1x16xf32>,
      %swap3A_62 = arith.index_cast %add3A_52 : i32 to index
      %swap3A_63 = arith.constant 32 : index
      %swap3A_64 = tpu.vector_load %arg10[%swap3A_62, %swap3A_63] {strides = array<i32>} : memref<128x128xf32, #tpu.memory_space<vmem>>, vector<1x16xf32>,
      %swap3A_65 = vector.shape_cast %swap3A_64 : vector<1x16xf32> to vector<16xf32>
      %swap3A_66 = vector.shape_cast %broadcast_in_dim3A_1 : vector<16xf32> to vector<1x16xf32>
      tpu.vector_store %arg10[%swap3A_62, %swap3A_63], %swap3A_66 {strides = array<i32>} : memref<128x128xf32, #tpu.memory_space<vmem>>, vector<1x16xf32>,
      %swap3A_67 = arith.index_cast %add3A_52 : i32 to index
      %swap3A_68 = arith.constant 48 : index
      %swap3A_69 = tpu.vector_load %arg10[%swap3A_67, %swap3A_68] {strides = array<i32>} : memref<128x128xf32, #tpu.memory_space<vmem>>, vector<1x16xf32>,
      %swap3A_70 = vector.shape_cast %swap3A_69 : vector<1x16xf32> to vector<16xf32>
      %swap3A_71 = vector.shape_cast %broadcast_in_dim3A_1 : vector<16xf32> to vector<1x16xf32>
      tpu.vector_store %arg10[%swap3A_67, %swap3A_68], %swap3A_71 {strides = array<i32>} : memref<128x128xf32, #tpu.memory_space<vmem>>, vector<1x16xf32>,
      %swap3A_72 = arith.index_cast %add3A_52 : i32 to index
      %swap3A_73 = arith.constant 64 : index
      %swap3A_74 = tpu.vector_load %arg10[%swap3A_72, %swap3A_73] {strides = array<i32>} : memref<128x128xf32, #tpu.memory_space<vmem>>, vector<1x16xf32>,
      %swap3A_75 = vector.shape_cast %swap3A_74 : vector<1x16xf32> to vector<16xf32>
      %swap3A_76 = vector.shape_cast %broadcast_in_dim3A_1 : vector<16xf32> to vector<1x16xf32>
      tpu.vector_store %arg10[%swap3A_72, %swap3A_73], %swap3A_76 {strides = array<i32>} : memref<128x128xf32, #tpu.memory_space<vmem>>, vector<1x16xf32>,
      %swap3A_77 = arith.index_cast %add3A_52 : i32 to index
      %swap3A_78 = arith.constant 80 : index
      %swap3A_79 = tpu.vector_load %arg10[%swap3A_77, %swap3A_78] {strides = array<i32>} : memref<128x128xf32, #tpu.memory_space<vmem>>, vector<1x16xf32>,
      %swap3A_80 = vector.shape_cast %swap3A_79 : vector<1x16xf32> to vector<16xf32>
      %swap3A_81 = vector.shape_cast %broadcast_in_dim3A_1 : vector<16xf32> to vector<1x16xf32>
      tpu.vector_store %arg10[%swap3A_77, %swap3A_78], %swap3A_81 {strides = array<i32>} : memref<128x128xf32, #tpu.memory_space<vmem>>, vector<1x16xf32>,
      %swap3A_82 = arith.index_cast %add3A_52 : i32 to index
      %swap3A_83 = arith.constant 96 : index
      %swap3A_84 = tpu.vector_load %arg10[%swap3A_82, %swap3A_83] {strides = array<i32>} : memref<128x128xf32, #tpu.memory_space<vmem>>, vector<1x16xf32>,
      %swap3A_85 = vector.shape_cast %swap3A_84 : vector<1x16xf32> to vector<16xf32>
      %swap3A_86 = vector.shape_cast %broadcast_in_dim3A_1 : vector<16xf32> to vector<1x16xf32>
      tpu.vector_store %arg10[%swap3A_82, %swap3A_83], %swap3A_86 {strides = array<i32>} : memref<128x128xf32, #tpu.memory_space<vmem>>, vector<1x16xf32>,
      %swap3A_87 = arith.index_cast %add3A_52 : i32 to index
      %swap3A_88 = arith.constant 112 : index
      %swap3A_89 = tpu.vector_load %arg10[%swap3A_87, %swap3A_88] {strides = array<i32>} : memref<128x128xf32, #tpu.memory_space<vmem>>, vector<1x16xf32>,
      %swap3A_90 = vector.shape_cast %swap3A_89 : vector<1x16xf32> to vector<16xf32>
      %swap3A_91 = vector.shape_cast %broadcast_in_dim3A_1 : vector<16xf32> to vector<1x16xf32>
      tpu.vector_store %arg10[%swap3A_87, %swap3A_88], %swap3A_91 {strides = array<i32>} : memref<128x128xf32, #tpu.memory_space<vmem>>, vector<1x16xf32>,
    }
    %scan3A_5 = arith.constant 128 : i32
    %mul3A_6 = arith.constant 640 : i32
    %mul3A_7 = arith.muli %arg1, %mul3A_6 : i32
    %add3A_8 = arith.constant 0 : i32
    %add3A_9 = arith.addi %mul3A_7, %add3A_8 : i32
    "tpu.region"() ({
      %run_scoped3A = tpu.sem_alloc : memref<!tpu.dma_semaphore, #tpu.memory_space<semaphore_mem>>
      %dma_start3A_48 = arith.constant 0 : i32
      %dma_start3A_49 = tpu.memref_slice %arg12[%add3A_9, %dma_start3A_48] : memref<10240x128xf32, #tpu.memory_space<vmem_shared>> -> memref<128x128xf32, #tpu.memory_space<vmem_shared>>
      %dma_start3A_50 = arith.constant 0 : i32
      %dma_start3A_51 = tpu.memref_slice %arg12[%add3A_9, %dma_start3A_50] : memref<10240x128xf32, #tpu.memory_space<vmem_shared>> -> memref<128x128xf32, #tpu.memory_space<vmem_shared>>
      tpu.enqueue_dma source(%arg10 : memref<128x128xf32, #tpu.memory_space<vmem>>) target(%dma_start3A_51 : memref<128x128xf32, #tpu.memory_space<vmem_shared>>) target_semaphore(%run_scoped3A : memref<!tpu.dma_semaphore, #tpu.memory_space<semaphore_mem>>)
      %dma_wait3A = arith.constant 0 : i32
      %dma_wait3A_52 = tpu.memref_slice %arg12[%add3A_9, %dma_wait3A] : memref<10240x128xf32, #tpu.memory_space<vmem_shared>> -> memref<128x128xf32, #tpu.memory_space<vmem_shared>>
      %dma_wait3A_53 = arith.constant 0 : i32
      %dma_wait3A_54 = tpu.memref_slice %arg12[%add3A_9, %dma_wait3A_53] : memref<10240x128xf32, #tpu.memory_space<vmem_shared>> -> memref<128x128xf32, #tpu.memory_space<vmem_shared>>
      tpu.wait_dma2 semaphore(%run_scoped3A : memref<!tpu.dma_semaphore, #tpu.memory_space<semaphore_mem>>) src(%arg10 : memref<128x128xf32, #tpu.memory_space<vmem>>) dst(%dma_wait3A_54 : memref<128x128xf32, #tpu.memory_space<vmem_shared>>)
      tpu.yield
    }) : () -> ()
    %add3A_10 = arith.constant 128 : i32
    %add3A_11 = arith.addi %mul3A_7, %add3A_10 : i32
    "tpu.region"() ({
      %run_scoped3A = tpu.sem_alloc : memref<!tpu.dma_semaphore, #tpu.memory_space<semaphore_mem>>
      %dma_start3A_48 = arith.constant 0 : i32
      %dma_start3A_49 = tpu.memref_slice %arg12[%add3A_11, %dma_start3A_48] : memref<10240x128xf32, #tpu.memory_space<vmem_shared>> -> memref<128x128xf32, #tpu.memory_space<vmem_shared>>
      %dma_start3A_50 = arith.constant 0 : i32
      %dma_start3A_51 = tpu.memref_slice %arg12[%add3A_11, %dma_start3A_50] : memref<10240x128xf32, #tpu.memory_space<vmem_shared>> -> memref<128x128xf32, #tpu.memory_space<vmem_shared>>
      tpu.enqueue_dma source(%arg10 : memref<128x128xf32, #tpu.memory_space<vmem>>) target(%dma_start3A_51 : memref<128x128xf32, #tpu.memory_space<vmem_shared>>) target_semaphore(%run_scoped3A : memref<!tpu.dma_semaphore, #tpu.memory_space<semaphore_mem>>)
      %dma_wait3A = arith.constant 0 : i32
      %dma_wait3A_52 = tpu.memref_slice %arg12[%add3A_11, %dma_wait3A] : memref<10240x128xf32, #tpu.memory_space<vmem_shared>> -> memref<128x128xf32, #tpu.memory_space<vmem_shared>>
      %dma_wait3A_53 = arith.constant 0 : i32
      %dma_wait3A_54 = tpu.memref_slice %arg12[%add3A_11, %dma_wait3A_53] : memref<10240x128xf32, #tpu.memory_space<vmem_shared>> -> memref<128x128xf32, #tpu.memory_space<vmem_shared>>
      tpu.wait_dma2 semaphore(%run_scoped3A : memref<!tpu.dma_semaphore, #tpu.memory_space<semaphore_mem>>) src(%arg10 : memref<128x128xf32, #tpu.memory_space<vmem>>) dst(%dma_wait3A_54 : memref<128x128xf32, #tpu.memory_space<vmem_shared>>)
      tpu.yield
    }) : () -> ()
    %add3A_12 = arith.constant 256 : i32
    %add3A_13 = arith.addi %mul3A_7, %add3A_12 : i32
    "tpu.region"() ({
      %run_scoped3A = tpu.sem_alloc : memref<!tpu.dma_semaphore, #tpu.memory_space<semaphore_mem>>
      %dma_start3A_48 = arith.constant 0 : i32
      %dma_start3A_49 = tpu.memref_slice %arg12[%add3A_13, %dma_start3A_48] : memref<10240x128xf32, #tpu.memory_space<vmem_shared>> -> memref<128x128xf32, #tpu.memory_space<vmem_shared>>
      %dma_start3A_50 = arith.constant 0 : i32
      %dma_start3A_51 = tpu.memref_slice %arg12[%add3A_13, %dma_start3A_50] : memref<10240x128xf32, #tpu.memory_space<vmem_shared>> -> memref<128x128xf32, #tpu.memory_space<vmem_shared>>
      tpu.enqueue_dma source(%arg10 : memref<128x128xf32, #tpu.memory_space<vmem>>) target(%dma_start3A_51 : memref<128x128xf32, #tpu.memory_space<vmem_shared>>) target_semaphore(%run_scoped3A : memref<!tpu.dma_semaphore, #tpu.memory_space<semaphore_mem>>)
      %dma_wait3A = arith.constant 0 : i32
      %dma_wait3A_52 = tpu.memref_slice %arg12[%add3A_13, %dma_wait3A] : memref<10240x128xf32, #tpu.memory_space<vmem_shared>> -> memref<128x128xf32, #tpu.memory_space<vmem_shared>>
      %dma_wait3A_53 = arith.constant 0 : i32
      %dma_wait3A_54 = tpu.memref_slice %arg12[%add3A_13, %dma_wait3A_53] : memref<10240x128xf32, #tpu.memory_space<vmem_shared>> -> memref<128x128xf32, #tpu.memory_space<vmem_shared>>
      tpu.wait_dma2 semaphore(%run_scoped3A : memref<!tpu.dma_semaphore, #tpu.memory_space<semaphore_mem>>) src(%arg10 : memref<128x128xf32, #tpu.memory_space<vmem>>) dst(%dma_wait3A_54 : memref<128x128xf32, #tpu.memory_space<vmem_shared>>)
      tpu.yield
    }) : () -> ()
    %add3A_14 = arith.constant 384 : i32
    %add3A_15 = arith.addi %mul3A_7, %add3A_14 : i32
    "tpu.region"() ({
      %run_scoped3A = tpu.sem_alloc : memref<!tpu.dma_semaphore, #tpu.memory_space<semaphore_mem>>
      %dma_start3A_48 = arith.constant 0 : i32
      %dma_start3A_49 = tpu.memref_slice %arg12[%add3A_15, %dma_start3A_48] : memref<10240x128xf32, #tpu.memory_space<vmem_shared>> -> memref<128x128xf32, #tpu.memory_space<vmem_shared>>
      %dma_start3A_50 = arith.constant 0 : i32
      %dma_start3A_51 = tpu.memref_slice %arg12[%add3A_15, %dma_start3A_50] : memref<10240x128xf32, #tpu.memory_space<vmem_shared>> -> memref<128x128xf32, #tpu.memory_space<vmem_shared>>
      tpu.enqueue_dma source(%arg10 : memref<128x128xf32, #tpu.memory_space<vmem>>) target(%dma_start3A_51 : memref<128x128xf32, #tpu.memory_space<vmem_shared>>) target_semaphore(%run_scoped3A : memref<!tpu.dma_semaphore, #tpu.memory_space<semaphore_mem>>)
      %dma_wait3A = arith.constant 0 : i32
      %dma_wait3A_52 = tpu.memref_slice %arg12[%add3A_15, %dma_wait3A] : memref<10240x128xf32, #tpu.memory_space<vmem_shared>> -> memref<128x128xf32, #tpu.memory_space<vmem_shared>>
      %dma_wait3A_53 = arith.constant 0 : i32
      %dma_wait3A_54 = tpu.memref_slice %arg12[%add3A_15, %dma_wait3A_53] : memref<10240x128xf32, #tpu.memory_space<vmem_shared>> -> memref<128x128xf32, #tpu.memory_space<vmem_shared>>
      tpu.wait_dma2 semaphore(%run_scoped3A : memref<!tpu.dma_semaphore, #tpu.memory_space<semaphore_mem>>) src(%arg10 : memref<128x128xf32, #tpu.memory_space<vmem>>) dst(%dma_wait3A_54 : memref<128x128xf32, #tpu.memory_space<vmem_shared>>)
      tpu.yield
    }) : () -> ()
    %add3A_16 = arith.constant 512 : i32
    %add3A_17 = arith.addi %mul3A_7, %add3A_16 : i32
    "tpu.region"() ({
      %run_scoped3A = tpu.sem_alloc : memref<!tpu.dma_semaphore, #tpu.memory_space<semaphore_mem>>
      %dma_start3A_48 = arith.constant 0 : i32
      %dma_start3A_49 = tpu.memref_slice %arg12[%add3A_17, %dma_start3A_48] : memref<10240x128xf32, #tpu.memory_space<vmem_shared>> -> memref<128x128xf32, #tpu.memory_space<vmem_shared>>
      %dma_start3A_50 = arith.constant 0 : i32
      %dma_start3A_51 = tpu.memref_slice %arg12[%add3A_17, %dma_start3A_50] : memref<10240x128xf32, #tpu.memory_space<vmem_shared>> -> memref<128x128xf32, #tpu.memory_space<vmem_shared>>
      tpu.enqueue_dma source(%arg10 : memref<128x128xf32, #tpu.memory_space<vmem>>) target(%dma_start3A_51 : memref<128x128xf32, #tpu.memory_space<vmem_shared>>) target_semaphore(%run_scoped3A : memref<!tpu.dma_semaphore, #tpu.memory_space<semaphore_mem>>)
      %dma_wait3A = arith.constant 0 : i32
      %dma_wait3A_52 = tpu.memref_slice %arg12[%add3A_17, %dma_wait3A] : memref<10240x128xf32, #tpu.memory_space<vmem_shared>> -> memref<128x128xf32, #tpu.memory_space<vmem_shared>>
      %dma_wait3A_53 = arith.constant 0 : i32
      %dma_wait3A_54 = tpu.memref_slice %arg12[%add3A_17, %dma_wait3A_53] : memref<10240x128xf32, #tpu.memory_space<vmem_shared>> -> memref<128x128xf32, #tpu.memory_space<vmem_shared>>
      tpu.wait_dma2 semaphore(%run_scoped3A : memref<!tpu.dma_semaphore, #tpu.memory_space<semaphore_mem>>) src(%arg10 : memref<128x128xf32, #tpu.memory_space<vmem>>) dst(%dma_wait3A_54 : memref<128x128xf32, #tpu.memory_space<vmem_shared>>)
      tpu.yield
    }) : () -> ()
    %barrier3A = arith.constant 0 : index
    tpu.barrier barrier_id(%barrier3A)
    %mul3A_18 = arith.constant 10240 : i32
    %mul3A_19 = arith.muli %add3A, %mul3A_18 : i32
    "tpu.region"() ({
      %run_scoped3A = tpu.sem_alloc : memref<!tpu.dma_semaphore, #tpu.memory_space<semaphore_mem>>
      %dma_start3A_48 = tpu.memref_slice %arg3[%mul3A_19] : memref<327680xi32, #tpu.memory_space<hbm>> -> memref<128xi32, #tpu.memory_space<hbm>>
      %dma_start3A_49 = tpu.memref_slice %arg3[%mul3A_19] : memref<327680xi32, #tpu.memory_space<hbm>> -> memref<128xi32, #tpu.memory_space<hbm>>
      tpu.enqueue_dma source(%dma_start3A_49 : memref<128xi32, #tpu.memory_space<hbm>>) target(%arg6 : memref<128xi32, #tpu.memory_space<vmem>>) target_semaphore(%run_scoped3A : memref<!tpu.dma_semaphore, #tpu.memory_space<semaphore_mem>>)
      %dma_wait3A = tpu.memref_slice %arg3[%mul3A_19] : memref<327680xi32, #tpu.memory_space<hbm>> -> memref<128xi32, #tpu.memory_space<hbm>>
      %dma_wait3A_50 = tpu.memref_slice %arg3[%mul3A_19] : memref<327680xi32, #tpu.memory_space<hbm>> -> memref<128xi32, #tpu.memory_space<hbm>>
      tpu.wait_dma2 semaphore(%run_scoped3A : memref<!tpu.dma_semaphore, #tpu.memory_space<semaphore_mem>>) src(%dma_wait3A_50 : memref<128xi32, #tpu.memory_space<hbm>>) dst(%arg6 : memref<128xi32, #tpu.memory_space<vmem>>)
      tpu.yield
    }) : () -> ()
    "tpu.region"() ({
      %run_scoped3A = tpu.sem_alloc : memref<!tpu.dma_semaphore, #tpu.memory_space<semaphore_mem>>
      %dma_start3A_48 = tpu.memref_slice %arg4[%mul3A_19] : memref<327680xi32, #tpu.memory_space<hbm>> -> memref<128xi32, #tpu.memory_space<hbm>>
      %dma_start3A_49 = tpu.memref_slice %arg4[%mul3A_19] : memref<327680xi32, #tpu.memory_space<hbm>> -> memref<128xi32, #tpu.memory_space<hbm>>
      tpu.enqueue_dma source(%dma_start3A_49 : memref<128xi32, #tpu.memory_space<hbm>>) target(%arg7 : memref<128xi32, #tpu.memory_space<vmem>>) target_semaphore(%run_scoped3A : memref<!tpu.dma_semaphore, #tpu.memory_space<semaphore_mem>>)
      %dma_wait3A = tpu.memref_slice %arg4[%mul3A_19] : memref<327680xi32, #tpu.memory_space<hbm>> -> memref<128xi32, #tpu.memory_space<hbm>>
      %dma_wait3A_50 = tpu.memref_slice %arg4[%mul3A_19] : memref<327680xi32, #tpu.memory_space<hbm>> -> memref<128xi32, #tpu.memory_space<hbm>>
      tpu.wait_dma2 semaphore(%run_scoped3A : memref<!tpu.dma_semaphore, #tpu.memory_space<semaphore_mem>>) src(%dma_wait3A_50 : memref<128xi32, #tpu.memory_space<hbm>>) dst(%arg7 : memref<128xi32, #tpu.memory_space<vmem>>)
      tpu.yield
    }) : () -> ()
    %dma_start3A = arith.constant 0 : i32
    %dma_start3A_20 = arith.constant 0 : i32
    %dma_start3A_21 = tpu.memref_slice %arg2[%dma_start3A, %dma_start3A_20] : memref<10240x128xf32, #tpu.memory_space<hbm>> -> memref<10240x128xf32, #tpu.memory_space<hbm>>
    tpu.enqueue_indirect_dma source(%dma_start3A_21 : memref<10240x128xf32, #tpu.memory_space<hbm>>) target(%arg10 : memref<128x128xf32, #tpu.memory_space<vmem>>) offsets(%arg6 : memref<128xi32, #tpu.memory_space<vmem>>) semaphore(%arg13 : memref<!tpu.dma_semaphore, #tpu.memory_space<semaphore_mem>>)
    %scan3A_22 = arith.constant 0 : i32
    %scan3A_23 = arith.constant 40 : i32
    %scan3A_24 = arith.addi %scan3A_22, %scan3A_23 : i32
    %scan3A_25 = arith.constant 1 : i32
    scf.for %scan3A_48 = %scan3A_22 to %scan3A_24 step %scan3A_25  : i32 {
      %mul3A_49 = arith.constant 1 : i32
      %mul3A_50 = arith.muli %scan3A_48, %mul3A_49 : i32
      %add3A_51 = arith.constant 0 : i32
      %add3A_52 = arith.addi %add3A_51, %mul3A_50 : i32
      %mul3A_53 = arith.constant 2 : i32
      %mul3A_54 = arith.muli %add3A_52, %mul3A_53 : i32
      %add3A_55 = arith.constant 1 : i32
      %add3A_56 = arith.addi %mul3A_54, %add3A_55 : i32
      %mul3A_57 = arith.constant 128 : i32
      %mul3A_58 = arith.muli %add3A_56, %mul3A_57 : i32
      %add3A_59 = arith.addi %mul3A_19, %mul3A_58 : i32
      "tpu.region"() ({
        %run_scoped3A = tpu.sem_alloc : memref<!tpu.dma_semaphore, #tpu.memory_space<semaphore_mem>>
        %dma_start3A_75 = tpu.memref_slice %arg3[%add3A_59] : memref<327680xi32, #tpu.memory_space<hbm>> -> memref<128xi32, #tpu.memory_space<hbm>>
        %dma_start3A_76 = tpu.memref_slice %arg3[%add3A_59] : memref<327680xi32, #tpu.memory_space<hbm>> -> memref<128xi32, #tpu.memory_space<hbm>>
        tpu.enqueue_dma source(%dma_start3A_76 : memref<128xi32, #tpu.memory_space<hbm>>) target(%arg8 : memref<128xi32, #tpu.memory_space<vmem>>) target_semaphore(%run_scoped3A : memref<!tpu.dma_semaphore, #tpu.memory_space<semaphore_mem>>)
        %dma_wait3A_77 = tpu.memref_slice %arg3[%add3A_59] : memref<327680xi32, #tpu.memory_space<hbm>> -> memref<128xi32, #tpu.memory_space<hbm>>
        %dma_wait3A_78 = tpu.memref_slice %arg3[%add3A_59] : memref<327680xi32, #tpu.memory_space<hbm>> -> memref<128xi32, #tpu.memory_space<hbm>>
        tpu.wait_dma2 semaphore(%run_scoped3A : memref<!tpu.dma_semaphore, #tpu.memory_space<semaphore_mem>>) src(%dma_wait3A_78 : memref<128xi32, #tpu.memory_space<hbm>>) dst(%arg8 : memref<128xi32, #tpu.memory_space<vmem>>)
        tpu.yield
      }) : () -> ()
      "tpu.region"() ({
        %run_scoped3A = tpu.sem_alloc : memref<!tpu.dma_semaphore, #tpu.memory_space<semaphore_mem>>
        %dma_start3A_75 = tpu.memref_slice %arg4[%add3A_59] : memref<327680xi32, #tpu.memory_space<hbm>> -> memref<128xi32, #tpu.memory_space<hbm>>
        %dma_start3A_76 = tpu.memref_slice %arg4[%add3A_59] : memref<327680xi32, #tpu.memory_space<hbm>> -> memref<128xi32, #tpu.memory_space<hbm>>
        tpu.enqueue_dma source(%dma_start3A_76 : memref<128xi32, #tpu.memory_space<hbm>>) target(%arg9 : memref<128xi32, #tpu.memory_space<vmem>>) target_semaphore(%run_scoped3A : memref<!tpu.dma_semaphore, #tpu.memory_space<semaphore_mem>>)
        %dma_wait3A_77 = tpu.memref_slice %arg4[%add3A_59] : memref<327680xi32, #tpu.memory_space<hbm>> -> memref<128xi32, #tpu.memory_space<hbm>>
        %dma_wait3A_78 = tpu.memref_slice %arg4[%add3A_59] : memref<327680xi32, #tpu.memory_space<hbm>> -> memref<128xi32, #tpu.memory_space<hbm>>
        tpu.wait_dma2 semaphore(%run_scoped3A : memref<!tpu.dma_semaphore, #tpu.memory_space<semaphore_mem>>) src(%dma_wait3A_78 : memref<128xi32, #tpu.memory_space<hbm>>) dst(%arg9 : memref<128xi32, #tpu.memory_space<vmem>>)
        tpu.yield
      }) : () -> ()
      %dma_wait3A = arith.constant 0 : i32
      %dma_wait3A_60 = arith.constant 0 : i32
      %dma_wait3A_61 = tpu.memref_slice %arg2[%dma_wait3A, %dma_wait3A_60] : memref<10240x128xf32, #tpu.memory_space<hbm>> -> memref<10240x128xf32, #tpu.memory_space<hbm>>
      tpu.wait_indirect_dma semaphore(%arg13 : memref<!tpu.dma_semaphore, #tpu.memory_space<semaphore_mem>>) src(%dma_wait3A_61 : memref<10240x128xf32, #tpu.memory_space<hbm>>) dst(%arg10 : memref<128x128xf32, #tpu.memory_space<vmem>>)
      %dma_start3A_62 = arith.constant 0 : i32
      %dma_start3A_63 = arith.constant 0 : i32
      %dma_start3A_64 = tpu.memref_slice %arg2[%dma_start3A_62, %dma_start3A_63] : memref<10240x128xf32, #tpu.memory_space<hbm>> -> memref<10240x128xf32, #tpu.memory_space<hbm>>
      tpu.enqueue_indirect_dma source(%dma_start3A_64 : memref<10240x128xf32, #tpu.memory_space<hbm>>) target(%arg11 : memref<128x128xf32, #tpu.memory_space<vmem>>) offsets(%arg8 : memref<128xi32, #tpu.memory_space<vmem>>) semaphore(%arg14 : memref<!tpu.dma_semaphore, #tpu.memory_space<semaphore_mem>>)
      "tpu.region"() ({
        %run_scoped3A = tpu.sem_alloc : memref<!tpu.dma_semaphore, #tpu.memory_space<semaphore_mem>>
        %dma_start3A_75 = arith.constant 0 : i32
        %dma_start3A_76 = arith.constant 0 : i32
        %dma_start3A_77 = tpu.memref_slice %arg12[%dma_start3A_75, %dma_start3A_76] : memref<10240x128xf32, #tpu.memory_space<vmem_shared>> -> memref<10240x128xf32, #tpu.memory_space<vmem_shared>>
        tpu.enqueue_indirect_dma source(%arg10 : memref<128x128xf32, #tpu.memory_space<vmem>>) target(%dma_start3A_77 : memref<10240x128xf32, #tpu.memory_space<vmem_shared>>) offsets(%arg7 : memref<128xi32, #tpu.memory_space<vmem>>) semaphore(%run_scoped3A : memref<!tpu.dma_semaphore, #tpu.memory_space<semaphore_mem>>) {add = true}
        %dma_wait3A_78 = arith.constant 0 : i32
        %dma_wait3A_79 = arith.constant 0 : i32
        %dma_wait3A_80 = tpu.memref_slice %arg12[%dma_wait3A_78, %dma_wait3A_79] : memref<10240x128xf32, #tpu.memory_space<vmem_shared>> -> memref<10240x128xf32, #tpu.memory_space<vmem_shared>>
        tpu.wait_indirect_dma semaphore(%run_scoped3A : memref<!tpu.dma_semaphore, #tpu.memory_space<semaphore_mem>>) src(%arg10 : memref<128x128xf32, #tpu.memory_space<vmem>>) dst(%dma_wait3A_80 : memref<10240x128xf32, #tpu.memory_space<vmem_shared>>)
        tpu.yield
      }) : () -> ()
      %lt3A = arith.constant 39 : i32
      %lt3A_65 = arith.cmpi slt, %add3A_52, %lt3A : i32
      %convert_element_type3A = arith.extui %lt3A_65 : i1 to i32
      %cond3A = arith.constant 0 : i32
      %cond3A_66 = arith.cmpi ne, %convert_element_type3A, %cond3A : i32
      scf.if %cond3A_66 {
        %add3A_75 = arith.constant 2 : i32
        %add3A_76 = arith.addi %mul3A_54, %add3A_75 : i32
        %mul3A_77 = arith.constant 128 : i32
        %mul3A_78 = arith.muli %add3A_76, %mul3A_77 : i32
        %add3A_79 = arith.addi %mul3A_19, %mul3A_78 : i32
        "tpu.region"() ({
          %run_scoped3A = tpu.sem_alloc : memref<!tpu.dma_semaphore, #tpu.memory_space<semaphore_mem>>
          %dma_start3A_80 = tpu.memref_slice %arg3[%add3A_79] : memref<327680xi32, #tpu.memory_space<hbm>> -> memref<128xi32, #tpu.memory_space<hbm>>
          %dma_start3A_81 = tpu.memref_slice %arg3[%add3A_79] : memref<327680xi32, #tpu.memory_space<hbm>> -> memref<128xi32, #tpu.memory_space<hbm>>
          tpu.enqueue_dma source(%dma_start3A_81 : memref<128xi32, #tpu.memory_space<hbm>>) target(%arg6 : memref<128xi32, #tpu.memory_space<vmem>>) target_semaphore(%run_scoped3A : memref<!tpu.dma_semaphore, #tpu.memory_space<semaphore_mem>>)
          %dma_wait3A_82 = tpu.memref_slice %arg3[%add3A_79] : memref<327680xi32, #tpu.memory_space<hbm>> -> memref<128xi32, #tpu.memory_space<hbm>>
          %dma_wait3A_83 = tpu.memref_slice %arg3[%add3A_79] : memref<327680xi32, #tpu.memory_space<hbm>> -> memref<128xi32, #tpu.memory_space<hbm>>
          tpu.wait_dma2 semaphore(%run_scoped3A : memref<!tpu.dma_semaphore, #tpu.memory_space<semaphore_mem>>) src(%dma_wait3A_83 : memref<128xi32, #tpu.memory_space<hbm>>) dst(%arg6 : memref<128xi32, #tpu.memory_space<vmem>>)
          tpu.yield
        }) : () -> ()
        "tpu.region"() ({
          %run_scoped3A = tpu.sem_alloc : memref<!tpu.dma_semaphore, #tpu.memory_space<semaphore_mem>>
          %dma_start3A_80 = tpu.memref_slice %arg4[%add3A_79] : memref<327680xi32, #tpu.memory_space<hbm>> -> memref<128xi32, #tpu.memory_space<hbm>>
          %dma_start3A_81 = tpu.memref_slice %arg4[%add3A_79] : memref<327680xi32, #tpu.memory_space<hbm>> -> memref<128xi32, #tpu.memory_space<hbm>>
          tpu.enqueue_dma source(%dma_start3A_81 : memref<128xi32, #tpu.memory_space<hbm>>) target(%arg7 : memref<128xi32, #tpu.memory_space<vmem>>) target_semaphore(%run_scoped3A : memref<!tpu.dma_semaphore, #tpu.memory_space<semaphore_mem>>)
          %dma_wait3A_82 = tpu.memref_slice %arg4[%add3A_79] : memref<327680xi32, #tpu.memory_space<hbm>> -> memref<128xi32, #tpu.memory_space<hbm>>
          %dma_wait3A_83 = tpu.memref_slice %arg4[%add3A_79] : memref<327680xi32, #tpu.memory_space<hbm>> -> memref<128xi32, #tpu.memory_space<hbm>>
          tpu.wait_dma2 semaphore(%run_scoped3A : memref<!tpu.dma_semaphore, #tpu.memory_space<semaphore_mem>>) src(%dma_wait3A_83 : memref<128xi32, #tpu.memory_space<hbm>>) dst(%arg7 : memref<128xi32, #tpu.memory_space<vmem>>)
          tpu.yield
        }) : () -> ()
      } else {
      }
      %dma_wait3A_67 = arith.constant 0 : i32
      %dma_wait3A_68 = arith.constant 0 : i32
      %dma_wait3A_69 = tpu.memref_slice %arg2[%dma_wait3A_67, %dma_wait3A_68] : memref<10240x128xf32, #tpu.memory_space<hbm>> -> memref<10240x128xf32, #tpu.memory_space<hbm>>
      tpu.wait_indirect_dma semaphore(%arg14 : memref<!tpu.dma_semaphore, #tpu.memory_space<semaphore_mem>>) src(%dma_wait3A_69 : memref<10240x128xf32, #tpu.memory_space<hbm>>) dst(%arg11 : memref<128x128xf32, #tpu.memory_space<vmem>>)
      %lt3A_70 = arith.constant 39 : i32
      %lt3A_71 = arith.cmpi slt, %add3A_52, %lt3A_70 : i32
      %convert_element_type3A_72 = arith.extui %lt3A_71 : i1 to i32
      %cond3A_73 = arith.constant 0 : i32
      %cond3A_74 = arith.cmpi ne, %convert_element_type3A_72, %cond3A_73 : i32
      scf.if %cond3A_74 {
        %dma_start3A_75 = arith.constant 0 : i32
        %dma_start3A_76 = arith.constant 0 : i32
        %dma_start3A_77 = tpu.memref_slice %arg2[%dma_start3A_75, %dma_start3A_76] : memref<10240x128xf32, #tpu.memory_space<hbm>> -> memref<10240x128xf32, #tpu.memory_space<hbm>>
        tpu.enqueue_indirect_dma source(%dma_start3A_77 : memref<10240x128xf32, #tpu.memory_space<hbm>>) target(%arg10 : memref<128x128xf32, #tpu.memory_space<vmem>>) offsets(%arg6 : memref<128xi32, #tpu.memory_space<vmem>>) semaphore(%arg13 : memref<!tpu.dma_semaphore, #tpu.memory_space<semaphore_mem>>)
      } else {
      }
      "tpu.region"() ({
        %run_scoped3A = tpu.sem_alloc : memref<!tpu.dma_semaphore, #tpu.memory_space<semaphore_mem>>
        %dma_start3A_75 = arith.constant 0 : i32
        %dma_start3A_76 = arith.constant 0 : i32
        %dma_start3A_77 = tpu.memref_slice %arg12[%dma_start3A_75, %dma_start3A_76] : memref<10240x128xf32, #tpu.memory_space<vmem_shared>> -> memref<10240x128xf32, #tpu.memory_space<vmem_shared>>
        tpu.enqueue_indirect_dma source(%arg11 : memref<128x128xf32, #tpu.memory_space<vmem>>) target(%dma_start3A_77 : memref<10240x128xf32, #tpu.memory_space<vmem_shared>>) offsets(%arg9 : memref<128xi32, #tpu.memory_space<vmem>>) semaphore(%run_scoped3A : memref<!tpu.dma_semaphore, #tpu.memory_space<semaphore_mem>>) {add = true}
        %dma_wait3A_78 = arith.constant 0 : i32
        %dma_wait3A_79 = arith.constant 0 : i32
        %dma_wait3A_80 = tpu.memref_slice %arg12[%dma_wait3A_78, %dma_wait3A_79] : memref<10240x128xf32, #tpu.memory_space<vmem_shared>> -> memref<10240x128xf32, #tpu.memory_space<vmem_shared>>
        tpu.wait_indirect_dma semaphore(%run_scoped3A : memref<!tpu.dma_semaphore, #tpu.memory_space<semaphore_mem>>) src(%arg11 : memref<128x128xf32, #tpu.memory_space<vmem>>) dst(%dma_wait3A_80 : memref<10240x128xf32, #tpu.memory_space<vmem_shared>>)
        tpu.yield
      }) : () -> ()
    }
    %scan3A_26 = arith.constant 40 : i32
    %barrier3A_27 = arith.constant 0 : index
    tpu.barrier barrier_id(%barrier3A_27)
    %add3A_28 = arith.constant 0 : i32
    %add3A_29 = arith.addi %mul3A_7, %add3A_28 : i32
    "tpu.region"() ({
      %run_scoped3A = tpu.sem_alloc : memref<!tpu.dma_semaphore, #tpu.memory_space<semaphore_mem>>
      %dma_start3A_48 = arith.constant 0 : i32
      %dma_start3A_49 = tpu.memref_slice %arg12[%add3A_29, %dma_start3A_48] : memref<10240x128xf32, #tpu.memory_space<vmem_shared>> -> memref<128x128xf32, #tpu.memory_space<vmem_shared>>
      %dma_start3A_50 = arith.constant 0 : i32
      %dma_start3A_51 = tpu.memref_slice %arg12[%add3A_29, %dma_start3A_50] : memref<10240x128xf32, #tpu.memory_space<vmem_shared>> -> memref<128x128xf32, #tpu.memory_space<vmem_shared>>
      tpu.enqueue_dma source(%dma_start3A_51 : memref<128x128xf32, #tpu.memory_space<vmem_shared>>) target(%arg10 : memref<128x128xf32, #tpu.memory_space<vmem>>) target_semaphore(%run_scoped3A : memref<!tpu.dma_semaphore, #tpu.memory_space<semaphore_mem>>)
      %dma_wait3A = arith.constant 0 : i32
      %dma_wait3A_52 = tpu.memref_slice %arg12[%add3A_29, %dma_wait3A] : memref<10240x128xf32, #tpu.memory_space<vmem_shared>> -> memref<128x128xf32, #tpu.memory_space<vmem_shared>>
      %dma_wait3A_53 = arith.constant 0 : i32
      %dma_wait3A_54 = tpu.memref_slice %arg12[%add3A_29, %dma_wait3A_53] : memref<10240x128xf32, #tpu.memory_space<vmem_shared>> -> memref<128x128xf32, #tpu.memory_space<vmem_shared>>
      tpu.wait_dma2 semaphore(%run_scoped3A : memref<!tpu.dma_semaphore, #tpu.memory_space<semaphore_mem>>) src(%dma_wait3A_54 : memref<128x128xf32, #tpu.memory_space<vmem_shared>>) dst(%arg10 : memref<128x128xf32, #tpu.memory_space<vmem>>)
      tpu.yield
    }) : () -> ()
    %add3A_30 = arith.constant 0 : i32
    %add3A_31 = arith.addi %mul3A_7, %add3A_30 : i32
    "tpu.region"() ({
      %run_scoped3A = tpu.sem_alloc : memref<!tpu.dma_semaphore, #tpu.memory_space<semaphore_mem>>
      %dma_start3A_48 = arith.constant 0 : i32
      %dma_start3A_49 = tpu.memref_slice %arg5[%arg0, %add3A_31, %dma_start3A_48] : memref<2x10240x128xf32, #tpu.memory_space<hbm>> -> memref<1x128x128xf32, #tpu.memory_space<hbm>>
      %dma_start3A_50 = tpu.memref_squeeze %dma_start3A_49 : memref<1x128x128xf32, #tpu.memory_space<hbm>> -> memref<128x128xf32, #tpu.memory_space<hbm>>
      %dma_start3A_51 = arith.constant 0 : i32
      %dma_start3A_52 = tpu.memref_slice %arg5[%arg0, %add3A_31, %dma_start3A_51] : memref<2x10240x128xf32, #tpu.memory_space<hbm>> -> memref<1x128x128xf32, #tpu.memory_space<hbm>>
      %dma_start3A_53 = tpu.memref_squeeze %dma_start3A_52 : memref<1x128x128xf32, #tpu.memory_space<hbm>> -> memref<128x128xf32, #tpu.memory_space<hbm>>
      tpu.enqueue_dma source(%arg10 : memref<128x128xf32, #tpu.memory_space<vmem>>) target(%dma_start3A_53 : memref<128x128xf32, #tpu.memory_space<hbm>>) target_semaphore(%run_scoped3A : memref<!tpu.dma_semaphore, #tpu.memory_space<semaphore_mem>>)
      %dma_wait3A = arith.constant 0 : i32
      %dma_wait3A_54 = tpu.memref_slice %arg5[%arg0, %add3A_31, %dma_wait3A] : memref<2x10240x128xf32, #tpu.memory_space<hbm>> -> memref<1x128x128xf32, #tpu.memory_space<hbm>>
      %dma_wait3A_55 = tpu.memref_squeeze %dma_wait3A_54 : memref<1x128x128xf32, #tpu.memory_space<hbm>> -> memref<128x128xf32, #tpu.memory_space<hbm>>
      %dma_wait3A_56 = arith.constant 0 : i32
      %dma_wait3A_57 = tpu.memref_slice %arg5[%arg0, %add3A_31, %dma_wait3A_56] : memref<2x10240x128xf32, #tpu.memory_space<hbm>> -> memref<1x128x128xf32, #tpu.memory_space<hbm>>
      %dma_wait3A_58 = tpu.memref_squeeze %dma_wait3A_57 : memref<1x128x128xf32, #tpu.memory_space<hbm>> -> memref<128x128xf32, #tpu.memory_space<hbm>>
      tpu.wait_dma2 semaphore(%run_scoped3A : memref<!tpu.dma_semaphore, #tpu.memory_space<semaphore_mem>>) src(%arg10 : memref<128x128xf32, #tpu.memory_space<vmem>>) dst(%dma_wait3A_58 : memref<128x128xf32, #tpu.memory_space<hbm>>)
      tpu.yield
    }) : () -> ()
    %add3A_32 = arith.constant 128 : i32
    %add3A_33 = arith.addi %mul3A_7, %add3A_32 : i32
    "tpu.region"() ({
      %run_scoped3A = tpu.sem_alloc : memref<!tpu.dma_semaphore, #tpu.memory_space<semaphore_mem>>
      %dma_start3A_48 = arith.constant 0 : i32
      %dma_start3A_49 = tpu.memref_slice %arg12[%add3A_33, %dma_start3A_48] : memref<10240x128xf32, #tpu.memory_space<vmem_shared>> -> memref<128x128xf32, #tpu.memory_space<vmem_shared>>
      %dma_start3A_50 = arith.constant 0 : i32
      %dma_start3A_51 = tpu.memref_slice %arg12[%add3A_33, %dma_start3A_50] : memref<10240x128xf32, #tpu.memory_space<vmem_shared>> -> memref<128x128xf32, #tpu.memory_space<vmem_shared>>
      tpu.enqueue_dma source(%dma_start3A_51 : memref<128x128xf32, #tpu.memory_space<vmem_shared>>) target(%arg10 : memref<128x128xf32, #tpu.memory_space<vmem>>) target_semaphore(%run_scoped3A : memref<!tpu.dma_semaphore, #tpu.memory_space<semaphore_mem>>)
      %dma_wait3A = arith.constant 0 : i32
      %dma_wait3A_52 = tpu.memref_slice %arg12[%add3A_33, %dma_wait3A] : memref<10240x128xf32, #tpu.memory_space<vmem_shared>> -> memref<128x128xf32, #tpu.memory_space<vmem_shared>>
      %dma_wait3A_53 = arith.constant 0 : i32
      %dma_wait3A_54 = tpu.memref_slice %arg12[%add3A_33, %dma_wait3A_53] : memref<10240x128xf32, #tpu.memory_space<vmem_shared>> -> memref<128x128xf32, #tpu.memory_space<vmem_shared>>
      tpu.wait_dma2 semaphore(%run_scoped3A : memref<!tpu.dma_semaphore, #tpu.memory_space<semaphore_mem>>) src(%dma_wait3A_54 : memref<128x128xf32, #tpu.memory_space<vmem_shared>>) dst(%arg10 : memref<128x128xf32, #tpu.memory_space<vmem>>)
      tpu.yield
    }) : () -> ()
    %add3A_34 = arith.constant 128 : i32
    %add3A_35 = arith.addi %mul3A_7, %add3A_34 : i32
    "tpu.region"() ({
      %run_scoped3A = tpu.sem_alloc : memref<!tpu.dma_semaphore, #tpu.memory_space<semaphore_mem>>
      %dma_start3A_48 = arith.constant 0 : i32
      %dma_start3A_49 = tpu.memref_slice %arg5[%arg0, %add3A_35, %dma_start3A_48] : memref<2x10240x128xf32, #tpu.memory_space<hbm>> -> memref<1x128x128xf32, #tpu.memory_space<hbm>>
      %dma_start3A_50 = tpu.memref_squeeze %dma_start3A_49 : memref<1x128x128xf32, #tpu.memory_space<hbm>> -> memref<128x128xf32, #tpu.memory_space<hbm>>
      %dma_start3A_51 = arith.constant 0 : i32
      %dma_start3A_52 = tpu.memref_slice %arg5[%arg0, %add3A_35, %dma_start3A_51] : memref<2x10240x128xf32, #tpu.memory_space<hbm>> -> memref<1x128x128xf32, #tpu.memory_space<hbm>>
      %dma_start3A_53 = tpu.memref_squeeze %dma_start3A_52 : memref<1x128x128xf32, #tpu.memory_space<hbm>> -> memref<128x128xf32, #tpu.memory_space<hbm>>
      tpu.enqueue_dma source(%arg10 : memref<128x128xf32, #tpu.memory_space<vmem>>) target(%dma_start3A_53 : memref<128x128xf32, #tpu.memory_space<hbm>>) target_semaphore(%run_scoped3A : memref<!tpu.dma_semaphore, #tpu.memory_space<semaphore_mem>>)
      %dma_wait3A = arith.constant 0 : i32
      %dma_wait3A_54 = tpu.memref_slice %arg5[%arg0, %add3A_35, %dma_wait3A] : memref<2x10240x128xf32, #tpu.memory_space<hbm>> -> memref<1x128x128xf32, #tpu.memory_space<hbm>>
      %dma_wait3A_55 = tpu.memref_squeeze %dma_wait3A_54 : memref<1x128x128xf32, #tpu.memory_space<hbm>> -> memref<128x128xf32, #tpu.memory_space<hbm>>
      %dma_wait3A_56 = arith.constant 0 : i32
      %dma_wait3A_57 = tpu.memref_slice %arg5[%arg0, %add3A_35, %dma_wait3A_56] : memref<2x10240x128xf32, #tpu.memory_space<hbm>> -> memref<1x128x128xf32, #tpu.memory_space<hbm>>
      %dma_wait3A_58 = tpu.memref_squeeze %dma_wait3A_57 : memref<1x128x128xf32, #tpu.memory_space<hbm>> -> memref<128x128xf32, #tpu.memory_space<hbm>>
      tpu.wait_dma2 semaphore(%run_scoped3A : memref<!tpu.dma_semaphore, #tpu.memory_space<semaphore_mem>>) src(%arg10 : memref<128x128xf32, #tpu.memory_space<vmem>>) dst(%dma_wait3A_58 : memref<128x128xf32, #tpu.memory_space<hbm>>)
      tpu.yield
    }) : () -> ()
    %add3A_36 = arith.constant 256 : i32
    %add3A_37 = arith.addi %mul3A_7, %add3A_36 : i32
    "tpu.region"() ({
      %run_scoped3A = tpu.sem_alloc : memref<!tpu.dma_semaphore, #tpu.memory_space<semaphore_mem>>
      %dma_start3A_48 = arith.constant 0 : i32
      %dma_start3A_49 = tpu.memref_slice %arg12[%add3A_37, %dma_start3A_48] : memref<10240x128xf32, #tpu.memory_space<vmem_shared>> -> memref<128x128xf32, #tpu.memory_space<vmem_shared>>
      %dma_start3A_50 = arith.constant 0 : i32
      %dma_start3A_51 = tpu.memref_slice %arg12[%add3A_37, %dma_start3A_50] : memref<10240x128xf32, #tpu.memory_space<vmem_shared>> -> memref<128x128xf32, #tpu.memory_space<vmem_shared>>
      tpu.enqueue_dma source(%dma_start3A_51 : memref<128x128xf32, #tpu.memory_space<vmem_shared>>) target(%arg10 : memref<128x128xf32, #tpu.memory_space<vmem>>) target_semaphore(%run_scoped3A : memref<!tpu.dma_semaphore, #tpu.memory_space<semaphore_mem>>)
      %dma_wait3A = arith.constant 0 : i32
      %dma_wait3A_52 = tpu.memref_slice %arg12[%add3A_37, %dma_wait3A] : memref<10240x128xf32, #tpu.memory_space<vmem_shared>> -> memref<128x128xf32, #tpu.memory_space<vmem_shared>>
      %dma_wait3A_53 = arith.constant 0 : i32
      %dma_wait3A_54 = tpu.memref_slice %arg12[%add3A_37, %dma_wait3A_53] : memref<10240x128xf32, #tpu.memory_space<vmem_shared>> -> memref<128x128xf32, #tpu.memory_space<vmem_shared>>
      tpu.wait_dma2 semaphore(%run_scoped3A : memref<!tpu.dma_semaphore, #tpu.memory_space<semaphore_mem>>) src(%dma_wait3A_54 : memref<128x128xf32, #tpu.memory_space<vmem_shared>>) dst(%arg10 : memref<128x128xf32, #tpu.memory_space<vmem>>)
      tpu.yield
    }) : () -> ()
    %add3A_38 = arith.constant 256 : i32
    %add3A_39 = arith.addi %mul3A_7, %add3A_38 : i32
    "tpu.region"() ({
      %run_scoped3A = tpu.sem_alloc : memref<!tpu.dma_semaphore, #tpu.memory_space<semaphore_mem>>
      %dma_start3A_48 = arith.constant 0 : i32
      %dma_start3A_49 = tpu.memref_slice %arg5[%arg0, %add3A_39, %dma_start3A_48] : memref<2x10240x128xf32, #tpu.memory_space<hbm>> -> memref<1x128x128xf32, #tpu.memory_space<hbm>>
      %dma_start3A_50 = tpu.memref_squeeze %dma_start3A_49 : memref<1x128x128xf32, #tpu.memory_space<hbm>> -> memref<128x128xf32, #tpu.memory_space<hbm>>
      %dma_start3A_51 = arith.constant 0 : i32
      %dma_start3A_52 = tpu.memref_slice %arg5[%arg0, %add3A_39, %dma_start3A_51] : memref<2x10240x128xf32, #tpu.memory_space<hbm>> -> memref<1x128x128xf32, #tpu.memory_space<hbm>>
      %dma_start3A_53 = tpu.memref_squeeze %dma_start3A_52 : memref<1x128x128xf32, #tpu.memory_space<hbm>> -> memref<128x128xf32, #tpu.memory_space<hbm>>
      tpu.enqueue_dma source(%arg10 : memref<128x128xf32, #tpu.memory_space<vmem>>) target(%dma_start3A_53 : memref<128x128xf32, #tpu.memory_space<hbm>>) target_semaphore(%run_scoped3A : memref<!tpu.dma_semaphore, #tpu.memory_space<semaphore_mem>>)
      %dma_wait3A = arith.constant 0 : i32
      %dma_wait3A_54 = tpu.memref_slice %arg5[%arg0, %add3A_39, %dma_wait3A] : memref<2x10240x128xf32, #tpu.memory_space<hbm>> -> memref<1x128x128xf32, #tpu.memory_space<hbm>>
      %dma_wait3A_55 = tpu.memref_squeeze %dma_wait3A_54 : memref<1x128x128xf32, #tpu.memory_space<hbm>> -> memref<128x128xf32, #tpu.memory_space<hbm>>
      %dma_wait3A_56 = arith.constant 0 : i32
      %dma_wait3A_57 = tpu.memref_slice %arg5[%arg0, %add3A_39, %dma_wait3A_56] : memref<2x10240x128xf32, #tpu.memory_space<hbm>> -> memref<1x128x128xf32, #tpu.memory_space<hbm>>
      %dma_wait3A_58 = tpu.memref_squeeze %dma_wait3A_57 : memref<1x128x128xf32, #tpu.memory_space<hbm>> -> memref<128x128xf32, #tpu.memory_space<hbm>>
      tpu.wait_dma2 semaphore(%run_scoped3A : memref<!tpu.dma_semaphore, #tpu.memory_space<semaphore_mem>>) src(%arg10 : memref<128x128xf32, #tpu.memory_space<vmem>>) dst(%dma_wait3A_58 : memref<128x128xf32, #tpu.memory_space<hbm>>)
      tpu.yield
    }) : () -> ()
    %add3A_40 = arith.constant 384 : i32
    %add3A_41 = arith.addi %mul3A_7, %add3A_40 : i32
    "tpu.region"() ({
      %run_scoped3A = tpu.sem_alloc : memref<!tpu.dma_semaphore, #tpu.memory_space<semaphore_mem>>
      %dma_start3A_48 = arith.constant 0 : i32
      %dma_start3A_49 = tpu.memref_slice %arg12[%add3A_41, %dma_start3A_48] : memref<10240x128xf32, #tpu.memory_space<vmem_shared>> -> memref<128x128xf32, #tpu.memory_space<vmem_shared>>
      %dma_start3A_50 = arith.constant 0 : i32
      %dma_start3A_51 = tpu.memref_slice %arg12[%add3A_41, %dma_start3A_50] : memref<10240x128xf32, #tpu.memory_space<vmem_shared>> -> memref<128x128xf32, #tpu.memory_space<vmem_shared>>
      tpu.enqueue_dma source(%dma_start3A_51 : memref<128x128xf32, #tpu.memory_space<vmem_shared>>) target(%arg10 : memref<128x128xf32, #tpu.memory_space<vmem>>) target_semaphore(%run_scoped3A : memref<!tpu.dma_semaphore, #tpu.memory_space<semaphore_mem>>)
      %dma_wait3A = arith.constant 0 : i32
      %dma_wait3A_52 = tpu.memref_slice %arg12[%add3A_41, %dma_wait3A] : memref<10240x128xf32, #tpu.memory_space<vmem_shared>> -> memref<128x128xf32, #tpu.memory_space<vmem_shared>>
      %dma_wait3A_53 = arith.constant 0 : i32
      %dma_wait3A_54 = tpu.memref_slice %arg12[%add3A_41, %dma_wait3A_53] : memref<10240x128xf32, #tpu.memory_space<vmem_shared>> -> memref<128x128xf32, #tpu.memory_space<vmem_shared>>
      tpu.wait_dma2 semaphore(%run_scoped3A : memref<!tpu.dma_semaphore, #tpu.memory_space<semaphore_mem>>) src(%dma_wait3A_54 : memref<128x128xf32, #tpu.memory_space<vmem_shared>>) dst(%arg10 : memref<128x128xf32, #tpu.memory_space<vmem>>)
      tpu.yield
    }) : () -> ()
    %add3A_42 = arith.constant 384 : i32
    %add3A_43 = arith.addi %mul3A_7, %add3A_42 : i32
    "tpu.region"() ({
      %run_scoped3A = tpu.sem_alloc : memref<!tpu.dma_semaphore, #tpu.memory_space<semaphore_mem>>
      %dma_start3A_48 = arith.constant 0 : i32
      %dma_start3A_49 = tpu.memref_slice %arg5[%arg0, %add3A_43, %dma_start3A_48] : memref<2x10240x128xf32, #tpu.memory_space<hbm>> -> memref<1x128x128xf32, #tpu.memory_space<hbm>>
      %dma_start3A_50 = tpu.memref_squeeze %dma_start3A_49 : memref<1x128x128xf32, #tpu.memory_space<hbm>> -> memref<128x128xf32, #tpu.memory_space<hbm>>
      %dma_start3A_51 = arith.constant 0 : i32
      %dma_start3A_52 = tpu.memref_slice %arg5[%arg0, %add3A_43, %dma_start3A_51] : memref<2x10240x128xf32, #tpu.memory_space<hbm>> -> memref<1x128x128xf32, #tpu.memory_space<hbm>>
      %dma_start3A_53 = tpu.memref_squeeze %dma_start3A_52 : memref<1x128x128xf32, #tpu.memory_space<hbm>> -> memref<128x128xf32, #tpu.memory_space<hbm>>
      tpu.enqueue_dma source(%arg10 : memref<128x128xf32, #tpu.memory_space<vmem>>) target(%dma_start3A_53 : memref<128x128xf32, #tpu.memory_space<hbm>>) target_semaphore(%run_scoped3A : memref<!tpu.dma_semaphore, #tpu.memory_space<semaphore_mem>>)
      %dma_wait3A = arith.constant 0 : i32
      %dma_wait3A_54 = tpu.memref_slice %arg5[%arg0, %add3A_43, %dma_wait3A] : memref<2x10240x128xf32, #tpu.memory_space<hbm>> -> memref<1x128x128xf32, #tpu.memory_space<hbm>>
      %dma_wait3A_55 = tpu.memref_squeeze %dma_wait3A_54 : memref<1x128x128xf32, #tpu.memory_space<hbm>> -> memref<128x128xf32, #tpu.memory_space<hbm>>
      %dma_wait3A_56 = arith.constant 0 : i32
      %dma_wait3A_57 = tpu.memref_slice %arg5[%arg0, %add3A_43, %dma_wait3A_56] : memref<2x10240x128xf32, #tpu.memory_space<hbm>> -> memref<1x128x128xf32, #tpu.memory_space<hbm>>
      %dma_wait3A_58 = tpu.memref_squeeze %dma_wait3A_57 : memref<1x128x128xf32, #tpu.memory_space<hbm>> -> memref<128x128xf32, #tpu.memory_space<hbm>>
      tpu.wait_dma2 semaphore(%run_scoped3A : memref<!tpu.dma_semaphore, #tpu.memory_space<semaphore_mem>>) src(%arg10 : memref<128x128xf32, #tpu.memory_space<vmem>>) dst(%dma_wait3A_58 : memref<128x128xf32, #tpu.memory_space<hbm>>)
      tpu.yield
    }) : () -> ()
    %add3A_44 = arith.constant 512 : i32
    %add3A_45 = arith.addi %mul3A_7, %add3A_44 : i32
    "tpu.region"() ({
      %run_scoped3A = tpu.sem_alloc : memref<!tpu.dma_semaphore, #tpu.memory_space<semaphore_mem>>
      %dma_start3A_48 = arith.constant 0 : i32
      %dma_start3A_49 = tpu.memref_slice %arg12[%add3A_45, %dma_start3A_48] : memref<10240x128xf32, #tpu.memory_space<vmem_shared>> -> memref<128x128xf32, #tpu.memory_space<vmem_shared>>
      %dma_start3A_50 = arith.constant 0 : i32
      %dma_start3A_51 = tpu.memref_slice %arg12[%add3A_45, %dma_start3A_50] : memref<10240x128xf32, #tpu.memory_space<vmem_shared>> -> memref<128x128xf32, #tpu.memory_space<vmem_shared>>
      tpu.enqueue_dma source(%dma_start3A_51 : memref<128x128xf32, #tpu.memory_space<vmem_shared>>) target(%arg10 : memref<128x128xf32, #tpu.memory_space<vmem>>) target_semaphore(%run_scoped3A : memref<!tpu.dma_semaphore, #tpu.memory_space<semaphore_mem>>)
      %dma_wait3A = arith.constant 0 : i32
      %dma_wait3A_52 = tpu.memref_slice %arg12[%add3A_45, %dma_wait3A] : memref<10240x128xf32, #tpu.memory_space<vmem_shared>> -> memref<128x128xf32, #tpu.memory_space<vmem_shared>>
      %dma_wait3A_53 = arith.constant 0 : i32
      %dma_wait3A_54 = tpu.memref_slice %arg12[%add3A_45, %dma_wait3A_53] : memref<10240x128xf32, #tpu.memory_space<vmem_shared>> -> memref<128x128xf32, #tpu.memory_space<vmem_shared>>
      tpu.wait_dma2 semaphore(%run_scoped3A : memref<!tpu.dma_semaphore, #tpu.memory_space<semaphore_mem>>) src(%dma_wait3A_54 : memref<128x128xf32, #tpu.memory_space<vmem_shared>>) dst(%arg10 : memref<128x128xf32, #tpu.memory_space<vmem>>)
      tpu.yield
    }) : () -> ()
    %add3A_46 = arith.constant 512 : i32
    %add3A_47 = arith.addi %mul3A_7, %add3A_46 : i32
    "tpu.region"() ({
      %run_scoped3A = tpu.sem_alloc : memref<!tpu.dma_semaphore, #tpu.memory_space<semaphore_mem>>
      %dma_start3A_48 = arith.constant 0 : i32
      %dma_start3A_49 = tpu.memref_slice %arg5[%arg0, %add3A_47, %dma_start3A_48] : memref<2x10240x128xf32, #tpu.memory_space<hbm>> -> memref<1x128x128xf32, #tpu.memory_space<hbm>>
      %dma_start3A_50 = tpu.memref_squeeze %dma_start3A_49 : memref<1x128x128xf32, #tpu.memory_space<hbm>> -> memref<128x128xf32, #tpu.memory_space<hbm>>
      %dma_start3A_51 = arith.constant 0 : i32
      %dma_start3A_52 = tpu.memref_slice %arg5[%arg0, %add3A_47, %dma_start3A_51] : memref<2x10240x128xf32, #tpu.memory_space<hbm>> -> memref<1x128x128xf32, #tpu.memory_space<hbm>>
      %dma_start3A_53 = tpu.memref_squeeze %dma_start3A_52 : memref<1x128x128xf32, #tpu.memory_space<hbm>> -> memref<128x128xf32, #tpu.memory_space<hbm>>
      tpu.enqueue_dma source(%arg10 : memref<128x128xf32, #tpu.memory_space<vmem>>) target(%dma_start3A_53 : memref<128x128xf32, #tpu.memory_space<hbm>>) target_semaphore(%run_scoped3A : memref<!tpu.dma_semaphore, #tpu.memory_space<semaphore_mem>>)
      %dma_wait3A = arith.constant 0 : i32
      %dma_wait3A_54 = tpu.memref_slice %arg5[%arg0, %add3A_47, %dma_wait3A] : memref<2x10240x128xf32, #tpu.memory_space<hbm>> -> memref<1x128x128xf32, #tpu.memory_space<hbm>>
      %dma_wait3A_55 = tpu.memref_squeeze %dma_wait3A_54 : memref<1x128x128xf32, #tpu.memory_space<hbm>> -> memref<128x128xf32, #tpu.memory_space<hbm>>
      %dma_wait3A_56 = arith.constant 0 : i32
      %dma_wait3A_57 = tpu.memref_slice %arg5[%arg0, %add3A_47, %dma_wait3A_56] : memref<2x10240x128xf32, #tpu.memory_space<hbm>> -> memref<1x128x128xf32, #tpu.memory_space<hbm>>
      %dma_wait3A_58 = tpu.memref_squeeze %dma_wait3A_57 : memref<1x128x128xf32, #tpu.memory_space<hbm>> -> memref<128x128xf32, #tpu.memory_space<hbm>>
      tpu.wait_dma2 semaphore(%run_scoped3A : memref<!tpu.dma_semaphore, #tpu.memory_space<semaphore_mem>>) src(%arg10 : memref<128x128xf32, #tpu.memory_space<vmem>>) dst(%dma_wait3A_58 : memref<128x128xf32, #tpu.memory_space<hbm>>)
      tpu.yield
    }) : () -> ()
    return
  }
}

module attributes {stable_mosaic.version = 14 : i64} {
  func.func @_norm_body(%arg0: i32, %arg1: memref<2x1024x128xf32, #tpu.memory_space<vmem>>, %arg2: memref<1024x1xf32, #tpu.memory_space<vmem>>, %arg3: memref<1024x1xf32, #tpu.memory_space<vmem>>) attributes {dimension_semantics = [#tpu.dimension_semantics<arbitrary>], iteration_bounds = array<i64: 10>, scalar_prefetch = 0 : i64, scratch_operands = 0 : i64, tpu.core_type = #tpu.core_type<tc>, window_params = [{transform_indices = @transform_0, window_bounds = array<i64: 2, 1024, 128>}, {transform_indices = @transform_1, window_bounds = array<i64: 1024, 1>}, {transform_indices = @transform_2, window_bounds = array<i64: 1024, 1>}]} {
    %get3A = arith.constant 0 : index
    %get3A_0 = arith.constant 0 : index
    %get3A_1 = arith.constant 0 : index
    %get3A_2 = vector.load %arg1[%get3A, %get3A_0, %get3A_1] : memref<2x1024x128xf32, #tpu.memory_space<vmem>>, vector<1x1024x128xf32>
    %get3A_3 = vector.shape_cast %get3A_2 : vector<1x1024x128xf32> to vector<1024x128xf32>
    %get3A_4 = arith.constant 1 : index
    %get3A_5 = arith.constant 0 : index
    %get3A_6 = arith.constant 0 : index
    %get3A_7 = vector.load %arg1[%get3A_4, %get3A_5, %get3A_6] : memref<2x1024x128xf32, #tpu.memory_space<vmem>>, vector<1x1024x128xf32>
    %get3A_8 = vector.shape_cast %get3A_7 : vector<1x1024x128xf32> to vector<1024x128xf32>
    %reduce_max3A = arith.constant dense<0xFF800000> : vector<1024xf32>
    %reduce_max3A_9 = vector.multi_reduction <maximumf>, %get3A_3, %reduce_max3A [1] : vector<1024x128xf32> to vector<1024xf32>
    %broadcast_in_dim3A = vector.shape_cast %reduce_max3A_9 : vector<1024xf32> to vector<1024x1xf32>
    %max3A = arith.constant 1.000000e+00 : f32
    %max3A_10 = vector.broadcast %max3A : f32 to vector<1024x1xf32>
    %max3A_11 = arith.maximumf %broadcast_in_dim3A, %max3A_10 : vector<1024x1xf32>
    %rsqrt3A = math.rsqrt %max3A_11 : vector<1024x1xf32>
    %swap3A = arith.constant 0 : index
    %swap3A_12 = arith.constant 0 : index
    %swap3A_13 = vector.load %arg2[%swap3A, %swap3A_12] : memref<1024x1xf32, #tpu.memory_space<vmem>>, vector<1024x1xf32>
    tpu.vector_store %arg2[%swap3A, %swap3A_12], %rsqrt3A {strides = array<i32>} : memref<1024x1xf32, #tpu.memory_space<vmem>>, vector<1024x1xf32>,
    %reduce_max3A_14 = arith.constant dense<0xFF800000> : vector<1024xf32>
    %reduce_max3A_15 = vector.multi_reduction <maximumf>, %get3A_8, %reduce_max3A_14 [1] : vector<1024x128xf32> to vector<1024xf32>
    %broadcast_in_dim3A_16 = vector.shape_cast %reduce_max3A_15 : vector<1024xf32> to vector<1024x1xf32>
    %max3A_17 = arith.constant 1.000000e+00 : f32
    %max3A_18 = vector.broadcast %max3A_17 : f32 to vector<1024x1xf32>
    %max3A_19 = arith.maximumf %broadcast_in_dim3A_16, %max3A_18 : vector<1024x1xf32>
    %rsqrt3A_20 = math.rsqrt %max3A_19 : vector<1024x1xf32>
    %swap3A_21 = arith.constant 0 : index
    %swap3A_22 = arith.constant 0 : index
    %swap3A_23 = vector.load %arg3[%swap3A_21, %swap3A_22] : memref<1024x1xf32, #tpu.memory_space<vmem>>, vector<1024x1xf32>
    tpu.vector_store %arg3[%swap3A_21, %swap3A_22], %rsqrt3A_20 {strides = array<i32>} : memref<1024x1xf32, #tpu.memory_space<vmem>>, vector<1024x1xf32>,
    return
  }
  func.func @transform_0(%arg0: i32) -> (i32, i32, i32) {
    %c0_i32 = arith.constant 0 : i32
    %c0_i32_0 = arith.constant 0 : i32
    %c0_i32_1 = arith.constant 0 : i32
    return %c0_i32, %arg0, %c0_i32_0 : i32, i32, i32
  }
  func.func @transform_1(%arg0: i32) -> (i32, i32) {
    %c0_i32 = arith.constant 0 : i32
    %c0_i32_0 = arith.constant 0 : i32
    return %arg0, %c0_i32 : i32, i32
  }
  func.func @transform_2(%arg0: i32) -> (i32, i32) {
    %c0_i32 = arith.constant 0 : i32
    %c0_i32_0 = arith.constant 0 : i32
    return %arg0, %c0_i32 : i32, i32
  }
}

module attributes {stable_mosaic.version = 14 : i64} {
  func.func @_mm_scale_body(%arg0: i32, %arg1: memref<1024x128xf32, #tpu.memory_space<vmem>>, %arg2: memref<128x128xf32, #tpu.memory_space<vmem>>, %arg3: memref<1024x1xf32, #tpu.memory_space<vmem>>, %arg4: memref<1024x128xf32, #tpu.memory_space<vmem>>) attributes {dimension_semantics = [#tpu.dimension_semantics<arbitrary>], iteration_bounds = array<i64: 10>, scalar_prefetch = 0 : i64, scratch_operands = 0 : i64, tpu.core_type = #tpu.core_type<tc>, window_params = [{transform_indices = @transform_0, window_bounds = array<i64: 1024, 128>}, {pipeline_mode = #tpu.pipeline_mode<synchronous>, transform_indices = @transform_1, window_bounds = array<i64: 128, 128>}, {transform_indices = @transform_2, window_bounds = array<i64: 1024, 1>}, {transform_indices = @transform_3, window_bounds = array<i64: 1024, 128>}]} {
    %get3A = arith.constant 0 : index
    %get3A_0 = arith.constant 0 : index
    %get3A_1 = vector.load %arg1[%get3A, %get3A_0] : memref<1024x128xf32, #tpu.memory_space<vmem>>, vector<1024x128xf32>
    %get3A_2 = arith.constant 0 : index
    %get3A_3 = arith.constant 0 : index
    %get3A_4 = vector.load %arg2[%get3A_2, %get3A_3] : memref<128x128xf32, #tpu.memory_space<vmem>>, vector<128x128xf32>
    %dot_general3A = arith.constant dense<0.000000e+00> : vector<1024x128xf32>
    %dot_general3A_5 = tpu.matmul %get3A_1, %get3A_4, %dot_general3A {dimension_numbers = #tpu.dot_dimension_numbers<[1], [0], [0], [1], [0, 0, 1, 1], [], []>, transpose_lhs_hint = false} : vector<1024x128xf32>, vector<128x128xf32>, vector<1024x128xf32> -> vector<1024x128xf32>
    %get3A_6 = arith.constant 0 : index
    %get3A_7 = arith.constant 0 : index
    %get3A_8 = vector.load %arg3[%get3A_6, %get3A_7] : memref<1024x1xf32, #tpu.memory_space<vmem>>, vector<1024x1xf32>
    %mul3A = vector.broadcast %get3A_8 : vector<1024x1xf32> to vector<1024x128xf32>
    %mul3A_9 = arith.mulf %dot_general3A_5, %mul3A : vector<1024x128xf32>
    %swap3A = arith.constant 0 : index
    %swap3A_10 = arith.constant 0 : index
    %swap3A_11 = vector.load %arg4[%swap3A, %swap3A_10] : memref<1024x128xf32, #tpu.memory_space<vmem>>, vector<1024x128xf32>
    tpu.vector_store %arg4[%swap3A, %swap3A_10], %mul3A_9 {strides = array<i32>} : memref<1024x128xf32, #tpu.memory_space<vmem>>, vector<1024x128xf32>,
    return
  }
  func.func @transform_0(%arg0: i32) -> (i32, i32) {
    %c0_i32 = arith.constant 0 : i32
    %c0_i32_0 = arith.constant 0 : i32
    return %arg0, %c0_i32 : i32, i32
  }
  func.func @transform_1(%arg0: i32) -> (i32, i32) {
    %c0_i32 = arith.constant 0 : i32
    %c0_i32_0 = arith.constant 0 : i32
    %c0_i32_1 = arith.constant 0 : i32
    return %c0_i32, %c0_i32_0 : i32, i32
  }
  func.func @transform_2(%arg0: i32) -> (i32, i32) {
    %c0_i32 = arith.constant 0 : i32
    %c0_i32_0 = arith.constant 0 : i32
    return %arg0, %c0_i32 : i32, i32
  }
  func.func @transform_3(%arg0: i32) -> (i32, i32) {
    %c0_i32 = arith.constant 0 : i32
    %c0_i32_0 = arith.constant 0 : i32
    return %arg0, %c0_i32 : i32, i32
  }
}

module attributes {stable_mosaic.version = 14 : i64} {
  func.func @_mid_body(%arg0: i32, %arg1: memref<2x1024x128xf32, #tpu.memory_space<vmem>>, %arg2: memref<1024x1xf32, #tpu.memory_space<vmem>>, %arg3: memref<1x128xf32, #tpu.memory_space<vmem>>, %arg4: memref<128x128xf32, #tpu.memory_space<vmem>>, %arg5: memref<1024x1xf32, #tpu.memory_space<vmem>>, %arg6: memref<1024x128xf32, #tpu.memory_space<vmem>>) attributes {dimension_semantics = [#tpu.dimension_semantics<arbitrary>], iteration_bounds = array<i64: 10>, scalar_prefetch = 0 : i64, scratch_operands = 0 : i64, tpu.core_type = #tpu.core_type<tc>, window_params = [{transform_indices = @transform_0, window_bounds = array<i64: 2, 1024, 128>}, {transform_indices = @transform_1, window_bounds = array<i64: 1024, 1>}, {pipeline_mode = #tpu.pipeline_mode<synchronous>, transform_indices = @transform_2, window_bounds = array<i64: 1, 128>}, {pipeline_mode = #tpu.pipeline_mode<synchronous>, transform_indices = @transform_3, window_bounds = array<i64: 128, 128>}, {transform_indices = @transform_4, window_bounds = array<i64: 1024, 1>}, {transform_indices = @transform_5, window_bounds = array<i64: 1024, 128>}]} {
    %get3A = arith.constant 0 : index
    %get3A_0 = arith.constant 0 : index
    %get3A_1 = arith.constant 0 : index
    %get3A_2 = vector.load %arg1[%get3A, %get3A_0, %get3A_1] : memref<2x1024x128xf32, #tpu.memory_space<vmem>>, vector<1x1024x128xf32>
    %get3A_3 = vector.shape_cast %get3A_2 : vector<1x1024x128xf32> to vector<1024x128xf32>
    %get3A_4 = arith.constant 1 : index
    %get3A_5 = arith.constant 0 : index
    %get3A_6 = arith.constant 0 : index
    %get3A_7 = vector.load %arg1[%get3A_4, %get3A_5, %get3A_6] : memref<2x1024x128xf32, #tpu.memory_space<vmem>>, vector<1x1024x128xf32>
    %get3A_8 = vector.shape_cast %get3A_7 : vector<1x1024x128xf32> to vector<1024x128xf32>
    %add3A = arith.addf %get3A_3, %get3A_8 : vector<1024x128xf32>
    %get3A_9 = arith.constant 0 : index
    %get3A_10 = arith.constant 0 : index
    %get3A_11 = vector.load %arg2[%get3A_9, %get3A_10] : memref<1024x1xf32, #tpu.memory_space<vmem>>, vector<1024x1xf32>
    %mul3A = vector.broadcast %get3A_11 : vector<1024x1xf32> to vector<1024x128xf32>
    %mul3A_12 = arith.mulf %add3A, %mul3A : vector<1024x128xf32>
    %get3A_13 = arith.constant 0 : index
    %get3A_14 = arith.constant 0 : index
    %get3A_15 = vector.load %arg3[%get3A_13, %get3A_14] : memref<1x128xf32, #tpu.memory_space<vmem>>, vector<1x128xf32>
    %add3A_16 = vector.broadcast %get3A_15 : vector<1x128xf32> to vector<1024x128xf32>
    %add3A_17 = arith.addf %mul3A_12, %add3A_16 : vector<1024x128xf32>
    %max3A = arith.constant 0.000000e+00 : f32
    %max3A_18 = vector.broadcast %max3A : f32 to vector<1024x128xf32>
    %max3A_19 = arith.maximumf %add3A_17, %max3A_18 : vector<1024x128xf32>
    %get3A_20 = arith.constant 0 : index
    %get3A_21 = arith.constant 0 : index
    %get3A_22 = vector.load %arg4[%get3A_20, %get3A_21] : memref<128x128xf32, #tpu.memory_space<vmem>>, vector<128x128xf32>
    %dot_general3A = arith.constant dense<0.000000e+00> : vector<1024x128xf32>
    %dot_general3A_23 = tpu.matmul %max3A_19, %get3A_22, %dot_general3A {dimension_numbers = #tpu.dot_dimension_numbers<[1], [0], [0], [1], [0, 0, 1, 1], [], []>, transpose_lhs_hint = false} : vector<1024x128xf32>, vector<128x128xf32>, vector<1024x128xf32> -> vector<1024x128xf32>
    %get3A_24 = arith.constant 0 : index
    %get3A_25 = arith.constant 0 : index
    %get3A_26 = vector.load %arg5[%get3A_24, %get3A_25] : memref<1024x1xf32, #tpu.memory_space<vmem>>, vector<1024x1xf32>
    %mul3A_27 = vector.broadcast %get3A_26 : vector<1024x1xf32> to vector<1024x128xf32>
    %mul3A_28 = arith.mulf %dot_general3A_23, %mul3A_27 : vector<1024x128xf32>
    %swap3A = arith.constant 0 : index
    %swap3A_29 = arith.constant 0 : index
    %swap3A_30 = vector.load %arg6[%swap3A, %swap3A_29] : memref<1024x128xf32, #tpu.memory_space<vmem>>, vector<1024x128xf32>
    tpu.vector_store %arg6[%swap3A, %swap3A_29], %mul3A_28 {strides = array<i32>} : memref<1024x128xf32, #tpu.memory_space<vmem>>, vector<1024x128xf32>,
    return
  }
  func.func @transform_0(%arg0: i32) -> (i32, i32, i32) {
    %c0_i32 = arith.constant 0 : i32
    %c0_i32_0 = arith.constant 0 : i32
    %c0_i32_1 = arith.constant 0 : i32
    return %c0_i32, %arg0, %c0_i32_0 : i32, i32, i32
  }
  func.func @transform_1(%arg0: i32) -> (i32, i32) {
    %c0_i32 = arith.constant 0 : i32
    %c0_i32_0 = arith.constant 0 : i32
    return %arg0, %c0_i32 : i32, i32
  }
  func.func @transform_2(%arg0: i32) -> (i32, i32) {
    %c0_i32 = arith.constant 0 : i32
    %c0_i32_0 = arith.constant 0 : i32
    %c0_i32_1 = arith.constant 0 : i32
    return %c0_i32, %c0_i32_0 : i32, i32
  }
  func.func @transform_3(%arg0: i32) -> (i32, i32) {
    %c0_i32 = arith.constant 0 : i32
    %c0_i32_0 = arith.constant 0 : i32
    %c0_i32_1 = arith.constant 0 : i32
    return %c0_i32, %c0_i32_0 : i32, i32
  }
  func.func @transform_4(%arg0: i32) -> (i32, i32) {
    %c0_i32 = arith.constant 0 : i32
    %c0_i32_0 = arith.constant 0 : i32
    return %arg0, %c0_i32 : i32, i32
  }
  func.func @transform_5(%arg0: i32) -> (i32, i32) {
    %c0_i32 = arith.constant 0 : i32
    %c0_i32_0 = arith.constant 0 : i32
    return %arg0, %c0_i32 : i32, i32
  }
}

module attributes {stable_mosaic.version = 14 : i64} {
  func.func @_final_body(%arg0: i32, %arg1: memref<2x1024x128xf32, #tpu.memory_space<vmem>>, %arg2: memref<1024x1xf32, #tpu.memory_space<vmem>>, %arg3: memref<1x64xf32, #tpu.memory_space<vmem>>, %arg4: memref<1024x64xf32, #tpu.memory_space<vmem>>) attributes {dimension_semantics = [#tpu.dimension_semantics<arbitrary>], iteration_bounds = array<i64: 10>, scalar_prefetch = 0 : i64, scratch_operands = 0 : i64, tpu.core_type = #tpu.core_type<tc>, window_params = [{transform_indices = @transform_0, window_bounds = array<i64: 2, 1024, 128>}, {transform_indices = @transform_1, window_bounds = array<i64: 1024, 1>}, {pipeline_mode = #tpu.pipeline_mode<synchronous>, transform_indices = @transform_2, window_bounds = array<i64: 1, 64>}, {transform_indices = @transform_3, window_bounds = array<i64: 1024, 64>}]} {
    %get3A = arith.constant 0 : index
    %get3A_0 = arith.constant 0 : index
    %get3A_1 = arith.constant 0 : index
    %get3A_2 = vector.load %arg1[%get3A, %get3A_0, %get3A_1] : memref<2x1024x128xf32, #tpu.memory_space<vmem>>, vector<1x1024x64xf32>
    %get3A_3 = vector.shape_cast %get3A_2 : vector<1x1024x64xf32> to vector<1024x64xf32>
    %get3A_4 = arith.constant 1 : index
    %get3A_5 = arith.constant 0 : index
    %get3A_6 = arith.constant 0 : index
    %get3A_7 = vector.load %arg1[%get3A_4, %get3A_5, %get3A_6] : memref<2x1024x128xf32, #tpu.memory_space<vmem>>, vector<1x1024x64xf32>
    %get3A_8 = vector.shape_cast %get3A_7 : vector<1x1024x64xf32> to vector<1024x64xf32>
    %add3A = arith.addf %get3A_3, %get3A_8 : vector<1024x64xf32>
    %get3A_9 = arith.constant 0 : index
    %get3A_10 = arith.constant 0 : index
    %get3A_11 = vector.load %arg2[%get3A_9, %get3A_10] : memref<1024x1xf32, #tpu.memory_space<vmem>>, vector<1024x1xf32>
    %mul3A = vector.broadcast %get3A_11 : vector<1024x1xf32> to vector<1024x64xf32>
    %mul3A_12 = arith.mulf %add3A, %mul3A : vector<1024x64xf32>
    %get3A_13 = arith.constant 0 : index
    %get3A_14 = arith.constant 0 : index
    %get3A_15 = vector.load %arg3[%get3A_13, %get3A_14] : memref<1x64xf32, #tpu.memory_space<vmem>>, vector<1x64xf32>
    %add3A_16 = vector.broadcast %get3A_15 : vector<1x64xf32> to vector<1024x64xf32>
    %add3A_17 = arith.addf %mul3A_12, %add3A_16 : vector<1024x64xf32>
    %swap3A = arith.constant 0 : index
    %swap3A_18 = arith.constant 0 : index
    %swap3A_19 = vector.load %arg4[%swap3A, %swap3A_18] : memref<1024x64xf32, #tpu.memory_space<vmem>>, vector<1024x64xf32>
    tpu.vector_store %arg4[%swap3A, %swap3A_18], %add3A_17 {strides = array<i32>} : memref<1024x64xf32, #tpu.memory_space<vmem>>, vector<1024x64xf32>,
    return
  }
  func.func @transform_0(%arg0: i32) -> (i32, i32, i32) {
    %c0_i32 = arith.constant 0 : i32
    %c0_i32_0 = arith.constant 0 : i32
    %c0_i32_1 = arith.constant 0 : i32
    return %c0_i32, %arg0, %c0_i32_0 : i32, i32, i32
  }
  func.func @transform_1(%arg0: i32) -> (i32, i32) {
    %c0_i32 = arith.constant 0 : i32
    %c0_i32_0 = arith.constant 0 : i32
    return %arg0, %c0_i32 : i32, i32
  }
  func.func @transform_2(%arg0: i32) -> (i32, i32) {
    %c0_i32 = arith.constant 0 : i32
    %c0_i32_0 = arith.constant 0 : i32
    %c0_i32_1 = arith.constant 0 : i32
    return %c0_i32, %c0_i32_0 : i32, i32
  }
  func.func @transform_3(%arg0: i32) -> (i32, i32) {
    %c0_i32 = arith.constant 0 : i32
    %c0_i32_0 = arith.constant 0 : i32
    return %arg0, %c0_i32 : i32, i32
  }
}

</mosaic_0001>

<sc_bundles>
// kernel: kernel.11.cloned.1.call-start
scs
__scs_entry_jumppad:
0x0: {  	(pc) =	sbr.rel $0x88, $3  }
0x1: {  	(tag) =	ssettag $0x0;
	lr =	simm.s32 $0x1  }
0x2: {  	[smem:$0x3F99] =	sst lr;
	_ =	strace $0xD0000000  }
0x3: {  	_ = 	snop  }
0x4: {  	_ = 	snop  }
0x5: {  	_ = 	snop  }
0x6: {  	_ = 	snop  }
0x7: {  	_ = 	snop  }
__scs_overlays_trampoline_lowered:
0x8: {  	[smem:$0x3FA8] =	sst s0  }
0x9: {  	[smem:$0x3FA9] =	sst s1  }
0xa: {  	[smem:$0x3FAA] =	sst s2  }
0xb: {  	[smem:$0x3FAB] =	sst s3  }
0xc: {  	[smem:$0x3FAC] =	sst s4  }
0xd: {  	[smem:$0x3FAD] =	sst s5  }
0xe: {  	[smem:$0x3FAE] =	sst s6  }
0xf: {  	[smem:$0x3FAF] =	sst s7  }
0x10: {  	[smem:$0x3FB0] =	sst s8  }
0x11: {  	[smem:$0x3FB1] =	sst s9;
	s0 =	simm.s32 @!p0 $0x0  }
0x12: {  	s1 =	sld [smem:$0x3F97];
	s0 =	simm.s32 @p0 $0x1  }
0x13: {  	[smem:$0x3FB2] =	sst s0;
	s0 =	simm.s32 @!p1 $0x0  }
0x14: {  	s2 =	sld [smem:$0x3F96];
	s0 =	simm.s32 @p1 $0x1  }
0x15: {  	[smem:$0x3FB3] =	sst s0;
	s0 =	simm.s32 @!p2 $0x0  }
0x16: {  	s3 =	sld [smem:$0x3FDB];
	s0 =	simm.s32 @p2 $0x1  }
0x17: {  	s4 =	simm.s32 $0x1BF5;
	[smem:$0x3FB5] =	sst s0  }
0x18: {  	s0 =	sld [smem:$0x3F98];
	_ =	swait.ge [sflag:s4], $0x0  }
0x19: {  	s7 =	sld [smem:$0x3F99]  }
0x1a: {  	s8 =	sadd.s32 $0xFFFFE003, lr  }
0x1b: {  	s9 =	sadd.s32 $0xFFFFFEF7, lr;
	s5 =	simm.s32 $0xFFFFFFFF;
	p2 =	slt.u32 s8, $0xFFFFF086  }
0x1c: {  	p1 =	slt.u32 s9, $0xF7A;
	s5 =	simm.s32 @!p2 $0x0  }
0x1d: {  	s5 =	simm.s32 @p1 $0x1;
	p0 =	seq.s32 s7, s2  }
0x1e: {  	s7 =	smul.u32 @!p0 $0xF7A, s2;
	p2 =	seq.s32 @!p0 s5, $0x0  }
0x1f: {  	s9 =	smul.u32 $0xF7A, s1;
	s8 =	simm.s32 @!p0 $0x1BF5;
	p2 =	por !p2, p0  }
0x20: {  	[sflag:s8] =	ssyncset.s32 @!p0 $0xFFFFF086;
	s6 =	sadd.s32 @!p0 s3, s7;
	s7 =	simm.s32 @!p0 $0x108  }
0x21: {  	s3 =	sadd.s32 s3, s9;
	s6 =	sadd.s32 @!p0 $0x88, s6;
	s7 =	simm.s32 @p2 $0x1082  }
0x22: {  	[simem:s7], [sflag:s8] =	dma.local @!p0 [hbm:s6], $0xF7A  }
0x23: {  	s9 =	sor.u32 $0xD0000000, s2;
	s6 =	simm.s32 $0x108;
	_ =	swait.ge @!p0 [sflag:s8], $0x0  }
0x24: {  	s3 =	sadd.s32 $0x88, s3;
	s6 =	simm.s32 @!p1 $0x1082;
	[sflag:s4] =	ssyncset.s32 $0xFFFFF086  }
0x25: {  	[simem:s6], [sflag:s4] =	dma.local [hbm:s3], $0xF7A  }
0x26: {  	[smem:$0x3F99] =	sst s1;
	(tag) =	ssettag s2;
	_ =	strace s9  }
0x27: {  	s1 =	sld [smem:$0x3FA9]  }
0x28: {  	s2 =	sld [smem:$0x3FAA]  }
0x29: {  	s4 =	sld [smem:$0x3FAC]  }
0x2a: {  	p0 =	seq.s32 s5, $0x0;
	s5 =	sld [smem:$0x3FAD]  }
0x2b: {  	s6 =	sld [smem:$0x3FAE]  }
0x2c: {  	s7 =	sld [smem:$0x3FAF]  }
0x2d: {  	s3 =	simm.s32 $0x108;
	s8 =	sld [smem:$0x3FB0]  }
0x2e: {  	s3 =	simm.s32 @!p0 $0x1082;
	s9 =	sld [smem:$0x3FB1]  }
0x2f: {  	lr =	sadd.s32 s0, s3;
	s0 =	sld [smem:$0x3FA8]  }
0x30: {  	s3 =	sld [smem:$0x3FAB]  }
0x31: {  	[smem:$0x3FB4] =	sst s10  }
0x32: {  	s10 =	sld [smem:$0x3FB2];
	_ =	sdelay $0x3  }
0x33: {  	p0 =	seq.s32 s10, $0x1;
	s10 =	sld [smem:$0x3FB4];
	_ =	sdelay $0x3  }
0x34: {  	[smem:$0x3FB4] =	sst s10  }
0x35: {  	s10 =	sld [smem:$0x3FB3];
	_ =	sdelay $0x3  }
0x36: {  	p1 =	seq.s32 s10, $0x1;
	s10 =	sld [smem:$0x3FB4];
	_ =	sdelay $0x3  }
0x37: {  	[smem:$0x3FB4] =	sst s10  }
0x38: {  	s10 =	sld [smem:$0x3FB5]  }
0x39: {  	_ = 	snop;
	(pc) =	sbr.ind lr, $3  }
0x3a: {  	_ = 	snop  }
0x3b: {  	_ = 	snop  }
0x3c: {  	p2 =	seq.s32 s10, $0x1;
	s10 =	sld [smem:$0x3FB4]  }
0x3d: {  	_ =	shalt  }
0x3e: {  	_ =	shalt  }
0x3f: {  	_ =	shalt  }
0x40: {  	_ =	shalt  }
0x41: {  	_ =	shalt  }
0x42: {  	_ =	shalt  }
0x43: {  	_ =	shalt  }
0x44: {  	_ =	shalt  }
0x45: {  	_ =	shalt  }
0x46: {  	_ =	shalt  }
0x47: {  	_ =	shalt  }
0x48: {  	_ =	shalt  }
0x49: {  	_ =	shalt  }
0x4a: {  	_ =	shalt  }
0x4b: {  	_ =	shalt  }
0x4c: {  	_ =	shalt  }
0x4d: {  	_ =	shalt  }
0x4e: {  	_ =	shalt  }
0x4f: {  	_ =	shalt  }
0x50: {  	_ =	shalt  }
0x51: {  	_ =	shalt  }
0x52: {  	_ =	shalt  }
0x53: {  	_ =	shalt  }
0x54: {  	_ =	shalt  }
0x55: {  	_ =	shalt  }
0x56: {  	_ =	shalt  }
0x57: {  	_ =	shalt  }
0x58: {  	_ =	shalt  }
0x59: {  	_ =	shalt  }
0x5a: {  	_ =	shalt  }
0x5b: {  	_ =	shalt  }
0x5c: {  	_ =	shalt  }
0x5d: {  	_ =	shalt  }
0x5e: {  	_ =	shalt  }
0x5f: {  	_ =	shalt  }
0x60: {  	_ =	shalt  }
0x61: {  	_ =	shalt  }
0x62: {  	_ =	shalt  }
0x63: {  	_ =	shalt  }
0x64: {  	_ =	shalt  }
0x65: {  	_ =	shalt  }
0x66: {  	_ =	shalt  }
0x67: {  	_ =	shalt  }
0x68: {  	_ =	shalt  }
0x69: {  	_ =	shalt  }
0x6a: {  	_ =	shalt  }
0x6b: {  	_ =	shalt  }
0x6c: {  	_ =	shalt  }
0x6d: {  	_ =	shalt  }
0x6e: {  	_ =	shalt  }
0x6f: {  	_ =	shalt  }
0x70: {  	_ =	shalt  }
0x71: {  	_ =	shalt  }
0x72: {  	_ =	shalt  }
0x73: {  	_ =	shalt  }
0x74: {  	_ =	shalt  }
0x75: {  	_ =	shalt  }
0x76: {  	_ =	shalt  }
0x77: {  	_ =	shalt  }
0x78: {  	_ =	shalt  }
0x79: {  	_ =	shalt  }
0x7a: {  	_ =	shalt  }
0x7b: {  	_ =	shalt  }
0x7c: {  	_ =	shalt  }
0x7d: {  	_ =	shalt  }
0x7e: {  	_ =	shalt  }
0x7f: {  	_ =	shalt  }
0x80: {  	_ =	shalt  }
0x81: {  	_ =	shalt  }
0x82: {  	_ =	shalt  }
0x83: {  	_ =	shalt  }
0x84: {  	_ =	shalt  }
0x85: {  	_ =	shalt  }
0x86: {  	_ =	shalt  }
0x87: {  	_ =	shalt  }
.Lfunc_end0:
.L_simem_size_0:
called_computation_lowered:
.L_overlay_start_0:
0x88: {  	s2 =	sld [smem:$0x3FD9]  }
0x89: {  	s3 =	sld [smem:$0x3FFE];
	_ =	sdelay $0x1  }
0x8a: {  	s1 =	srdreg.scid  }
0x8b: {  	s0 =	sand.u32 $0x1, s1  }
0x8c: {  	s16 =	sshll.u32 s0, $0xA;
	s2 =	sadd.s32 s3, s2  }
0x8d: {  	s2 =	sadd.s32 s2, s16  }
0x8e: {  	[smem:$0x3FC0] =	sst s2  }
0x8f: {  	_ = 	snop  }
0x90: {  	(tm) =	ssettm $0x1  }
0x91: {  	s17 =	sld [smem:$0x3FFB];
	_ =	sdelay $0x3  }
0x92: {  	_ =	strace s17  }
0x93: {  	s2 =	sld [smem:$0x3FFC];
	_ =	sdelay $0x3  }
0x94: {  	_ =	strace s2  }
0x95: {  	s2 =	sld [smem:$0x3FFD];
	_ =	sdelay $0x3  }
0x96: {  	_ =	strace s2  }
0x97: {  	_ =	strace $0x8FFFFFFF  }
0x98: {  	s18 =	sld [smem:$0x3FDB];
	_ =	sdelay $0x1  }
0x99: {  	s19 =	simm.s32 $_scs_section_size  }
0x9a: {  	s4 =	simm.s32 $_size__tile_overlayer_lowered;
	s5 =	simm.s32 $_tile_overlayer_lowered  }
0x9b: {  	s22 =	simm.s32 $0x1BFF;
	s21 =	sshll.u32 s5, $0x1;
	s2 =	sadd.s32 s19, s18  }
0x9c: {  	s6 =	simm.s32 $0x0;
	s20 =	sshll.u32 s4, $0x1;
	s4 =	sadd.s32 s21, s2  }
0x9d: {  	[timem:s6], [sflag:s22] =	dma.local [hbm:s4], s20  }
0x9e: {  	_ =	swait.ge [sflag:s22], s20  }
0x9f: {  	s3 =	ssub.s32 $0x0, s20;
	[sflag:s22] =	ssyncset.done $0x0  }
0xa0: {  	[sflag:s22] =	ssyncadd.s32 s3;
	_ =	sdelay $0x1  }
0xa1: {  	s23 =	simm.s32 $0x1B8B  }
0xa2: {  	_ =	swait.ge [sflag:s23], $0x1  }
0xa3: {  	[sflag:s23] =	ssyncset.done $0x0  }
0xa4: {  	s25 =	simm.s32 $0x1B8E;
	s24 =	sld [smem:$0x3FFE];
	[sflag:s23] =	ssyncadd.s32 $0xFFFFFFFF  }
0xa5: {  	s26 =	simm.s32 $execute0_lowered;
	[smem:$0x3FD2] =	sst s25  }
0xa6: {  	s4 =	sshll.u32 s26, $0x1;
	_ =	strace $0x80000046;
	[dreg:$0x1] =	wrdreg $0xFFFFFFFF  }
0xa7: {  	s28 =	simm.s32 $_size_execute0_lowered;
	s2 =	sadd.s32 s2, s4;
	[dreg:$0x0] =	wrdreg $0x0  }
0xa8: {  	s4 =	sshll.u32 s28, $0x1;
	[dreg:$0x2] =	wrdreg s2  }
0xa9: {  	[dreg:$0x3] =	wrdreg s4  }
0xaa: {  	[dreg:$0x4] =	wrdreg $0xC0  }
0xab: {  	_ =	task [dreg:s6], $0x5FFFF  }
0xac: {  	[dreg:$0x1] =	wrdreg $0xFFFFFFFF  }
0xad: {  	[dreg:$0x0] =	wrdreg $0x60  }
0xae: {  	[dreg:$0x2] =	wrdreg s24  }
0xaf: {  	[dreg:$0x3] =	wrdreg $0x80800  }
0xb0: {  	[dreg:$0x4] =	wrdreg $0x9  }
0xb1: {  	_ =	task.clear_ibuf [dreg:s6], $0x5FFFF;
	_ =	strace $0x90000046  }
0xb2: {  	s29 =	simm.s32 $0x9;
	_ =	strace $0x80000048  }
0xb3: {  	_ =	swait.ge [sflag:s29], $0x1  }
0xb4: {  	[sflag:s29] =	ssyncadd.s32 $0xFFFFFFFF  }
0xb5: {  	_ =	strace $0x90000048  }
0xb6: {  	_ =	sfence  }
0xb7: {  	s30 =	sld [smem:$0x0];
	_ =	sdelay $0x2  }
0xb8: {  	s31 =	sshll.u32 s1, $0xD;
	s1 =	sshrl.u32 s1, $0x2  }
0xb9: {  	s3 =	sand.u32 $0x4000, s31;
	s1 =	sadd.s32 s1, s30  }
0xba: {  	s0 =	sor.u32 s3, s0;
	s1 =	sshll.u32 s1, $0x11  }
0xbb: {  	s0 =	sor.u32 s1, s0  }
0xbc: {  	s0 =	sadd.s32 $0x8F2B, s0  }
0xbd: {  	[sflag:s0] =	ssyncadd.remote.s32 $0x1  }
0xbe: {  	_ =	sfence.sel $0xFFFF  }
0xbf: {  	[dreg:$0x0] =	wrdreg $0xFFFFFFFF;
	(pc) =	sbr.abs _section_cstart, $3  }
0xc0: {  	[dreg:$0x1] =	wrdreg $0xFFFFFFFF  }
0xc1: {  	_ =	task.clear_ibuf [dreg:s6], $0x2FFFF;
	_ =	strace $0x9FFFFFFF  }
0xc2: {  	(tm) =	ssettm $0x7FFFFFFF  }
0xc3: {  	_ =	shalt  }
tec
execute0_lowered:
.L_overlay_start_1:
0x0: {  	(tag) =	ssettag $0x1  }
0x1: {  	s6 =	rddreg [dreg:$0x0]  }
0x2: {  	s0 =	srdreg.scid;
	s2 =	rddreg [dreg:$0x1]  }
0x3: {  	s1 =	rddreg [dreg:$0x2];
	s5 =	sand.u32 $0x1, s0  }
0x4: {  	s0 =	stileid.u32;
	s4 =	smul.u32 $0x50000, s5  }
0x5: {  	s3 =	simm.s32 $0x0;
	s18 =	simm.s32 $0x80;
	s7 =	smul.u32 $0x5000, s0  }
0x6: {  	s19 =	simm.s32 $0x0;
	[smem:$0x7FF] =	sst s3;
	s26 =	smul.u32 $0x50000, s0  }
0x7: {  	s13 =	sadd.s32 $0x16A00, s6;
	s28 =	ssub.s32 $0x2, s5;
	s9 =	smul.u32 $0x14000, s0  }
0x8: {  	_ =	strace $0x80000047;
	s12 =	smul.u32 $0x140000, s5;
	s8 =	sshrl.u32 s28, $0x1  }
0x9: {  	s4 =	sadd.s32 s7, s4;
	s7 =	sshrl.u32 s26, $0x2;
	s14 =	ssub.s32 s28, s8  }
0xa: {  	s29 =	sadd.s32 $0x4000, s9;
	s11 =	sadd.s32 $0x8000, s9;
	s16 =	sadd.s32 $0xC000, s9  }
0xb: {  	s10 =	sadd.s32 s9, s12;
	s17 =	sadd.s32 $0x10000, s9;
	s4 =	sshrl.u32 s4, $0x3  }
0xc: {  	s5 =	sadd.s32 s29, s2;
	s8 =	sadd.s32 s12, s29;
	s30 =	sshrl.u32 s10, $0x3  }
0xd: {  	s14 =	smax.u32 s14, $0x1;
	s15 =	sadd.s32 s4, s6;
	s4 =	sadd.s32 s7, s2  }
0xe: {  	s6 =	sadd.s32 s11, s2;
	s7 =	sadd.s32 s16, s2;
	s31 =	sshrl.u32 s8, $0x3  }
0xf: {  	s8 =	sadd.s32 s17, s2;
	s9 =	sadd.s32 s13, s30;
	s11 =	sadd.s32 s12, s11  }
0x10: {  	s16 =	sadd.s32 s12, s16;
	s12 =	sadd.s32 s12, s17;
	s10 =	sadd.s32 s13, s31  }
0x11: {  	s11 =	sshrl.u32 s11, $0x3;
	s16 =	sshrl.u32 s16, $0x3;
	s17 =	sshrl.u32 s12, $0x3  }
0x12: {  	s15 =	sadd.s32 $0x2A00, s15;
	s11 =	sadd.s32 s13, s11;
	s12 =	sadd.s32 s13, s16  }
0x13: {  	v0 =	vimm.f32 $0.0e+00;
	v1 =	vimm.f32 $1.000000000e+00;
	s13 =	sadd.s32 s13, s17;
	s16 =	simm.s32 $0x4080;
	s17 =	simm.s32 $0x1  }
.LBB2_1:
0x14: {  	s20 =	simm.s32 $0x0;
	s21 =	simm.s32 $0x200  }
.LBB2_2:
0x15: {  	p0 =	sne.s32 s21, $0xFE00;
	[tilespmem:s20+$0x40F0] =	vst v0  }
0x16: {  	[tilespmem:s20+$0x4080] =	vst v0  }
0x17: {  	[tilespmem:s20+$0x4090] =	vst v0  }
.Ltmp0:
0x18: {  	[tilespmem:s20+$0x40A0] =	vst v0;
	(pc) =	sbr.rel @p0 .LBB2_2-.Ltmp0, $4  }
0x19: {  	[tilespmem:s20+$0x40B0] =	vst v0  }
0x1a: {  	[tilespmem:s20+$0x40C0] =	vst v0  }
0x1b: {  	[tilespmem:s20+$0x40D0] =	vst v0  }
0x1c: {  	[tilespmem:s20+$0x40E0] =	vst v0;
	s20 =	sshra.s32 s21, $0x2;
	s21 =	sadd.s32 $0x200, s21  }
0x1d: {  	[tilespmem:s20+$0x40F0] =	vst v0  }
0x1e: {  	[tilespmem:s20+$0x4080] =	vst v0  }
0x1f: {  	[tilespmem:s20+$0x4090] =	vst v0  }
0x20: {  	[tilespmem:s20+$0x40A0] =	vst v0  }
0x21: {  	[tilespmem:s20+$0x40B0] =	vst v0  }
0x22: {  	[tilespmem:s20+$0x40C0] =	vst v0  }
0x23: {  	[tilespmem:s20+$0x40D0] =	vst v0  }
0x24: {  	[tilespmem:s20+$0x40E0] =	vst v0;
	s20 =	simm.s32 $0x0;
	s21 =	simm.s32 $0x200  }
.LBB2_4:
0x25: {  	p0 =	sne.s32 s21, $0xFE00;
	[tilespmem:s20+$0xF0] =	vst v1  }
0x26: {  	[tilespmem:s20+$0x80] =	vst v1  }
0x27: {  	[tilespmem:s20+$0x90] =	vst v1  }
.Ltmp1:
0x28: {  	[tilespmem:s20+$0xA0] =	vst v1;
	(pc) =	sbr.rel @p0 .LBB2_4-.Ltmp1, $4  }
0x29: {  	[tilespmem:s20+$0xB0] =	vst v1  }
0x2a: {  	[tilespmem:s20+$0xC0] =	vst v1  }
0x2b: {  	[tilespmem:s20+$0xD0] =	vst v1  }
0x2c: {  	[tilespmem:s20+$0xE0] =	vst v1;
	s20 =	sshra.s32 s21, $0x2;
	s21 =	sadd.s32 $0x200, s21  }
0x2d: {  	[tilespmem:s20+$0xF0] =	vst v1  }
0x2e: {  	[tilespmem:s20+$0x80] =	vst v1  }
0x2f: {  	[tilespmem:s20+$0x90] =	vst v1  }
0x30: {  	[tilespmem:s20+$0xA0] =	vst v1  }
0x31: {  	[tilespmem:s20+$0xB0] =	vst v1  }
0x32: {  	[tilespmem:s20+$0xC0] =	vst v1  }
0x33: {  	[tilespmem:s20+$0xD0] =	vst v1  }
0x34: {  	[tilespmem:s20+$0xE0] =	vst v1  }
0x35: {  	[spmem:s4] =	stream.linear.scatter [tilespmem:s16], [sflag:$0x1], $0x4000, $0x38;
	[tilespmem:$0x1C080] =	vst v63  }
0x36: {  	_ =	swait.ge [sflag:s17], $0x4000  }
0x37: {  	[sflag:s17] =	ssyncset.done $0x0  }
0x38: {  	[sflag:s17] =	ssyncadd.s32 $0xFFFFC000  }
0x39: {  	[spmem:s5] =	stream.linear.scatter [tilespmem:s16], [sflag:$0x1], $0x4000, $0x38;
	[tilespmem:$0x1C080] =	vst v63  }
0x3a: {  	_ =	swait.ge [sflag:s17], $0x4000  }
0x3b: {  	[sflag:s17] =	ssyncset.done $0x0  }
0x3c: {  	[sflag:s17] =	ssyncadd.s32 $0xFFFFC000  }
0x3d: {  	[spmem:s6] =	stream.linear.scatter [tilespmem:s16], [sflag:$0x1], $0x4000, $0x38;
	[tilespmem:$0x1C080] =	vst v63  }
0x3e: {  	_ =	swait.ge [sflag:s17], $0x4000  }
0x3f: {  	[sflag:s17] =	ssyncset.done $0x0  }
0x40: {  	[sflag:s17] =	ssyncadd.s32 $0xFFFFC000  }
0x41: {  	[spmem:s7] =	stream.linear.scatter [tilespmem:s16], [sflag:$0x1], $0x4000, $0x38;
	[tilespmem:$0x1C080] =	vst v63  }
0x42: {  	_ =	swait.ge [sflag:s17], $0x4000  }
0x43: {  	[sflag:s17] =	ssyncset.done $0x0  }
0x44: {  	[sflag:s17] =	ssyncadd.s32 $0xFFFFC000  }
0x45: {  	[spmem:s8] =	stream.linear.scatter [tilespmem:s16], [sflag:$0x1], $0x4000, $0x38;
	[tilespmem:$0x1C080] =	vst v63  }
0x46: {  	_ =	swait.ge [sflag:s17], $0x4000  }
0x47: {  	[sflag:s17] =	ssyncset.done $0x0  }
0x48: {  	[sflag:s17] =	ssyncadd.s32 $0xFFFFC000  }
0x49: {  	s31 =	sadd.s32 $0x0, s15;
	[bflag:$0x0] =	sbarrier.arrive $0xFFFF  }
0x4a: {  	[tilespmem:s3], [sflag:$0x1] =	stream.linear.gather [hbm4b:s31+s3], $0x80, $0x38;
	[tilespmem:$0x1C080] =	vst v63  }
0x4b: {  	_ =	swait.ge [sflag:s17], $0x80  }
0x4c: {  	[sflag:s17] =	ssyncset.done $0x0  }
0x4d: {  	[sflag:s17] =	ssyncadd.s32 $0xFFFFFF80  }
0x4e: {  	[spmem:s2] =	stream.indirect.scatter.add.f32 [tilespmem:s18], [sflag:$0x1], $0x80, s3, s18, $0xb8;
	[tilespmem:$0x1C080] =	vst v63  }
0x4f: {  	_ =	swait.ge [sflag:s17], $0x4000  }
0x50: {  	s20 =	simm.s32 $0x10;
	s21 =	simm.s32 $0x20;
	[sflag:s17] =	ssyncset.done $0x0  }
.LBB2_6:
0x51: {  	s22 =	sadd.s32 s20, s15  }
0x52: {  	[sflag:s17] =	ssyncadd.s32 $0xFFFFC000;
	s20 =	smov.u32 s21;
	s23 =	sadd.s32 $0x10, s21  }
0x53: {  	[tilespmem:s3], [sflag:$0x1] =	stream.linear.gather [hbm4b:s22+s3], $0x80, $0x38;
	[tilespmem:$0x1C080] =	vst v63  }
0x54: {  	p0 =	sne.s32 s21, $0x9F0;
	_ =	swait.ge [sflag:s17], $0x80  }
.Ltmp2:
0x55: {  	[sflag:s17] =	ssyncset.done $0x0;
	(pc) =	sbr.rel @p0 .LBB2_6-.Ltmp2, $4  }
0x56: {  	[sflag:s17] =	ssyncadd.s32 $0xFFFFFF80  }
0x57: {  	[spmem:s2] =	stream.indirect.scatter.add.f32 [tilespmem:s18], [sflag:$0x1], $0x80, s3, s18, $0xb8;
	[tilespmem:$0x1C080] =	vst v63  }
0x58: {  	_ =	swait.ge [sflag:s17], $0x4000  }
0x59: {  	s21 =	smov.u32 s23;
	[sflag:s17] =	ssyncset.done $0x0  }
0x5a: {  	s20 =	sadd.s32 s20, s15;
	[sflag:s17] =	ssyncadd.s32 $0xFFFFC000  }
0x5b: {  	[tilespmem:s3], [sflag:$0x1] =	stream.linear.gather [hbm4b:s20+s3], $0x80, $0x38;
	[tilespmem:$0x1C080] =	vst v63  }
0x5c: {  	_ =	swait.ge [sflag:s17], $0x80  }
0x5d: {  	[sflag:s17] =	ssyncset.done $0x0  }
0x5e: {  	[sflag:s17] =	ssyncadd.s32 $0xFFFFFF80  }
0x5f: {  	[spmem:s2] =	stream.indirect.scatter.add.f32 [tilespmem:s18], [sflag:$0x1], $0x80, s3, s18, $0xb8;
	[tilespmem:$0x1C080] =	vst v63  }
0x60: {  	_ =	swait.ge [sflag:s17], $0x4000  }
0x61: {  	[sflag:s17] =	ssyncset.done $0x0  }
0x62: {  	[sflag:s17] =	ssyncadd.s32 $0xFFFFC000  }
0x63: {  	[bflag:$0x0] =	sbarrier.arrive $0xFFFF  }
0x64: {  	[tilespmem:s16], [sflag:$0x1] =	stream.linear.gather [spmem:s4], $0x4000, $0x38;
	[tilespmem:$0x1C080] =	vst v63  }
0x65: {  	_ =	swait.ge [sflag:s17], $0x4000  }
0x66: {  	[sflag:s17] =	ssyncset.done $0x0  }
0x67: {  	[sflag:s17] =	ssyncadd.s32 $0xFFFFC000  }
0x68: {  	[hbm4b:s9+s3] =	stream.linear.scatter [tilespmem:s16], [sflag:$0x1], $0x4000, $0x38;
	[tilespmem:$0x1C080] =	vst v63  }
0x69: {  	_ =	swait.ge [sflag:s17], $0x4000  }
0x6a: {  	[sflag:s17] =	ssyncset.done $0x0  }
0x6b: {  	[sflag:s17] =	ssyncadd.s32 $0xFFFFC000  }
0x6c: {  	[tilespmem:s16], [sflag:$0x1] =	stream.linear.gather [spmem:s5], $0x4000, $0x38;
	[tilespmem:$0x1C080] =	vst v63  }
0x6d: {  	_ =	swait.ge [sflag:s17], $0x4000  }
0x6e: {  	[sflag:s17] =	ssyncset.done $0x0  }
0x6f: {  	[sflag:s17] =	ssyncadd.s32 $0xFFFFC000  }
0x70: {  	[hbm4b:s10+s3] =	stream.linear.scatter [tilespmem:s16], [sflag:$0x1], $0x4000, $0x38;
	[tilespmem:$0x1C080] =	vst v63  }
0x71: {  	_ =	swait.ge [sflag:s17], $0x4000  }
0x72: {  	[sflag:s17] =	ssyncset.done $0x0  }
0x73: {  	[sflag:s17] =	ssyncadd.s32 $0xFFFFC000  }
0x74: {  	[tilespmem:s16], [sflag:$0x1] =	stream.linear.gather [spmem:s6], $0x4000, $0x38;
	[tilespmem:$0x1C080] =	vst v63  }
0x75: {  	_ =	swait.ge [sflag:s17], $0x4000  }
0x76: {  	[sflag:s17] =	ssyncset.done $0x0  }
0x77: {  	[sflag:s17] =	ssyncadd.s32 $0xFFFFC000  }
0x78: {  	[hbm4b:s11+s3] =	stream.linear.scatter [tilespmem:s16], [sflag:$0x1], $0x4000, $0x38;
	[tilespmem:$0x1C080] =	vst v63  }
0x79: {  	_ =	swait.ge [sflag:s17], $0x4000  }
0x7a: {  	[sflag:s17] =	ssyncset.done $0x0  }
0x7b: {  	[sflag:s17] =	ssyncadd.s32 $0xFFFFC000  }
0x7c: {  	[tilespmem:s16], [sflag:$0x1] =	stream.linear.gather [spmem:s7], $0x4000, $0x38;
	[tilespmem:$0x1C080] =	vst v63  }
0x7d: {  	_ =	swait.ge [sflag:s17], $0x4000  }
0x7e: {  	[sflag:s17] =	ssyncset.done $0x0  }
0x7f: {  	[sflag:s17] =	ssyncadd.s32 $0xFFFFC000  }
0x80: {  	[hbm4b:s12+s3] =	stream.linear.scatter [tilespmem:s16], [sflag:$0x1], $0x4000, $0x38;
	[tilespmem:$0x1C080] =	vst v63  }
0x81: {  	_ =	swait.ge [sflag:s17], $0x4000  }
0x82: {  	[sflag:s17] =	ssyncset.done $0x0  }
0x83: {  	[sflag:s17] =	ssyncadd.s32 $0xFFFFC000  }
0x84: {  	[tilespmem:s16], [sflag:$0x1] =	stream.linear.gather [spmem:s8], $0x4000, $0x38;
	[tilespmem:$0x1C080] =	vst v63  }
0x85: {  	s19 =	sadd.s32 $0x1, s19;
	_ =	swait.ge [sflag:s17], $0x4000  }
0x86: {  	p0 =	sne.s32 s19, s14;
	[sflag:s17] =	ssyncset.done $0x0  }
.Ltmp3:
0x87: {  	[sflag:s17] =	ssyncadd.s32 $0xFFFFC000;
	(pc) =	sbr.rel @p0 .LBB2_1-.Ltmp3, $4  }
0x88: {  	[hbm4b:s13+s3] =	stream.linear.scatter [tilespmem:s16], [sflag:$0x1], $0x4000, $0x38;
	[tilespmem:$0x1C080] =	vst v63  }
0x89: {  	_ =	swait.ge [sflag:s17], $0x4000  }
0x8a: {  	[sflag:s17] =	ssyncset.done $0x0  }
0x8b: {  	[sflag:s17] =	ssyncadd.s32 $0xFFFFC000  }
0x8c: {  	_ =	sfence.sel $0x180000  }
0x8d: {  	[bflag:$0x0] =	sbarrier.arrive $0xFFFF  }
0x8e: {  	p0 =	sne.s32 s0, $0x0;
	_ =	strace $0x90000047  }
0x8f: {  	s0 =	sadd.s32 @!p0 $0x100000, s1;
	[bflag:$0x2] =	sbarrier.arrive $0xFFFF  }
0x90: {  	[sflag:s0] =	ssyncadd.tile.s32 @!p0 $0x1;
	_ =	shalt  }
.Lfunc_end2:
_tile_overlayer_lowered:
.L_overlay_start_2:
0x91: {  	(tag) =	ssettag $0x2  }
0x92: {  	s0 =	rddreg [dreg:$0x0];
	s2 =	stileid.u32  }
0x93: {  	s1 =	rddreg [dreg:$0x1];
	p0 =	sne.s32 s2, $0x0  }
0x94: {  	s3 =	rddreg [dreg:$0x2];
	[bflag:$0x3] =	sbarrier.arrive $0xFFFF;
	s2 =	simm.s32 @!p0 $0x1C01  }
0x95: {  	[timem:s3], [sflag:s2] =	dma.local @!p0 [hbm:s0], s1  }
0x96: {  	s0 =	simm.s32 @!p0 $0x1  }
0x97: {  	_ =	swait.ge @!p0 [sflag:s0], s1  }
0x98: {  	s1 =	ssub.s32 @!p0 $0x0, s1;
	[sflag:s0] =	ssyncset.done @!p0 $0x0  }
0x99: {  	[sflag:s0] =	ssyncadd.s32 @!p0 s1  }
0x9a: {  	[bflag:$0x3] =	sbarrier.arrive $0xFFFF  }
0x9b: {  	_ =	shalt  }

// kernel: kernel.14.cloned.1.call-start
scs
__scs_entry_jumppad:
0x0: {  	(pc) =	sbr.rel $0x88, $3  }
0x1: {  	(tag) =	ssettag $0x0;
	lr =	simm.s32 $0x1  }
0x2: {  	[smem:$0x3F99] =	sst lr;
	_ =	strace $0xD0000000  }
0x3: {  	_ = 	snop  }
0x4: {  	_ = 	snop  }
0x5: {  	_ = 	snop  }
0x6: {  	_ = 	snop  }
0x7: {  	_ = 	snop  }
__scs_overlays_trampoline_lowered:
0x8: {  	[smem:$0x3FA8] =	sst s0  }
0x9: {  	[smem:$0x3FA9] =	sst s1  }
0xa: {  	[smem:$0x3FAA] =	sst s2  }
0xb: {  	[smem:$0x3FAB] =	sst s3  }
0xc: {  	[smem:$0x3FAC] =	sst s4  }
0xd: {  	[smem:$0x3FAD] =	sst s5  }
0xe: {  	[smem:$0x3FAE] =	sst s6  }
0xf: {  	[smem:$0x3FAF] =	sst s7  }
0x10: {  	[smem:$0x3FB0] =	sst s8  }
0x11: {  	[smem:$0x3FB1] =	sst s9;
	s0 =	simm.s32 @!p0 $0x0  }
0x12: {  	s1 =	sld [smem:$0x3F97];
	s0 =	simm.s32 @p0 $0x1  }
0x13: {  	[smem:$0x3FB2] =	sst s0;
	s0 =	simm.s32 @!p1 $0x0  }
0x14: {  	s2 =	sld [smem:$0x3F96];
	s0 =	simm.s32 @p1 $0x1  }
0x15: {  	[smem:$0x3FB3] =	sst s0;
	s0 =	simm.s32 @!p2 $0x0  }
0x16: {  	s3 =	sld [smem:$0x3FDB];
	s0 =	simm.s32 @p2 $0x1  }
0x17: {  	s4 =	simm.s32 $0x1BF5;
	[smem:$0x3FB5] =	sst s0  }
0x18: {  	s0 =	sld [smem:$0x3F98];
	_ =	swait.ge [sflag:s4], $0x0  }
0x19: {  	s7 =	sld [smem:$0x3F99]  }
0x1a: {  	s8 =	sadd.s32 $0xFFFFE003, lr  }
0x1b: {  	s9 =	sadd.s32 $0xFFFFFEF7, lr;
	s5 =	simm.s32 $0xFFFFFFFF;
	p2 =	slt.u32 s8, $0xFFFFF086  }
0x1c: {  	p1 =	slt.u32 s9, $0xF7A;
	s5 =	simm.s32 @!p2 $0x0  }
0x1d: {  	s5 =	simm.s32 @p1 $0x1;
	p0 =	seq.s32 s7, s2  }
0x1e: {  	s7 =	smul.u32 @!p0 $0xF7A, s2;
	p2 =	seq.s32 @!p0 s5, $0x0  }
0x1f: {  	s9 =	smul.u32 $0xF7A, s1;
	s8 =	simm.s32 @!p0 $0x1BF5;
	p2 =	por !p2, p0  }
0x20: {  	[sflag:s8] =	ssyncset.s32 @!p0 $0xFFFFF086;
	s6 =	sadd.s32 @!p0 s3, s7;
	s7 =	simm.s32 @!p0 $0x108  }
0x21: {  	s3 =	sadd.s32 s3, s9;
	s6 =	sadd.s32 @!p0 $0x88, s6;
	s7 =	simm.s32 @p2 $0x1082  }
0x22: {  	[simem:s7], [sflag:s8] =	dma.local @!p0 [hbm:s6], $0xF7A  }
0x23: {  	s9 =	sor.u32 $0xD0000000, s2;
	s6 =	simm.s32 $0x108;
	_ =	swait.ge @!p0 [sflag:s8], $0x0  }
0x24: {  	s3 =	sadd.s32 $0x88, s3;
	s6 =	simm.s32 @!p1 $0x1082;
	[sflag:s4] =	ssyncset.s32 $0xFFFFF086  }
0x25: {  	[simem:s6], [sflag:s4] =	dma.local [hbm:s3], $0xF7A  }
0x26: {  	[smem:$0x3F99] =	sst s1;
	(tag) =	ssettag s2;
	_ =	strace s9  }
0x27: {  	s1 =	sld [smem:$0x3FA9]  }
0x28: {  	s2 =	sld [smem:$0x3FAA]  }
0x29: {  	s4 =	sld [smem:$0x3FAC]  }
0x2a: {  	p0 =	seq.s32 s5, $0x0;
	s5 =	sld [smem:$0x3FAD]  }
0x2b: {  	s6 =	sld [smem:$0x3FAE]  }
0x2c: {  	s7 =	sld [smem:$0x3FAF]  }
0x2d: {  	s3 =	simm.s32 $0x108;
	s8 =	sld [smem:$0x3FB0]  }
0x2e: {  	s3 =	simm.s32 @!p0 $0x1082;
	s9 =	sld [smem:$0x3FB1]  }
0x2f: {  	lr =	sadd.s32 s0, s3;
	s0 =	sld [smem:$0x3FA8]  }
0x30: {  	s3 =	sld [smem:$0x3FAB]  }
0x31: {  	[smem:$0x3FB4] =	sst s10  }
0x32: {  	s10 =	sld [smem:$0x3FB2];
	_ =	sdelay $0x3  }
0x33: {  	p0 =	seq.s32 s10, $0x1;
	s10 =	sld [smem:$0x3FB4];
	_ =	sdelay $0x3  }
0x34: {  	[smem:$0x3FB4] =	sst s10  }
0x35: {  	s10 =	sld [smem:$0x3FB3];
	_ =	sdelay $0x3  }
0x36: {  	p1 =	seq.s32 s10, $0x1;
	s10 =	sld [smem:$0x3FB4];
	_ =	sdelay $0x3  }
0x37: {  	[smem:$0x3FB4] =	sst s10  }
0x38: {  	s10 =	sld [smem:$0x3FB5]  }
0x39: {  	_ = 	snop;
	(pc) =	sbr.ind lr, $3  }
0x3a: {  	_ = 	snop  }
0x3b: {  	_ = 	snop  }
0x3c: {  	p2 =	seq.s32 s10, $0x1;
	s10 =	sld [smem:$0x3FB4]  }
0x3d: {  	_ =	shalt  }
0x3e: {  	_ =	shalt  }
0x3f: {  	_ =	shalt  }
0x40: {  	_ =	shalt  }
0x41: {  	_ =	shalt  }
0x42: {  	_ =	shalt  }
0x43: {  	_ =	shalt  }
0x44: {  	_ =	shalt  }
0x45: {  	_ =	shalt  }
0x46: {  	_ =	shalt  }
0x47: {  	_ =	shalt  }
0x48: {  	_ =	shalt  }
0x49: {  	_ =	shalt  }
0x4a: {  	_ =	shalt  }
0x4b: {  	_ =	shalt  }
0x4c: {  	_ =	shalt  }
0x4d: {  	_ =	shalt  }
0x4e: {  	_ =	shalt  }
0x4f: {  	_ =	shalt  }
0x50: {  	_ =	shalt  }
0x51: {  	_ =	shalt  }
0x52: {  	_ =	shalt  }
0x53: {  	_ =	shalt  }
0x54: {  	_ =	shalt  }
0x55: {  	_ =	shalt  }
0x56: {  	_ =	shalt  }
0x57: {  	_ =	shalt  }
0x58: {  	_ =	shalt  }
0x59: {  	_ =	shalt  }
0x5a: {  	_ =	shalt  }
0x5b: {  	_ =	shalt  }
0x5c: {  	_ =	shalt  }
0x5d: {  	_ =	shalt  }
0x5e: {  	_ =	shalt  }
0x5f: {  	_ =	shalt  }
0x60: {  	_ =	shalt  }
0x61: {  	_ =	shalt  }
0x62: {  	_ =	shalt  }
0x63: {  	_ =	shalt  }
0x64: {  	_ =	shalt  }
0x65: {  	_ =	shalt  }
0x66: {  	_ =	shalt  }
0x67: {  	_ =	shalt  }
0x68: {  	_ =	shalt  }
0x69: {  	_ =	shalt  }
0x6a: {  	_ =	shalt  }
0x6b: {  	_ =	shalt  }
0x6c: {  	_ =	shalt  }
0x6d: {  	_ =	shalt  }
0x6e: {  	_ =	shalt  }
0x6f: {  	_ =	shalt  }
0x70: {  	_ =	shalt  }
0x71: {  	_ =	shalt  }
0x72: {  	_ =	shalt  }
0x73: {  	_ =	shalt  }
0x74: {  	_ =	shalt  }
0x75: {  	_ =	shalt  }
0x76: {  	_ =	shalt  }
0x77: {  	_ =	shalt  }
0x78: {  	_ =	shalt  }
0x79: {  	_ =	shalt  }
0x7a: {  	_ =	shalt  }
0x7b: {  	_ =	shalt  }
0x7c: {  	_ =	shalt  }
0x7d: {  	_ =	shalt  }
0x7e: {  	_ =	shalt  }
0x7f: {  	_ =	shalt  }
0x80: {  	_ =	shalt  }
0x81: {  	_ =	shalt  }
0x82: {  	_ =	shalt  }
0x83: {  	_ =	shalt  }
0x84: {  	_ =	shalt  }
0x85: {  	_ =	shalt  }
0x86: {  	_ =	shalt  }
0x87: {  	_ =	shalt  }
.Lfunc_end0:
.L_simem_size_0:
called_computation.1_lowered:
.L_overlay_start_0:
0x88: {  	s2 =	sld [smem:$0x3FD9]  }
0x89: {  	s3 =	sld [smem:$0x3FFE];
	_ =	sdelay $0x1  }
0x8a: {  	s1 =	srdreg.scid  }
0x8b: {  	s0 =	sand.u32 $0x1, s1  }
0x8c: {  	s17 =	sshll.u32 s0, $0xA;
	s2 =	sadd.s32 s3, s2  }
0x8d: {  	s2 =	sadd.s32 s2, s17  }
0x8e: {  	[smem:$0x3FC0] =	sst s2  }
0x8f: {  	_ = 	snop  }
0x90: {  	s2 =	sld [smem:$0x3FD0];
	(tm) =	ssettm $0x1  }
0x91: {  	s18 =	sld [smem:$0x3FFB];
	_ =	sdelay $0x3  }
0x92: {  	_ =	strace s18  }
0x93: {  	s3 =	sld [smem:$0x3FFC];
	_ =	sdelay $0x3  }
0x94: {  	_ =	strace s3  }
0x95: {  	s3 =	sld [smem:$0x3FFD];
	_ =	sdelay $0x3  }
0x96: {  	_ =	strace s3  }
0x97: {  	_ =	strace $0x8FFFFFFF  }
0x98: {  	s19 =	sld [smem:$0x3FDB];
	_ =	sdelay $0x1  }
0x99: {  	s4 =	simm.s32 $_scs_section_size  }
0x9a: {  	s5 =	simm.s32 $_size__tile_overlayer_lowered;
	s6 =	simm.s32 $_tile_overlayer_lowered  }
0x9b: {  	s22 =	simm.s32 $0x1BFF;
	s21 =	sshll.u32 s6, $0x1;
	s3 =	sadd.s32 s4, s19  }
0x9c: {  	s7 =	simm.s32 $0x0;
	s20 =	sshll.u32 s5, $0x1;
	s5 =	sadd.s32 s21, s3  }
0x9d: {  	[timem:s7], [sflag:s22] =	dma.local [hbm:s5], s20  }
0x9e: {  	_ =	swait.ge [sflag:s22], s20  }
0x9f: {  	s4 =	ssub.s32 $0x0, s20;
	[sflag:s22] =	ssyncset.done $0x0  }
0xa0: {  	[sflag:s22] =	ssyncadd.s32 s4;
	_ =	sdelay $0x1  }
0xa1: {  	s23 =	simm.s32 $0x1B8B  }
0xa2: {  	_ =	swait.ge [sflag:s23], $0x1  }
0xa3: {  	[sflag:s23] =	ssyncset.done $0x0  }
0xa4: {  	s25 =	simm.s32 $0x1B8E;
	s24 =	sld [smem:$0x3FFE];
	[sflag:s23] =	ssyncadd.s32 $0xFFFFFFFF  }
0xa5: {  	s26 =	simm.s32 $execute0_lowered;
	[smem:$0x3FD2] =	sst s25  }
0xa6: {  	s5 =	sshll.u32 s26, $0x1;
	_ =	strace $0x80000049;
	[dreg:$0x1] =	wrdreg $0xFFFFFFFF  }
0xa7: {  	s28 =	simm.s32 $_size_execute0_lowered;
	s3 =	sadd.s32 s3, s5;
	[dreg:$0x0] =	wrdreg $0x0  }
0xa8: {  	s5 =	sshll.u32 s28, $0x1;
	[dreg:$0x2] =	wrdreg s3  }
0xa9: {  	[dreg:$0x3] =	wrdreg s5  }
0xaa: {  	[dreg:$0x4] =	wrdreg $0xC0  }
0xab: {  	_ =	task [dreg:s7], $0x5FFFF  }
0xac: {  	[dreg:$0x1] =	wrdreg $0xFFFFFFFF  }
0xad: {  	[dreg:$0x0] =	wrdreg $0x60  }
0xae: {  	[dreg:$0x2] =	wrdreg s24  }
0xaf: {  	[dreg:$0x3] =	wrdreg s2  }
0xb0: {  	[dreg:$0x4] =	wrdreg $0x82000  }
0xb1: {  	[dreg:$0x5] =	wrdreg $0x9  }
0xb2: {  	_ =	task.clear_ibuf [dreg:s7], $0x6FFFF;
	_ =	strace $0x90000049  }
0xb3: {  	s29 =	simm.s32 $0x9;
	_ =	strace $0x8000004B  }
0xb4: {  	_ =	swait.ge [sflag:s29], $0x1  }
0xb5: {  	[sflag:s29] =	ssyncadd.s32 $0xFFFFFFFF  }
0xb6: {  	_ =	strace $0x9000004B  }
0xb7: {  	_ =	sfence  }
0xb8: {  	s30 =	sld [smem:$0x0];
	_ =	sdelay $0x2  }
0xb9: {  	s31 =	sshll.u32 s1, $0xD;
	s1 =	sshrl.u32 s1, $0x2  }
0xba: {  	s3 =	sand.u32 $0x4000, s31;
	s1 =	sadd.s32 s1, s30  }
0xbb: {  	s0 =	sor.u32 s3, s0;
	s1 =	sshll.u32 s1, $0x11  }
0xbc: {  	s0 =	sor.u32 s1, s0  }
0xbd: {  	s0 =	sadd.s32 $0x8F2B, s0  }
0xbe: {  	[sflag:s0] =	ssyncadd.remote.s32 $0x1  }
0xbf: {  	_ =	sfence.sel $0xFFFF  }
0xc0: {  	[dreg:$0x0] =	wrdreg $0xFFFFFFFF;
	(pc) =	sbr.abs _section_cstart, $3  }
0xc1: {  	[dreg:$0x1] =	wrdreg $0xFFFFFFFF  }
0xc2: {  	_ =	task.clear_ibuf [dreg:s7], $0x2FFFF;
	_ =	strace $0x9FFFFFFF  }
0xc3: {  	(tm) =	ssettm $0x7FFFFFFF  }
tec
execute0_lowered:
.L_overlay_start_1:
0x0: {  	(tag) =	ssettag $0x1  }
0x1: {  	s0 =	rddreg [dreg:$0x0]  }
0x2: {  	s3 =	rddreg [dreg:$0x1]  }
0x3: {  	s1 =	rddreg [dreg:$0x2];
	s2 =	simm.s32 $0x0  }
0x4: {  	s5 =	srdreg.scid;
	s20 =	stileid.u32;
	s28 =	simm.s32 $0x100  }
0x5: {  	s29 =	simm.s32 $0x180;
	s30 =	simm.s32 $0x1;
	s31 =	simm.s32 $0x4200  }
0x6: {  	[smem:$0x7FF] =	sst s2;
	s4 =	sadd.s32 $0x2A00, s0;
	s6 =	smul.u32 $0x50000, s20  }
0x7: {  	s10 =	sand.u32 $0x1, s5;
	s11 =	sadd.s32 $0x66A00, s0;
	s12 =	smul.u32 $0x14000, s20  }
0x8: {  	s0 =	sadd.s32 $0x70A00, s0;
	s19 =	sshll.u32 s20, $0x1;
	s20 =	smul.u32 $0x5000, s20  }
0x9: {  	_ =	strace $0x8000004A;
	s5 =	ssub.s32 $0x2, s10;
	s16 =	smul.u32 $0x140000, s10  }
0xa: {  	s21 =	sor.u32 s10, s19;
	s10 =	smul.u32 $0x2800, s10;
	s7 =	sshrl.u32 s5, $0x1  }
0xb: {  	s6 =	sshrl.u32 s6, $0x2;
	s13 =	sadd.s32 $0x4000, s12;
	s14 =	sadd.s32 $0x8000, s12  }
0xc: {  	s9 =	smul.u32 $0x2800, s21;
	s15 =	sadd.s32 $0xC000, s12;
	s18 =	sadd.s32 $0x10000, s12  }
0xd: {  	s17 =	ssub.s32 s5, s7;
	s5 =	sadd.s32 s6, s1;
	s6 =	sadd.s32 s13, s1  }
0xe: {  	s7 =	sadd.s32 s14, s1;
	s8 =	sadd.s32 s15, s1;
	s12 =	sadd.s32 s12, s16  }
0xf: {  	s13 =	sadd.s32 s16, s13;
	s14 =	sadd.s32 s16, s14;
	s15 =	sadd.s32 s16, s15  }
0x10: {  	s16 =	sadd.s32 s16, s18;
	s23 =	sadd.s32 s10, s20;
	s19 =	sshrl.u32 s9, $0x3  }
0x11: {  	s9 =	sadd.s32 s18, s1;
	s12 =	sshrl.u32 s12, $0x3;
	s13 =	sshrl.u32 s13, $0x3  }
0x12: {  	s14 =	sshrl.u32 s14, $0x3;
	s15 =	sshrl.u32 s15, $0x3;
	s16 =	sshrl.u32 s16, $0x3  }
0x13: {  	s17 =	smax.u32 s17, $0x1;
	s25 =	sor.u32 $0x100, s23;
	s21 =	sadd.s32 s11, s19  }
0x14: {  	s22 =	sadd.s32 s3, s19;
	s12 =	sadd.s32 s0, s12;
	s13 =	sadd.s32 s0, s13  }
0x15: {  	s14 =	sadd.s32 s0, s14;
	s15 =	sadd.s32 s0, s15;
	s16 =	sadd.s32 s0, s16  }
0x16: {  	s24 =	sadd.s32 $0x4F0, s19;
	s26 =	sshrl.u32 s25, $0x3;
	[dreg:$0x4] =	wrdreg s21  }
0x17: {  	s0 =	sor.u32 $0x80, s23;
	s25 =	simm.s32 $0x3;
	[dreg:$0x5] =	wrdreg s22  }
0x18: {  	[dreg:$0x6] =	wrdreg s12;
	s18 =	sadd.s32 s11, s24;
	s19 =	sadd.s32 s3, s24  }
0x19: {  	s20 =	sadd.s32 s26, s3;
	s0 =	sshrl.u32 s0, $0x3;
	s21 =	sadd.s32 s26, s11  }
0x1a: {  	s24 =	simm.s32 $0x200;
	s26 =	simm.s32 $0x80;
	s22 =	sadd.s32 s0, s3  }
0x1b: {  	v0 =	vimm.f32 $0.0e+00;
	s23 =	sadd.s32 s0, s11;
	s0 =	simm.s32 $0x2;
	s3 =	simm.s32 $0x0  }
.LBB2_1:
0x1c: {  	s10 =	simm.s32 $0x0;
	s11 =	simm.s32 $0x200  }
.LBB2_2:
0x1d: {  	p0 =	sne.s32 s11, $0xFE00;
	[tilespmem:s10+$0x270] =	vst v0  }
0x1e: {  	[tilespmem:s10+$0x200] =	vst v0  }
0x1f: {  	[tilespmem:s10+$0x210] =	vst v0  }
.Ltmp0:
0x20: {  	[tilespmem:s10+$0x220] =	vst v0;
	(pc) =	sbr.rel @p0 .LBB2_2-.Ltmp0, $4  }
0x21: {  	[tilespmem:s10+$0x230] =	vst v0  }
0x22: {  	[tilespmem:s10+$0x240] =	vst v0  }
0x23: {  	[tilespmem:s10+$0x250] =	vst v0  }
0x24: {  	[tilespmem:s10+$0x260] =	vst v0;
	s10 =	sshra.s32 s11, $0x2;
	s11 =	sadd.s32 $0x200, s11  }
0x25: {  	[tilespmem:s10+$0x270] =	vst v0  }
0x26: {  	[tilespmem:s10+$0x200] =	vst v0  }
0x27: {  	[tilespmem:s10+$0x210] =	vst v0  }
0x28: {  	[tilespmem:s10+$0x220] =	vst v0  }
0x29: {  	[tilespmem:s10+$0x230] =	vst v0  }
0x2a: {  	[tilespmem:s10+$0x240] =	vst v0  }
0x2b: {  	[tilespmem:s10+$0x250] =	vst v0  }
0x2c: {  	[tilespmem:s10+$0x260] =	vst v0  }
0x2d: {  	[spmem:s5] =	stream.linear.scatter [tilespmem:s24], [sflag:$0x3], $0x4000, $0x38;
	[tilespmem:$0x1C200] =	vst v63  }
0x2e: {  	_ =	swait.ge [sflag:s25], $0x4000  }
0x2f: {  	[sflag:s25] =	ssyncset.done $0x0  }
0x30: {  	[sflag:s25] =	ssyncadd.s32 $0xFFFFC000  }
0x31: {  	[spmem:s6] =	stream.linear.scatter [tilespmem:s24], [sflag:$0x3], $0x4000, $0x38;
	[tilespmem:$0x1C200] =	vst v63  }
0x32: {  	_ =	swait.ge [sflag:s25], $0x4000  }
0x33: {  	[sflag:s25] =	ssyncset.done $0x0  }
0x34: {  	[sflag:s25] =	ssyncadd.s32 $0xFFFFC000  }
0x35: {  	[spmem:s7] =	stream.linear.scatter [tilespmem:s24], [sflag:$0x3], $0x4000, $0x38;
	[tilespmem:$0x1C200] =	vst v63  }
0x36: {  	_ =	swait.ge [sflag:s25], $0x4000  }
0x37: {  	[sflag:s25] =	ssyncset.done $0x0  }
0x38: {  	[sflag:s25] =	ssyncadd.s32 $0xFFFFC000  }
0x39: {  	[spmem:s8] =	stream.linear.scatter [tilespmem:s24], [sflag:$0x3], $0x4000, $0x38;
	[tilespmem:$0x1C200] =	vst v63  }
0x3a: {  	_ =	swait.ge [sflag:s25], $0x4000  }
0x3b: {  	[sflag:s25] =	ssyncset.done $0x0  }
0x3c: {  	[sflag:s25] =	ssyncadd.s32 $0xFFFFC000  }
0x3d: {  	[spmem:s9] =	stream.linear.scatter [tilespmem:s24], [sflag:$0x3], $0x4000, $0x38;
	[tilespmem:$0x1C200] =	vst v63  }
0x3e: {  	_ =	swait.ge [sflag:s25], $0x4000  }
0x3f: {  	[sflag:s25] =	ssyncset.done $0x0  }
0x40: {  	[sflag:s25] =	ssyncadd.s32 $0xFFFFC000  }
0x41: {  	[bflag:$0x0] =	sbarrier.arrive $0xFFFF  }
0x42: {  	s10 =	simm.s32 $0x0;
	s11 =	rddreg [dreg:$0x4]  }
0x43: {  	[tilespmem:s10], [sflag:$0x3] =	stream.linear.gather [hbm4b:s11+s10], $0x80, $0x38;
	[tilespmem:$0x1C200] =	vst v63  }
0x44: {  	_ =	swait.ge [sflag:s25], $0x80  }
0x45: {  	[sflag:s25] =	ssyncset.done $0x0  }
0x46: {  	s12 =	rddreg [dreg:$0x5];
	[sflag:s25] =	ssyncadd.s32 $0xFFFFFF80  }
0x47: {  	[tilespmem:s26], [sflag:$0x3] =	stream.linear.gather [hbm4b:s12+s10], $0x80, $0x38;
	[tilespmem:$0x1C200] =	vst v63  }
0x48: {  	_ =	swait.ge [sflag:s25], $0x80  }
0x49: {  	[sflag:s25] =	ssyncset.done $0x0  }
0x4a: {  	[sflag:s25] =	ssyncadd.s32 $0xFFFFFF80  }
0x4b: {  	[tilespmem:s24], [sflag:$0x1] =	stream.indirect.gather [hbm4b:s4+s26], $0x80, s10, s26, $0xb8;
	[tilespmem:$0x1C200] =	vst v63  }
0x4c: {  	s11 =	sadd.s32 $0x0, s23  }
0x4d: {  	[tilespmem:s28], [sflag:$0x3] =	stream.linear.gather [hbm4b:s11+s2], $0x80, $0x38;
	[tilespmem:$0x1C200] =	vst v63  }
0x4e: {  	_ =	swait.ge [sflag:s25], $0x80  }
0x4f: {  	[sflag:s25] =	ssyncset.done $0x0  }
0x50: {  	s12 =	sadd.s32 $0x0, s22;
	[sflag:s25] =	ssyncadd.s32 $0xFFFFFF80  }
0x51: {  	[tilespmem:s29], [sflag:$0x3] =	stream.linear.gather [hbm4b:s12+s2], $0x80, $0x38;
	[tilespmem:$0x1C200] =	vst v63  }
0x52: {  	_ =	swait.ge [sflag:s25], $0x80  }
0x53: {  	[sflag:s25] =	ssyncset.done $0x0  }
0x54: {  	[sflag:s25] =	ssyncadd.s32 $0xFFFFFF80  }
0x55: {  	_ =	swait.ge [sflag:s30], $0x4000  }
0x56: {  	[sflag:s30] =	ssyncset.done $0x0  }
0x57: {  	[sflag:s30] =	ssyncadd.s32 $0xFFFFC000  }
0x58: {  	[tilespmem:s31], [sflag:$0x2] =	stream.indirect.gather [hbm4b:s4+s26], $0x80, s28, s26, $0xb8;
	[tilespmem:$0x1C200] =	vst v63  }
0x59: {  	_ = 	snop  }
0x5a: {  	[spmem:s1] =	stream.indirect.scatter.add.f32 [tilespmem:s24], [sflag:$0x3], $0x80, s26, s26, $0xb8;
	[tilespmem:$0x1C200] =	vst v63  }
0x5b: {  	_ =	swait.ge [sflag:s25], $0x4000  }
0x5c: {  	[sflag:s25] =	ssyncset.done $0x0  }
0x5d: {  	s11 =	sadd.s32 $0x0, s21;
	[sflag:s25] =	ssyncadd.s32 $0xFFFFC000  }
0x5e: {  	[tilespmem:s2], [sflag:$0x3] =	stream.linear.gather [hbm4b:s11+s2], $0x80, $0x38;
	[tilespmem:$0x1C200] =	vst v63  }
0x5f: {  	_ =	swait.ge [sflag:s25], $0x80  }
0x60: {  	[sflag:s25] =	ssyncset.done $0x0  }
0x61: {  	s12 =	sadd.s32 $0x0, s20;
	[sflag:s25] =	ssyncadd.s32 $0xFFFFFF80  }
0x62: {  	[tilespmem:s26], [sflag:$0x3] =	stream.linear.gather [hbm4b:s12+s2], $0x80, $0x38;
	[tilespmem:$0x1C200] =	vst v63  }
0x63: {  	_ =	swait.ge [sflag:s25], $0x80  }
0x64: {  	[sflag:s25] =	ssyncset.done $0x0  }
0x65: {  	[sflag:s25] =	ssyncadd.s32 $0xFFFFFF80  }
0x66: {  	_ =	swait.ge [sflag:s0], $0x4000  }
0x67: {  	[sflag:s0] =	ssyncset.done $0x0  }
0x68: {  	[sflag:s0] =	ssyncadd.s32 $0xFFFFC000  }
0x69: {  	[tilespmem:s24], [sflag:$0x1] =	stream.indirect.gather [hbm4b:s4+s26], $0x80, s2, s26, $0xb8;
	[tilespmem:$0x1C200] =	vst v63  }
0x6a: {  	_ = 	snop  }
0x6b: {  	[spmem:s1] =	stream.indirect.scatter.add.f32 [tilespmem:s31], [sflag:$0x3], $0x80, s29, s26, $0xb8;
	[tilespmem:$0x1C200] =	vst v63  }
0x6c: {  	_ =	swait.ge [sflag:s25], $0x4000  }
0x6d: {  	s10 =	simm.s32 $0x20;
	[sflag:s25] =	ssyncset.done $0x0  }
.LBB2_4:
0x6e: {  	p0 =	sne.s32 s10, $0x4C0  }
0x6f: {  	[sflag:s25] =	ssyncadd.s32 $0xFFFFC000;
	s11 =	smov.u32 s10;
	s10 =	sadd.s32 $0x20, s10  }
0x70: {  	s12 =	sadd.s32 s11, s23  }
0x71: {  	[tilespmem:s28], [sflag:$0x3] =	stream.linear.gather [hbm4b:s12+s2], $0x80, $0x38;
	[tilespmem:$0x1C200] =	vst v63  }
0x72: {  	_ =	swait.ge [sflag:s25], $0x80  }
0x73: {  	[sflag:s25] =	ssyncset.done $0x0  }
0x74: {  	s12 =	sadd.s32 s11, s22;
	[sflag:s25] =	ssyncadd.s32 $0xFFFFFF80  }
0x75: {  	[tilespmem:s29], [sflag:$0x3] =	stream.linear.gather [hbm4b:s12+s2], $0x80, $0x38;
	[tilespmem:$0x1C200] =	vst v63  }
0x76: {  	_ =	swait.ge [sflag:s25], $0x80  }
0x77: {  	[sflag:s25] =	ssyncset.done $0x0  }
0x78: {  	[sflag:s25] =	ssyncadd.s32 $0xFFFFFF80  }
0x79: {  	_ =	swait.ge [sflag:s30], $0x4000  }
0x7a: {  	[sflag:s30] =	ssyncset.done $0x0  }
0x7b: {  	[sflag:s30] =	ssyncadd.s32 $0xFFFFC000  }
0x7c: {  	[tilespmem:s31], [sflag:$0x2] =	stream.indirect.gather [hbm4b:s4+s26], $0x80, s28, s26, $0xb8;
	[tilespmem:$0x1C200] =	vst v63  }
0x7d: {  	_ = 	snop  }
0x7e: {  	[spmem:s1] =	stream.indirect.scatter.add.f32 [tilespmem:s24], [sflag:$0x3], $0x80, s26, s26, $0xb8;
	[tilespmem:$0x1C200] =	vst v63  }
0x7f: {  	_ =	swait.ge [sflag:s25], $0x4000  }
0x80: {  	[sflag:s25] =	ssyncset.done $0x0  }
0x81: {  	s12 =	sadd.s32 s11, s21;
	[sflag:s25] =	ssyncadd.s32 $0xFFFFC000  }
0x82: {  	[tilespmem:s2], [sflag:$0x3] =	stream.linear.gather [hbm4b:s12+s2], $0x80, $0x38;
	[tilespmem:$0x1C200] =	vst v63  }
0x83: {  	_ =	swait.ge [sflag:s25], $0x80  }
0x84: {  	[sflag:s25] =	ssyncset.done $0x0  }
0x85: {  	s11 =	sadd.s32 s11, s20;
	[sflag:s25] =	ssyncadd.s32 $0xFFFFFF80  }
0x86: {  	[tilespmem:s26], [sflag:$0x3] =	stream.linear.gather [hbm4b:s11+s2], $0x80, $0x38;
	[tilespmem:$0x1C200] =	vst v63  }
0x87: {  	_ =	swait.ge [sflag:s25], $0x80  }
0x88: {  	[sflag:s25] =	ssyncset.done $0x0  }
0x89: {  	[sflag:s25] =	ssyncadd.s32 $0xFFFFFF80  }
0x8a: {  	_ =	swait.ge [sflag:s0], $0x4000  }
0x8b: {  	[sflag:s0] =	ssyncset.done $0x0  }
0x8c: {  	[sflag:s0] =	ssyncadd.s32 $0xFFFFC000  }
0x8d: {  	[tilespmem:s24], [sflag:$0x1] =	stream.indirect.gather [hbm4b:s4+s26], $0x80, s2, s26, $0xb8;
	[tilespmem:$0x1C200] =	vst v63  }
.Ltmp1:
0x8e: {  	_ = 	snop;
	(pc) =	sbr.rel @p0 .LBB2_4-.Ltmp1, $4  }
0x8f: {  	_ = 	snop  }
0x90: {  	[spmem:s1] =	stream.indirect.scatter.add.f32 [tilespmem:s31], [sflag:$0x3], $0x80, s29, s26, $0xb8;
	[tilespmem:$0x1C200] =	vst v63  }
0x91: {  	_ =	swait.ge [sflag:s25], $0x4000  }
0x92: {  	[sflag:s25] =	ssyncset.done $0x0  }
0x93: {  	[sflag:s25] =	ssyncadd.s32 $0xFFFFC000  }
0x94: {  	[tilespmem:s28], [sflag:$0x3] =	stream.linear.gather [hbm4b:s18+s2], $0x80, $0x38;
	[tilespmem:$0x1C200] =	vst v63  }
0x95: {  	_ =	swait.ge [sflag:s25], $0x80  }
0x96: {  	[sflag:s25] =	ssyncset.done $0x0  }
0x97: {  	[sflag:s25] =	ssyncadd.s32 $0xFFFFFF80  }
0x98: {  	[tilespmem:s29], [sflag:$0x3] =	stream.linear.gather [hbm4b:s19+s2], $0x80, $0x38;
	[tilespmem:$0x1C200] =	vst v63  }
0x99: {  	_ =	swait.ge [sflag:s25], $0x80  }
0x9a: {  	[sflag:s25] =	ssyncset.done $0x0  }
0x9b: {  	[sflag:s25] =	ssyncadd.s32 $0xFFFFFF80  }
0x9c: {  	_ =	swait.ge [sflag:s30], $0x4000  }
0x9d: {  	[sflag:s30] =	ssyncset.done $0x0  }
0x9e: {  	[sflag:s30] =	ssyncadd.s32 $0xFFFFC000  }
0x9f: {  	[tilespmem:s31], [sflag:$0x2] =	stream.indirect.gather [hbm4b:s4+s26], $0x80, s28, s26, $0xb8;
	[tilespmem:$0x1C200] =	vst v63  }
0xa0: {  	_ = 	snop  }
0xa1: {  	[spmem:s1] =	stream.indirect.scatter.add.f32 [tilespmem:s24], [sflag:$0x3], $0x80, s26, s26, $0xb8;
	[tilespmem:$0x1C200] =	vst v63  }
0xa2: {  	_ =	swait.ge [sflag:s25], $0x4000  }
0xa3: {  	[sflag:s25] =	ssyncset.done $0x0  }
0xa4: {  	[sflag:s25] =	ssyncadd.s32 $0xFFFFC000  }
0xa5: {  	_ =	swait.ge [sflag:s0], $0x4000  }
0xa6: {  	[sflag:s0] =	ssyncset.done $0x0  }
0xa7: {  	[sflag:s0] =	ssyncadd.s32 $0xFFFFC000  }
0xa8: {  	[spmem:s1] =	stream.indirect.scatter.add.f32 [tilespmem:s31], [sflag:$0x3], $0x80, s29, s26, $0xb8;
	[tilespmem:$0x1C200] =	vst v63  }
0xa9: {  	_ =	swait.ge [sflag:s25], $0x4000  }
0xaa: {  	[sflag:s25] =	ssyncset.done $0x0  }
0xab: {  	[sflag:s25] =	ssyncadd.s32 $0xFFFFC000  }
0xac: {  	[bflag:$0x0] =	sbarrier.arrive $0xFFFF  }
0xad: {  	[tilespmem:s24], [sflag:$0x3] =	stream.linear.gather [spmem:s5], $0x4000, $0x38;
	[tilespmem:$0x1C200] =	vst v63  }
0xae: {  	_ =	swait.ge [sflag:s25], $0x4000  }
0xaf: {  	[sflag:s25] =	ssyncset.done $0x0  }
0xb0: {  	s10 =	rddreg [dreg:$0x6];
	[sflag:s25] =	ssyncadd.s32 $0xFFFFC000  }
0xb1: {  	[hbm4b:s10+s2] =	stream.linear.scatter [tilespmem:s24], [sflag:$0x3], $0x4000, $0x38;
	[tilespmem:$0x1C200] =	vst v63  }
0xb2: {  	_ =	swait.ge [sflag:s25], $0x4000  }
0xb3: {  	[sflag:s25] =	ssyncset.done $0x0  }
0xb4: {  	[sflag:s25] =	ssyncadd.s32 $0xFFFFC000  }
0xb5: {  	[tilespmem:s24], [sflag:$0x3] =	stream.linear.gather [spmem:s6], $0x4000, $0x38;
	[tilespmem:$0x1C200] =	vst v63  }
0xb6: {  	_ =	swait.ge [sflag:s25], $0x4000  }
0xb7: {  	[sflag:s25] =	ssyncset.done $0x0  }
0xb8: {  	[sflag:s25] =	ssyncadd.s32 $0xFFFFC000  }
0xb9: {  	[hbm4b:s13+s2] =	stream.linear.scatter [tilespmem:s24], [sflag:$0x3], $0x4000, $0x38;
	[tilespmem:$0x1C200] =	vst v63  }
0xba: {  	_ =	swait.ge [sflag:s25], $0x4000  }
0xbb: {  	[sflag:s25] =	ssyncset.done $0x0  }
0xbc: {  	[sflag:s25] =	ssyncadd.s32 $0xFFFFC000  }
0xbd: {  	[tilespmem:s24], [sflag:$0x3] =	stream.linear.gather [spmem:s7], $0x4000, $0x38;
	[tilespmem:$0x1C200] =	vst v63  }
0xbe: {  	_ =	swait.ge [sflag:s25], $0x4000  }
0xbf: {  	[sflag:s25] =	ssyncset.done $0x0  }
0xc0: {  	[sflag:s25] =	ssyncadd.s32 $0xFFFFC000  }
0xc1: {  	[hbm4b:s14+s2] =	stream.linear.scatter [tilespmem:s24], [sflag:$0x3], $0x4000, $0x38;
	[tilespmem:$0x1C200] =	vst v63  }
0xc2: {  	_ =	swait.ge [sflag:s25], $0x4000  }
0xc3: {  	[sflag:s25] =	ssyncset.done $0x0  }
0xc4: {  	[sflag:s25] =	ssyncadd.s32 $0xFFFFC000  }
0xc5: {  	[tilespmem:s24], [sflag:$0x3] =	stream.linear.gather [spmem:s8], $0x4000, $0x38;
	[tilespmem:$0x1C200] =	vst v63  }
0xc6: {  	_ =	swait.ge [sflag:s25], $0x4000  }
0xc7: {  	[sflag:s25] =	ssyncset.done $0x0  }
0xc8: {  	[sflag:s25] =	ssyncadd.s32 $0xFFFFC000  }
0xc9: {  	[hbm4b:s15+s2] =	stream.linear.scatter [tilespmem:s24], [sflag:$0x3], $0x4000, $0x38;
	[tilespmem:$0x1C200] =	vst v63  }
0xca: {  	_ =	swait.ge [sflag:s25], $0x4000  }
0xcb: {  	[sflag:s25] =	ssyncset.done $0x0  }
0xcc: {  	[sflag:s25] =	ssyncadd.s32 $0xFFFFC000  }
0xcd: {  	[tilespmem:s24], [sflag:$0x3] =	stream.linear.gather [spmem:s9], $0x4000, $0x38;
	[tilespmem:$0x1C200] =	vst v63  }
0xce: {  	s3 =	sadd.s32 $0x1, s3;
	_ =	swait.ge [sflag:s25], $0x4000  }
0xcf: {  	p0 =	sne.s32 s3, s17;
	[sflag:s25] =	ssyncset.done $0x0  }
.Ltmp2:
0xd0: {  	[sflag:s25] =	ssyncadd.s32 $0xFFFFC000;
	(pc) =	sbr.rel @p0 .LBB2_1-.Ltmp2, $4  }
0xd1: {  	[hbm4b:s16+s2] =	stream.linear.scatter [tilespmem:s24], [sflag:$0x3], $0x4000, $0x38;
	[tilespmem:$0x1C200] =	vst v63  }
0xd2: {  	_ =	swait.ge [sflag:s25], $0x4000  }
0xd3: {  	[sflag:s25] =	ssyncset.done $0x0  }
0xd4: {  	[sflag:s25] =	ssyncadd.s32 $0xFFFFC000  }
0xd5: {  	_ =	sfence.sel $0x180000  }
0xd6: {  	[bflag:$0x0] =	sbarrier.arrive $0xFFFF  }
0xd7: {  	_ =	strace $0x9000004A  }
0xd8: {  	s0 =	stileid.u32;
	[bflag:$0x2] =	sbarrier.arrive $0xFFFF  }
0xd9: {  	p0 =	sne.s32 s0, $0x0;
	s0 =	rddreg [dreg:$0x3]  }
0xda: {  	s0 =	sadd.s32 @!p0 $0x100000, s0  }
0xdb: {  	[sflag:s0] =	ssyncadd.tile.s32 @!p0 $0x1;
	_ =	shalt  }
.Lfunc_end2:
_tile_overlayer_lowered:
.L_overlay_start_2:
0xdc: {  	(tag) =	ssettag $0x2  }
0xdd: {  	s0 =	rddreg [dreg:$0x0];
	s2 =	stileid.u32  }
0xde: {  	s1 =	rddreg [dreg:$0x1];
	p0 =	sne.s32 s2, $0x0  }
0xdf: {  	s3 =	rddreg [dreg:$0x2];
	[bflag:$0x3] =	sbarrier.arrive $0xFFFF;
	s2 =	simm.s32 @!p0 $0x1C03  }
0xe0: {  	[timem:s3], [sflag:s2] =	dma.local @!p0 [hbm:s0], s1  }
0xe1: {  	s0 =	simm.s32 @!p0 $0x3  }
0xe2: {  	_ =	swait.ge @!p0 [sflag:s0], s1  }
0xe3: {  	s1 =	ssub.s32 @!p0 $0x0, s1;
	[sflag:s0] =	ssyncset.done @!p0 $0x0  }
0xe4: {  	[sflag:s0] =	ssyncadd.s32 @!p0 s1  }
0xe5: {  	[bflag:$0x3] =	sbarrier.arrive $0xFFFF  }
0xe6: {  	_ =	shalt  }

// kernel: kernel.17.cloned.1.call-start
scs
__scs_entry_jumppad:
0x0: {  	(pc) =	sbr.rel $0x88, $3  }
0x1: {  	(tag) =	ssettag $0x0;
	lr =	simm.s32 $0x1  }
0x2: {  	[smem:$0x3F99] =	sst lr;
	_ =	strace $0xD0000000  }
0x3: {  	_ = 	snop  }
0x4: {  	_ = 	snop  }
0x5: {  	_ = 	snop  }
0x6: {  	_ = 	snop  }
0x7: {  	_ = 	snop  }
__scs_overlays_trampoline_lowered:
0x8: {  	[smem:$0x3FA8] =	sst s0  }
0x9: {  	[smem:$0x3FA9] =	sst s1  }
0xa: {  	[smem:$0x3FAA] =	sst s2  }
0xb: {  	[smem:$0x3FAB] =	sst s3  }
0xc: {  	[smem:$0x3FAC] =	sst s4  }
0xd: {  	[smem:$0x3FAD] =	sst s5  }
0xe: {  	[smem:$0x3FAE] =	sst s6  }
0xf: {  	[smem:$0x3FAF] =	sst s7  }
0x10: {  	[smem:$0x3FB0] =	sst s8  }
0x11: {  	[smem:$0x3FB1] =	sst s9;
	s0 =	simm.s32 @!p0 $0x0  }
0x12: {  	s1 =	sld [smem:$0x3F97];
	s0 =	simm.s32 @p0 $0x1  }
0x13: {  	[smem:$0x3FB2] =	sst s0;
	s0 =	simm.s32 @!p1 $0x0  }
0x14: {  	s2 =	sld [smem:$0x3F96];
	s0 =	simm.s32 @p1 $0x1  }
0x15: {  	[smem:$0x3FB3] =	sst s0;
	s0 =	simm.s32 @!p2 $0x0  }
0x16: {  	s3 =	sld [smem:$0x3FDB];
	s0 =	simm.s32 @p2 $0x1  }
0x17: {  	s4 =	simm.s32 $0x1BF5;
	[smem:$0x3FB5] =	sst s0  }
0x18: {  	s0 =	sld [smem:$0x3F98];
	_ =	swait.ge [sflag:s4], $0x0  }
0x19: {  	s7 =	sld [smem:$0x3F99]  }
0x1a: {  	s8 =	sadd.s32 $0xFFFFE003, lr  }
0x1b: {  	s9 =	sadd.s32 $0xFFFFFEF7, lr;
	s5 =	simm.s32 $0xFFFFFFFF;
	p2 =	slt.u32 s8, $0xFFFFF086  }
0x1c: {  	p1 =	slt.u32 s9, $0xF7A;
	s5 =	simm.s32 @!p2 $0x0  }
0x1d: {  	s5 =	simm.s32 @p1 $0x1;
	p0 =	seq.s32 s7, s2  }
0x1e: {  	s7 =	smul.u32 @!p0 $0xF7A, s2;
	p2 =	seq.s32 @!p0 s5, $0x0  }
0x1f: {  	s9 =	smul.u32 $0xF7A, s1;
	s8 =	simm.s32 @!p0 $0x1BF5;
	p2 =	por !p2, p0  }
0x20: {  	[sflag:s8] =	ssyncset.s32 @!p0 $0xFFFFF086;
	s6 =	sadd.s32 @!p0 s3, s7;
	s7 =	simm.s32 @!p0 $0x108  }
0x21: {  	s3 =	sadd.s32 s3, s9;
	s6 =	sadd.s32 @!p0 $0x88, s6;
	s7 =	simm.s32 @p2 $0x1082  }
0x22: {  	[simem:s7], [sflag:s8] =	dma.local @!p0 [hbm:s6], $0xF7A  }
0x23: {  	s9 =	sor.u32 $0xD0000000, s2;
	s6 =	simm.s32 $0x108;
	_ =	swait.ge @!p0 [sflag:s8], $0x0  }
0x24: {  	s3 =	sadd.s32 $0x88, s3;
	s6 =	simm.s32 @!p1 $0x1082;
	[sflag:s4] =	ssyncset.s32 $0xFFFFF086  }
0x25: {  	[simem:s6], [sflag:s4] =	dma.local [hbm:s3], $0xF7A  }
0x26: {  	[smem:$0x3F99] =	sst s1;
	(tag) =	ssettag s2;
	_ =	strace s9  }
0x27: {  	s1 =	sld [smem:$0x3FA9]  }
0x28: {  	s2 =	sld [smem:$0x3FAA]  }
0x29: {  	s4 =	sld [smem:$0x3FAC]  }
0x2a: {  	p0 =	seq.s32 s5, $0x0;
	s5 =	sld [smem:$0x3FAD]  }
0x2b: {  	s6 =	sld [smem:$0x3FAE]  }
0x2c: {  	s7 =	sld [smem:$0x3FAF]  }
0x2d: {  	s3 =	simm.s32 $0x108;
	s8 =	sld [smem:$0x3FB0]  }
0x2e: {  	s3 =	simm.s32 @!p0 $0x1082;
	s9 =	sld [smem:$0x3FB1]  }
0x2f: {  	lr =	sadd.s32 s0, s3;
	s0 =	sld [smem:$0x3FA8]  }
0x30: {  	s3 =	sld [smem:$0x3FAB]  }
0x31: {  	[smem:$0x3FB4] =	sst s10  }
0x32: {  	s10 =	sld [smem:$0x3FB2];
	_ =	sdelay $0x3  }
0x33: {  	p0 =	seq.s32 s10, $0x1;
	s10 =	sld [smem:$0x3FB4];
	_ =	sdelay $0x3  }
0x34: {  	[smem:$0x3FB4] =	sst s10  }
0x35: {  	s10 =	sld [smem:$0x3FB3];
	_ =	sdelay $0x3  }
0x36: {  	p1 =	seq.s32 s10, $0x1;
	s10 =	sld [smem:$0x3FB4];
	_ =	sdelay $0x3  }
0x37: {  	[smem:$0x3FB4] =	sst s10  }
0x38: {  	s10 =	sld [smem:$0x3FB5]  }
0x39: {  	_ = 	snop;
	(pc) =	sbr.ind lr, $3  }
0x3a: {  	_ = 	snop  }
0x3b: {  	_ = 	snop  }
0x3c: {  	p2 =	seq.s32 s10, $0x1;
	s10 =	sld [smem:$0x3FB4]  }
0x3d: {  	_ =	shalt  }
0x3e: {  	_ =	shalt  }
0x3f: {  	_ =	shalt  }
0x40: {  	_ =	shalt  }
0x41: {  	_ =	shalt  }
0x42: {  	_ =	shalt  }
0x43: {  	_ =	shalt  }
0x44: {  	_ =	shalt  }
0x45: {  	_ =	shalt  }
0x46: {  	_ =	shalt  }
0x47: {  	_ =	shalt  }
0x48: {  	_ =	shalt  }
0x49: {  	_ =	shalt  }
0x4a: {  	_ =	shalt  }
0x4b: {  	_ =	shalt  }
0x4c: {  	_ =	shalt  }
0x4d: {  	_ =	shalt  }
0x4e: {  	_ =	shalt  }
0x4f: {  	_ =	shalt  }
0x50: {  	_ =	shalt  }
0x51: {  	_ =	shalt  }
0x52: {  	_ =	shalt  }
0x53: {  	_ =	shalt  }
0x54: {  	_ =	shalt  }
0x55: {  	_ =	shalt  }
0x56: {  	_ =	shalt  }
0x57: {  	_ =	shalt  }
0x58: {  	_ =	shalt  }
0x59: {  	_ =	shalt  }
0x5a: {  	_ =	shalt  }
0x5b: {  	_ =	shalt  }
0x5c: {  	_ =	shalt  }
0x5d: {  	_ =	shalt  }
0x5e: {  	_ =	shalt  }
0x5f: {  	_ =	shalt  }
0x60: {  	_ =	shalt  }
0x61: {  	_ =	shalt  }
0x62: {  	_ =	shalt  }
0x63: {  	_ =	shalt  }
0x64: {  	_ =	shalt  }
0x65: {  	_ =	shalt  }
0x66: {  	_ =	shalt  }
0x67: {  	_ =	shalt  }
0x68: {  	_ =	shalt  }
0x69: {  	_ =	shalt  }
0x6a: {  	_ =	shalt  }
0x6b: {  	_ =	shalt  }
0x6c: {  	_ =	shalt  }
0x6d: {  	_ =	shalt  }
0x6e: {  	_ =	shalt  }
0x6f: {  	_ =	shalt  }
0x70: {  	_ =	shalt  }
0x71: {  	_ =	shalt  }
0x72: {  	_ =	shalt  }
0x73: {  	_ =	shalt  }
0x74: {  	_ =	shalt  }
0x75: {  	_ =	shalt  }
0x76: {  	_ =	shalt  }
0x77: {  	_ =	shalt  }
0x78: {  	_ =	shalt  }
0x79: {  	_ =	shalt  }
0x7a: {  	_ =	shalt  }
0x7b: {  	_ =	shalt  }
0x7c: {  	_ =	shalt  }
0x7d: {  	_ =	shalt  }
0x7e: {  	_ =	shalt  }
0x7f: {  	_ =	shalt  }
0x80: {  	_ =	shalt  }
0x81: {  	_ =	shalt  }
0x82: {  	_ =	shalt  }
0x83: {  	_ =	shalt  }
0x84: {  	_ =	shalt  }
0x85: {  	_ =	shalt  }
0x86: {  	_ =	shalt  }
0x87: {  	_ =	shalt  }
.Lfunc_end0:
.L_simem_size_0:
called_computation.2_lowered:
.L_overlay_start_0:
0x88: {  	s2 =	sld [smem:$0x3FD9]  }
0x89: {  	s3 =	sld [smem:$0x3FFE];
	_ =	sdelay $0x1  }
0x8a: {  	s1 =	srdreg.scid  }
0x8b: {  	s0 =	sand.u32 $0x1, s1  }
0x8c: {  	s17 =	sshll.u32 s0, $0xA;
	s2 =	sadd.s32 s3, s2  }
0x8d: {  	s2 =	sadd.s32 s2, s17  }
0x8e: {  	[smem:$0x3FC0] =	sst s2  }
0x8f: {  	_ = 	snop  }
0x90: {  	s2 =	sld [smem:$0x3FD0];
	(tm) =	ssettm $0x1  }
0x91: {  	s18 =	sld [smem:$0x3FFB];
	_ =	sdelay $0x3  }
0x92: {  	_ =	strace s18  }
0x93: {  	s3 =	sld [smem:$0x3FFC];
	_ =	sdelay $0x3  }
0x94: {  	_ =	strace s3  }
0x95: {  	s3 =	sld [smem:$0x3FFD];
	_ =	sdelay $0x3  }
0x96: {  	_ =	strace s3  }
0x97: {  	_ =	strace $0x8FFFFFFF  }
0x98: {  	s19 =	sld [smem:$0x3FDB];
	_ =	sdelay $0x1  }
0x99: {  	s4 =	simm.s32 $_scs_section_size  }
0x9a: {  	s5 =	simm.s32 $_size__tile_overlayer_lowered;
	s6 =	simm.s32 $_tile_overlayer_lowered  }
0x9b: {  	s22 =	simm.s32 $0x1BFF;
	s21 =	sshll.u32 s6, $0x1;
	s3 =	sadd.s32 s4, s19  }
0x9c: {  	s7 =	simm.s32 $0x0;
	s20 =	sshll.u32 s5, $0x1;
	s5 =	sadd.s32 s21, s3  }
0x9d: {  	[timem:s7], [sflag:s22] =	dma.local [hbm:s5], s20  }
0x9e: {  	_ =	swait.ge [sflag:s22], s20  }
0x9f: {  	s4 =	ssub.s32 $0x0, s20;
	[sflag:s22] =	ssyncset.done $0x0  }
0xa0: {  	[sflag:s22] =	ssyncadd.s32 s4;
	_ =	sdelay $0x1  }
0xa1: {  	s23 =	simm.s32 $0x1B8B  }
0xa2: {  	_ =	swait.ge [sflag:s23], $0x1  }
0xa3: {  	[sflag:s23] =	ssyncset.done $0x0  }
0xa4: {  	s25 =	simm.s32 $0x1B8E;
	s24 =	sld [smem:$0x3FFE];
	[sflag:s23] =	ssyncadd.s32 $0xFFFFFFFF  }
0xa5: {  	s26 =	simm.s32 $execute0_lowered;
	[smem:$0x3FD2] =	sst s25  }
0xa6: {  	s5 =	sshll.u32 s26, $0x1;
	_ =	strace $0x8000004C;
	[dreg:$0x1] =	wrdreg $0xFFFFFFFF  }
0xa7: {  	s28 =	simm.s32 $_size_execute0_lowered;
	s3 =	sadd.s32 s3, s5;
	[dreg:$0x0] =	wrdreg $0x0  }
0xa8: {  	s5 =	sshll.u32 s28, $0x1;
	[dreg:$0x2] =	wrdreg s3  }
0xa9: {  	[dreg:$0x3] =	wrdreg s5  }
0xaa: {  	[dreg:$0x4] =	wrdreg $0xC0  }
0xab: {  	_ =	task [dreg:s7], $0x5FFFF  }
0xac: {  	[dreg:$0x1] =	wrdreg $0xFFFFFFFF  }
0xad: {  	[dreg:$0x0] =	wrdreg $0x60  }
0xae: {  	[dreg:$0x2] =	wrdreg s24  }
0xaf: {  	[dreg:$0x3] =	wrdreg s2  }
0xb0: {  	[dreg:$0x4] =	wrdreg $0x82000  }
0xb1: {  	[dreg:$0x5] =	wrdreg $0x9  }
0xb2: {  	_ =	task.clear_ibuf [dreg:s7], $0x6FFFF;
	_ =	strace $0x9000004C  }
0xb3: {  	s29 =	simm.s32 $0x9;
	_ =	strace $0x8000004E  }
0xb4: {  	_ =	swait.ge [sflag:s29], $0x1  }
0xb5: {  	[sflag:s29] =	ssyncadd.s32 $0xFFFFFFFF  }
0xb6: {  	_ =	strace $0x9000004E  }
0xb7: {  	_ =	sfence  }
0xb8: {  	s30 =	sld [smem:$0x0];
	_ =	sdelay $0x2  }
0xb9: {  	s31 =	sshll.u32 s1, $0xD;
	s1 =	sshrl.u32 s1, $0x2  }
0xba: {  	s3 =	sand.u32 $0x4000, s31;
	s1 =	sadd.s32 s1, s30  }
0xbb: {  	s0 =	sor.u32 s3, s0;
	s1 =	sshll.u32 s1, $0x11  }
0xbc: {  	s0 =	sor.u32 s1, s0  }
0xbd: {  	s0 =	sadd.s32 $0x8F2B, s0  }
0xbe: {  	[sflag:s0] =	ssyncadd.remote.s32 $0x1  }
0xbf: {  	_ =	sfence.sel $0xFFFF  }
0xc0: {  	[dreg:$0x0] =	wrdreg $0xFFFFFFFF;
	(pc) =	sbr.abs _section_cstart, $3  }
0xc1: {  	[dreg:$0x1] =	wrdreg $0xFFFFFFFF  }
0xc2: {  	_ =	task.clear_ibuf [dreg:s7], $0x2FFFF;
	_ =	strace $0x9FFFFFFF  }
0xc3: {  	(tm) =	ssettm $0x7FFFFFFF  }
tec
execute0_lowered:
.L_overlay_start_1:
0x0: {  	(tag) =	ssettag $0x1  }
0x1: {  	s0 =	rddreg [dreg:$0x0]  }
0x2: {  	s3 =	rddreg [dreg:$0x1]  }
0x3: {  	s1 =	rddreg [dreg:$0x2];
	s2 =	simm.s32 $0x0  }
0x4: {  	s5 =	srdreg.scid;
	s20 =	stileid.u32;
	s28 =	simm.s32 $0x100  }
0x5: {  	s29 =	simm.s32 $0x180;
	s30 =	simm.s32 $0x1;
	s31 =	simm.s32 $0x4200  }
0x6: {  	[smem:$0x7FF] =	sst s2;
	s4 =	sadd.s32 $0x2A00, s0;
	s6 =	smul.u32 $0x50000, s20  }
0x7: {  	s10 =	sand.u32 $0x1, s5;
	s11 =	sadd.s32 $0x66A00, s0;
	s12 =	smul.u32 $0x14000, s20  }
0x8: {  	s0 =	sadd.s32 $0x70A00, s0;
	s19 =	sshll.u32 s20, $0x1;
	s20 =	smul.u32 $0x5000, s20  }
0x9: {  	_ =	strace $0x8000004D;
	s5 =	ssub.s32 $0x2, s10;
	s16 =	smul.u32 $0x140000, s10  }
0xa: {  	s21 =	sor.u32 s10, s19;
	s10 =	smul.u32 $0x2800, s10;
	s7 =	sshrl.u32 s5, $0x1  }
0xb: {  	s6 =	sshrl.u32 s6, $0x2;
	s13 =	sadd.s32 $0x4000, s12;
	s14 =	sadd.s32 $0x8000, s12  }
0xc: {  	s9 =	smul.u32 $0x2800, s21;
	s15 =	sadd.s32 $0xC000, s12;
	s18 =	sadd.s32 $0x10000, s12  }
0xd: {  	s17 =	ssub.s32 s5, s7;
	s5 =	sadd.s32 s6, s1;
	s6 =	sadd.s32 s13, s1  }
0xe: {  	s7 =	sadd.s32 s14, s1;
	s8 =	sadd.s32 s15, s1;
	s12 =	sadd.s32 s12, s16  }
0xf: {  	s13 =	sadd.s32 s16, s13;
	s14 =	sadd.s32 s16, s14;
	s15 =	sadd.s32 s16, s15  }
0x10: {  	s16 =	sadd.s32 s16, s18;
	s23 =	sadd.s32 s10, s20;
	s19 =	sshrl.u32 s9, $0x3  }
0x11: {  	s9 =	sadd.s32 s18, s1;
	s12 =	sshrl.u32 s12, $0x3;
	s13 =	sshrl.u32 s13, $0x3  }
0x12: {  	s14 =	sshrl.u32 s14, $0x3;
	s15 =	sshrl.u32 s15, $0x3;
	s16 =	sshrl.u32 s16, $0x3  }
0x13: {  	s17 =	smax.u32 s17, $0x1;
	s25 =	sor.u32 $0x100, s23;
	s21 =	sadd.s32 s11, s19  }
0x14: {  	s22 =	sadd.s32 s3, s19;
	s12 =	sadd.s32 s0, s12;
	s13 =	sadd.s32 s0, s13  }
0x15: {  	s14 =	sadd.s32 s0, s14;
	s15 =	sadd.s32 s0, s15;
	s16 =	sadd.s32 s0, s16  }
0x16: {  	s24 =	sadd.s32 $0x4F0, s19;
	s26 =	sshrl.u32 s25, $0x3;
	[dreg:$0x4] =	wrdreg s21  }
0x17: {  	s0 =	sor.u32 $0x80, s23;
	s25 =	simm.s32 $0x3;
	[dreg:$0x5] =	wrdreg s22  }
0x18: {  	[dreg:$0x6] =	wrdreg s12;
	s18 =	sadd.s32 s11, s24;
	s19 =	sadd.s32 s3, s24  }
0x19: {  	s20 =	sadd.s32 s26, s3;
	s0 =	sshrl.u32 s0, $0x3;
	s21 =	sadd.s32 s26, s11  }
0x1a: {  	s24 =	simm.s32 $0x200;
	s26 =	simm.s32 $0x80;
	s22 =	sadd.s32 s0, s3  }
0x1b: {  	v0 =	vimm.f32 $0.0e+00;
	s23 =	sadd.s32 s0, s11;
	s0 =	simm.s32 $0x2;
	s3 =	simm.s32 $0x0  }
.LBB2_1:
0x1c: {  	s10 =	simm.s32 $0x0;
	s11 =	simm.s32 $0x200  }
.LBB2_2:
0x1d: {  	p0 =	sne.s32 s11, $0xFE00;
	[tilespmem:s10+$0x270] =	vst v0  }
0x1e: {  	[tilespmem:s10+$0x200] =	vst v0  }
0x1f: {  	[tilespmem:s10+$0x210] =	vst v0  }
.Ltmp0:
0x20: {  	[tilespmem:s10+$0x220] =	vst v0;
	(pc) =	sbr.rel @p0 .LBB2_2-.Ltmp0, $4  }
0x21: {  	[tilespmem:s10+$0x230] =	vst v0  }
0x22: {  	[tilespmem:s10+$0x240] =	vst v0  }
0x23: {  	[tilespmem:s10+$0x250] =	vst v0  }
0x24: {  	[tilespmem:s10+$0x260] =	vst v0;
	s10 =	sshra.s32 s11, $0x2;
	s11 =	sadd.s32 $0x200, s11  }
0x25: {  	[tilespmem:s10+$0x270] =	vst v0  }
0x26: {  	[tilespmem:s10+$0x200] =	vst v0  }
0x27: {  	[tilespmem:s10+$0x210] =	vst v0  }
0x28: {  	[tilespmem:s10+$0x220] =	vst v0  }
0x29: {  	[tilespmem:s10+$0x230] =	vst v0  }
0x2a: {  	[tilespmem:s10+$0x240] =	vst v0  }
0x2b: {  	[tilespmem:s10+$0x250] =	vst v0  }
0x2c: {  	[tilespmem:s10+$0x260] =	vst v0  }
0x2d: {  	[spmem:s5] =	stream.linear.scatter [tilespmem:s24], [sflag:$0x3], $0x4000, $0x38;
	[tilespmem:$0x1C200] =	vst v63  }
0x2e: {  	_ =	swait.ge [sflag:s25], $0x4000  }
0x2f: {  	[sflag:s25] =	ssyncset.done $0x0  }
0x30: {  	[sflag:s25] =	ssyncadd.s32 $0xFFFFC000  }
0x31: {  	[spmem:s6] =	stream.linear.scatter [tilespmem:s24], [sflag:$0x3], $0x4000, $0x38;
	[tilespmem:$0x1C200] =	vst v63  }
0x32: {  	_ =	swait.ge [sflag:s25], $0x4000  }
0x33: {  	[sflag:s25] =	ssyncset.done $0x0  }
0x34: {  	[sflag:s25] =	ssyncadd.s32 $0xFFFFC000  }
0x35: {  	[spmem:s7] =	stream.linear.scatter [tilespmem:s24], [sflag:$0x3], $0x4000, $0x38;
	[tilespmem:$0x1C200] =	vst v63  }
0x36: {  	_ =	swait.ge [sflag:s25], $0x4000  }
0x37: {  	[sflag:s25] =	ssyncset.done $0x0  }
0x38: {  	[sflag:s25] =	ssyncadd.s32 $0xFFFFC000  }
0x39: {  	[spmem:s8] =	stream.linear.scatter [tilespmem:s24], [sflag:$0x3], $0x4000, $0x38;
	[tilespmem:$0x1C200] =	vst v63  }
0x3a: {  	_ =	swait.ge [sflag:s25], $0x4000  }
0x3b: {  	[sflag:s25] =	ssyncset.done $0x0  }
0x3c: {  	[sflag:s25] =	ssyncadd.s32 $0xFFFFC000  }
0x3d: {  	[spmem:s9] =	stream.linear.scatter [tilespmem:s24], [sflag:$0x3], $0x4000, $0x38;
	[tilespmem:$0x1C200] =	vst v63  }
0x3e: {  	_ =	swait.ge [sflag:s25], $0x4000  }
0x3f: {  	[sflag:s25] =	ssyncset.done $0x0  }
0x40: {  	[sflag:s25] =	ssyncadd.s32 $0xFFFFC000  }
0x41: {  	[bflag:$0x0] =	sbarrier.arrive $0xFFFF  }
0x42: {  	s10 =	simm.s32 $0x0;
	s11 =	rddreg [dreg:$0x4]  }
0x43: {  	[tilespmem:s10], [sflag:$0x3] =	stream.linear.gather [hbm4b:s11+s10], $0x80, $0x38;
	[tilespmem:$0x1C200] =	vst v63  }
0x44: {  	_ =	swait.ge [sflag:s25], $0x80  }
0x45: {  	[sflag:s25] =	ssyncset.done $0x0  }
0x46: {  	s12 =	rddreg [dreg:$0x5];
	[sflag:s25] =	ssyncadd.s32 $0xFFFFFF80  }
0x47: {  	[tilespmem:s26], [sflag:$0x3] =	stream.linear.gather [hbm4b:s12+s10], $0x80, $0x38;
	[tilespmem:$0x1C200] =	vst v63  }
0x48: {  	_ =	swait.ge [sflag:s25], $0x80  }
0x49: {  	[sflag:s25] =	ssyncset.done $0x0  }
0x4a: {  	[sflag:s25] =	ssyncadd.s32 $0xFFFFFF80  }
0x4b: {  	[tilespmem:s24], [sflag:$0x1] =	stream.indirect.gather [hbm4b:s4+s26], $0x80, s10, s26, $0xb8;
	[tilespmem:$0x1C200] =	vst v63  }
0x4c: {  	s11 =	sadd.s32 $0x0, s23  }
0x4d: {  	[tilespmem:s28], [sflag:$0x3] =	stream.linear.gather [hbm4b:s11+s2], $0x80, $0x38;
	[tilespmem:$0x1C200] =	vst v63  }
0x4e: {  	_ =	swait.ge [sflag:s25], $0x80  }
0x4f: {  	[sflag:s25] =	ssyncset.done $0x0  }
0x50: {  	s12 =	sadd.s32 $0x0, s22;
	[sflag:s25] =	ssyncadd.s32 $0xFFFFFF80  }
0x51: {  	[tilespmem:s29], [sflag:$0x3] =	stream.linear.gather [hbm4b:s12+s2], $0x80, $0x38;
	[tilespmem:$0x1C200] =	vst v63  }
0x52: {  	_ =	swait.ge [sflag:s25], $0x80  }
0x53: {  	[sflag:s25] =	ssyncset.done $0x0  }
0x54: {  	[sflag:s25] =	ssyncadd.s32 $0xFFFFFF80  }
0x55: {  	_ =	swait.ge [sflag:s30], $0x4000  }
0x56: {  	[sflag:s30] =	ssyncset.done $0x0  }
0x57: {  	[sflag:s30] =	ssyncadd.s32 $0xFFFFC000  }
0x58: {  	[tilespmem:s31], [sflag:$0x2] =	stream.indirect.gather [hbm4b:s4+s26], $0x80, s28, s26, $0xb8;
	[tilespmem:$0x1C200] =	vst v63  }
0x59: {  	_ = 	snop  }
0x5a: {  	[spmem:s1] =	stream.indirect.scatter.add.f32 [tilespmem:s24], [sflag:$0x3], $0x80, s26, s26, $0xb8;
	[tilespmem:$0x1C200] =	vst v63  }
0x5b: {  	_ =	swait.ge [sflag:s25], $0x4000  }
0x5c: {  	[sflag:s25] =	ssyncset.done $0x0  }
0x5d: {  	s11 =	sadd.s32 $0x0, s21;
	[sflag:s25] =	ssyncadd.s32 $0xFFFFC000  }
0x5e: {  	[tilespmem:s2], [sflag:$0x3] =	stream.linear.gather [hbm4b:s11+s2], $0x80, $0x38;
	[tilespmem:$0x1C200] =	vst v63  }
0x5f: {  	_ =	swait.ge [sflag:s25], $0x80  }
0x60: {  	[sflag:s25] =	ssyncset.done $0x0  }
0x61: {  	s12 =	sadd.s32 $0x0, s20;
	[sflag:s25] =	ssyncadd.s32 $0xFFFFFF80  }
0x62: {  	[tilespmem:s26], [sflag:$0x3] =	stream.linear.gather [hbm4b:s12+s2], $0x80, $0x38;
	[tilespmem:$0x1C200] =	vst v63  }
0x63: {  	_ =	swait.ge [sflag:s25], $0x80  }
0x64: {  	[sflag:s25] =	ssyncset.done $0x0  }
0x65: {  	[sflag:s25] =	ssyncadd.s32 $0xFFFFFF80  }
0x66: {  	_ =	swait.ge [sflag:s0], $0x4000  }
0x67: {  	[sflag:s0] =	ssyncset.done $0x0  }
0x68: {  	[sflag:s0] =	ssyncadd.s32 $0xFFFFC000  }
0x69: {  	[tilespmem:s24], [sflag:$0x1] =	stream.indirect.gather [hbm4b:s4+s26], $0x80, s2, s26, $0xb8;
	[tilespmem:$0x1C200] =	vst v63  }
0x6a: {  	_ = 	snop  }
0x6b: {  	[spmem:s1] =	stream.indirect.scatter.add.f32 [tilespmem:s31], [sflag:$0x3], $0x80, s29, s26, $0xb8;
	[tilespmem:$0x1C200] =	vst v63  }
0x6c: {  	_ =	swait.ge [sflag:s25], $0x4000  }
0x6d: {  	s10 =	simm.s32 $0x20;
	[sflag:s25] =	ssyncset.done $0x0  }
.LBB2_4:
0x6e: {  	p0 =	sne.s32 s10, $0x4C0  }
0x6f: {  	[sflag:s25] =	ssyncadd.s32 $0xFFFFC000;
	s11 =	smov.u32 s10;
	s10 =	sadd.s32 $0x20, s10  }
0x70: {  	s12 =	sadd.s32 s11, s23  }
0x71: {  	[tilespmem:s28], [sflag:$0x3] =	stream.linear.gather [hbm4b:s12+s2], $0x80, $0x38;
	[tilespmem:$0x1C200] =	vst v63  }
0x72: {  	_ =	swait.ge [sflag:s25], $0x80  }
0x73: {  	[sflag:s25] =	ssyncset.done $0x0  }
0x74: {  	s12 =	sadd.s32 s11, s22;
	[sflag:s25] =	ssyncadd.s32 $0xFFFFFF80  }
0x75: {  	[tilespmem:s29], [sflag:$0x3] =	stream.linear.gather [hbm4b:s12+s2], $0x80, $0x38;
	[tilespmem:$0x1C200] =	vst v63  }
0x76: {  	_ =	swait.ge [sflag:s25], $0x80  }
0x77: {  	[sflag:s25] =	ssyncset.done $0x0  }
0x78: {  	[sflag:s25] =	ssyncadd.s32 $0xFFFFFF80  }
0x79: {  	_ =	swait.ge [sflag:s30], $0x4000  }
0x7a: {  	[sflag:s30] =	ssyncset.done $0x0  }
0x7b: {  	[sflag:s30] =	ssyncadd.s32 $0xFFFFC000  }
0x7c: {  	[tilespmem:s31], [sflag:$0x2] =	stream.indirect.gather [hbm4b:s4+s26], $0x80, s28, s26, $0xb8;
	[tilespmem:$0x1C200] =	vst v63  }
0x7d: {  	_ = 	snop  }
0x7e: {  	[spmem:s1] =	stream.indirect.scatter.add.f32 [tilespmem:s24], [sflag:$0x3], $0x80, s26, s26, $0xb8;
	[tilespmem:$0x1C200] =	vst v63  }
0x7f: {  	_ =	swait.ge [sflag:s25], $0x4000  }
0x80: {  	[sflag:s25] =	ssyncset.done $0x0  }
0x81: {  	s12 =	sadd.s32 s11, s21;
	[sflag:s25] =	ssyncadd.s32 $0xFFFFC000  }
0x82: {  	[tilespmem:s2], [sflag:$0x3] =	stream.linear.gather [hbm4b:s12+s2], $0x80, $0x38;
	[tilespmem:$0x1C200] =	vst v63  }
0x83: {  	_ =	swait.ge [sflag:s25], $0x80  }
0x84: {  	[sflag:s25] =	ssyncset.done $0x0  }
0x85: {  	s11 =	sadd.s32 s11, s20;
	[sflag:s25] =	ssyncadd.s32 $0xFFFFFF80  }
0x86: {  	[tilespmem:s26], [sflag:$0x3] =	stream.linear.gather [hbm4b:s11+s2], $0x80, $0x38;
	[tilespmem:$0x1C200] =	vst v63  }
0x87: {  	_ =	swait.ge [sflag:s25], $0x80  }
0x88: {  	[sflag:s25] =	ssyncset.done $0x0  }
0x89: {  	[sflag:s25] =	ssyncadd.s32 $0xFFFFFF80  }
0x8a: {  	_ =	swait.ge [sflag:s0], $0x4000  }
0x8b: {  	[sflag:s0] =	ssyncset.done $0x0  }
0x8c: {  	[sflag:s0] =	ssyncadd.s32 $0xFFFFC000  }
0x8d: {  	[tilespmem:s24], [sflag:$0x1] =	stream.indirect.gather [hbm4b:s4+s26], $0x80, s2, s26, $0xb8;
	[tilespmem:$0x1C200] =	vst v63  }
.Ltmp1:
0x8e: {  	_ = 	snop;
	(pc) =	sbr.rel @p0 .LBB2_4-.Ltmp1, $4  }
0x8f: {  	_ = 	snop  }
0x90: {  	[spmem:s1] =	stream.indirect.scatter.add.f32 [tilespmem:s31], [sflag:$0x3], $0x80, s29, s26, $0xb8;
	[tilespmem:$0x1C200] =	vst v63  }
0x91: {  	_ =	swait.ge [sflag:s25], $0x4000  }
0x92: {  	[sflag:s25] =	ssyncset.done $0x0  }
0x93: {  	[sflag:s25] =	ssyncadd.s32 $0xFFFFC000  }
0x94: {  	[tilespmem:s28], [sflag:$0x3] =	stream.linear.gather [hbm4b:s18+s2], $0x80, $0x38;
	[tilespmem:$0x1C200] =	vst v63  }
0x95: {  	_ =	swait.ge [sflag:s25], $0x80  }
0x96: {  	[sflag:s25] =	ssyncset.done $0x0  }
0x97: {  	[sflag:s25] =	ssyncadd.s32 $0xFFFFFF80  }
0x98: {  	[tilespmem:s29], [sflag:$0x3] =	stream.linear.gather [hbm4b:s19+s2], $0x80, $0x38;
	[tilespmem:$0x1C200] =	vst v63  }
0x99: {  	_ =	swait.ge [sflag:s25], $0x80  }
0x9a: {  	[sflag:s25] =	ssyncset.done $0x0  }
0x9b: {  	[sflag:s25] =	ssyncadd.s32 $0xFFFFFF80  }
0x9c: {  	_ =	swait.ge [sflag:s30], $0x4000  }
0x9d: {  	[sflag:s30] =	ssyncset.done $0x0  }
0x9e: {  	[sflag:s30] =	ssyncadd.s32 $0xFFFFC000  }
0x9f: {  	[tilespmem:s31], [sflag:$0x2] =	stream.indirect.gather [hbm4b:s4+s26], $0x80, s28, s26, $0xb8;
	[tilespmem:$0x1C200] =	vst v63  }
0xa0: {  	_ = 	snop  }
0xa1: {  	[spmem:s1] =	stream.indirect.scatter.add.f32 [tilespmem:s24], [sflag:$0x3], $0x80, s26, s26, $0xb8;
	[tilespmem:$0x1C200] =	vst v63  }
0xa2: {  	_ =	swait.ge [sflag:s25], $0x4000  }
0xa3: {  	[sflag:s25] =	ssyncset.done $0x0  }
0xa4: {  	[sflag:s25] =	ssyncadd.s32 $0xFFFFC000  }
0xa5: {  	_ =	swait.ge [sflag:s0], $0x4000  }
0xa6: {  	[sflag:s0] =	ssyncset.done $0x0  }
0xa7: {  	[sflag:s0] =	ssyncadd.s32 $0xFFFFC000  }
0xa8: {  	[spmem:s1] =	stream.indirect.scatter.add.f32 [tilespmem:s31], [sflag:$0x3], $0x80, s29, s26, $0xb8;
	[tilespmem:$0x1C200] =	vst v63  }
0xa9: {  	_ =	swait.ge [sflag:s25], $0x4000  }
0xaa: {  	[sflag:s25] =	ssyncset.done $0x0  }
0xab: {  	[sflag:s25] =	ssyncadd.s32 $0xFFFFC000  }
0xac: {  	[bflag:$0x0] =	sbarrier.arrive $0xFFFF  }
0xad: {  	[tilespmem:s24], [sflag:$0x3] =	stream.linear.gather [spmem:s5], $0x4000, $0x38;
	[tilespmem:$0x1C200] =	vst v63  }
0xae: {  	_ =	swait.ge [sflag:s25], $0x4000  }
0xaf: {  	[sflag:s25] =	ssyncset.done $0x0  }
0xb0: {  	s10 =	rddreg [dreg:$0x6];
	[sflag:s25] =	ssyncadd.s32 $0xFFFFC000  }
0xb1: {  	[hbm4b:s10+s2] =	stream.linear.scatter [tilespmem:s24], [sflag:$0x3], $0x4000, $0x38;
	[tilespmem:$0x1C200] =	vst v63  }
0xb2: {  	_ =	swait.ge [sflag:s25], $0x4000  }
0xb3: {  	[sflag:s25] =	ssyncset.done $0x0  }
0xb4: {  	[sflag:s25] =	ssyncadd.s32 $0xFFFFC000  }
0xb5: {  	[tilespmem:s24], [sflag:$0x3] =	stream.linear.gather [spmem:s6], $0x4000, $0x38;
	[tilespmem:$0x1C200] =	vst v63  }
0xb6: {  	_ =	swait.ge [sflag:s25], $0x4000  }
0xb7: {  	[sflag:s25] =	ssyncset.done $0x0  }
0xb8: {  	[sflag:s25] =	ssyncadd.s32 $0xFFFFC000  }
0xb9: {  	[hbm4b:s13+s2] =	stream.linear.scatter [tilespmem:s24], [sflag:$0x3], $0x4000, $0x38;
	[tilespmem:$0x1C200] =	vst v63  }
0xba: {  	_ =	swait.ge [sflag:s25], $0x4000  }
0xbb: {  	[sflag:s25] =	ssyncset.done $0x0  }
0xbc: {  	[sflag:s25] =	ssyncadd.s32 $0xFFFFC000  }
0xbd: {  	[tilespmem:s24], [sflag:$0x3] =	stream.linear.gather [spmem:s7], $0x4000, $0x38;
	[tilespmem:$0x1C200] =	vst v63  }
0xbe: {  	_ =	swait.ge [sflag:s25], $0x4000  }
0xbf: {  	[sflag:s25] =	ssyncset.done $0x0  }
0xc0: {  	[sflag:s25] =	ssyncadd.s32 $0xFFFFC000  }
0xc1: {  	[hbm4b:s14+s2] =	stream.linear.scatter [tilespmem:s24], [sflag:$0x3], $0x4000, $0x38;
	[tilespmem:$0x1C200] =	vst v63  }
0xc2: {  	_ =	swait.ge [sflag:s25], $0x4000  }
0xc3: {  	[sflag:s25] =	ssyncset.done $0x0  }
0xc4: {  	[sflag:s25] =	ssyncadd.s32 $0xFFFFC000  }
0xc5: {  	[tilespmem:s24], [sflag:$0x3] =	stream.linear.gather [spmem:s8], $0x4000, $0x38;
	[tilespmem:$0x1C200] =	vst v63  }
0xc6: {  	_ =	swait.ge [sflag:s25], $0x4000  }
0xc7: {  	[sflag:s25] =	ssyncset.done $0x0  }
0xc8: {  	[sflag:s25] =	ssyncadd.s32 $0xFFFFC000  }
0xc9: {  	[hbm4b:s15+s2] =	stream.linear.scatter [tilespmem:s24], [sflag:$0x3], $0x4000, $0x38;
	[tilespmem:$0x1C200] =	vst v63  }
0xca: {  	_ =	swait.ge [sflag:s25], $0x4000  }
0xcb: {  	[sflag:s25] =	ssyncset.done $0x0  }
0xcc: {  	[sflag:s25] =	ssyncadd.s32 $0xFFFFC000  }
0xcd: {  	[tilespmem:s24], [sflag:$0x3] =	stream.linear.gather [spmem:s9], $0x4000, $0x38;
	[tilespmem:$0x1C200] =	vst v63  }
0xce: {  	s3 =	sadd.s32 $0x1, s3;
	_ =	swait.ge [sflag:s25], $0x4000  }
0xcf: {  	p0 =	sne.s32 s3, s17;
	[sflag:s25] =	ssyncset.done $0x0  }
.Ltmp2:
0xd0: {  	[sflag:s25] =	ssyncadd.s32 $0xFFFFC000;
	(pc) =	sbr.rel @p0 .LBB2_1-.Ltmp2, $4  }
0xd1: {  	[hbm4b:s16+s2] =	stream.linear.scatter [tilespmem:s24], [sflag:$0x3], $0x4000, $0x38;
	[tilespmem:$0x1C200] =	vst v63  }
0xd2: {  	_ =	swait.ge [sflag:s25], $0x4000  }
0xd3: {  	[sflag:s25] =	ssyncset.done $0x0  }
0xd4: {  	[sflag:s25] =	ssyncadd.s32 $0xFFFFC000  }
0xd5: {  	_ =	sfence.sel $0x180000  }
0xd6: {  	[bflag:$0x0] =	sbarrier.arrive $0xFFFF  }
0xd7: {  	_ =	strace $0x9000004D  }
0xd8: {  	s0 =	stileid.u32;
	[bflag:$0x2] =	sbarrier.arrive $0xFFFF  }
0xd9: {  	p0 =	sne.s32 s0, $0x0;
	s0 =	rddreg [dreg:$0x3]  }
0xda: {  	s0 =	sadd.s32 @!p0 $0x100000, s0  }
0xdb: {  	[sflag:s0] =	ssyncadd.tile.s32 @!p0 $0x1;
	_ =	shalt  }
.Lfunc_end2:
_tile_overlayer_lowered:
.L_overlay_start_2:
0xdc: {  	(tag) =	ssettag $0x2  }
0xdd: {  	s0 =	rddreg [dreg:$0x0];
	s2 =	stileid.u32  }
0xde: {  	s1 =	rddreg [dreg:$0x1];
	p0 =	sne.s32 s2, $0x0  }
0xdf: {  	s3 =	rddreg [dreg:$0x2];
	[bflag:$0x3] =	sbarrier.arrive $0xFFFF;
	s2 =	simm.s32 @!p0 $0x1C03  }
0xe0: {  	[timem:s3], [sflag:s2] =	dma.local @!p0 [hbm:s0], s1  }
0xe1: {  	s0 =	simm.s32 @!p0 $0x3  }
0xe2: {  	_ =	swait.ge @!p0 [sflag:s0], s1  }
0xe3: {  	s1 =	ssub.s32 @!p0 $0x0, s1;
	[sflag:s0] =	ssyncset.done @!p0 $0x0  }
0xe4: {  	[sflag:s0] =	ssyncadd.s32 @!p0 s1  }
0xe5: {  	[bflag:$0x3] =	sbarrier.arrive $0xFFFF  }
0xe6: {  	_ =	shalt  }

// kernel: kernel.20.cloned.1.call-start
scs
__scs_entry_jumppad:
0x0: {  	(pc) =	sbr.rel $0x88, $3  }
0x1: {  	(tag) =	ssettag $0x0;
	lr =	simm.s32 $0x1  }
0x2: {  	[smem:$0x3F99] =	sst lr;
	_ =	strace $0xD0000000  }
0x3: {  	_ = 	snop  }
0x4: {  	_ = 	snop  }
0x5: {  	_ = 	snop  }
0x6: {  	_ = 	snop  }
0x7: {  	_ = 	snop  }
__scs_overlays_trampoline_lowered:
0x8: {  	[smem:$0x3FA8] =	sst s0  }
0x9: {  	[smem:$0x3FA9] =	sst s1  }
0xa: {  	[smem:$0x3FAA] =	sst s2  }
0xb: {  	[smem:$0x3FAB] =	sst s3  }
0xc: {  	[smem:$0x3FAC] =	sst s4  }
0xd: {  	[smem:$0x3FAD] =	sst s5  }
0xe: {  	[smem:$0x3FAE] =	sst s6  }
0xf: {  	[smem:$0x3FAF] =	sst s7  }
0x10: {  	[smem:$0x3FB0] =	sst s8  }
0x11: {  	[smem:$0x3FB1] =	sst s9;
	s0 =	simm.s32 @!p0 $0x0  }
0x12: {  	s1 =	sld [smem:$0x3F97];
	s0 =	simm.s32 @p0 $0x1  }
0x13: {  	[smem:$0x3FB2] =	sst s0;
	s0 =	simm.s32 @!p1 $0x0  }
0x14: {  	s2 =	sld [smem:$0x3F96];
	s0 =	simm.s32 @p1 $0x1  }
0x15: {  	[smem:$0x3FB3] =	sst s0;
	s0 =	simm.s32 @!p2 $0x0  }
0x16: {  	s3 =	sld [smem:$0x3FDB];
	s0 =	simm.s32 @p2 $0x1  }
0x17: {  	s4 =	simm.s32 $0x1BF5;
	[smem:$0x3FB5] =	sst s0  }
0x18: {  	s0 =	sld [smem:$0x3F98];
	_ =	swait.ge [sflag:s4], $0x0  }
0x19: {  	s7 =	sld [smem:$0x3F99]  }
0x1a: {  	s8 =	sadd.s32 $0xFFFFE003, lr  }
0x1b: {  	s9 =	sadd.s32 $0xFFFFFEF7, lr;
	s5 =	simm.s32 $0xFFFFFFFF;
	p2 =	slt.u32 s8, $0xFFFFF086  }
0x1c: {  	p1 =	slt.u32 s9, $0xF7A;
	s5 =	simm.s32 @!p2 $0x0  }
0x1d: {  	s5 =	simm.s32 @p1 $0x1;
	p0 =	seq.s32 s7, s2  }
0x1e: {  	s7 =	smul.u32 @!p0 $0xF7A, s2;
	p2 =	seq.s32 @!p0 s5, $0x0  }
0x1f: {  	s9 =	smul.u32 $0xF7A, s1;
	s8 =	simm.s32 @!p0 $0x1BF5;
	p2 =	por !p2, p0  }
0x20: {  	[sflag:s8] =	ssyncset.s32 @!p0 $0xFFFFF086;
	s6 =	sadd.s32 @!p0 s3, s7;
	s7 =	simm.s32 @!p0 $0x108  }
0x21: {  	s3 =	sadd.s32 s3, s9;
	s6 =	sadd.s32 @!p0 $0x88, s6;
	s7 =	simm.s32 @p2 $0x1082  }
0x22: {  	[simem:s7], [sflag:s8] =	dma.local @!p0 [hbm:s6], $0xF7A  }
0x23: {  	s9 =	sor.u32 $0xD0000000, s2;
	s6 =	simm.s32 $0x108;
	_ =	swait.ge @!p0 [sflag:s8], $0x0  }
0x24: {  	s3 =	sadd.s32 $0x88, s3;
	s6 =	simm.s32 @!p1 $0x1082;
	[sflag:s4] =	ssyncset.s32 $0xFFFFF086  }
0x25: {  	[simem:s6], [sflag:s4] =	dma.local [hbm:s3], $0xF7A  }
0x26: {  	[smem:$0x3F99] =	sst s1;
	(tag) =	ssettag s2;
	_ =	strace s9  }
0x27: {  	s1 =	sld [smem:$0x3FA9]  }
0x28: {  	s2 =	sld [smem:$0x3FAA]  }
0x29: {  	s4 =	sld [smem:$0x3FAC]  }
0x2a: {  	p0 =	seq.s32 s5, $0x0;
	s5 =	sld [smem:$0x3FAD]  }
0x2b: {  	s6 =	sld [smem:$0x3FAE]  }
0x2c: {  	s7 =	sld [smem:$0x3FAF]  }
0x2d: {  	s3 =	simm.s32 $0x108;
	s8 =	sld [smem:$0x3FB0]  }
0x2e: {  	s3 =	simm.s32 @!p0 $0x1082;
	s9 =	sld [smem:$0x3FB1]  }
0x2f: {  	lr =	sadd.s32 s0, s3;
	s0 =	sld [smem:$0x3FA8]  }
0x30: {  	s3 =	sld [smem:$0x3FAB]  }
0x31: {  	[smem:$0x3FB4] =	sst s10  }
0x32: {  	s10 =	sld [smem:$0x3FB2];
	_ =	sdelay $0x3  }
0x33: {  	p0 =	seq.s32 s10, $0x1;
	s10 =	sld [smem:$0x3FB4];
	_ =	sdelay $0x3  }
0x34: {  	[smem:$0x3FB4] =	sst s10  }
0x35: {  	s10 =	sld [smem:$0x3FB3];
	_ =	sdelay $0x3  }
0x36: {  	p1 =	seq.s32 s10, $0x1;
	s10 =	sld [smem:$0x3FB4];
	_ =	sdelay $0x3  }
0x37: {  	[smem:$0x3FB4] =	sst s10  }
0x38: {  	s10 =	sld [smem:$0x3FB5]  }
0x39: {  	_ = 	snop;
	(pc) =	sbr.ind lr, $3  }
0x3a: {  	_ = 	snop  }
0x3b: {  	_ = 	snop  }
0x3c: {  	p2 =	seq.s32 s10, $0x1;
	s10 =	sld [smem:$0x3FB4]  }
0x3d: {  	_ =	shalt  }
0x3e: {  	_ =	shalt  }
0x3f: {  	_ =	shalt  }
0x40: {  	_ =	shalt  }
0x41: {  	_ =	shalt  }
0x42: {  	_ =	shalt  }
0x43: {  	_ =	shalt  }
0x44: {  	_ =	shalt  }
0x45: {  	_ =	shalt  }
0x46: {  	_ =	shalt  }
0x47: {  	_ =	shalt  }
0x48: {  	_ =	shalt  }
0x49: {  	_ =	shalt  }
0x4a: {  	_ =	shalt  }
0x4b: {  	_ =	shalt  }
0x4c: {  	_ =	shalt  }
0x4d: {  	_ =	shalt  }
0x4e: {  	_ =	shalt  }
0x4f: {  	_ =	shalt  }
0x50: {  	_ =	shalt  }
0x51: {  	_ =	shalt  }
0x52: {  	_ =	shalt  }
0x53: {  	_ =	shalt  }
0x54: {  	_ =	shalt  }
0x55: {  	_ =	shalt  }
0x56: {  	_ =	shalt  }
0x57: {  	_ =	shalt  }
0x58: {  	_ =	shalt  }
0x59: {  	_ =	shalt  }
0x5a: {  	_ =	shalt  }
0x5b: {  	_ =	shalt  }
0x5c: {  	_ =	shalt  }
0x5d: {  	_ =	shalt  }
0x5e: {  	_ =	shalt  }
0x5f: {  	_ =	shalt  }
0x60: {  	_ =	shalt  }
0x61: {  	_ =	shalt  }
0x62: {  	_ =	shalt  }
0x63: {  	_ =	shalt  }
0x64: {  	_ =	shalt  }
0x65: {  	_ =	shalt  }
0x66: {  	_ =	shalt  }
0x67: {  	_ =	shalt  }
0x68: {  	_ =	shalt  }
0x69: {  	_ =	shalt  }
0x6a: {  	_ =	shalt  }
0x6b: {  	_ =	shalt  }
0x6c: {  	_ =	shalt  }
0x6d: {  	_ =	shalt  }
0x6e: {  	_ =	shalt  }
0x6f: {  	_ =	shalt  }
0x70: {  	_ =	shalt  }
0x71: {  	_ =	shalt  }
0x72: {  	_ =	shalt  }
0x73: {  	_ =	shalt  }
0x74: {  	_ =	shalt  }
0x75: {  	_ =	shalt  }
0x76: {  	_ =	shalt  }
0x77: {  	_ =	shalt  }
0x78: {  	_ =	shalt  }
0x79: {  	_ =	shalt  }
0x7a: {  	_ =	shalt  }
0x7b: {  	_ =	shalt  }
0x7c: {  	_ =	shalt  }
0x7d: {  	_ =	shalt  }
0x7e: {  	_ =	shalt  }
0x7f: {  	_ =	shalt  }
0x80: {  	_ =	shalt  }
0x81: {  	_ =	shalt  }
0x82: {  	_ =	shalt  }
0x83: {  	_ =	shalt  }
0x84: {  	_ =	shalt  }
0x85: {  	_ =	shalt  }
0x86: {  	_ =	shalt  }
0x87: {  	_ =	shalt  }
.Lfunc_end0:
.L_simem_size_0:
called_computation.3_lowered:
.L_overlay_start_0:
0x88: {  	s2 =	sld [smem:$0x3FD9]  }
0x89: {  	s3 =	sld [smem:$0x3FFE];
	_ =	sdelay $0x1  }
0x8a: {  	s1 =	srdreg.scid  }
0x8b: {  	s0 =	sand.u32 $0x1, s1  }
0x8c: {  	s17 =	sshll.u32 s0, $0xA;
	s2 =	sadd.s32 s3, s2  }
0x8d: {  	s2 =	sadd.s32 s2, s17  }
0x8e: {  	[smem:$0x3FC0] =	sst s2  }
0x8f: {  	_ = 	snop  }
0x90: {  	s2 =	sld [smem:$0x3FD0];
	(tm) =	ssettm $0x1  }
0x91: {  	s18 =	sld [smem:$0x3FFB];
	_ =	sdelay $0x3  }
0x92: {  	_ =	strace s18  }
0x93: {  	s3 =	sld [smem:$0x3FFC];
	_ =	sdelay $0x3  }
0x94: {  	_ =	strace s3  }
0x95: {  	s3 =	sld [smem:$0x3FFD];
	_ =	sdelay $0x3  }
0x96: {  	_ =	strace s3  }
0x97: {  	_ =	strace $0x8FFFFFFF  }
0x98: {  	s19 =	sld [smem:$0x3FDB];
	_ =	sdelay $0x1  }
0x99: {  	s4 =	simm.s32 $_scs_section_size  }
0x9a: {  	s5 =	simm.s32 $_size__tile_overlayer_lowered;
	s6 =	simm.s32 $_tile_overlayer_lowered  }
0x9b: {  	s22 =	simm.s32 $0x1BFF;
	s21 =	sshll.u32 s6, $0x1;
	s3 =	sadd.s32 s4, s19  }
0x9c: {  	s7 =	simm.s32 $0x0;
	s20 =	sshll.u32 s5, $0x1;
	s5 =	sadd.s32 s21, s3  }
0x9d: {  	[timem:s7], [sflag:s22] =	dma.local [hbm:s5], s20  }
0x9e: {  	_ =	swait.ge [sflag:s22], s20  }
0x9f: {  	s4 =	ssub.s32 $0x0, s20;
	[sflag:s22] =	ssyncset.done $0x0  }
0xa0: {  	[sflag:s22] =	ssyncadd.s32 s4;
	_ =	sdelay $0x1  }
0xa1: {  	s23 =	simm.s32 $0x1B8B  }
0xa2: {  	_ =	swait.ge [sflag:s23], $0x1  }
0xa3: {  	[sflag:s23] =	ssyncset.done $0x0  }
0xa4: {  	s25 =	simm.s32 $0x1B8E;
	s24 =	sld [smem:$0x3FFE];
	[sflag:s23] =	ssyncadd.s32 $0xFFFFFFFF  }
0xa5: {  	s26 =	simm.s32 $execute0_lowered;
	[smem:$0x3FD2] =	sst s25  }
0xa6: {  	s5 =	sshll.u32 s26, $0x1;
	_ =	strace $0x8000004F;
	[dreg:$0x1] =	wrdreg $0xFFFFFFFF  }
0xa7: {  	s28 =	simm.s32 $_size_execute0_lowered;
	s3 =	sadd.s32 s3, s5;
	[dreg:$0x0] =	wrdreg $0x0  }
0xa8: {  	s5 =	sshll.u32 s28, $0x1;
	[dreg:$0x2] =	wrdreg s3  }
0xa9: {  	[dreg:$0x3] =	wrdreg s5  }
0xaa: {  	[dreg:$0x4] =	wrdreg $0xC0  }
0xab: {  	_ =	task [dreg:s7], $0x5FFFF  }
0xac: {  	[dreg:$0x1] =	wrdreg $0xFFFFFFFF  }
0xad: {  	[dreg:$0x0] =	wrdreg $0x60  }
0xae: {  	[dreg:$0x2] =	wrdreg s24  }
0xaf: {  	[dreg:$0x3] =	wrdreg s2  }
0xb0: {  	[dreg:$0x4] =	wrdreg $0x82000  }
0xb1: {  	[dreg:$0x5] =	wrdreg $0x9  }
0xb2: {  	_ =	task.clear_ibuf [dreg:s7], $0x6FFFF;
	_ =	strace $0x9000004F  }
0xb3: {  	s29 =	simm.s32 $0x9;
	_ =	strace $0x80000051  }
0xb4: {  	_ =	swait.ge [sflag:s29], $0x1  }
0xb5: {  	[sflag:s29] =	ssyncadd.s32 $0xFFFFFFFF  }
0xb6: {  	_ =	strace $0x90000051  }
0xb7: {  	_ =	sfence  }
0xb8: {  	s30 =	sld [smem:$0x0];
	_ =	sdelay $0x2  }
0xb9: {  	s31 =	sshll.u32 s1, $0xD;
	s1 =	sshrl.u32 s1, $0x2  }
0xba: {  	s3 =	sand.u32 $0x4000, s31;
	s1 =	sadd.s32 s1, s30  }
0xbb: {  	s0 =	sor.u32 s3, s0;
	s1 =	sshll.u32 s1, $0x11  }
0xbc: {  	s0 =	sor.u32 s1, s0  }
0xbd: {  	s0 =	sadd.s32 $0x8F2B, s0  }
0xbe: {  	[sflag:s0] =	ssyncadd.remote.s32 $0x1  }
0xbf: {  	_ =	sfence.sel $0xFFFF  }
0xc0: {  	[dreg:$0x0] =	wrdreg $0xFFFFFFFF;
	(pc) =	sbr.abs _section_cstart, $3  }
0xc1: {  	[dreg:$0x1] =	wrdreg $0xFFFFFFFF  }
0xc2: {  	_ =	task.clear_ibuf [dreg:s7], $0x2FFFF;
	_ =	strace $0x9FFFFFFF  }
0xc3: {  	(tm) =	ssettm $0x7FFFFFFF  }
tec
execute0_lowered:
.L_overlay_start_1:
0x0: {  	(tag) =	ssettag $0x1  }
0x1: {  	s0 =	rddreg [dreg:$0x0]  }
0x2: {  	s3 =	rddreg [dreg:$0x1]  }
0x3: {  	s1 =	rddreg [dreg:$0x2];
	s2 =	simm.s32 $0x0  }
0x4: {  	s5 =	srdreg.scid;
	s20 =	stileid.u32;
	s28 =	simm.s32 $0x100  }
0x5: {  	s29 =	simm.s32 $0x180;
	s30 =	simm.s32 $0x1;
	s31 =	simm.s32 $0x4200  }
0x6: {  	[smem:$0x7FF] =	sst s2;
	s4 =	sadd.s32 $0x2A00, s0;
	s6 =	smul.u32 $0x50000, s20  }
0x7: {  	s10 =	sand.u32 $0x1, s5;
	s11 =	sadd.s32 $0x66A00, s0;
	s12 =	smul.u32 $0x14000, s20  }
0x8: {  	s0 =	sadd.s32 $0x70A00, s0;
	s19 =	sshll.u32 s20, $0x1;
	s20 =	smul.u32 $0x5000, s20  }
0x9: {  	_ =	strace $0x80000050;
	s5 =	ssub.s32 $0x2, s10;
	s16 =	smul.u32 $0x140000, s10  }
0xa: {  	s21 =	sor.u32 s10, s19;
	s10 =	smul.u32 $0x2800, s10;
	s7 =	sshrl.u32 s5, $0x1  }
0xb: {  	s6 =	sshrl.u32 s6, $0x2;
	s13 =	sadd.s32 $0x4000, s12;
	s14 =	sadd.s32 $0x8000, s12  }
0xc: {  	s9 =	smul.u32 $0x2800, s21;
	s15 =	sadd.s32 $0xC000, s12;
	s18 =	sadd.s32 $0x10000, s12  }
0xd: {  	s17 =	ssub.s32 s5, s7;
	s5 =	sadd.s32 s6, s1;
	s6 =	sadd.s32 s13, s1  }
0xe: {  	s7 =	sadd.s32 s14, s1;
	s8 =	sadd.s32 s15, s1;
	s12 =	sadd.s32 s12, s16  }
0xf: {  	s13 =	sadd.s32 s16, s13;
	s14 =	sadd.s32 s16, s14;
	s15 =	sadd.s32 s16, s15  }
0x10: {  	s16 =	sadd.s32 s16, s18;
	s23 =	sadd.s32 s10, s20;
	s19 =	sshrl.u32 s9, $0x3  }
0x11: {  	s9 =	sadd.s32 s18, s1;
	s12 =	sshrl.u32 s12, $0x3;
	s13 =	sshrl.u32 s13, $0x3  }
0x12: {  	s14 =	sshrl.u32 s14, $0x3;
	s15 =	sshrl.u32 s15, $0x3;
	s16 =	sshrl.u32 s16, $0x3  }
0x13: {  	s17 =	smax.u32 s17, $0x1;
	s25 =	sor.u32 $0x100, s23;
	s21 =	sadd.s32 s11, s19  }
0x14: {  	s22 =	sadd.s32 s3, s19;
	s12 =	sadd.s32 s0, s12;
	s13 =	sadd.s32 s0, s13  }
0x15: {  	s14 =	sadd.s32 s0, s14;
	s15 =	sadd.s32 s0, s15;
	s16 =	sadd.s32 s0, s16  }
0x16: {  	s24 =	sadd.s32 $0x4F0, s19;
	s26 =	sshrl.u32 s25, $0x3;
	[dreg:$0x4] =	wrdreg s21  }
0x17: {  	s0 =	sor.u32 $0x80, s23;
	s25 =	simm.s32 $0x3;
	[dreg:$0x5] =	wrdreg s22  }
0x18: {  	[dreg:$0x6] =	wrdreg s12;
	s18 =	sadd.s32 s11, s24;
	s19 =	sadd.s32 s3, s24  }
0x19: {  	s20 =	sadd.s32 s26, s3;
	s0 =	sshrl.u32 s0, $0x3;
	s21 =	sadd.s32 s26, s11  }
0x1a: {  	s24 =	simm.s32 $0x200;
	s26 =	simm.s32 $0x80;
	s22 =	sadd.s32 s0, s3  }
0x1b: {  	v0 =	vimm.f32 $0.0e+00;
	s23 =	sadd.s32 s0, s11;
	s0 =	simm.s32 $0x2;
	s3 =	simm.s32 $0x0  }
.LBB2_1:
0x1c: {  	s10 =	simm.s32 $0x0;
	s11 =	simm.s32 $0x200  }
.LBB2_2:
0x1d: {  	p0 =	sne.s32 s11, $0xFE00;
	[tilespmem:s10+$0x270] =	vst v0  }
0x1e: {  	[tilespmem:s10+$0x200] =	vst v0  }
0x1f: {  	[tilespmem:s10+$0x210] =	vst v0  }
.Ltmp0:
0x20: {  	[tilespmem:s10+$0x220] =	vst v0;
	(pc) =	sbr.rel @p0 .LBB2_2-.Ltmp0, $4  }
0x21: {  	[tilespmem:s10+$0x230] =	vst v0  }
0x22: {  	[tilespmem:s10+$0x240] =	vst v0  }
0x23: {  	[tilespmem:s10+$0x250] =	vst v0  }
0x24: {  	[tilespmem:s10+$0x260] =	vst v0;
	s10 =	sshra.s32 s11, $0x2;
	s11 =	sadd.s32 $0x200, s11  }
0x25: {  	[tilespmem:s10+$0x270] =	vst v0  }
0x26: {  	[tilespmem:s10+$0x200] =	vst v0  }
0x27: {  	[tilespmem:s10+$0x210] =	vst v0  }
0x28: {  	[tilespmem:s10+$0x220] =	vst v0  }
0x29: {  	[tilespmem:s10+$0x230] =	vst v0  }
0x2a: {  	[tilespmem:s10+$0x240] =	vst v0  }
0x2b: {  	[tilespmem:s10+$0x250] =	vst v0  }
0x2c: {  	[tilespmem:s10+$0x260] =	vst v0  }
0x2d: {  	[spmem:s5] =	stream.linear.scatter [tilespmem:s24], [sflag:$0x3], $0x4000, $0x38;
	[tilespmem:$0x1C200] =	vst v63  }
0x2e: {  	_ =	swait.ge [sflag:s25], $0x4000  }
0x2f: {  	[sflag:s25] =	ssyncset.done $0x0  }
0x30: {  	[sflag:s25] =	ssyncadd.s32 $0xFFFFC000  }
0x31: {  	[spmem:s6] =	stream.linear.scatter [tilespmem:s24], [sflag:$0x3], $0x4000, $0x38;
	[tilespmem:$0x1C200] =	vst v63  }
0x32: {  	_ =	swait.ge [sflag:s25], $0x4000  }
0x33: {  	[sflag:s25] =	ssyncset.done $0x0  }
0x34: {  	[sflag:s25] =	ssyncadd.s32 $0xFFFFC000  }
0x35: {  	[spmem:s7] =	stream.linear.scatter [tilespmem:s24], [sflag:$0x3], $0x4000, $0x38;
	[tilespmem:$0x1C200] =	vst v63  }
0x36: {  	_ =	swait.ge [sflag:s25], $0x4000  }
0x37: {  	[sflag:s25] =	ssyncset.done $0x0  }
0x38: {  	[sflag:s25] =	ssyncadd.s32 $0xFFFFC000  }
0x39: {  	[spmem:s8] =	stream.linear.scatter [tilespmem:s24], [sflag:$0x3], $0x4000, $0x38;
	[tilespmem:$0x1C200] =	vst v63  }
0x3a: {  	_ =	swait.ge [sflag:s25], $0x4000  }
0x3b: {  	[sflag:s25] =	ssyncset.done $0x0  }
0x3c: {  	[sflag:s25] =	ssyncadd.s32 $0xFFFFC000  }
0x3d: {  	[spmem:s9] =	stream.linear.scatter [tilespmem:s24], [sflag:$0x3], $0x4000, $0x38;
	[tilespmem:$0x1C200] =	vst v63  }
0x3e: {  	_ =	swait.ge [sflag:s25], $0x4000  }
0x3f: {  	[sflag:s25] =	ssyncset.done $0x0  }
0x40: {  	[sflag:s25] =	ssyncadd.s32 $0xFFFFC000  }
0x41: {  	[bflag:$0x0] =	sbarrier.arrive $0xFFFF  }
0x42: {  	s10 =	simm.s32 $0x0;
	s11 =	rddreg [dreg:$0x4]  }
0x43: {  	[tilespmem:s10], [sflag:$0x3] =	stream.linear.gather [hbm4b:s11+s10], $0x80, $0x38;
	[tilespmem:$0x1C200] =	vst v63  }
0x44: {  	_ =	swait.ge [sflag:s25], $0x80  }
0x45: {  	[sflag:s25] =	ssyncset.done $0x0  }
0x46: {  	s12 =	rddreg [dreg:$0x5];
	[sflag:s25] =	ssyncadd.s32 $0xFFFFFF80  }
0x47: {  	[tilespmem:s26], [sflag:$0x3] =	stream.linear.gather [hbm4b:s12+s10], $0x80, $0x38;
	[tilespmem:$0x1C200] =	vst v63  }
0x48: {  	_ =	swait.ge [sflag:s25], $0x80  }
0x49: {  	[sflag:s25] =	ssyncset.done $0x0  }
0x4a: {  	[sflag:s25] =	ssyncadd.s32 $0xFFFFFF80  }
0x4b: {  	[tilespmem:s24], [sflag:$0x1] =	stream.indirect.gather [hbm4b:s4+s26], $0x80, s10, s26, $0xb8;
	[tilespmem:$0x1C200] =	vst v63  }
0x4c: {  	s11 =	sadd.s32 $0x0, s23  }
0x4d: {  	[tilespmem:s28], [sflag:$0x3] =	stream.linear.gather [hbm4b:s11+s2], $0x80, $0x38;
	[tilespmem:$0x1C200] =	vst v63  }
0x4e: {  	_ =	swait.ge [sflag:s25], $0x80  }
0x4f: {  	[sflag:s25] =	ssyncset.done $0x0  }
0x50: {  	s12 =	sadd.s32 $0x0, s22;
	[sflag:s25] =	ssyncadd.s32 $0xFFFFFF80  }
0x51: {  	[tilespmem:s29], [sflag:$0x3] =	stream.linear.gather [hbm4b:s12+s2], $0x80, $0x38;
	[tilespmem:$0x1C200] =	vst v63  }
0x52: {  	_ =	swait.ge [sflag:s25], $0x80  }
0x53: {  	[sflag:s25] =	ssyncset.done $0x0  }
0x54: {  	[sflag:s25] =	ssyncadd.s32 $0xFFFFFF80  }
0x55: {  	_ =	swait.ge [sflag:s30], $0x4000  }
0x56: {  	[sflag:s30] =	ssyncset.done $0x0  }
0x57: {  	[sflag:s30] =	ssyncadd.s32 $0xFFFFC000  }
0x58: {  	[tilespmem:s31], [sflag:$0x2] =	stream.indirect.gather [hbm4b:s4+s26], $0x80, s28, s26, $0xb8;
	[tilespmem:$0x1C200] =	vst v63  }
0x59: {  	_ = 	snop  }
0x5a: {  	[spmem:s1] =	stream.indirect.scatter.add.f32 [tilespmem:s24], [sflag:$0x3], $0x80, s26, s26, $0xb8;
	[tilespmem:$0x1C200] =	vst v63  }
0x5b: {  	_ =	swait.ge [sflag:s25], $0x4000  }
0x5c: {  	[sflag:s25] =	ssyncset.done $0x0  }
0x5d: {  	s11 =	sadd.s32 $0x0, s21;
	[sflag:s25] =	ssyncadd.s32 $0xFFFFC000  }
0x5e: {  	[tilespmem:s2], [sflag:$0x3] =	stream.linear.gather [hbm4b:s11+s2], $0x80, $0x38;
	[tilespmem:$0x1C200] =	vst v63  }
0x5f: {  	_ =	swait.ge [sflag:s25], $0x80  }
0x60: {  	[sflag:s25] =	ssyncset.done $0x0  }
0x61: {  	s12 =	sadd.s32 $0x0, s20;
	[sflag:s25] =	ssyncadd.s32 $0xFFFFFF80  }
0x62: {  	[tilespmem:s26], [sflag:$0x3] =	stream.linear.gather [hbm4b:s12+s2], $0x80, $0x38;
	[tilespmem:$0x1C200] =	vst v63  }
0x63: {  	_ =	swait.ge [sflag:s25], $0x80  }
0x64: {  	[sflag:s25] =	ssyncset.done $0x0  }
0x65: {  	[sflag:s25] =	ssyncadd.s32 $0xFFFFFF80  }
0x66: {  	_ =	swait.ge [sflag:s0], $0x4000  }
0x67: {  	[sflag:s0] =	ssyncset.done $0x0  }
0x68: {  	[sflag:s0] =	ssyncadd.s32 $0xFFFFC000  }
0x69: {  	[tilespmem:s24], [sflag:$0x1] =	stream.indirect.gather [hbm4b:s4+s26], $0x80, s2, s26, $0xb8;
	[tilespmem:$0x1C200] =	vst v63  }
0x6a: {  	_ = 	snop  }
0x6b: {  	[spmem:s1] =	stream.indirect.scatter.add.f32 [tilespmem:s31], [sflag:$0x3], $0x80, s29, s26, $0xb8;
	[tilespmem:$0x1C200] =	vst v63  }
0x6c: {  	_ =	swait.ge [sflag:s25], $0x4000  }
0x6d: {  	s10 =	simm.s32 $0x20;
	[sflag:s25] =	ssyncset.done $0x0  }
.LBB2_4:
0x6e: {  	p0 =	sne.s32 s10, $0x4C0  }
0x6f: {  	[sflag:s25] =	ssyncadd.s32 $0xFFFFC000;
	s11 =	smov.u32 s10;
	s10 =	sadd.s32 $0x20, s10  }
0x70: {  	s12 =	sadd.s32 s11, s23  }
0x71: {  	[tilespmem:s28], [sflag:$0x3] =	stream.linear.gather [hbm4b:s12+s2], $0x80, $0x38;
	[tilespmem:$0x1C200] =	vst v63  }
0x72: {  	_ =	swait.ge [sflag:s25], $0x80  }
0x73: {  	[sflag:s25] =	ssyncset.done $0x0  }
0x74: {  	s12 =	sadd.s32 s11, s22;
	[sflag:s25] =	ssyncadd.s32 $0xFFFFFF80  }
0x75: {  	[tilespmem:s29], [sflag:$0x3] =	stream.linear.gather [hbm4b:s12+s2], $0x80, $0x38;
	[tilespmem:$0x1C200] =	vst v63  }
0x76: {  	_ =	swait.ge [sflag:s25], $0x80  }
0x77: {  	[sflag:s25] =	ssyncset.done $0x0  }
0x78: {  	[sflag:s25] =	ssyncadd.s32 $0xFFFFFF80  }
0x79: {  	_ =	swait.ge [sflag:s30], $0x4000  }
0x7a: {  	[sflag:s30] =	ssyncset.done $0x0  }
0x7b: {  	[sflag:s30] =	ssyncadd.s32 $0xFFFFC000  }
0x7c: {  	[tilespmem:s31], [sflag:$0x2] =	stream.indirect.gather [hbm4b:s4+s26], $0x80, s28, s26, $0xb8;
	[tilespmem:$0x1C200] =	vst v63  }
0x7d: {  	_ = 	snop  }
0x7e: {  	[spmem:s1] =	stream.indirect.scatter.add.f32 [tilespmem:s24], [sflag:$0x3], $0x80, s26, s26, $0xb8;
	[tilespmem:$0x1C200] =	vst v63  }
0x7f: {  	_ =	swait.ge [sflag:s25], $0x4000  }
0x80: {  	[sflag:s25] =	ssyncset.done $0x0  }
0x81: {  	s12 =	sadd.s32 s11, s21;
	[sflag:s25] =	ssyncadd.s32 $0xFFFFC000  }
0x82: {  	[tilespmem:s2], [sflag:$0x3] =	stream.linear.gather [hbm4b:s12+s2], $0x80, $0x38;
	[tilespmem:$0x1C200] =	vst v63  }
0x83: {  	_ =	swait.ge [sflag:s25], $0x80  }
0x84: {  	[sflag:s25] =	ssyncset.done $0x0  }
0x85: {  	s11 =	sadd.s32 s11, s20;
	[sflag:s25] =	ssyncadd.s32 $0xFFFFFF80  }
0x86: {  	[tilespmem:s26], [sflag:$0x3] =	stream.linear.gather [hbm4b:s11+s2], $0x80, $0x38;
	[tilespmem:$0x1C200] =	vst v63  }
0x87: {  	_ =	swait.ge [sflag:s25], $0x80  }
0x88: {  	[sflag:s25] =	ssyncset.done $0x0  }
0x89: {  	[sflag:s25] =	ssyncadd.s32 $0xFFFFFF80  }
0x8a: {  	_ =	swait.ge [sflag:s0], $0x4000  }
0x8b: {  	[sflag:s0] =	ssyncset.done $0x0  }
0x8c: {  	[sflag:s0] =	ssyncadd.s32 $0xFFFFC000  }
0x8d: {  	[tilespmem:s24], [sflag:$0x1] =	stream.indirect.gather [hbm4b:s4+s26], $0x80, s2, s26, $0xb8;
	[tilespmem:$0x1C200] =	vst v63  }
.Ltmp1:
0x8e: {  	_ = 	snop;
	(pc) =	sbr.rel @p0 .LBB2_4-.Ltmp1, $4  }
0x8f: {  	_ = 	snop  }
0x90: {  	[spmem:s1] =	stream.indirect.scatter.add.f32 [tilespmem:s31], [sflag:$0x3], $0x80, s29, s26, $0xb8;
	[tilespmem:$0x1C200] =	vst v63  }
0x91: {  	_ =	swait.ge [sflag:s25], $0x4000  }
0x92: {  	[sflag:s25] =	ssyncset.done $0x0  }
0x93: {  	[sflag:s25] =	ssyncadd.s32 $0xFFFFC000  }
0x94: {  	[tilespmem:s28], [sflag:$0x3] =	stream.linear.gather [hbm4b:s18+s2], $0x80, $0x38;
	[tilespmem:$0x1C200] =	vst v63  }
0x95: {  	_ =	swait.ge [sflag:s25], $0x80  }
0x96: {  	[sflag:s25] =	ssyncset.done $0x0  }
0x97: {  	[sflag:s25] =	ssyncadd.s32 $0xFFFFFF80  }
0x98: {  	[tilespmem:s29], [sflag:$0x3] =	stream.linear.gather [hbm4b:s19+s2], $0x80, $0x38;
	[tilespmem:$0x1C200] =	vst v63  }
0x99: {  	_ =	swait.ge [sflag:s25], $0x80  }
0x9a: {  	[sflag:s25] =	ssyncset.done $0x0  }
0x9b: {  	[sflag:s25] =	ssyncadd.s32 $0xFFFFFF80  }
0x9c: {  	_ =	swait.ge [sflag:s30], $0x4000  }
0x9d: {  	[sflag:s30] =	ssyncset.done $0x0  }
0x9e: {  	[sflag:s30] =	ssyncadd.s32 $0xFFFFC000  }
0x9f: {  	[tilespmem:s31], [sflag:$0x2] =	stream.indirect.gather [hbm4b:s4+s26], $0x80, s28, s26, $0xb8;
	[tilespmem:$0x1C200] =	vst v63  }
0xa0: {  	_ = 	snop  }
0xa1: {  	[spmem:s1] =	stream.indirect.scatter.add.f32 [tilespmem:s24], [sflag:$0x3], $0x80, s26, s26, $0xb8;
	[tilespmem:$0x1C200] =	vst v63  }
0xa2: {  	_ =	swait.ge [sflag:s25], $0x4000  }
0xa3: {  	[sflag:s25] =	ssyncset.done $0x0  }
0xa4: {  	[sflag:s25] =	ssyncadd.s32 $0xFFFFC000  }
0xa5: {  	_ =	swait.ge [sflag:s0], $0x4000  }
0xa6: {  	[sflag:s0] =	ssyncset.done $0x0  }
0xa7: {  	[sflag:s0] =	ssyncadd.s32 $0xFFFFC000  }
0xa8: {  	[spmem:s1] =	stream.indirect.scatter.add.f32 [tilespmem:s31], [sflag:$0x3], $0x80, s29, s26, $0xb8;
	[tilespmem:$0x1C200] =	vst v63  }
0xa9: {  	_ =	swait.ge [sflag:s25], $0x4000  }
0xaa: {  	[sflag:s25] =	ssyncset.done $0x0  }
0xab: {  	[sflag:s25] =	ssyncadd.s32 $0xFFFFC000  }
0xac: {  	[bflag:$0x0] =	sbarrier.arrive $0xFFFF  }
0xad: {  	[tilespmem:s24], [sflag:$0x3] =	stream.linear.gather [spmem:s5], $0x4000, $0x38;
	[tilespmem:$0x1C200] =	vst v63  }
0xae: {  	_ =	swait.ge [sflag:s25], $0x4000  }
0xaf: {  	[sflag:s25] =	ssyncset.done $0x0  }
0xb0: {  	s10 =	rddreg [dreg:$0x6];
	[sflag:s25] =	ssyncadd.s32 $0xFFFFC000  }
0xb1: {  	[hbm4b:s10+s2] =	stream.linear.scatter [tilespmem:s24], [sflag:$0x3], $0x4000, $0x38;
	[tilespmem:$0x1C200] =	vst v63  }
0xb2: {  	_ =	swait.ge [sflag:s25], $0x4000  }
0xb3: {  	[sflag:s25] =	ssyncset.done $0x0  }
0xb4: {  	[sflag:s25] =	ssyncadd.s32 $0xFFFFC000  }
0xb5: {  	[tilespmem:s24], [sflag:$0x3] =	stream.linear.gather [spmem:s6], $0x4000, $0x38;
	[tilespmem:$0x1C200] =	vst v63  }
0xb6: {  	_ =	swait.ge [sflag:s25], $0x4000  }
0xb7: {  	[sflag:s25] =	ssyncset.done $0x0  }
0xb8: {  	[sflag:s25] =	ssyncadd.s32 $0xFFFFC000  }
0xb9: {  	[hbm4b:s13+s2] =	stream.linear.scatter [tilespmem:s24], [sflag:$0x3], $0x4000, $0x38;
	[tilespmem:$0x1C200] =	vst v63  }
0xba: {  	_ =	swait.ge [sflag:s25], $0x4000  }
0xbb: {  	[sflag:s25] =	ssyncset.done $0x0  }
0xbc: {  	[sflag:s25] =	ssyncadd.s32 $0xFFFFC000  }
0xbd: {  	[tilespmem:s24], [sflag:$0x3] =	stream.linear.gather [spmem:s7], $0x4000, $0x38;
	[tilespmem:$0x1C200] =	vst v63  }
0xbe: {  	_ =	swait.ge [sflag:s25], $0x4000  }
0xbf: {  	[sflag:s25] =	ssyncset.done $0x0  }
0xc0: {  	[sflag:s25] =	ssyncadd.s32 $0xFFFFC000  }
0xc1: {  	[hbm4b:s14+s2] =	stream.linear.scatter [tilespmem:s24], [sflag:$0x3], $0x4000, $0x38;
	[tilespmem:$0x1C200] =	vst v63  }
0xc2: {  	_ =	swait.ge [sflag:s25], $0x4000  }
0xc3: {  	[sflag:s25] =	ssyncset.done $0x0  }
0xc4: {  	[sflag:s25] =	ssyncadd.s32 $0xFFFFC000  }
0xc5: {  	[tilespmem:s24], [sflag:$0x3] =	stream.linear.gather [spmem:s8], $0x4000, $0x38;
	[tilespmem:$0x1C200] =	vst v63  }
0xc6: {  	_ =	swait.ge [sflag:s25], $0x4000  }
0xc7: {  	[sflag:s25] =	ssyncset.done $0x0  }
0xc8: {  	[sflag:s25] =	ssyncadd.s32 $0xFFFFC000  }
0xc9: {  	[hbm4b:s15+s2] =	stream.linear.scatter [tilespmem:s24], [sflag:$0x3], $0x4000, $0x38;
	[tilespmem:$0x1C200] =	vst v63  }
0xca: {  	_ =	swait.ge [sflag:s25], $0x4000  }
0xcb: {  	[sflag:s25] =	ssyncset.done $0x0  }
0xcc: {  	[sflag:s25] =	ssyncadd.s32 $0xFFFFC000  }
0xcd: {  	[tilespmem:s24], [sflag:$0x3] =	stream.linear.gather [spmem:s9], $0x4000, $0x38;
	[tilespmem:$0x1C200] =	vst v63  }
0xce: {  	s3 =	sadd.s32 $0x1, s3;
	_ =	swait.ge [sflag:s25], $0x4000  }
0xcf: {  	p0 =	sne.s32 s3, s17;
	[sflag:s25] =	ssyncset.done $0x0  }
.Ltmp2:
0xd0: {  	[sflag:s25] =	ssyncadd.s32 $0xFFFFC000;
	(pc) =	sbr.rel @p0 .LBB2_1-.Ltmp2, $4  }
0xd1: {  	[hbm4b:s16+s2] =	stream.linear.scatter [tilespmem:s24], [sflag:$0x3], $0x4000, $0x38;
	[tilespmem:$0x1C200] =	vst v63  }
0xd2: {  	_ =	swait.ge [sflag:s25], $0x4000  }
0xd3: {  	[sflag:s25] =	ssyncset.done $0x0  }
0xd4: {  	[sflag:s25] =	ssyncadd.s32 $0xFFFFC000  }
0xd5: {  	_ =	sfence.sel $0x180000  }
0xd6: {  	[bflag:$0x0] =	sbarrier.arrive $0xFFFF  }
0xd7: {  	_ =	strace $0x90000050  }
0xd8: {  	s0 =	stileid.u32;
	[bflag:$0x2] =	sbarrier.arrive $0xFFFF  }
0xd9: {  	p0 =	sne.s32 s0, $0x0;
	s0 =	rddreg [dreg:$0x3]  }
0xda: {  	s0 =	sadd.s32 @!p0 $0x100000, s0  }
0xdb: {  	[sflag:s0] =	ssyncadd.tile.s32 @!p0 $0x1;
	_ =	shalt  }
.Lfunc_end2:
_tile_overlayer_lowered:
.L_overlay_start_2:
0xdc: {  	(tag) =	ssettag $0x2  }
0xdd: {  	s0 =	rddreg [dreg:$0x0];
	s2 =	stileid.u32  }
0xde: {  	s1 =	rddreg [dreg:$0x1];
	p0 =	sne.s32 s2, $0x0  }
0xdf: {  	s3 =	rddreg [dreg:$0x2];
	[bflag:$0x3] =	sbarrier.arrive $0xFFFF;
	s2 =	simm.s32 @!p0 $0x1C03  }
0xe0: {  	[timem:s3], [sflag:s2] =	dma.local @!p0 [hbm:s0], s1  }
0xe1: {  	s0 =	simm.s32 @!p0 $0x3  }
0xe2: {  	_ =	swait.ge @!p0 [sflag:s0], s1  }
0xe3: {  	s1 =	ssub.s32 @!p0 $0x0, s1;
	[sflag:s0] =	ssyncset.done @!p0 $0x0  }
0xe4: {  	[sflag:s0] =	ssyncadd.s32 @!p0 s1  }
0xe5: {  	[bflag:$0x3] =	sbarrier.arrive $0xFFFF  }
0xe6: {  	_ =	shalt  }

</sc_bundles>
